<compile_context>
chip_gen: v7x
topology: tpu7x:2x2x1
jax: 0.10.2.dev20260603
libtpu: 0.0.44.dev20260713+nightly
codegen_flags: <defaults>
</compile_context>

<pallas_src>
import functools

import jax
import jax.numpy as jnp
from jax import lax
from jax.experimental import pallas as pl
from jax.experimental.pallas import tpu as pltpu
from jax.experimental.pallas import tpu_sc as plsc

N = 10000
E = 320000
D = 128
ODIM = 138
G = 256

NC = 2
NS = 16
NW = NC * NS
EPW = E // NW
PADE = 240
EPWP = EPW + PADE
CHUNK = 128
NCHUNK = EPWP // CHUNK
NBUF = 2
NBI = 4
NB = 400
NBC = N // NB
NP = 10240
NB1 = NP // NS

RB = 1000
_F32 = jnp.float32

@functools.cache
def _build_sc_kernels():
    mesh = plsc.VectorSubcoreMesh(core_axis_name="c", subcore_axis_name="s")

    @functools.partial(
        pl.kernel,
        mesh=mesh,
        out_type=jax.ShapeDtypeStruct((NC * NP,), _F32),
        scratch_types=[
            pltpu.VMEM((NCHUNK, CHUNK), jnp.int32),
            pltpu.VMEM((CHUNK,), _F32),
            pltpu.VMEM((NB1,), _F32),
            pltpu.VMEM_SHARED((NP,), _F32),
            pltpu.SemaphoreType.DMA,
        ],
    )
    def deg_sc(dst_hbm, ones_hbm, out_hbm, di_v, ones_v, zb_v, acc_sh, ssem):
        cid = lax.axis_index("c")
        sid = lax.axis_index("s")
        w = cid * NS + sid
        pltpu.sync_copy(ones_hbm, ones_v)
        pltpu.sync_copy(dst_hbm.at[w], di_v)

        def zb(i, carry):
            zb_v[pl.ds(i * 16, 16)] = jnp.zeros((16,), _F32)
            return carry

        lax.fori_loop(0, NB1 // 16, zb, 0)
        pltpu.sync_copy(zb_v, acc_sh.at[pl.ds(sid * NB1, NB1)])
        plsc.subcore_barrier()

        def body(i, carry):
            pltpu.async_copy(ones_v, acc_sh.at[di_v.at[i]], ssem, add=True)
            return carry

        lax.fori_loop(0, NCHUNK, body, 0)

        def drain(i, carry):
            pltpu.make_async_copy(ones_v, acc_sh.at[di_v.at[0]], ssem).wait()
            return carry

        lax.fori_loop(0, NCHUNK, drain, 0)
        plsc.subcore_barrier()
        pltpu.sync_copy(acc_sh.at[pl.ds(sid * NB1, NB1)],
                        out_hbm.at[pl.ds(cid * NP + sid * NB1, NB1)])

    @functools.partial(
        pl.kernel,
        mesh=mesh,
        out_type=jax.ShapeDtypeStruct((NC, N, D), _F32),
        scratch_types=(
            [pltpu.VMEM((2, CHUNK), jnp.int32) for _ in range(NBI)]
            + [
                pltpu.VMEM((NBUF, CHUNK, D), _F32),
                pltpu.VMEM_SHARED((NP, D), _F32),
                pltpu.SemaphoreType.DMA((NBUF,)),
                pltpu.SemaphoreType.DMA((NBUF,)),
                pltpu.SemaphoreType.DMA,
            ]
        ),
    )
    def agg_sc(hs_hbm, sdi_hbm, zeros_hbm, out_hbm,
               sdi0, sdi1, sdi2, sdi3, rows, acc_sh, gsem, ssem, isem):
        sdi = [sdi0, sdi1, sdi2, sdi3]
        cid = lax.axis_index("c")
        sid = lax.axis_index("s")
        w = cid * NS + sid

        def wait_gather(b):
            pltpu.make_async_copy(hs_hbm.at[pl.ds(0, CHUNK)], rows.at[b],
                                  gsem.at[b]).wait()

        def wait_scatter(b):
            pltpu.make_async_copy(hs_hbm.at[pl.ds(0, CHUNK)],
                                  acc_sh.at[pl.ds(0, CHUNK)], ssem.at[b]).wait()

        def wait_idx():
            pltpu.make_async_copy(sdi_hbm.at[w, 0], sdi0, isem).wait()

        def scatter(c_static_mod, b):
            pltpu.async_copy(rows.at[b], acc_sh.at[sdi[c_static_mod].at[1]],
                             ssem.at[b], add=True)

        def gather(c_static_mod, b):
            pltpu.async_copy(hs_hbm.at[sdi[c_static_mod].at[0]], rows.at[b],
                             gsem.at[b])

        def load_idx(c, s):
            pltpu.async_copy(sdi_hbm.at[w, c], sdi[s], isem)

        pltpu.sync_copy(sdi_hbm.at[w, 0], sdi0)
        pltpu.sync_copy(sdi_hbm.at[w, 1], sdi1)
        gather(0, 0)

        def init(k, carry):
            j = k * NS + sid
            @pl.when(j < NBC)
            def _():
                pltpu.sync_copy(zeros_hbm.at[pl.ds(j * NB, NB)],
                                acc_sh.at[pl.ds(j * NB, NB)])
            return carry

        lax.fori_loop(0, (NBC + NS - 1) // NS, init, 0)
        plsc.subcore_barrier()
        wait_gather(0)
        scatter(0, 0)
        gather(1, 1)
        load_idx(2, 2)
        wait_gather(1)
        scatter(1, 1)
        wait_idx()
        wait_scatter(0)
        gather(2, 2 % NBUF)
        load_idx(3, 3)

        def steady(c, s4):
            b = s4 % NBUF
            bn = (s4 + 1) % NBUF
            sn = (s4 + 1) % NBI
            sf = (s4 + 2) % NBI
            wait_gather(b)
            scatter(s4, b)
            wait_idx()
            wait_scatter(bn)
            gather(sn, bn)
            load_idx(c + 2, sf)

        steady(2, 2)
        steady(3, 3)

        def round_(g, carry):
            for s4 in range(NBI):
                steady(g * NBI + s4, s4)
            return carry

        lax.fori_loop(1, NCHUNK // NBI - 1, round_, 0)
        cL = NCHUNK - 4
        steady(cL, cL % NBI)
        steady(cL + 1, (cL + 1) % NBI)
        s4 = (cL + 2) % NBI
        b = s4 % NBUF
        wait_gather(b)
        scatter(s4, b)
        wait_idx()
        wait_scatter((s4 + 1) % NBUF)
        gather((s4 + 1) % NBI, (s4 + 1) % NBUF)
        s4 = (cL + 3) % NBI
        b = s4 % NBUF
        wait_gather(b)
        scatter(s4, b)
        for b in range(NBUF):
            wait_scatter(b)
        plsc.subcore_barrier()

        def drain(k, carry):
            j = k * NS + sid
            @pl.when(j < NBC)
            def _():
                pltpu.sync_copy(acc_sh.at[pl.ds(j * NB, NB)],
                                out_hbm.at[cid, pl.ds(j * NB, NB)])
            return carry

        lax.fori_loop(0, (NBC + NS - 1) // NS, drain, 0)

    return deg_sc, agg_sc



def _dinv_of(degp_ref):
    d = degp_ref[...]
    deg = d[:, 0] + d[:, 1] + 1.0
    return lax.rsqrt(deg)


def _tc1_body(x_ref, w1_ref, degp_ref, hs_ref):
    dinv = _dinv_of(degp_ref)
    h = jnp.dot(x_ref[...], w1_ref[...], preferred_element_type=_F32)
    hs_ref[...] = h * dinv[:, None]


def _tc2_body(aggp_ref, hs1_ref, degp_ref, b1_ref, w2_ref, hs2_ref):
    dinv = _dinv_of(degp_ref)
    tot = aggp_ref[0] + aggp_ref[1] + hs1_ref[...]
    h = jnp.maximum(tot * dinv[:, None] + b1_ref[...], 0.0)
    hs2_ref[...] = jnp.dot(h, w2_ref[...], preferred_element_type=_F32) * dinv[:, None]


def _tc3_body(aggp_ref, hs2_ref, degp_ref, b2_ref, bi_ref, wl_ref, bl_ref,
              out_ref, sums, cnts):
    i = pl.program_id(0)

    @pl.when(i == 0)
    def _init():
        sums[...] = jnp.zeros_like(sums)
        cnts[...] = jnp.zeros_like(cnts)

    dinv = _dinv_of(degp_ref)
    tot = aggp_ref[0] + aggp_ref[1] + hs2_ref[...]
    h = jnp.maximum(tot * dinv[:, None] + b2_ref[...], 0.0)
    ids = bi_ref[0, 0]
    gid = lax.broadcasted_iota(jnp.int32, (G, RB), 0)
    oh = (gid == ids[None, :]).astype(_F32)
    sums[...] += jnp.dot(oh, h, preferred_element_type=_F32)
    cnts[...] += jnp.broadcast_to(jnp.sum(oh, axis=1)[:, None], (G, D))

    @pl.when(i == pl.num_programs(0) - 1)
    def _fin():
        g = sums[...] / jnp.maximum(cnts[...], 1.0)
        out_ref[...] = jnp.dot(g, wl_ref[...], preferred_element_type=_F32) + bl_ref[...]


_degp_spec = pl.BlockSpec((RB, NC), lambda i: (i, 0))
_row_spec = pl.BlockSpec((RB, D), lambda i: (i, 0))
_aggp_spec = pl.BlockSpec((NC, RB, D), lambda i: (0, i, 0))
_w_spec = pl.BlockSpec((D, D), lambda i: (0, 0))
_b_spec = pl.BlockSpec((1, D), lambda i: (0, 0))

_tc1 = pl.pallas_call(
    _tc1_body,
    grid=(N // RB,),
    in_specs=[_row_spec, _w_spec, _degp_spec],
    out_specs=_row_spec,
    out_shape=jax.ShapeDtypeStruct((N, D), _F32),
)

_tc2 = pl.pallas_call(
    _tc2_body,
    grid=(N // RB,),
    in_specs=[_aggp_spec, _row_spec, _degp_spec, _b_spec, _w_spec],
    out_specs=_row_spec,
    out_shape=jax.ShapeDtypeStruct((N, D), _F32),
)

_tc3 = pl.pallas_call(
    _tc3_body,
    grid=(N // RB,),
    in_specs=[_aggp_spec, _row_spec, _degp_spec, _b_spec,
              pl.BlockSpec((1, 1, RB), lambda i: (i, 0, 0)),
              pl.BlockSpec((D, ODIM), lambda i: (0, 0)),
              pl.BlockSpec((1, ODIM), lambda i: (0, 0))],
    out_specs=pl.BlockSpec((G, ODIM), lambda i: (0, 0)),
    out_shape=jax.ShapeDtypeStruct((G, ODIM), _F32),
    scratch_shapes=[pltpu.VMEM((G, D), _F32), pltpu.VMEM((G, D), _F32)],
)


def kernel(x, edge_index, batch_index, W1, b1, W2, b2, Wlin, blin):
    e0 = edge_index[0].astype(jnp.int32).reshape(NW, EPW)
    e1 = edge_index[1].astype(jnp.int32).reshape(NW, EPW)
    padk = jnp.arange(NW * PADE, dtype=jnp.int32).reshape(NW, PADE)
    src = jnp.concatenate([e0, padk % N], axis=1).reshape(NW, NCHUNK, CHUNK)
    dst = jnp.concatenate([e1, N + padk % PADE], axis=1).reshape(NW, NCHUNK, CHUNK)
    sdi = jnp.stack([src, dst], axis=2)
    bi3d = batch_index.astype(jnp.int32).reshape(N // RB, 1, RB)
    ones_chunk = jnp.ones((CHUNK,), _F32)
    zeros_agg = jnp.zeros((N, D), _F32)

    deg_sc, agg_sc = _build_sc_kernels()
    deg1d = deg_sc(dst, ones_chunk)
    degp = deg1d.reshape(NC, NP)[:, :N].transpose(1, 0)
    hs1 = _tc1(x, W1, degp)
    aggp1 = agg_sc(hs1, sdi, zeros_agg)
    hs2 = _tc2(aggp1, hs1, degp, b1.reshape(1, D), W2)
    aggp2 = agg_sc(hs2, sdi, zeros_agg)
    logits = _tc3(aggp2, hs2, degp, b2.reshape(1, D), bi3d,
                  Wlin, blin.reshape(1, ODIM))
    return logits

# --- scband reference (transcript-rebuilt; emitter-appended) ---
"""Pipeline reference for scband-simple-gnn-66958540144770 (READ-ONLY COPY).

The authoritative reference and input builder live on the scoring server;
editing this copy changes nothing except your own understanding.
"""

import jax, jax.numpy as jnp
import numpy as np

N_NODES = 10000
N_EDGES = 320000
IN_DIM = 128
HID_DIM = 128
OUT_DIM = 138
N_GRAPHS = 256


def setup_inputs(seed: int = 0) -> dict:
    key = jax.random.key(seed)
    k = jax.random.split(key, 10)
    x = jax.random.normal(k[0], (N_NODES, IN_DIM), dtype=jnp.float32)
    edge_index = jax.random.randint(k[1], (2, N_EDGES), 0, N_NODES, dtype=jnp.int64)
    batch_index = jnp.sort(jax.random.randint(k[2], (N_NODES,), 0, N_GRAPHS, dtype=jnp.int64))
    W1 = jax.random.normal(k[3], (IN_DIM, HID_DIM), dtype=jnp.float32) / np.sqrt(IN_DIM)
    b1 = jnp.zeros((HID_DIM,), dtype=jnp.float32)
    W2 = jax.random.normal(k[4], (HID_DIM, HID_DIM), dtype=jnp.float32) / np.sqrt(HID_DIM)
    b2 = jnp.zeros((HID_DIM,), dtype=jnp.float32)
    Wlin = jax.random.normal(k[5], (HID_DIM, OUT_DIM), dtype=jnp.float32) / np.sqrt(HID_DIM)
    blin = jnp.zeros((OUT_DIM,), dtype=jnp.float32)
    return {"x": x, "edge_index": edge_index, "batch_index": batch_index,
            "W1": W1, "b1": b1, "W2": W2, "b2": b2, "Wlin": Wlin, "blin": blin}


def _gcn_conv(x, src, dst, norm, W, b):
    # GCNConv: x' = D^{-1/2} (A + I) D^{-1/2} (x W) + b
    h = x @ W
    msg = h[src] * norm[:, None]
    out = jax.ops.segment_sum(msg, dst, num_segments=N_NODES)
    return out + b


def reference(x, edge_index, batch_index, W1, b1, W2, b2, Wlin, blin):
    # add self loops
    loop = jnp.arange(N_NODES, dtype=edge_index.dtype)
    src = jnp.concatenate([edge_index[0], loop])
    dst = jnp.concatenate([edge_index[1], loop])
    # symmetric normalization based on in-degree (PyG convention)
    deg = jax.ops.segment_sum(jnp.ones_like(dst, dtype=jnp.float32), dst, num_segments=N_NODES)
    dinv = jnp.where(deg > 0, 1.0 / jnp.sqrt(deg), 0.0)
    norm = dinv[src] * dinv[dst]
    h = jax.nn.relu(_gcn_conv(x, src, dst, norm, W1, b1))
    h = jax.nn.relu(_gcn_conv(h, src, dst, norm, W2, b2))
    # global_mean_pool
    sums = jax.ops.segment_sum(h, batch_index, num_segments=N_GRAPHS)
    cnts = jax.ops.segment_sum(jnp.ones((N_NODES,), dtype=jnp.float32), batch_index, num_segments=N_GRAPHS)
    g = sums / jnp.maximum(cnts, 1.0)[:, None]
    logits = g @ Wlin + blin
    return logits


if False:  # reference __main__ guard neutralized (emitter)
    out = reference(**setup_inputs())
    print(out.shape)

if __name__ == "__main__":
    import jax
    _d = setup_inputs()
    print(jax.jit(kernel)(*tuple(_d.values())))

</pallas_src>

<mosaic_0001>
#map = affine_map<(d0, d1) -> (0, 0)>
#map1 = affine_map<(d0, d1) -> (0, 0, 0, 0)>
#map2 = affine_map<(d0, d1) -> (0, 0, 0)>
module attributes {stable_mosaic.version = 14 : i64} {
  func.func @agg_sc(%arg0: i32, %arg1: i32, %arg2: memref<10000x128xf32, #tpu.memory_space<hbm>>, %arg3: memref<32x80x2x128xi32, #tpu.memory_space<hbm>>, %arg4: memref<10000x128xf32, #tpu.memory_space<hbm>>, %arg5: memref<2x10000x128xf32, #tpu.memory_space<hbm>>, %arg6: memref<2x128xi32, #tpu.memory_space<vmem>>, %arg7: memref<2x128xi32, #tpu.memory_space<vmem>>, %arg8: memref<2x128xi32, #tpu.memory_space<vmem>>, %arg9: memref<2x128xi32, #tpu.memory_space<vmem>>, %arg10: memref<2x128x128xf32, #tpu.memory_space<vmem>>, %arg11: memref<10240x128xf32, #tpu.memory_space<vmem_shared>>, %arg12: memref<2x!tpu.dma_semaphore, #tpu.memory_space<semaphore_mem>>, %arg13: memref<2x!tpu.dma_semaphore, #tpu.memory_space<semaphore_mem>>, %arg14: memref<!tpu.dma_semaphore, #tpu.memory_space<semaphore_mem>>) attributes {dimension_semantics = [#tpu.dimension_semantics<core_parallel>, #tpu.dimension_semantics<subcore_parallel>], iteration_bounds = array<i64: 2, 16>, scalar_prefetch = 0 : i64, scratch_operands = 9 : i64, tpu.core_type = #tpu.core_type<sc_vector_subcore>, window_params = [{transform_indices = #map}, {transform_indices = #map1}, {transform_indices = #map}, {transform_indices = #map2}]} {
    %mul3A = arith.constant 16 : i32
    %mul3A_0 = arith.muli %arg0, %mul3A : i32
    %add3A = arith.addi %mul3A_0, %arg1 : i32
    %run_scoped3A = arith.constant 0 : i32
    "tpu.region"() ({
      %run_scoped3A_582 = tpu.sem_alloc : memref<!tpu.dma_semaphore, #tpu.memory_space<semaphore_mem>>
      %dma_start3A_583 = arith.constant 0 : i32
      %dma_start3A_584 = arith.constant 0 : i32
      %dma_start3A_585 = tpu.memref_slice %arg3[%add3A, %run_scoped3A, %dma_start3A_583, %dma_start3A_584] : memref<32x80x2x128xi32, #tpu.memory_space<hbm>> -> memref<1x1x2x128xi32, #tpu.memory_space<hbm>>
      %dma_start3A_586 = tpu.memref_squeeze %dma_start3A_585 : memref<1x1x2x128xi32, #tpu.memory_space<hbm>> -> memref<2x128xi32, #tpu.memory_space<hbm>>
      %dma_start3A_587 = arith.constant 0 : i32
      %dma_start3A_588 = arith.constant 0 : i32
      %dma_start3A_589 = tpu.memref_slice %arg3[%add3A, %run_scoped3A, %dma_start3A_587, %dma_start3A_588] : memref<32x80x2x128xi32, #tpu.memory_space<hbm>> -> memref<1x1x2x128xi32, #tpu.memory_space<hbm>>
      %dma_start3A_590 = tpu.memref_squeeze %dma_start3A_589 : memref<1x1x2x128xi32, #tpu.memory_space<hbm>> -> memref<2x128xi32, #tpu.memory_space<hbm>>
      tpu.enqueue_dma source(%dma_start3A_590 : memref<2x128xi32, #tpu.memory_space<hbm>>) target(%arg6 : memref<2x128xi32, #tpu.memory_space<vmem>>) target_semaphore(%run_scoped3A_582 : memref<!tpu.dma_semaphore, #tpu.memory_space<semaphore_mem>>)
      %dma_wait3A_591 = arith.constant 0 : i32
      %dma_wait3A_592 = arith.constant 0 : i32
      %dma_wait3A_593 = tpu.memref_slice %arg3[%add3A, %run_scoped3A, %dma_wait3A_591, %dma_wait3A_592] : memref<32x80x2x128xi32, #tpu.memory_space<hbm>> -> memref<1x1x2x128xi32, #tpu.memory_space<hbm>>
      %dma_wait3A_594 = tpu.memref_squeeze %dma_wait3A_593 : memref<1x1x2x128xi32, #tpu.memory_space<hbm>> -> memref<2x128xi32, #tpu.memory_space<hbm>>
      %dma_wait3A_595 = arith.constant 0 : i32
      %dma_wait3A_596 = arith.constant 0 : i32
      %dma_wait3A_597 = tpu.memref_slice %arg3[%add3A, %run_scoped3A, %dma_wait3A_595, %dma_wait3A_596] : memref<32x80x2x128xi32, #tpu.memory_space<hbm>> -> memref<1x1x2x128xi32, #tpu.memory_space<hbm>>
      %dma_wait3A_598 = tpu.memref_squeeze %dma_wait3A_597 : memref<1x1x2x128xi32, #tpu.memory_space<hbm>> -> memref<2x128xi32, #tpu.memory_space<hbm>>
      tpu.wait_dma2 semaphore(%run_scoped3A_582 : memref<!tpu.dma_semaphore, #tpu.memory_space<semaphore_mem>>) src(%dma_wait3A_598 : memref<2x128xi32, #tpu.memory_space<hbm>>) dst(%arg6 : memref<2x128xi32, #tpu.memory_space<vmem>>)
      tpu.yield
    }) : () -> ()
    %run_scoped3A_1 = arith.constant 1 : i32
    "tpu.region"() ({
      %run_scoped3A_582 = tpu.sem_alloc : memref<!tpu.dma_semaphore, #tpu.memory_space<semaphore_mem>>
      %dma_start3A_583 = arith.constant 0 : i32
      %dma_start3A_584 = arith.constant 0 : i32
      %dma_start3A_585 = tpu.memref_slice %arg3[%add3A, %run_scoped3A_1, %dma_start3A_583, %dma_start3A_584] : memref<32x80x2x128xi32, #tpu.memory_space<hbm>> -> memref<1x1x2x128xi32, #tpu.memory_space<hbm>>
      %dma_start3A_586 = tpu.memref_squeeze %dma_start3A_585 : memref<1x1x2x128xi32, #tpu.memory_space<hbm>> -> memref<2x128xi32, #tpu.memory_space<hbm>>
      %dma_start3A_587 = arith.constant 0 : i32
      %dma_start3A_588 = arith.constant 0 : i32
      %dma_start3A_589 = tpu.memref_slice %arg3[%add3A, %run_scoped3A_1, %dma_start3A_587, %dma_start3A_588] : memref<32x80x2x128xi32, #tpu.memory_space<hbm>> -> memref<1x1x2x128xi32, #tpu.memory_space<hbm>>
      %dma_start3A_590 = tpu.memref_squeeze %dma_start3A_589 : memref<1x1x2x128xi32, #tpu.memory_space<hbm>> -> memref<2x128xi32, #tpu.memory_space<hbm>>
      tpu.enqueue_dma source(%dma_start3A_590 : memref<2x128xi32, #tpu.memory_space<hbm>>) target(%arg7 : memref<2x128xi32, #tpu.memory_space<vmem>>) target_semaphore(%run_scoped3A_582 : memref<!tpu.dma_semaphore, #tpu.memory_space<semaphore_mem>>)
      %dma_wait3A_591 = arith.constant 0 : i32
      %dma_wait3A_592 = arith.constant 0 : i32
      %dma_wait3A_593 = tpu.memref_slice %arg3[%add3A, %run_scoped3A_1, %dma_wait3A_591, %dma_wait3A_592] : memref<32x80x2x128xi32, #tpu.memory_space<hbm>> -> memref<1x1x2x128xi32, #tpu.memory_space<hbm>>
      %dma_wait3A_594 = tpu.memref_squeeze %dma_wait3A_593 : memref<1x1x2x128xi32, #tpu.memory_space<hbm>> -> memref<2x128xi32, #tpu.memory_space<hbm>>
      %dma_wait3A_595 = arith.constant 0 : i32
      %dma_wait3A_596 = arith.constant 0 : i32
      %dma_wait3A_597 = tpu.memref_slice %arg3[%add3A, %run_scoped3A_1, %dma_wait3A_595, %dma_wait3A_596] : memref<32x80x2x128xi32, #tpu.memory_space<hbm>> -> memref<1x1x2x128xi32, #tpu.memory_space<hbm>>
      %dma_wait3A_598 = tpu.memref_squeeze %dma_wait3A_597 : memref<1x1x2x128xi32, #tpu.memory_space<hbm>> -> memref<2x128xi32, #tpu.memory_space<hbm>>
      tpu.wait_dma2 semaphore(%run_scoped3A_582 : memref<!tpu.dma_semaphore, #tpu.memory_space<semaphore_mem>>) src(%dma_wait3A_598 : memref<2x128xi32, #tpu.memory_space<hbm>>) dst(%arg7 : memref<2x128xi32, #tpu.memory_space<vmem>>)
      tpu.yield
    }) : () -> ()
    %dma_start3A = arith.constant 0 : i32
    %dma_start3A_2 = arith.constant 0 : i32
    %dma_start3A_3 = arith.constant 0 : i32
    %dma_start3A_4 = arith.constant 0 : i32
    %dma_start3A_5 = arith.constant 0 : i32
    %dma_start3A_6 = tpu.memref_slice %arg10[%dma_start3A_2, %dma_start3A_4, %dma_start3A_5] : memref<2x128x128xf32, #tpu.memory_space<vmem>> -> memref<1x128x128xf32, #tpu.memory_space<vmem>>
    %dma_start3A_7 = tpu.memref_squeeze %dma_start3A_6 : memref<1x128x128xf32, #tpu.memory_space<vmem>> -> memref<128x128xf32, #tpu.memory_space<vmem>>
    %dma_start3A_8 = arith.constant 0 : i32
    %dma_start3A_9 = tpu.memref_slice %arg6[%dma_start3A, %dma_start3A_8] : memref<2x128xi32, #tpu.memory_space<vmem>> -> memref<1x128xi32, #tpu.memory_space<vmem>>
    %dma_start3A_10 = tpu.memref_squeeze %dma_start3A_9 : memref<1x128xi32, #tpu.memory_space<vmem>> -> memref<128xi32, #tpu.memory_space<vmem>>
    %dma_start3A_11 = arith.constant 0 : i32
    %dma_start3A_12 = arith.constant 0 : i32
    %dma_start3A_13 = tpu.memref_slice %arg2[%dma_start3A_11, %dma_start3A_12] : memref<10000x128xf32, #tpu.memory_space<hbm>> -> memref<10000x128xf32, #tpu.memory_space<hbm>>
    %dma_start3A_14 = tpu.memref_slice %arg12[%dma_start3A_3] : memref<2x!tpu.dma_semaphore, #tpu.memory_space<semaphore_mem>> -> memref<1x!tpu.dma_semaphore, #tpu.memory_space<semaphore_mem>>
    %dma_start3A_15 = tpu.memref_squeeze %dma_start3A_14 : memref<1x!tpu.dma_semaphore, #tpu.memory_space<semaphore_mem>> -> memref<!tpu.dma_semaphore, #tpu.memory_space<semaphore_mem>>
    tpu.enqueue_indirect_dma source(%dma_start3A_13 : memref<10000x128xf32, #tpu.memory_space<hbm>>) target(%dma_start3A_7 : memref<128x128xf32, #tpu.memory_space<vmem>>) offsets(%dma_start3A_10 : memref<128xi32, #tpu.memory_space<vmem>>) semaphore(%dma_start3A_15 : memref<!tpu.dma_semaphore, #tpu.memory_space<semaphore_mem>>)
    %scan3A = arith.constant 0 : i32
    %scan3A_16 = arith.constant 0 : i32
    %scan3A_17 = arith.constant 2 : i32
    %scan3A_18 = arith.addi %scan3A_16, %scan3A_17 : i32
    %scan3A_19 = arith.constant 1 : i32
    scf.for %scan3A_582 = %scan3A_16 to %scan3A_18 step %scan3A_19  : i32 {
      %mul3A_583 = arith.constant 16 : i32
      %mul3A_584 = arith.muli %scan3A_582, %mul3A_583 : i32
      %add3A_585 = arith.addi %mul3A_584, %arg1 : i32
      %lt3A = arith.constant 25 : i32
      %lt3A_586 = arith.cmpi slt, %add3A_585, %lt3A : i32
      %convert_element_type3A = arith.extui %lt3A_586 : i1 to i32
      %cond3A = arith.constant 0 : i32
      %cond3A_587 = arith.cmpi ne, %convert_element_type3A, %cond3A : i32
      scf.if %cond3A_587 {
        %mul3A_588 = arith.constant 400 : i32
        %mul3A_589 = arith.muli %add3A_585, %mul3A_588 : i32
        %mul3A_590 = arith.constant 400 : i32
        %mul3A_591 = arith.muli %add3A_585, %mul3A_590 : i32
        "tpu.region"() ({
          %run_scoped3A_592 = tpu.sem_alloc : memref<!tpu.dma_semaphore, #tpu.memory_space<semaphore_mem>>
          %dma_start3A_593 = arith.constant 0 : i32
          %dma_start3A_594 = tpu.memref_slice %arg11[%mul3A_591, %dma_start3A_593] : memref<10240x128xf32, #tpu.memory_space<vmem_shared>> -> memref<400x128xf32, #tpu.memory_space<vmem_shared>>
          %dma_start3A_595 = arith.constant 0 : i32
          %dma_start3A_596 = tpu.memref_slice %arg4[%mul3A_589, %dma_start3A_595] : memref<10000x128xf32, #tpu.memory_space<hbm>> -> memref<400x128xf32, #tpu.memory_space<hbm>>
          tpu.enqueue_dma source(%dma_start3A_596 : memref<400x128xf32, #tpu.memory_space<hbm>>) target(%dma_start3A_594 : memref<400x128xf32, #tpu.memory_space<vmem_shared>>) target_semaphore(%run_scoped3A_592 : memref<!tpu.dma_semaphore, #tpu.memory_space<semaphore_mem>>)
          %dma_wait3A_597 = arith.constant 0 : i32
          %dma_wait3A_598 = tpu.memref_slice %arg11[%mul3A_591, %dma_wait3A_597] : memref<10240x128xf32, #tpu.memory_space<vmem_shared>> -> memref<400x128xf32, #tpu.memory_space<vmem_shared>>
          %dma_wait3A_599 = arith.constant 0 : i32
          %dma_wait3A_600 = tpu.memref_slice %arg4[%mul3A_589, %dma_wait3A_599] : memref<10000x128xf32, #tpu.memory_space<hbm>> -> memref<400x128xf32, #tpu.memory_space<hbm>>
          tpu.wait_dma2 semaphore(%run_scoped3A_592 : memref<!tpu.dma_semaphore, #tpu.memory_space<semaphore_mem>>) src(%dma_wait3A_600 : memref<400x128xf32, #tpu.memory_space<hbm>>) dst(%dma_wait3A_598 : memref<400x128xf32, #tpu.memory_space<vmem_shared>>)
          tpu.yield
        }) : () -> ()
      } else {
      }
    }
    %scan3A_20 = arith.constant 2 : i32
    %barrier3A = arith.constant 0 : index
    tpu.barrier barrier_id(%barrier3A)
    %dma_wait3A = arith.constant 0 : i32
    %dma_wait3A_21 = arith.constant 0 : i32
    %dma_wait3A_22 = arith.constant 0 : i32
    %dma_wait3A_23 = arith.constant 0 : i32
    %dma_wait3A_24 = tpu.memref_slice %arg10[%dma_wait3A, %dma_wait3A_22, %dma_wait3A_23] : memref<2x128x128xf32, #tpu.memory_space<vmem>> -> memref<1x128x128xf32, #tpu.memory_space<vmem>>
    %dma_wait3A_25 = tpu.memref_squeeze %dma_wait3A_24 : memref<1x128x128xf32, #tpu.memory_space<vmem>> -> memref<128x128xf32, #tpu.memory_space<vmem>>
    %dma_wait3A_26 = arith.constant 0 : i32
    %dma_wait3A_27 = arith.constant 0 : i32
    %dma_wait3A_28 = tpu.memref_slice %arg2[%dma_wait3A_26, %dma_wait3A_27] : memref<10000x128xf32, #tpu.memory_space<hbm>> -> memref<128x128xf32, #tpu.memory_space<hbm>>
    %dma_wait3A_29 = tpu.memref_slice %arg12[%dma_wait3A_21] : memref<2x!tpu.dma_semaphore, #tpu.memory_space<semaphore_mem>> -> memref<1x!tpu.dma_semaphore, #tpu.memory_space<semaphore_mem>>
    %dma_wait3A_30 = tpu.memref_squeeze %dma_wait3A_29 : memref<1x!tpu.dma_semaphore, #tpu.memory_space<semaphore_mem>> -> memref<!tpu.dma_semaphore, #tpu.memory_space<semaphore_mem>>
    %dma_wait3A_31 = arith.constant 0 : i32
    %dma_wait3A_32 = arith.constant 0 : i32
    %dma_wait3A_33 = tpu.memref_slice %arg10[%dma_wait3A, %dma_wait3A_31, %dma_wait3A_32] : memref<2x128x128xf32, #tpu.memory_space<vmem>> -> memref<1x128x128xf32, #tpu.memory_space<vmem>>
    %dma_wait3A_34 = tpu.memref_squeeze %dma_wait3A_33 : memref<1x128x128xf32, #tpu.memory_space<vmem>> -> memref<128x128xf32, #tpu.memory_space<vmem>>
    %dma_wait3A_35 = arith.constant 0 : i32
    %dma_wait3A_36 = arith.constant 0 : i32
    %dma_wait3A_37 = tpu.memref_slice %arg2[%dma_wait3A_35, %dma_wait3A_36] : memref<10000x128xf32, #tpu.memory_space<hbm>> -> memref<128x128xf32, #tpu.memory_space<hbm>>
    tpu.wait_dma2 semaphore(%dma_wait3A_30 : memref<!tpu.dma_semaphore, #tpu.memory_space<semaphore_mem>>) src(%dma_wait3A_37 : memref<128x128xf32, #tpu.memory_space<hbm>>) dst(%dma_wait3A_34 : memref<128x128xf32, #tpu.memory_space<vmem>>)
    %dma_start3A_38 = arith.constant 0 : i32
    %dma_start3A_39 = arith.constant 1 : i32
    %dma_start3A_40 = arith.constant 0 : i32
    %dma_start3A_41 = arith.constant 0 : i32
    %dma_start3A_42 = arith.constant 0 : i32
    %dma_start3A_43 = tpu.memref_slice %arg10[%dma_start3A_38, %dma_start3A_41, %dma_start3A_42] : memref<2x128x128xf32, #tpu.memory_space<vmem>> -> memref<1x128x128xf32, #tpu.memory_space<vmem>>
    %dma_start3A_44 = tpu.memref_squeeze %dma_start3A_43 : memref<1x128x128xf32, #tpu.memory_space<vmem>> -> memref<128x128xf32, #tpu.memory_space<vmem>>
    %dma_start3A_45 = arith.constant 0 : i32
    %dma_start3A_46 = tpu.memref_slice %arg6[%dma_start3A_39, %dma_start3A_45] : memref<2x128xi32, #tpu.memory_space<vmem>> -> memref<1x128xi32, #tpu.memory_space<vmem>>
    %dma_start3A_47 = tpu.memref_squeeze %dma_start3A_46 : memref<1x128xi32, #tpu.memory_space<vmem>> -> memref<128xi32, #tpu.memory_space<vmem>>
    %dma_start3A_48 = arith.constant 0 : i32
    %dma_start3A_49 = arith.constant 0 : i32
    %dma_start3A_50 = tpu.memref_slice %arg11[%dma_start3A_48, %dma_start3A_49] : memref<10240x128xf32, #tpu.memory_space<vmem_shared>> -> memref<10240x128xf32, #tpu.memory_space<vmem_shared>>
    %dma_start3A_51 = tpu.memref_slice %arg13[%dma_start3A_40] : memref<2x!tpu.dma_semaphore, #tpu.memory_space<semaphore_mem>> -> memref<1x!tpu.dma_semaphore, #tpu.memory_space<semaphore_mem>>
    %dma_start3A_52 = tpu.memref_squeeze %dma_start3A_51 : memref<1x!tpu.dma_semaphore, #tpu.memory_space<semaphore_mem>> -> memref<!tpu.dma_semaphore, #tpu.memory_space<semaphore_mem>>
    tpu.enqueue_indirect_dma source(%dma_start3A_44 : memref<128x128xf32, #tpu.memory_space<vmem>>) target(%dma_start3A_50 : memref<10240x128xf32, #tpu.memory_space<vmem_shared>>) offsets(%dma_start3A_47 : memref<128xi32, #tpu.memory_space<vmem>>) semaphore(%dma_start3A_52 : memref<!tpu.dma_semaphore, #tpu.memory_space<semaphore_mem>>) {add = true}
    %dma_start3A_53 = arith.constant 0 : i32
    %dma_start3A_54 = arith.constant 1 : i32
    %dma_start3A_55 = arith.constant 1 : i32
    %dma_start3A_56 = arith.constant 0 : i32
    %dma_start3A_57 = arith.constant 0 : i32
    %dma_start3A_58 = tpu.memref_slice %arg10[%dma_start3A_54, %dma_start3A_56, %dma_start3A_57] : memref<2x128x128xf32, #tpu.memory_space<vmem>> -> memref<1x128x128xf32, #tpu.memory_space<vmem>>
    %dma_start3A_59 = tpu.memref_squeeze %dma_start3A_58 : memref<1x128x128xf32, #tpu.memory_space<vmem>> -> memref<128x128xf32, #tpu.memory_space<vmem>>
    %dma_start3A_60 = arith.constant 0 : i32
    %dma_start3A_61 = tpu.memref_slice %arg7[%dma_start3A_53, %dma_start3A_60] : memref<2x128xi32, #tpu.memory_space<vmem>> -> memref<1x128xi32, #tpu.memory_space<vmem>>
    %dma_start3A_62 = tpu.memref_squeeze %dma_start3A_61 : memref<1x128xi32, #tpu.memory_space<vmem>> -> memref<128xi32, #tpu.memory_space<vmem>>
    %dma_start3A_63 = arith.constant 0 : i32
    %dma_start3A_64 = arith.constant 0 : i32
    %dma_start3A_65 = tpu.memref_slice %arg2[%dma_start3A_63, %dma_start3A_64] : memref<10000x128xf32, #tpu.memory_space<hbm>> -> memref<10000x128xf32, #tpu.memory_space<hbm>>
    %dma_start3A_66 = tpu.memref_slice %arg12[%dma_start3A_55] : memref<2x!tpu.dma_semaphore, #tpu.memory_space<semaphore_mem>> -> memref<1x!tpu.dma_semaphore, #tpu.memory_space<semaphore_mem>>
    %dma_start3A_67 = tpu.memref_squeeze %dma_start3A_66 : memref<1x!tpu.dma_semaphore, #tpu.memory_space<semaphore_mem>> -> memref<!tpu.dma_semaphore, #tpu.memory_space<semaphore_mem>>
    tpu.enqueue_indirect_dma source(%dma_start3A_65 : memref<10000x128xf32, #tpu.memory_space<hbm>>) target(%dma_start3A_59 : memref<128x128xf32, #tpu.memory_space<vmem>>) offsets(%dma_start3A_62 : memref<128xi32, #tpu.memory_space<vmem>>) semaphore(%dma_start3A_67 : memref<!tpu.dma_semaphore, #tpu.memory_space<semaphore_mem>>)
    %dma_start3A_68 = arith.constant 2 : i32
    %dma_start3A_69 = arith.constant 0 : i32
    %dma_start3A_70 = arith.constant 0 : i32
    %dma_start3A_71 = tpu.memref_slice %arg3[%add3A, %dma_start3A_68, %dma_start3A_69, %dma_start3A_70] : memref<32x80x2x128xi32, #tpu.memory_space<hbm>> -> memref<1x1x2x128xi32, #tpu.memory_space<hbm>>
    %dma_start3A_72 = tpu.memref_squeeze %dma_start3A_71 : memref<1x1x2x128xi32, #tpu.memory_space<hbm>> -> memref<2x128xi32, #tpu.memory_space<hbm>>
    %dma_start3A_73 = arith.constant 0 : i32
    %dma_start3A_74 = arith.constant 0 : i32
    %dma_start3A_75 = tpu.memref_slice %arg3[%add3A, %dma_start3A_68, %dma_start3A_73, %dma_start3A_74] : memref<32x80x2x128xi32, #tpu.memory_space<hbm>> -> memref<1x1x2x128xi32, #tpu.memory_space<hbm>>
    %dma_start3A_76 = tpu.memref_squeeze %dma_start3A_75 : memref<1x1x2x128xi32, #tpu.memory_space<hbm>> -> memref<2x128xi32, #tpu.memory_space<hbm>>
    tpu.enqueue_dma source(%dma_start3A_76 : memref<2x128xi32, #tpu.memory_space<hbm>>) target(%arg8 : memref<2x128xi32, #tpu.memory_space<vmem>>) target_semaphore(%arg14 : memref<!tpu.dma_semaphore, #tpu.memory_space<semaphore_mem>>)
    %dma_wait3A_77 = arith.constant 1 : i32
    %dma_wait3A_78 = arith.constant 1 : i32
    %dma_wait3A_79 = arith.constant 0 : i32
    %dma_wait3A_80 = arith.constant 0 : i32
    %dma_wait3A_81 = tpu.memref_slice %arg10[%dma_wait3A_77, %dma_wait3A_79, %dma_wait3A_80] : memref<2x128x128xf32, #tpu.memory_space<vmem>> -> memref<1x128x128xf32, #tpu.memory_space<vmem>>
    %dma_wait3A_82 = tpu.memref_squeeze %dma_wait3A_81 : memref<1x128x128xf32, #tpu.memory_space<vmem>> -> memref<128x128xf32, #tpu.memory_space<vmem>>
    %dma_wait3A_83 = arith.constant 0 : i32
    %dma_wait3A_84 = arith.constant 0 : i32
    %dma_wait3A_85 = tpu.memref_slice %arg2[%dma_wait3A_83, %dma_wait3A_84] : memref<10000x128xf32, #tpu.memory_space<hbm>> -> memref<128x128xf32, #tpu.memory_space<hbm>>
    %dma_wait3A_86 = tpu.memref_slice %arg12[%dma_wait3A_78] : memref<2x!tpu.dma_semaphore, #tpu.memory_space<semaphore_mem>> -> memref<1x!tpu.dma_semaphore, #tpu.memory_space<semaphore_mem>>
    %dma_wait3A_87 = tpu.memref_squeeze %dma_wait3A_86 : memref<1x!tpu.dma_semaphore, #tpu.memory_space<semaphore_mem>> -> memref<!tpu.dma_semaphore, #tpu.memory_space<semaphore_mem>>
    %dma_wait3A_88 = arith.constant 0 : i32
    %dma_wait3A_89 = arith.constant 0 : i32
    %dma_wait3A_90 = tpu.memref_slice %arg10[%dma_wait3A_77, %dma_wait3A_88, %dma_wait3A_89] : memref<2x128x128xf32, #tpu.memory_space<vmem>> -> memref<1x128x128xf32, #tpu.memory_space<vmem>>
    %dma_wait3A_91 = tpu.memref_squeeze %dma_wait3A_90 : memref<1x128x128xf32, #tpu.memory_space<vmem>> -> memref<128x128xf32, #tpu.memory_space<vmem>>
    %dma_wait3A_92 = arith.constant 0 : i32
    %dma_wait3A_93 = arith.constant 0 : i32
    %dma_wait3A_94 = tpu.memref_slice %arg2[%dma_wait3A_92, %dma_wait3A_93] : memref<10000x128xf32, #tpu.memory_space<hbm>> -> memref<128x128xf32, #tpu.memory_space<hbm>>
    tpu.wait_dma2 semaphore(%dma_wait3A_87 : memref<!tpu.dma_semaphore, #tpu.memory_space<semaphore_mem>>) src(%dma_wait3A_94 : memref<128x128xf32, #tpu.memory_space<hbm>>) dst(%dma_wait3A_91 : memref<128x128xf32, #tpu.memory_space<vmem>>)
    %dma_start3A_95 = arith.constant 1 : i32
    %dma_start3A_96 = arith.constant 1 : i32
    %dma_start3A_97 = arith.constant 1 : i32
    %dma_start3A_98 = arith.constant 0 : i32
    %dma_start3A_99 = arith.constant 0 : i32
    %dma_start3A_100 = tpu.memref_slice %arg10[%dma_start3A_95, %dma_start3A_98, %dma_start3A_99] : memref<2x128x128xf32, #tpu.memory_space<vmem>> -> memref<1x128x128xf32, #tpu.memory_space<vmem>>
    %dma_start3A_101 = tpu.memref_squeeze %dma_start3A_100 : memref<1x128x128xf32, #tpu.memory_space<vmem>> -> memref<128x128xf32, #tpu.memory_space<vmem>>
    %dma_start3A_102 = arith.constant 0 : i32
    %dma_start3A_103 = tpu.memref_slice %arg7[%dma_start3A_96, %dma_start3A_102] : memref<2x128xi32, #tpu.memory_space<vmem>> -> memref<1x128xi32, #tpu.memory_space<vmem>>
    %dma_start3A_104 = tpu.memref_squeeze %dma_start3A_103 : memref<1x128xi32, #tpu.memory_space<vmem>> -> memref<128xi32, #tpu.memory_space<vmem>>
    %dma_start3A_105 = arith.constant 0 : i32
    %dma_start3A_106 = arith.constant 0 : i32
    %dma_start3A_107 = tpu.memref_slice %arg11[%dma_start3A_105, %dma_start3A_106] : memref<10240x128xf32, #tpu.memory_space<vmem_shared>> -> memref<10240x128xf32, #tpu.memory_space<vmem_shared>>
    %dma_start3A_108 = tpu.memref_slice %arg13[%dma_start3A_97] : memref<2x!tpu.dma_semaphore, #tpu.memory_space<semaphore_mem>> -> memref<1x!tpu.dma_semaphore, #tpu.memory_space<semaphore_mem>>
    %dma_start3A_109 = tpu.memref_squeeze %dma_start3A_108 : memref<1x!tpu.dma_semaphore, #tpu.memory_space<semaphore_mem>> -> memref<!tpu.dma_semaphore, #tpu.memory_space<semaphore_mem>>
    tpu.enqueue_indirect_dma source(%dma_start3A_101 : memref<128x128xf32, #tpu.memory_space<vmem>>) target(%dma_start3A_107 : memref<10240x128xf32, #tpu.memory_space<vmem_shared>>) offsets(%dma_start3A_104 : memref<128xi32, #tpu.memory_space<vmem>>) semaphore(%dma_start3A_109 : memref<!tpu.dma_semaphore, #tpu.memory_space<semaphore_mem>>) {add = true}
    %dma_wait3A_110 = arith.constant 0 : i32
    %dma_wait3A_111 = arith.constant 0 : i32
    %dma_wait3A_112 = arith.constant 0 : i32
    %dma_wait3A_113 = tpu.memref_slice %arg3[%add3A, %dma_wait3A_110, %dma_wait3A_111, %dma_wait3A_112] : memref<32x80x2x128xi32, #tpu.memory_space<hbm>> -> memref<1x1x2x128xi32, #tpu.memory_space<hbm>>
    %dma_wait3A_114 = tpu.memref_squeeze %dma_wait3A_113 : memref<1x1x2x128xi32, #tpu.memory_space<hbm>> -> memref<2x128xi32, #tpu.memory_space<hbm>>
    %dma_wait3A_115 = arith.constant 0 : i32
    %dma_wait3A_116 = arith.constant 0 : i32
    %dma_wait3A_117 = tpu.memref_slice %arg3[%add3A, %dma_wait3A_110, %dma_wait3A_115, %dma_wait3A_116] : memref<32x80x2x128xi32, #tpu.memory_space<hbm>> -> memref<1x1x2x128xi32, #tpu.memory_space<hbm>>
    %dma_wait3A_118 = tpu.memref_squeeze %dma_wait3A_117 : memref<1x1x2x128xi32, #tpu.memory_space<hbm>> -> memref<2x128xi32, #tpu.memory_space<hbm>>
    tpu.wait_dma2 semaphore(%arg14 : memref<!tpu.dma_semaphore, #tpu.memory_space<semaphore_mem>>) src(%dma_wait3A_118 : memref<2x128xi32, #tpu.memory_space<hbm>>) dst(%arg6 : memref<2x128xi32, #tpu.memory_space<vmem>>)
    %dma_wait3A_119 = arith.constant 0 : i32
    %dma_wait3A_120 = tpu.memref_slice %arg13[%dma_wait3A_119] : memref<2x!tpu.dma_semaphore, #tpu.memory_space<semaphore_mem>> -> memref<1x!tpu.dma_semaphore, #tpu.memory_space<semaphore_mem>>
    %dma_wait3A_121 = tpu.memref_squeeze %dma_wait3A_120 : memref<1x!tpu.dma_semaphore, #tpu.memory_space<semaphore_mem>> -> memref<!tpu.dma_semaphore, #tpu.memory_space<semaphore_mem>>
    %dma_wait3A_122 = arith.constant 0 : i32
    %dma_wait3A_123 = arith.constant 0 : i32
    %dma_wait3A_124 = tpu.memref_slice %arg11[%dma_wait3A_122, %dma_wait3A_123] : memref<10240x128xf32, #tpu.memory_space<vmem_shared>> -> memref<128x128xf32, #tpu.memory_space<vmem_shared>>
    %dma_wait3A_125 = arith.constant 0 : i32
    %dma_wait3A_126 = arith.constant 0 : i32
    %dma_wait3A_127 = tpu.memref_slice %arg2[%dma_wait3A_125, %dma_wait3A_126] : memref<10000x128xf32, #tpu.memory_space<hbm>> -> memref<128x128xf32, #tpu.memory_space<hbm>>
    tpu.wait_dma2 semaphore(%dma_wait3A_121 : memref<!tpu.dma_semaphore, #tpu.memory_space<semaphore_mem>>) src(%dma_wait3A_127 : memref<128x128xf32, #tpu.memory_space<hbm>>) dst(%dma_wait3A_124 : memref<128x128xf32, #tpu.memory_space<vmem_shared>>)
    %dma_start3A_128 = arith.constant 0 : i32
    %dma_start3A_129 = arith.constant 0 : i32
    %dma_start3A_130 = arith.constant 0 : i32
    %dma_start3A_131 = arith.constant 0 : i32
    %dma_start3A_132 = arith.constant 0 : i32
    %dma_start3A_133 = tpu.memref_slice %arg10[%dma_start3A_129, %dma_start3A_131, %dma_start3A_132] : memref<2x128x128xf32, #tpu.memory_space<vmem>> -> memref<1x128x128xf32, #tpu.memory_space<vmem>>
    %dma_start3A_134 = tpu.memref_squeeze %dma_start3A_133 : memref<1x128x128xf32, #tpu.memory_space<vmem>> -> memref<128x128xf32, #tpu.memory_space<vmem>>
    %dma_start3A_135 = arith.constant 0 : i32
    %dma_start3A_136 = tpu.memref_slice %arg8[%dma_start3A_128, %dma_start3A_135] : memref<2x128xi32, #tpu.memory_space<vmem>> -> memref<1x128xi32, #tpu.memory_space<vmem>>
    %dma_start3A_137 = tpu.memref_squeeze %dma_start3A_136 : memref<1x128xi32, #tpu.memory_space<vmem>> -> memref<128xi32, #tpu.memory_space<vmem>>
    %dma_start3A_138 = arith.constant 0 : i32
    %dma_start3A_139 = arith.constant 0 : i32
    %dma_start3A_140 = tpu.memref_slice %arg2[%dma_start3A_138, %dma_start3A_139] : memref<10000x128xf32, #tpu.memory_space<hbm>> -> memref<10000x128xf32, #tpu.memory_space<hbm>>
    %dma_start3A_141 = tpu.memref_slice %arg12[%dma_start3A_130] : memref<2x!tpu.dma_semaphore, #tpu.memory_space<semaphore_mem>> -> memref<1x!tpu.dma_semaphore, #tpu.memory_space<semaphore_mem>>
    %dma_start3A_142 = tpu.memref_squeeze %dma_start3A_141 : memref<1x!tpu.dma_semaphore, #tpu.memory_space<semaphore_mem>> -> memref<!tpu.dma_semaphore, #tpu.memory_space<semaphore_mem>>
    tpu.enqueue_indirect_dma source(%dma_start3A_140 : memref<10000x128xf32, #tpu.memory_space<hbm>>) target(%dma_start3A_134 : memref<128x128xf32, #tpu.memory_space<vmem>>) offsets(%dma_start3A_137 : memref<128xi32, #tpu.memory_space<vmem>>) semaphore(%dma_start3A_142 : memref<!tpu.dma_semaphore, #tpu.memory_space<semaphore_mem>>)
    %dma_start3A_143 = arith.constant 3 : i32
    %dma_start3A_144 = arith.constant 0 : i32
    %dma_start3A_145 = arith.constant 0 : i32
    %dma_start3A_146 = tpu.memref_slice %arg3[%add3A, %dma_start3A_143, %dma_start3A_144, %dma_start3A_145] : memref<32x80x2x128xi32, #tpu.memory_space<hbm>> -> memref<1x1x2x128xi32, #tpu.memory_space<hbm>>
    %dma_start3A_147 = tpu.memref_squeeze %dma_start3A_146 : memref<1x1x2x128xi32, #tpu.memory_space<hbm>> -> memref<2x128xi32, #tpu.memory_space<hbm>>
    %dma_start3A_148 = arith.constant 0 : i32
    %dma_start3A_149 = arith.constant 0 : i32
    %dma_start3A_150 = tpu.memref_slice %arg3[%add3A, %dma_start3A_143, %dma_start3A_148, %dma_start3A_149] : memref<32x80x2x128xi32, #tpu.memory_space<hbm>> -> memref<1x1x2x128xi32, #tpu.memory_space<hbm>>
    %dma_start3A_151 = tpu.memref_squeeze %dma_start3A_150 : memref<1x1x2x128xi32, #tpu.memory_space<hbm>> -> memref<2x128xi32, #tpu.memory_space<hbm>>
    tpu.enqueue_dma source(%dma_start3A_151 : memref<2x128xi32, #tpu.memory_space<hbm>>) target(%arg9 : memref<2x128xi32, #tpu.memory_space<vmem>>) target_semaphore(%arg14 : memref<!tpu.dma_semaphore, #tpu.memory_space<semaphore_mem>>)
    %dma_wait3A_152 = arith.constant 0 : i32
    %dma_wait3A_153 = arith.constant 0 : i32
    %dma_wait3A_154 = arith.constant 0 : i32
    %dma_wait3A_155 = arith.constant 0 : i32
    %dma_wait3A_156 = tpu.memref_slice %arg10[%dma_wait3A_152, %dma_wait3A_154, %dma_wait3A_155] : memref<2x128x128xf32, #tpu.memory_space<vmem>> -> memref<1x128x128xf32, #tpu.memory_space<vmem>>
    %dma_wait3A_157 = tpu.memref_squeeze %dma_wait3A_156 : memref<1x128x128xf32, #tpu.memory_space<vmem>> -> memref<128x128xf32, #tpu.memory_space<vmem>>
    %dma_wait3A_158 = arith.constant 0 : i32
    %dma_wait3A_159 = arith.constant 0 : i32
    %dma_wait3A_160 = tpu.memref_slice %arg2[%dma_wait3A_158, %dma_wait3A_159] : memref<10000x128xf32, #tpu.memory_space<hbm>> -> memref<128x128xf32, #tpu.memory_space<hbm>>
    %dma_wait3A_161 = tpu.memref_slice %arg12[%dma_wait3A_153] : memref<2x!tpu.dma_semaphore, #tpu.memory_space<semaphore_mem>> -> memref<1x!tpu.dma_semaphore, #tpu.memory_space<semaphore_mem>>
    %dma_wait3A_162 = tpu.memref_squeeze %dma_wait3A_161 : memref<1x!tpu.dma_semaphore, #tpu.memory_space<semaphore_mem>> -> memref<!tpu.dma_semaphore, #tpu.memory_space<semaphore_mem>>
    %dma_wait3A_163 = arith.constant 0 : i32
    %dma_wait3A_164 = arith.constant 0 : i32
    %dma_wait3A_165 = tpu.memref_slice %arg10[%dma_wait3A_152, %dma_wait3A_163, %dma_wait3A_164] : memref<2x128x128xf32, #tpu.memory_space<vmem>> -> memref<1x128x128xf32, #tpu.memory_space<vmem>>
    %dma_wait3A_166 = tpu.memref_squeeze %dma_wait3A_165 : memref<1x128x128xf32, #tpu.memory_space<vmem>> -> memref<128x128xf32, #tpu.memory_space<vmem>>
    %dma_wait3A_167 = arith.constant 0 : i32
    %dma_wait3A_168 = arith.constant 0 : i32
    %dma_wait3A_169 = tpu.memref_slice %arg2[%dma_wait3A_167, %dma_wait3A_168] : memref<10000x128xf32, #tpu.memory_space<hbm>> -> memref<128x128xf32, #tpu.memory_space<hbm>>
    tpu.wait_dma2 semaphore(%dma_wait3A_162 : memref<!tpu.dma_semaphore, #tpu.memory_space<semaphore_mem>>) src(%dma_wait3A_169 : memref<128x128xf32, #tpu.memory_space<hbm>>) dst(%dma_wait3A_166 : memref<128x128xf32, #tpu.memory_space<vmem>>)
    %dma_start3A_170 = arith.constant 0 : i32
    %dma_start3A_171 = arith.constant 1 : i32
    %dma_start3A_172 = arith.constant 0 : i32
    %dma_start3A_173 = arith.constant 0 : i32
    %dma_start3A_174 = arith.constant 0 : i32
    %dma_start3A_175 = tpu.memref_slice %arg10[%dma_start3A_170, %dma_start3A_173, %dma_start3A_174] : memref<2x128x128xf32, #tpu.memory_space<vmem>> -> memref<1x128x128xf32, #tpu.memory_space<vmem>>
    %dma_start3A_176 = tpu.memref_squeeze %dma_start3A_175 : memref<1x128x128xf32, #tpu.memory_space<vmem>> -> memref<128x128xf32, #tpu.memory_space<vmem>>
    %dma_start3A_177 = arith.constant 0 : i32
    %dma_start3A_178 = tpu.memref_slice %arg8[%dma_start3A_171, %dma_start3A_177] : memref<2x128xi32, #tpu.memory_space<vmem>> -> memref<1x128xi32, #tpu.memory_space<vmem>>
    %dma_start3A_179 = tpu.memref_squeeze %dma_start3A_178 : memref<1x128xi32, #tpu.memory_space<vmem>> -> memref<128xi32, #tpu.memory_space<vmem>>
    %dma_start3A_180 = arith.constant 0 : i32
    %dma_start3A_181 = arith.constant 0 : i32
    %dma_start3A_182 = tpu.memref_slice %arg11[%dma_start3A_180, %dma_start3A_181] : memref<10240x128xf32, #tpu.memory_space<vmem_shared>> -> memref<10240x128xf32, #tpu.memory_space<vmem_shared>>
    %dma_start3A_183 = tpu.memref_slice %arg13[%dma_start3A_172] : memref<2x!tpu.dma_semaphore, #tpu.memory_space<semaphore_mem>> -> memref<1x!tpu.dma_semaphore, #tpu.memory_space<semaphore_mem>>
    %dma_start3A_184 = tpu.memref_squeeze %dma_start3A_183 : memref<1x!tpu.dma_semaphore, #tpu.memory_space<semaphore_mem>> -> memref<!tpu.dma_semaphore, #tpu.memory_space<semaphore_mem>>
    tpu.enqueue_indirect_dma source(%dma_start3A_176 : memref<128x128xf32, #tpu.memory_space<vmem>>) target(%dma_start3A_182 : memref<10240x128xf32, #tpu.memory_space<vmem_shared>>) offsets(%dma_start3A_179 : memref<128xi32, #tpu.memory_space<vmem>>) semaphore(%dma_start3A_184 : memref<!tpu.dma_semaphore, #tpu.memory_space<semaphore_mem>>) {add = true}
    %dma_wait3A_185 = arith.constant 0 : i32
    %dma_wait3A_186 = arith.constant 0 : i32
    %dma_wait3A_187 = arith.constant 0 : i32
    %dma_wait3A_188 = tpu.memref_slice %arg3[%add3A, %dma_wait3A_185, %dma_wait3A_186, %dma_wait3A_187] : memref<32x80x2x128xi32, #tpu.memory_space<hbm>> -> memref<1x1x2x128xi32, #tpu.memory_space<hbm>>
    %dma_wait3A_189 = tpu.memref_squeeze %dma_wait3A_188 : memref<1x1x2x128xi32, #tpu.memory_space<hbm>> -> memref<2x128xi32, #tpu.memory_space<hbm>>
    %dma_wait3A_190 = arith.constant 0 : i32
    %dma_wait3A_191 = arith.constant 0 : i32
    %dma_wait3A_192 = tpu.memref_slice %arg3[%add3A, %dma_wait3A_185, %dma_wait3A_190, %dma_wait3A_191] : memref<32x80x2x128xi32, #tpu.memory_space<hbm>> -> memref<1x1x2x128xi32, #tpu.memory_space<hbm>>
    %dma_wait3A_193 = tpu.memref_squeeze %dma_wait3A_192 : memref<1x1x2x128xi32, #tpu.memory_space<hbm>> -> memref<2x128xi32, #tpu.memory_space<hbm>>
    tpu.wait_dma2 semaphore(%arg14 : memref<!tpu.dma_semaphore, #tpu.memory_space<semaphore_mem>>) src(%dma_wait3A_193 : memref<2x128xi32, #tpu.memory_space<hbm>>) dst(%arg6 : memref<2x128xi32, #tpu.memory_space<vmem>>)
    %dma_wait3A_194 = arith.constant 1 : i32
    %dma_wait3A_195 = tpu.memref_slice %arg13[%dma_wait3A_194] : memref<2x!tpu.dma_semaphore, #tpu.memory_space<semaphore_mem>> -> memref<1x!tpu.dma_semaphore, #tpu.memory_space<semaphore_mem>>
    %dma_wait3A_196 = tpu.memref_squeeze %dma_wait3A_195 : memref<1x!tpu.dma_semaphore, #tpu.memory_space<semaphore_mem>> -> memref<!tpu.dma_semaphore, #tpu.memory_space<semaphore_mem>>
    %dma_wait3A_197 = arith.constant 0 : i32
    %dma_wait3A_198 = arith.constant 0 : i32
    %dma_wait3A_199 = tpu.memref_slice %arg11[%dma_wait3A_197, %dma_wait3A_198] : memref<10240x128xf32, #tpu.memory_space<vmem_shared>> -> memref<128x128xf32, #tpu.memory_space<vmem_shared>>
    %dma_wait3A_200 = arith.constant 0 : i32
    %dma_wait3A_201 = arith.constant 0 : i32
    %dma_wait3A_202 = tpu.memref_slice %arg2[%dma_wait3A_200, %dma_wait3A_201] : memref<10000x128xf32, #tpu.memory_space<hbm>> -> memref<128x128xf32, #tpu.memory_space<hbm>>
    tpu.wait_dma2 semaphore(%dma_wait3A_196 : memref<!tpu.dma_semaphore, #tpu.memory_space<semaphore_mem>>) src(%dma_wait3A_202 : memref<128x128xf32, #tpu.memory_space<hbm>>) dst(%dma_wait3A_199 : memref<128x128xf32, #tpu.memory_space<vmem_shared>>)
    %dma_start3A_203 = arith.constant 0 : i32
    %dma_start3A_204 = arith.constant 1 : i32
    %dma_start3A_205 = arith.constant 1 : i32
    %dma_start3A_206 = arith.constant 0 : i32
    %dma_start3A_207 = arith.constant 0 : i32
    %dma_start3A_208 = tpu.memref_slice %arg10[%dma_start3A_204, %dma_start3A_206, %dma_start3A_207] : memref<2x128x128xf32, #tpu.memory_space<vmem>> -> memref<1x128x128xf32, #tpu.memory_space<vmem>>
    %dma_start3A_209 = tpu.memref_squeeze %dma_start3A_208 : memref<1x128x128xf32, #tpu.memory_space<vmem>> -> memref<128x128xf32, #tpu.memory_space<vmem>>
    %dma_start3A_210 = arith.constant 0 : i32
    %dma_start3A_211 = tpu.memref_slice %arg9[%dma_start3A_203, %dma_start3A_210] : memref<2x128xi32, #tpu.memory_space<vmem>> -> memref<1x128xi32, #tpu.memory_space<vmem>>
    %dma_start3A_212 = tpu.memref_squeeze %dma_start3A_211 : memref<1x128xi32, #tpu.memory_space<vmem>> -> memref<128xi32, #tpu.memory_space<vmem>>
    %dma_start3A_213 = arith.constant 0 : i32
    %dma_start3A_214 = arith.constant 0 : i32
    %dma_start3A_215 = tpu.memref_slice %arg2[%dma_start3A_213, %dma_start3A_214] : memref<10000x128xf32, #tpu.memory_space<hbm>> -> memref<10000x128xf32, #tpu.memory_space<hbm>>
    %dma_start3A_216 = tpu.memref_slice %arg12[%dma_start3A_205] : memref<2x!tpu.dma_semaphore, #tpu.memory_space<semaphore_mem>> -> memref<1x!tpu.dma_semaphore, #tpu.memory_space<semaphore_mem>>
    %dma_start3A_217 = tpu.memref_squeeze %dma_start3A_216 : memref<1x!tpu.dma_semaphore, #tpu.memory_space<semaphore_mem>> -> memref<!tpu.dma_semaphore, #tpu.memory_space<semaphore_mem>>
    tpu.enqueue_indirect_dma source(%dma_start3A_215 : memref<10000x128xf32, #tpu.memory_space<hbm>>) target(%dma_start3A_209 : memref<128x128xf32, #tpu.memory_space<vmem>>) offsets(%dma_start3A_212 : memref<128xi32, #tpu.memory_space<vmem>>) semaphore(%dma_start3A_217 : memref<!tpu.dma_semaphore, #tpu.memory_space<semaphore_mem>>)
    %dma_start3A_218 = arith.constant 4 : i32
    %dma_start3A_219 = arith.constant 0 : i32
    %dma_start3A_220 = arith.constant 0 : i32
    %dma_start3A_221 = tpu.memref_slice %arg3[%add3A, %dma_start3A_218, %dma_start3A_219, %dma_start3A_220] : memref<32x80x2x128xi32, #tpu.memory_space<hbm>> -> memref<1x1x2x128xi32, #tpu.memory_space<hbm>>
    %dma_start3A_222 = tpu.memref_squeeze %dma_start3A_221 : memref<1x1x2x128xi32, #tpu.memory_space<hbm>> -> memref<2x128xi32, #tpu.memory_space<hbm>>
    %dma_start3A_223 = arith.constant 0 : i32
    %dma_start3A_224 = arith.constant 0 : i32
    %dma_start3A_225 = tpu.memref_slice %arg3[%add3A, %dma_start3A_218, %dma_start3A_223, %dma_start3A_224] : memref<32x80x2x128xi32, #tpu.memory_space<hbm>> -> memref<1x1x2x128xi32, #tpu.memory_space<hbm>>
    %dma_start3A_226 = tpu.memref_squeeze %dma_start3A_225 : memref<1x1x2x128xi32, #tpu.memory_space<hbm>> -> memref<2x128xi32, #tpu.memory_space<hbm>>
    tpu.enqueue_dma source(%dma_start3A_226 : memref<2x128xi32, #tpu.memory_space<hbm>>) target(%arg6 : memref<2x128xi32, #tpu.memory_space<vmem>>) target_semaphore(%arg14 : memref<!tpu.dma_semaphore, #tpu.memory_space<semaphore_mem>>)
    %dma_wait3A_227 = arith.constant 1 : i32
    %dma_wait3A_228 = arith.constant 1 : i32
    %dma_wait3A_229 = arith.constant 0 : i32
    %dma_wait3A_230 = arith.constant 0 : i32
    %dma_wait3A_231 = tpu.memref_slice %arg10[%dma_wait3A_227, %dma_wait3A_229, %dma_wait3A_230] : memref<2x128x128xf32, #tpu.memory_space<vmem>> -> memref<1x128x128xf32, #tpu.memory_space<vmem>>
    %dma_wait3A_232 = tpu.memref_squeeze %dma_wait3A_231 : memref<1x128x128xf32, #tpu.memory_space<vmem>> -> memref<128x128xf32, #tpu.memory_space<vmem>>
    %dma_wait3A_233 = arith.constant 0 : i32
    %dma_wait3A_234 = arith.constant 0 : i32
    %dma_wait3A_235 = tpu.memref_slice %arg2[%dma_wait3A_233, %dma_wait3A_234] : memref<10000x128xf32, #tpu.memory_space<hbm>> -> memref<128x128xf32, #tpu.memory_space<hbm>>
    %dma_wait3A_236 = tpu.memref_slice %arg12[%dma_wait3A_228] : memref<2x!tpu.dma_semaphore, #tpu.memory_space<semaphore_mem>> -> memref<1x!tpu.dma_semaphore, #tpu.memory_space<semaphore_mem>>
    %dma_wait3A_237 = tpu.memref_squeeze %dma_wait3A_236 : memref<1x!tpu.dma_semaphore, #tpu.memory_space<semaphore_mem>> -> memref<!tpu.dma_semaphore, #tpu.memory_space<semaphore_mem>>
    %dma_wait3A_238 = arith.constant 0 : i32
    %dma_wait3A_239 = arith.constant 0 : i32
    %dma_wait3A_240 = tpu.memref_slice %arg10[%dma_wait3A_227, %dma_wait3A_238, %dma_wait3A_239] : memref<2x128x128xf32, #tpu.memory_space<vmem>> -> memref<1x128x128xf32, #tpu.memory_space<vmem>>
    %dma_wait3A_241 = tpu.memref_squeeze %dma_wait3A_240 : memref<1x128x128xf32, #tpu.memory_space<vmem>> -> memref<128x128xf32, #tpu.memory_space<vmem>>
    %dma_wait3A_242 = arith.constant 0 : i32
    %dma_wait3A_243 = arith.constant 0 : i32
    %dma_wait3A_244 = tpu.memref_slice %arg2[%dma_wait3A_242, %dma_wait3A_243] : memref<10000x128xf32, #tpu.memory_space<hbm>> -> memref<128x128xf32, #tpu.memory_space<hbm>>
    tpu.wait_dma2 semaphore(%dma_wait3A_237 : memref<!tpu.dma_semaphore, #tpu.memory_space<semaphore_mem>>) src(%dma_wait3A_244 : memref<128x128xf32, #tpu.memory_space<hbm>>) dst(%dma_wait3A_241 : memref<128x128xf32, #tpu.memory_space<vmem>>)
    %dma_start3A_245 = arith.constant 1 : i32
    %dma_start3A_246 = arith.constant 1 : i32
    %dma_start3A_247 = arith.constant 1 : i32
    %dma_start3A_248 = arith.constant 0 : i32
    %dma_start3A_249 = arith.constant 0 : i32
    %dma_start3A_250 = tpu.memref_slice %arg10[%dma_start3A_245, %dma_start3A_248, %dma_start3A_249] : memref<2x128x128xf32, #tpu.memory_space<vmem>> -> memref<1x128x128xf32, #tpu.memory_space<vmem>>
    %dma_start3A_251 = tpu.memref_squeeze %dma_start3A_250 : memref<1x128x128xf32, #tpu.memory_space<vmem>> -> memref<128x128xf32, #tpu.memory_space<vmem>>
    %dma_start3A_252 = arith.constant 0 : i32
    %dma_start3A_253 = tpu.memref_slice %arg9[%dma_start3A_246, %dma_start3A_252] : memref<2x128xi32, #tpu.memory_space<vmem>> -> memref<1x128xi32, #tpu.memory_space<vmem>>
    %dma_start3A_254 = tpu.memref_squeeze %dma_start3A_253 : memref<1x128xi32, #tpu.memory_space<vmem>> -> memref<128xi32, #tpu.memory_space<vmem>>
    %dma_start3A_255 = arith.constant 0 : i32
    %dma_start3A_256 = arith.constant 0 : i32
    %dma_start3A_257 = tpu.memref_slice %arg11[%dma_start3A_255, %dma_start3A_256] : memref<10240x128xf32, #tpu.memory_space<vmem_shared>> -> memref<10240x128xf32, #tpu.memory_space<vmem_shared>>
    %dma_start3A_258 = tpu.memref_slice %arg13[%dma_start3A_247] : memref<2x!tpu.dma_semaphore, #tpu.memory_space<semaphore_mem>> -> memref<1x!tpu.dma_semaphore, #tpu.memory_space<semaphore_mem>>
    %dma_start3A_259 = tpu.memref_squeeze %dma_start3A_258 : memref<1x!tpu.dma_semaphore, #tpu.memory_space<semaphore_mem>> -> memref<!tpu.dma_semaphore, #tpu.memory_space<semaphore_mem>>
    tpu.enqueue_indirect_dma source(%dma_start3A_251 : memref<128x128xf32, #tpu.memory_space<vmem>>) target(%dma_start3A_257 : memref<10240x128xf32, #tpu.memory_space<vmem_shared>>) offsets(%dma_start3A_254 : memref<128xi32, #tpu.memory_space<vmem>>) semaphore(%dma_start3A_259 : memref<!tpu.dma_semaphore, #tpu.memory_space<semaphore_mem>>) {add = true}
    %dma_wait3A_260 = arith.constant 0 : i32
    %dma_wait3A_261 = arith.constant 0 : i32
    %dma_wait3A_262 = arith.constant 0 : i32
    %dma_wait3A_263 = tpu.memref_slice %arg3[%add3A, %dma_wait3A_260, %dma_wait3A_261, %dma_wait3A_262] : memref<32x80x2x128xi32, #tpu.memory_space<hbm>> -> memref<1x1x2x128xi32, #tpu.memory_space<hbm>>
    %dma_wait3A_264 = tpu.memref_squeeze %dma_wait3A_263 : memref<1x1x2x128xi32, #tpu.memory_space<hbm>> -> memref<2x128xi32, #tpu.memory_space<hbm>>
    %dma_wait3A_265 = arith.constant 0 : i32
    %dma_wait3A_266 = arith.constant 0 : i32
    %dma_wait3A_267 = tpu.memref_slice %arg3[%add3A, %dma_wait3A_260, %dma_wait3A_265, %dma_wait3A_266] : memref<32x80x2x128xi32, #tpu.memory_space<hbm>> -> memref<1x1x2x128xi32, #tpu.memory_space<hbm>>
    %dma_wait3A_268 = tpu.memref_squeeze %dma_wait3A_267 : memref<1x1x2x128xi32, #tpu.memory_space<hbm>> -> memref<2x128xi32, #tpu.memory_space<hbm>>
    tpu.wait_dma2 semaphore(%arg14 : memref<!tpu.dma_semaphore, #tpu.memory_space<semaphore_mem>>) src(%dma_wait3A_268 : memref<2x128xi32, #tpu.memory_space<hbm>>) dst(%arg6 : memref<2x128xi32, #tpu.memory_space<vmem>>)
    %dma_wait3A_269 = arith.constant 0 : i32
    %dma_wait3A_270 = tpu.memref_slice %arg13[%dma_wait3A_269] : memref<2x!tpu.dma_semaphore, #tpu.memory_space<semaphore_mem>> -> memref<1x!tpu.dma_semaphore, #tpu.memory_space<semaphore_mem>>
    %dma_wait3A_271 = tpu.memref_squeeze %dma_wait3A_270 : memref<1x!tpu.dma_semaphore, #tpu.memory_space<semaphore_mem>> -> memref<!tpu.dma_semaphore, #tpu.memory_space<semaphore_mem>>
    %dma_wait3A_272 = arith.constant 0 : i32
    %dma_wait3A_273 = arith.constant 0 : i32
    %dma_wait3A_274 = tpu.memref_slice %arg11[%dma_wait3A_272, %dma_wait3A_273] : memref<10240x128xf32, #tpu.memory_space<vmem_shared>> -> memref<128x128xf32, #tpu.memory_space<vmem_shared>>
    %dma_wait3A_275 = arith.constant 0 : i32
    %dma_wait3A_276 = arith.constant 0 : i32
    %dma_wait3A_277 = tpu.memref_slice %arg2[%dma_wait3A_275, %dma_wait3A_276] : memref<10000x128xf32, #tpu.memory_space<hbm>> -> memref<128x128xf32, #tpu.memory_space<hbm>>
    tpu.wait_dma2 semaphore(%dma_wait3A_271 : memref<!tpu.dma_semaphore, #tpu.memory_space<semaphore_mem>>) src(%dma_wait3A_277 : memref<128x128xf32, #tpu.memory_space<hbm>>) dst(%dma_wait3A_274 : memref<128x128xf32, #tpu.memory_space<vmem_shared>>)
    %dma_start3A_278 = arith.constant 0 : i32
    %dma_start3A_279 = arith.constant 0 : i32
    %dma_start3A_280 = arith.constant 0 : i32
    %dma_start3A_281 = arith.constant 0 : i32
    %dma_start3A_282 = arith.constant 0 : i32
    %dma_start3A_283 = tpu.memref_slice %arg10[%dma_start3A_279, %dma_start3A_281, %dma_start3A_282] : memref<2x128x128xf32, #tpu.memory_space<vmem>> -> memref<1x128x128xf32, #tpu.memory_space<vmem>>
    %dma_start3A_284 = tpu.memref_squeeze %dma_start3A_283 : memref<1x128x128xf32, #tpu.memory_space<vmem>> -> memref<128x128xf32, #tpu.memory_space<vmem>>
    %dma_start3A_285 = arith.constant 0 : i32
    %dma_start3A_286 = tpu.memref_slice %arg6[%dma_start3A_278, %dma_start3A_285] : memref<2x128xi32, #tpu.memory_space<vmem>> -> memref<1x128xi32, #tpu.memory_space<vmem>>
    %dma_start3A_287 = tpu.memref_squeeze %dma_start3A_286 : memref<1x128xi32, #tpu.memory_space<vmem>> -> memref<128xi32, #tpu.memory_space<vmem>>
    %dma_start3A_288 = arith.constant 0 : i32
    %dma_start3A_289 = arith.constant 0 : i32
    %dma_start3A_290 = tpu.memref_slice %arg2[%dma_start3A_288, %dma_start3A_289] : memref<10000x128xf32, #tpu.memory_space<hbm>> -> memref<10000x128xf32, #tpu.memory_space<hbm>>
    %dma_start3A_291 = tpu.memref_slice %arg12[%dma_start3A_280] : memref<2x!tpu.dma_semaphore, #tpu.memory_space<semaphore_mem>> -> memref<1x!tpu.dma_semaphore, #tpu.memory_space<semaphore_mem>>
    %dma_start3A_292 = tpu.memref_squeeze %dma_start3A_291 : memref<1x!tpu.dma_semaphore, #tpu.memory_space<semaphore_mem>> -> memref<!tpu.dma_semaphore, #tpu.memory_space<semaphore_mem>>
    tpu.enqueue_indirect_dma source(%dma_start3A_290 : memref<10000x128xf32, #tpu.memory_space<hbm>>) target(%dma_start3A_284 : memref<128x128xf32, #tpu.memory_space<vmem>>) offsets(%dma_start3A_287 : memref<128xi32, #tpu.memory_space<vmem>>) semaphore(%dma_start3A_292 : memref<!tpu.dma_semaphore, #tpu.memory_space<semaphore_mem>>)
    %dma_start3A_293 = arith.constant 5 : i32
    %dma_start3A_294 = arith.constant 0 : i32
    %dma_start3A_295 = arith.constant 0 : i32
    %dma_start3A_296 = tpu.memref_slice %arg3[%add3A, %dma_start3A_293, %dma_start3A_294, %dma_start3A_295] : memref<32x80x2x128xi32, #tpu.memory_space<hbm>> -> memref<1x1x2x128xi32, #tpu.memory_space<hbm>>
    %dma_start3A_297 = tpu.memref_squeeze %dma_start3A_296 : memref<1x1x2x128xi32, #tpu.memory_space<hbm>> -> memref<2x128xi32, #tpu.memory_space<hbm>>
    %dma_start3A_298 = arith.constant 0 : i32
    %dma_start3A_299 = arith.constant 0 : i32
    %dma_start3A_300 = tpu.memref_slice %arg3[%add3A, %dma_start3A_293, %dma_start3A_298, %dma_start3A_299] : memref<32x80x2x128xi32, #tpu.memory_space<hbm>> -> memref<1x1x2x128xi32, #tpu.memory_space<hbm>>
    %dma_start3A_301 = tpu.memref_squeeze %dma_start3A_300 : memref<1x1x2x128xi32, #tpu.memory_space<hbm>> -> memref<2x128xi32, #tpu.memory_space<hbm>>
    tpu.enqueue_dma source(%dma_start3A_301 : memref<2x128xi32, #tpu.memory_space<hbm>>) target(%arg7 : memref<2x128xi32, #tpu.memory_space<vmem>>) target_semaphore(%arg14 : memref<!tpu.dma_semaphore, #tpu.memory_space<semaphore_mem>>)
    %scan3A_302 = arith.constant 0 : i32
    %scan3A_303 = arith.constant 1 : i32
    %scan3A_304 = arith.constant 18 : i32
    %scan3A_305 = arith.addi %scan3A_303, %scan3A_304 : i32
    %scan3A_306 = arith.constant 1 : i32
    scf.for %scan3A_582 = %scan3A_303 to %scan3A_305 step %scan3A_306  : i32 {
      %mul3A_583 = arith.constant 4 : i32
      %mul3A_584 = arith.muli %scan3A_582, %mul3A_583 : i32
      %add3A_585 = arith.constant 0 : i32
      %add3A_586 = arith.addi %mul3A_584, %add3A_585 : i32
      %dma_wait3A_587 = arith.constant 0 : i32
      %dma_wait3A_588 = arith.constant 0 : i32
      %dma_wait3A_589 = arith.constant 0 : i32
      %dma_wait3A_590 = arith.constant 0 : i32
      %dma_wait3A_591 = tpu.memref_slice %arg10[%dma_wait3A_587, %dma_wait3A_589, %dma_wait3A_590] : memref<2x128x128xf32, #tpu.memory_space<vmem>> -> memref<1x128x128xf32, #tpu.memory_space<vmem>>
      %dma_wait3A_592 = tpu.memref_squeeze %dma_wait3A_591 : memref<1x128x128xf32, #tpu.memory_space<vmem>> -> memref<128x128xf32, #tpu.memory_space<vmem>>
      %dma_wait3A_593 = arith.constant 0 : i32
      %dma_wait3A_594 = arith.constant 0 : i32
      %dma_wait3A_595 = tpu.memref_slice %arg2[%dma_wait3A_593, %dma_wait3A_594] : memref<10000x128xf32, #tpu.memory_space<hbm>> -> memref<128x128xf32, #tpu.memory_space<hbm>>
      %dma_wait3A_596 = tpu.memref_slice %arg12[%dma_wait3A_588] : memref<2x!tpu.dma_semaphore, #tpu.memory_space<semaphore_mem>> -> memref<1x!tpu.dma_semaphore, #tpu.memory_space<semaphore_mem>>
      %dma_wait3A_597 = tpu.memref_squeeze %dma_wait3A_596 : memref<1x!tpu.dma_semaphore, #tpu.memory_space<semaphore_mem>> -> memref<!tpu.dma_semaphore, #tpu.memory_space<semaphore_mem>>
      %dma_wait3A_598 = arith.constant 0 : i32
      %dma_wait3A_599 = arith.constant 0 : i32
      %dma_wait3A_600 = tpu.memref_slice %arg10[%dma_wait3A_587, %dma_wait3A_598, %dma_wait3A_599] : memref<2x128x128xf32, #tpu.memory_space<vmem>> -> memref<1x128x128xf32, #tpu.memory_space<vmem>>
      %dma_wait3A_601 = tpu.memref_squeeze %dma_wait3A_600 : memref<1x128x128xf32, #tpu.memory_space<vmem>> -> memref<128x128xf32, #tpu.memory_space<vmem>>
      %dma_wait3A_602 = arith.constant 0 : i32
      %dma_wait3A_603 = arith.constant 0 : i32
      %dma_wait3A_604 = tpu.memref_slice %arg2[%dma_wait3A_602, %dma_wait3A_603] : memref<10000x128xf32, #tpu.memory_space<hbm>> -> memref<128x128xf32, #tpu.memory_space<hbm>>
      tpu.wait_dma2 semaphore(%dma_wait3A_597 : memref<!tpu.dma_semaphore, #tpu.memory_space<semaphore_mem>>) src(%dma_wait3A_604 : memref<128x128xf32, #tpu.memory_space<hbm>>) dst(%dma_wait3A_601 : memref<128x128xf32, #tpu.memory_space<vmem>>)
      %dma_start3A_605 = arith.constant 0 : i32
      %dma_start3A_606 = arith.constant 1 : i32
      %dma_start3A_607 = arith.constant 0 : i32
      %dma_start3A_608 = arith.constant 0 : i32
      %dma_start3A_609 = arith.constant 0 : i32
      %dma_start3A_610 = tpu.memref_slice %arg10[%dma_start3A_605, %dma_start3A_608, %dma_start3A_609] : memref<2x128x128xf32, #tpu.memory_space<vmem>> -> memref<1x128x128xf32, #tpu.memory_space<vmem>>
      %dma_start3A_611 = tpu.memref_squeeze %dma_start3A_610 : memref<1x128x128xf32, #tpu.memory_space<vmem>> -> memref<128x128xf32, #tpu.memory_space<vmem>>
      %dma_start3A_612 = arith.constant 0 : i32
      %dma_start3A_613 = tpu.memref_slice %arg6[%dma_start3A_606, %dma_start3A_612] : memref<2x128xi32, #tpu.memory_space<vmem>> -> memref<1x128xi32, #tpu.memory_space<vmem>>
      %dma_start3A_614 = tpu.memref_squeeze %dma_start3A_613 : memref<1x128xi32, #tpu.memory_space<vmem>> -> memref<128xi32, #tpu.memory_space<vmem>>
      %dma_start3A_615 = arith.constant 0 : i32
      %dma_start3A_616 = arith.constant 0 : i32
      %dma_start3A_617 = tpu.memref_slice %arg11[%dma_start3A_615, %dma_start3A_616] : memref<10240x128xf32, #tpu.memory_space<vmem_shared>> -> memref<10240x128xf32, #tpu.memory_space<vmem_shared>>
      %dma_start3A_618 = tpu.memref_slice %arg13[%dma_start3A_607] : memref<2x!tpu.dma_semaphore, #tpu.memory_space<semaphore_mem>> -> memref<1x!tpu.dma_semaphore, #tpu.memory_space<semaphore_mem>>
      %dma_start3A_619 = tpu.memref_squeeze %dma_start3A_618 : memref<1x!tpu.dma_semaphore, #tpu.memory_space<semaphore_mem>> -> memref<!tpu.dma_semaphore, #tpu.memory_space<semaphore_mem>>
      tpu.enqueue_indirect_dma source(%dma_start3A_611 : memref<128x128xf32, #tpu.memory_space<vmem>>) target(%dma_start3A_617 : memref<10240x128xf32, #tpu.memory_space<vmem_shared>>) offsets(%dma_start3A_614 : memref<128xi32, #tpu.memory_space<vmem>>) semaphore(%dma_start3A_619 : memref<!tpu.dma_semaphore, #tpu.memory_space<semaphore_mem>>) {add = true}
      %dma_wait3A_620 = arith.constant 0 : i32
      %dma_wait3A_621 = arith.constant 0 : i32
      %dma_wait3A_622 = arith.constant 0 : i32
      %dma_wait3A_623 = tpu.memref_slice %arg3[%add3A, %dma_wait3A_620, %dma_wait3A_621, %dma_wait3A_622] : memref<32x80x2x128xi32, #tpu.memory_space<hbm>> -> memref<1x1x2x128xi32, #tpu.memory_space<hbm>>
      %dma_wait3A_624 = tpu.memref_squeeze %dma_wait3A_623 : memref<1x1x2x128xi32, #tpu.memory_space<hbm>> -> memref<2x128xi32, #tpu.memory_space<hbm>>
      %dma_wait3A_625 = arith.constant 0 : i32
      %dma_wait3A_626 = arith.constant 0 : i32
      %dma_wait3A_627 = tpu.memref_slice %arg3[%add3A, %dma_wait3A_620, %dma_wait3A_625, %dma_wait3A_626] : memref<32x80x2x128xi32, #tpu.memory_space<hbm>> -> memref<1x1x2x128xi32, #tpu.memory_space<hbm>>
      %dma_wait3A_628 = tpu.memref_squeeze %dma_wait3A_627 : memref<1x1x2x128xi32, #tpu.memory_space<hbm>> -> memref<2x128xi32, #tpu.memory_space<hbm>>
      tpu.wait_dma2 semaphore(%arg14 : memref<!tpu.dma_semaphore, #tpu.memory_space<semaphore_mem>>) src(%dma_wait3A_628 : memref<2x128xi32, #tpu.memory_space<hbm>>) dst(%arg6 : memref<2x128xi32, #tpu.memory_space<vmem>>)
      %dma_wait3A_629 = arith.constant 1 : i32
      %dma_wait3A_630 = tpu.memref_slice %arg13[%dma_wait3A_629] : memref<2x!tpu.dma_semaphore, #tpu.memory_space<semaphore_mem>> -> memref<1x!tpu.dma_semaphore, #tpu.memory_space<semaphore_mem>>
      %dma_wait3A_631 = tpu.memref_squeeze %dma_wait3A_630 : memref<1x!tpu.dma_semaphore, #tpu.memory_space<semaphore_mem>> -> memref<!tpu.dma_semaphore, #tpu.memory_space<semaphore_mem>>
      %dma_wait3A_632 = arith.constant 0 : i32
      %dma_wait3A_633 = arith.constant 0 : i32
      %dma_wait3A_634 = tpu.memref_slice %arg11[%dma_wait3A_632, %dma_wait3A_633] : memref<10240x128xf32, #tpu.memory_space<vmem_shared>> -> memref<128x128xf32, #tpu.memory_space<vmem_shared>>
      %dma_wait3A_635 = arith.constant 0 : i32
      %dma_wait3A_636 = arith.constant 0 : i32
      %dma_wait3A_637 = tpu.memref_slice %arg2[%dma_wait3A_635, %dma_wait3A_636] : memref<10000x128xf32, #tpu.memory_space<hbm>> -> memref<128x128xf32, #tpu.memory_space<hbm>>
      tpu.wait_dma2 semaphore(%dma_wait3A_631 : memref<!tpu.dma_semaphore, #tpu.memory_space<semaphore_mem>>) src(%dma_wait3A_637 : memref<128x128xf32, #tpu.memory_space<hbm>>) dst(%dma_wait3A_634 : memref<128x128xf32, #tpu.memory_space<vmem_shared>>)
      %dma_start3A_638 = arith.constant 0 : i32
      %dma_start3A_639 = arith.constant 1 : i32
      %dma_start3A_640 = arith.constant 1 : i32
      %dma_start3A_641 = arith.constant 0 : i32
      %dma_start3A_642 = arith.constant 0 : i32
      %dma_start3A_643 = tpu.memref_slice %arg10[%dma_start3A_639, %dma_start3A_641, %dma_start3A_642] : memref<2x128x128xf32, #tpu.memory_space<vmem>> -> memref<1x128x128xf32, #tpu.memory_space<vmem>>
      %dma_start3A_644 = tpu.memref_squeeze %dma_start3A_643 : memref<1x128x128xf32, #tpu.memory_space<vmem>> -> memref<128x128xf32, #tpu.memory_space<vmem>>
      %dma_start3A_645 = arith.constant 0 : i32
      %dma_start3A_646 = tpu.memref_slice %arg7[%dma_start3A_638, %dma_start3A_645] : memref<2x128xi32, #tpu.memory_space<vmem>> -> memref<1x128xi32, #tpu.memory_space<vmem>>
      %dma_start3A_647 = tpu.memref_squeeze %dma_start3A_646 : memref<1x128xi32, #tpu.memory_space<vmem>> -> memref<128xi32, #tpu.memory_space<vmem>>
      %dma_start3A_648 = arith.constant 0 : i32
      %dma_start3A_649 = arith.constant 0 : i32
      %dma_start3A_650 = tpu.memref_slice %arg2[%dma_start3A_648, %dma_start3A_649] : memref<10000x128xf32, #tpu.memory_space<hbm>> -> memref<10000x128xf32, #tpu.memory_space<hbm>>
      %dma_start3A_651 = tpu.memref_slice %arg12[%dma_start3A_640] : memref<2x!tpu.dma_semaphore, #tpu.memory_space<semaphore_mem>> -> memref<1x!tpu.dma_semaphore, #tpu.memory_space<semaphore_mem>>
      %dma_start3A_652 = tpu.memref_squeeze %dma_start3A_651 : memref<1x!tpu.dma_semaphore, #tpu.memory_space<semaphore_mem>> -> memref<!tpu.dma_semaphore, #tpu.memory_space<semaphore_mem>>
      tpu.enqueue_indirect_dma source(%dma_start3A_650 : memref<10000x128xf32, #tpu.memory_space<hbm>>) target(%dma_start3A_644 : memref<128x128xf32, #tpu.memory_space<vmem>>) offsets(%dma_start3A_647 : memref<128xi32, #tpu.memory_space<vmem>>) semaphore(%dma_start3A_652 : memref<!tpu.dma_semaphore, #tpu.memory_space<semaphore_mem>>)
      %add3A_653 = arith.constant 2 : i32
      %add3A_654 = arith.addi %add3A_586, %add3A_653 : i32
      %dma_start3A_655 = arith.constant 0 : i32
      %dma_start3A_656 = arith.constant 0 : i32
      %dma_start3A_657 = tpu.memref_slice %arg3[%add3A, %add3A_654, %dma_start3A_655, %dma_start3A_656] : memref<32x80x2x128xi32, #tpu.memory_space<hbm>> -> memref<1x1x2x128xi32, #tpu.memory_space<hbm>>
      %dma_start3A_658 = tpu.memref_squeeze %dma_start3A_657 : memref<1x1x2x128xi32, #tpu.memory_space<hbm>> -> memref<2x128xi32, #tpu.memory_space<hbm>>
      %dma_start3A_659 = arith.constant 0 : i32
      %dma_start3A_660 = arith.constant 0 : i32
      %dma_start3A_661 = tpu.memref_slice %arg3[%add3A, %add3A_654, %dma_start3A_659, %dma_start3A_660] : memref<32x80x2x128xi32, #tpu.memory_space<hbm>> -> memref<1x1x2x128xi32, #tpu.memory_space<hbm>>
      %dma_start3A_662 = tpu.memref_squeeze %dma_start3A_661 : memref<1x1x2x128xi32, #tpu.memory_space<hbm>> -> memref<2x128xi32, #tpu.memory_space<hbm>>
      tpu.enqueue_dma source(%dma_start3A_662 : memref<2x128xi32, #tpu.memory_space<hbm>>) target(%arg8 : memref<2x128xi32, #tpu.memory_space<vmem>>) target_semaphore(%arg14 : memref<!tpu.dma_semaphore, #tpu.memory_space<semaphore_mem>>)
      %mul3A_663 = arith.constant 4 : i32
      %mul3A_664 = arith.muli %scan3A_582, %mul3A_663 : i32
      %add3A_665 = arith.constant 1 : i32
      %add3A_666 = arith.addi %mul3A_664, %add3A_665 : i32
      %dma_wait3A_667 = arith.constant 1 : i32
      %dma_wait3A_668 = arith.constant 1 : i32
      %dma_wait3A_669 = arith.constant 0 : i32
      %dma_wait3A_670 = arith.constant 0 : i32
      %dma_wait3A_671 = tpu.memref_slice %arg10[%dma_wait3A_667, %dma_wait3A_669, %dma_wait3A_670] : memref<2x128x128xf32, #tpu.memory_space<vmem>> -> memref<1x128x128xf32, #tpu.memory_space<vmem>>
      %dma_wait3A_672 = tpu.memref_squeeze %dma_wait3A_671 : memref<1x128x128xf32, #tpu.memory_space<vmem>> -> memref<128x128xf32, #tpu.memory_space<vmem>>
      %dma_wait3A_673 = arith.constant 0 : i32
      %dma_wait3A_674 = arith.constant 0 : i32
      %dma_wait3A_675 = tpu.memref_slice %arg2[%dma_wait3A_673, %dma_wait3A_674] : memref<10000x128xf32, #tpu.memory_space<hbm>> -> memref<128x128xf32, #tpu.memory_space<hbm>>
      %dma_wait3A_676 = tpu.memref_slice %arg12[%dma_wait3A_668] : memref<2x!tpu.dma_semaphore, #tpu.memory_space<semaphore_mem>> -> memref<1x!tpu.dma_semaphore, #tpu.memory_space<semaphore_mem>>
      %dma_wait3A_677 = tpu.memref_squeeze %dma_wait3A_676 : memref<1x!tpu.dma_semaphore, #tpu.memory_space<semaphore_mem>> -> memref<!tpu.dma_semaphore, #tpu.memory_space<semaphore_mem>>
      %dma_wait3A_678 = arith.constant 0 : i32
      %dma_wait3A_679 = arith.constant 0 : i32
      %dma_wait3A_680 = tpu.memref_slice %arg10[%dma_wait3A_667, %dma_wait3A_678, %dma_wait3A_679] : memref<2x128x128xf32, #tpu.memory_space<vmem>> -> memref<1x128x128xf32, #tpu.memory_space<vmem>>
      %dma_wait3A_681 = tpu.memref_squeeze %dma_wait3A_680 : memref<1x128x128xf32, #tpu.memory_space<vmem>> -> memref<128x128xf32, #tpu.memory_space<vmem>>
      %dma_wait3A_682 = arith.constant 0 : i32
      %dma_wait3A_683 = arith.constant 0 : i32
      %dma_wait3A_684 = tpu.memref_slice %arg2[%dma_wait3A_682, %dma_wait3A_683] : memref<10000x128xf32, #tpu.memory_space<hbm>> -> memref<128x128xf32, #tpu.memory_space<hbm>>
      tpu.wait_dma2 semaphore(%dma_wait3A_677 : memref<!tpu.dma_semaphore, #tpu.memory_space<semaphore_mem>>) src(%dma_wait3A_684 : memref<128x128xf32, #tpu.memory_space<hbm>>) dst(%dma_wait3A_681 : memref<128x128xf32, #tpu.memory_space<vmem>>)
      %dma_start3A_685 = arith.constant 1 : i32
      %dma_start3A_686 = arith.constant 1 : i32
      %dma_start3A_687 = arith.constant 1 : i32
      %dma_start3A_688 = arith.constant 0 : i32
      %dma_start3A_689 = arith.constant 0 : i32
      %dma_start3A_690 = tpu.memref_slice %arg10[%dma_start3A_685, %dma_start3A_688, %dma_start3A_689] : memref<2x128x128xf32, #tpu.memory_space<vmem>> -> memref<1x128x128xf32, #tpu.memory_space<vmem>>
      %dma_start3A_691 = tpu.memref_squeeze %dma_start3A_690 : memref<1x128x128xf32, #tpu.memory_space<vmem>> -> memref<128x128xf32, #tpu.memory_space<vmem>>
      %dma_start3A_692 = arith.constant 0 : i32
      %dma_start3A_693 = tpu.memref_slice %arg7[%dma_start3A_686, %dma_start3A_692] : memref<2x128xi32, #tpu.memory_space<vmem>> -> memref<1x128xi32, #tpu.memory_space<vmem>>
      %dma_start3A_694 = tpu.memref_squeeze %dma_start3A_693 : memref<1x128xi32, #tpu.memory_space<vmem>> -> memref<128xi32, #tpu.memory_space<vmem>>
      %dma_start3A_695 = arith.constant 0 : i32
      %dma_start3A_696 = arith.constant 0 : i32
      %dma_start3A_697 = tpu.memref_slice %arg11[%dma_start3A_695, %dma_start3A_696] : memref<10240x128xf32, #tpu.memory_space<vmem_shared>> -> memref<10240x128xf32, #tpu.memory_space<vmem_shared>>
      %dma_start3A_698 = tpu.memref_slice %arg13[%dma_start3A_687] : memref<2x!tpu.dma_semaphore, #tpu.memory_space<semaphore_mem>> -> memref<1x!tpu.dma_semaphore, #tpu.memory_space<semaphore_mem>>
      %dma_start3A_699 = tpu.memref_squeeze %dma_start3A_698 : memref<1x!tpu.dma_semaphore, #tpu.memory_space<semaphore_mem>> -> memref<!tpu.dma_semaphore, #tpu.memory_space<semaphore_mem>>
      tpu.enqueue_indirect_dma source(%dma_start3A_691 : memref<128x128xf32, #tpu.memory_space<vmem>>) target(%dma_start3A_697 : memref<10240x128xf32, #tpu.memory_space<vmem_shared>>) offsets(%dma_start3A_694 : memref<128xi32, #tpu.memory_space<vmem>>) semaphore(%dma_start3A_699 : memref<!tpu.dma_semaphore, #tpu.memory_space<semaphore_mem>>) {add = true}
      %dma_wait3A_700 = arith.constant 0 : i32
      %dma_wait3A_701 = arith.constant 0 : i32
      %dma_wait3A_702 = arith.constant 0 : i32
      %dma_wait3A_703 = tpu.memref_slice %arg3[%add3A, %dma_wait3A_700, %dma_wait3A_701, %dma_wait3A_702] : memref<32x80x2x128xi32, #tpu.memory_space<hbm>> -> memref<1x1x2x128xi32, #tpu.memory_space<hbm>>
      %dma_wait3A_704 = tpu.memref_squeeze %dma_wait3A_703 : memref<1x1x2x128xi32, #tpu.memory_space<hbm>> -> memref<2x128xi32, #tpu.memory_space<hbm>>
      %dma_wait3A_705 = arith.constant 0 : i32
      %dma_wait3A_706 = arith.constant 0 : i32
      %dma_wait3A_707 = tpu.memref_slice %arg3[%add3A, %dma_wait3A_700, %dma_wait3A_705, %dma_wait3A_706] : memref<32x80x2x128xi32, #tpu.memory_space<hbm>> -> memref<1x1x2x128xi32, #tpu.memory_space<hbm>>
      %dma_wait3A_708 = tpu.memref_squeeze %dma_wait3A_707 : memref<1x1x2x128xi32, #tpu.memory_space<hbm>> -> memref<2x128xi32, #tpu.memory_space<hbm>>
      tpu.wait_dma2 semaphore(%arg14 : memref<!tpu.dma_semaphore, #tpu.memory_space<semaphore_mem>>) src(%dma_wait3A_708 : memref<2x128xi32, #tpu.memory_space<hbm>>) dst(%arg6 : memref<2x128xi32, #tpu.memory_space<vmem>>)
      %dma_wait3A_709 = arith.constant 0 : i32
      %dma_wait3A_710 = tpu.memref_slice %arg13[%dma_wait3A_709] : memref<2x!tpu.dma_semaphore, #tpu.memory_space<semaphore_mem>> -> memref<1x!tpu.dma_semaphore, #tpu.memory_space<semaphore_mem>>
      %dma_wait3A_711 = tpu.memref_squeeze %dma_wait3A_710 : memref<1x!tpu.dma_semaphore, #tpu.memory_space<semaphore_mem>> -> memref<!tpu.dma_semaphore, #tpu.memory_space<semaphore_mem>>
      %dma_wait3A_712 = arith.constant 0 : i32
      %dma_wait3A_713 = arith.constant 0 : i32
      %dma_wait3A_714 = tpu.memref_slice %arg11[%dma_wait3A_712, %dma_wait3A_713] : memref<10240x128xf32, #tpu.memory_space<vmem_shared>> -> memref<128x128xf32, #tpu.memory_space<vmem_shared>>
      %dma_wait3A_715 = arith.constant 0 : i32
      %dma_wait3A_716 = arith.constant 0 : i32
      %dma_wait3A_717 = tpu.memref_slice %arg2[%dma_wait3A_715, %dma_wait3A_716] : memref<10000x128xf32, #tpu.memory_space<hbm>> -> memref<128x128xf32, #tpu.memory_space<hbm>>
      tpu.wait_dma2 semaphore(%dma_wait3A_711 : memref<!tpu.dma_semaphore, #tpu.memory_space<semaphore_mem>>) src(%dma_wait3A_717 : memref<128x128xf32, #tpu.memory_space<hbm>>) dst(%dma_wait3A_714 : memref<128x128xf32, #tpu.memory_space<vmem_shared>>)
      %dma_start3A_718 = arith.constant 0 : i32
      %dma_start3A_719 = arith.constant 0 : i32
      %dma_start3A_720 = arith.constant 0 : i32
      %dma_start3A_721 = arith.constant 0 : i32
      %dma_start3A_722 = arith.constant 0 : i32
      %dma_start3A_723 = tpu.memref_slice %arg10[%dma_start3A_719, %dma_start3A_721, %dma_start3A_722] : memref<2x128x128xf32, #tpu.memory_space<vmem>> -> memref<1x128x128xf32, #tpu.memory_space<vmem>>
      %dma_start3A_724 = tpu.memref_squeeze %dma_start3A_723 : memref<1x128x128xf32, #tpu.memory_space<vmem>> -> memref<128x128xf32, #tpu.memory_space<vmem>>
      %dma_start3A_725 = arith.constant 0 : i32
      %dma_start3A_726 = tpu.memref_slice %arg8[%dma_start3A_718, %dma_start3A_725] : memref<2x128xi32, #tpu.memory_space<vmem>> -> memref<1x128xi32, #tpu.memory_space<vmem>>
      %dma_start3A_727 = tpu.memref_squeeze %dma_start3A_726 : memref<1x128xi32, #tpu.memory_space<vmem>> -> memref<128xi32, #tpu.memory_space<vmem>>
      %dma_start3A_728 = arith.constant 0 : i32
      %dma_start3A_729 = arith.constant 0 : i32
      %dma_start3A_730 = tpu.memref_slice %arg2[%dma_start3A_728, %dma_start3A_729] : memref<10000x128xf32, #tpu.memory_space<hbm>> -> memref<10000x128xf32, #tpu.memory_space<hbm>>
      %dma_start3A_731 = tpu.memref_slice %arg12[%dma_start3A_720] : memref<2x!tpu.dma_semaphore, #tpu.memory_space<semaphore_mem>> -> memref<1x!tpu.dma_semaphore, #tpu.memory_space<semaphore_mem>>
      %dma_start3A_732 = tpu.memref_squeeze %dma_start3A_731 : memref<1x!tpu.dma_semaphore, #tpu.memory_space<semaphore_mem>> -> memref<!tpu.dma_semaphore, #tpu.memory_space<semaphore_mem>>
      tpu.enqueue_indirect_dma source(%dma_start3A_730 : memref<10000x128xf32, #tpu.memory_space<hbm>>) target(%dma_start3A_724 : memref<128x128xf32, #tpu.memory_space<vmem>>) offsets(%dma_start3A_727 : memref<128xi32, #tpu.memory_space<vmem>>) semaphore(%dma_start3A_732 : memref<!tpu.dma_semaphore, #tpu.memory_space<semaphore_mem>>)
      %add3A_733 = arith.constant 2 : i32
      %add3A_734 = arith.addi %add3A_666, %add3A_733 : i32
      %dma_start3A_735 = arith.constant 0 : i32
      %dma_start3A_736 = arith.constant 0 : i32
      %dma_start3A_737 = tpu.memref_slice %arg3[%add3A, %add3A_734, %dma_start3A_735, %dma_start3A_736] : memref<32x80x2x128xi32, #tpu.memory_space<hbm>> -> memref<1x1x2x128xi32, #tpu.memory_space<hbm>>
      %dma_start3A_738 = tpu.memref_squeeze %dma_start3A_737 : memref<1x1x2x128xi32, #tpu.memory_space<hbm>> -> memref<2x128xi32, #tpu.memory_space<hbm>>
      %dma_start3A_739 = arith.constant 0 : i32
      %dma_start3A_740 = arith.constant 0 : i32
      %dma_start3A_741 = tpu.memref_slice %arg3[%add3A, %add3A_734, %dma_start3A_739, %dma_start3A_740] : memref<32x80x2x128xi32, #tpu.memory_space<hbm>> -> memref<1x1x2x128xi32, #tpu.memory_space<hbm>>
      %dma_start3A_742 = tpu.memref_squeeze %dma_start3A_741 : memref<1x1x2x128xi32, #tpu.memory_space<hbm>> -> memref<2x128xi32, #tpu.memory_space<hbm>>
      tpu.enqueue_dma source(%dma_start3A_742 : memref<2x128xi32, #tpu.memory_space<hbm>>) target(%arg9 : memref<2x128xi32, #tpu.memory_space<vmem>>) target_semaphore(%arg14 : memref<!tpu.dma_semaphore, #tpu.memory_space<semaphore_mem>>)
      %mul3A_743 = arith.constant 4 : i32
      %mul3A_744 = arith.muli %scan3A_582, %mul3A_743 : i32
      %add3A_745 = arith.constant 2 : i32
      %add3A_746 = arith.addi %mul3A_744, %add3A_745 : i32
      %dma_wait3A_747 = arith.constant 0 : i32
      %dma_wait3A_748 = arith.constant 0 : i32
      %dma_wait3A_749 = arith.constant 0 : i32
      %dma_wait3A_750 = arith.constant 0 : i32
      %dma_wait3A_751 = tpu.memref_slice %arg10[%dma_wait3A_747, %dma_wait3A_749, %dma_wait3A_750] : memref<2x128x128xf32, #tpu.memory_space<vmem>> -> memref<1x128x128xf32, #tpu.memory_space<vmem>>
      %dma_wait3A_752 = tpu.memref_squeeze %dma_wait3A_751 : memref<1x128x128xf32, #tpu.memory_space<vmem>> -> memref<128x128xf32, #tpu.memory_space<vmem>>
      %dma_wait3A_753 = arith.constant 0 : i32
      %dma_wait3A_754 = arith.constant 0 : i32
      %dma_wait3A_755 = tpu.memref_slice %arg2[%dma_wait3A_753, %dma_wait3A_754] : memref<10000x128xf32, #tpu.memory_space<hbm>> -> memref<128x128xf32, #tpu.memory_space<hbm>>
      %dma_wait3A_756 = tpu.memref_slice %arg12[%dma_wait3A_748] : memref<2x!tpu.dma_semaphore, #tpu.memory_space<semaphore_mem>> -> memref<1x!tpu.dma_semaphore, #tpu.memory_space<semaphore_mem>>
      %dma_wait3A_757 = tpu.memref_squeeze %dma_wait3A_756 : memref<1x!tpu.dma_semaphore, #tpu.memory_space<semaphore_mem>> -> memref<!tpu.dma_semaphore, #tpu.memory_space<semaphore_mem>>
      %dma_wait3A_758 = arith.constant 0 : i32
      %dma_wait3A_759 = arith.constant 0 : i32
      %dma_wait3A_760 = tpu.memref_slice %arg10[%dma_wait3A_747, %dma_wait3A_758, %dma_wait3A_759] : memref<2x128x128xf32, #tpu.memory_space<vmem>> -> memref<1x128x128xf32, #tpu.memory_space<vmem>>
      %dma_wait3A_761 = tpu.memref_squeeze %dma_wait3A_760 : memref<1x128x128xf32, #tpu.memory_space<vmem>> -> memref<128x128xf32, #tpu.memory_space<vmem>>
      %dma_wait3A_762 = arith.constant 0 : i32
      %dma_wait3A_763 = arith.constant 0 : i32
      %dma_wait3A_764 = tpu.memref_slice %arg2[%dma_wait3A_762, %dma_wait3A_763] : memref<10000x128xf32, #tpu.memory_space<hbm>> -> memref<128x128xf32, #tpu.memory_space<hbm>>
      tpu.wait_dma2 semaphore(%dma_wait3A_757 : memref<!tpu.dma_semaphore, #tpu.memory_space<semaphore_mem>>) src(%dma_wait3A_764 : memref<128x128xf32, #tpu.memory_space<hbm>>) dst(%dma_wait3A_761 : memref<128x128xf32, #tpu.memory_space<vmem>>)
      %dma_start3A_765 = arith.constant 0 : i32
      %dma_start3A_766 = arith.constant 1 : i32
      %dma_start3A_767 = arith.constant 0 : i32
      %dma_start3A_768 = arith.constant 0 : i32
      %dma_start3A_769 = arith.constant 0 : i32
      %dma_start3A_770 = tpu.memref_slice %arg10[%dma_start3A_765, %dma_start3A_768, %dma_start3A_769] : memref<2x128x128xf32, #tpu.memory_space<vmem>> -> memref<1x128x128xf32, #tpu.memory_space<vmem>>
      %dma_start3A_771 = tpu.memref_squeeze %dma_start3A_770 : memref<1x128x128xf32, #tpu.memory_space<vmem>> -> memref<128x128xf32, #tpu.memory_space<vmem>>
      %dma_start3A_772 = arith.constant 0 : i32
      %dma_start3A_773 = tpu.memref_slice %arg8[%dma_start3A_766, %dma_start3A_772] : memref<2x128xi32, #tpu.memory_space<vmem>> -> memref<1x128xi32, #tpu.memory_space<vmem>>
      %dma_start3A_774 = tpu.memref_squeeze %dma_start3A_773 : memref<1x128xi32, #tpu.memory_space<vmem>> -> memref<128xi32, #tpu.memory_space<vmem>>
      %dma_start3A_775 = arith.constant 0 : i32
      %dma_start3A_776 = arith.constant 0 : i32
      %dma_start3A_777 = tpu.memref_slice %arg11[%dma_start3A_775, %dma_start3A_776] : memref<10240x128xf32, #tpu.memory_space<vmem_shared>> -> memref<10240x128xf32, #tpu.memory_space<vmem_shared>>
      %dma_start3A_778 = tpu.memref_slice %arg13[%dma_start3A_767] : memref<2x!tpu.dma_semaphore, #tpu.memory_space<semaphore_mem>> -> memref<1x!tpu.dma_semaphore, #tpu.memory_space<semaphore_mem>>
      %dma_start3A_779 = tpu.memref_squeeze %dma_start3A_778 : memref<1x!tpu.dma_semaphore, #tpu.memory_space<semaphore_mem>> -> memref<!tpu.dma_semaphore, #tpu.memory_space<semaphore_mem>>
      tpu.enqueue_indirect_dma source(%dma_start3A_771 : memref<128x128xf32, #tpu.memory_space<vmem>>) target(%dma_start3A_777 : memref<10240x128xf32, #tpu.memory_space<vmem_shared>>) offsets(%dma_start3A_774 : memref<128xi32, #tpu.memory_space<vmem>>) semaphore(%dma_start3A_779 : memref<!tpu.dma_semaphore, #tpu.memory_space<semaphore_mem>>) {add = true}
      %dma_wait3A_780 = arith.constant 0 : i32
      %dma_wait3A_781 = arith.constant 0 : i32
      %dma_wait3A_782 = arith.constant 0 : i32
      %dma_wait3A_783 = tpu.memref_slice %arg3[%add3A, %dma_wait3A_780, %dma_wait3A_781, %dma_wait3A_782] : memref<32x80x2x128xi32, #tpu.memory_space<hbm>> -> memref<1x1x2x128xi32, #tpu.memory_space<hbm>>
      %dma_wait3A_784 = tpu.memref_squeeze %dma_wait3A_783 : memref<1x1x2x128xi32, #tpu.memory_space<hbm>> -> memref<2x128xi32, #tpu.memory_space<hbm>>
      %dma_wait3A_785 = arith.constant 0 : i32
      %dma_wait3A_786 = arith.constant 0 : i32
      %dma_wait3A_787 = tpu.memref_slice %arg3[%add3A, %dma_wait3A_780, %dma_wait3A_785, %dma_wait3A_786] : memref<32x80x2x128xi32, #tpu.memory_space<hbm>> -> memref<1x1x2x128xi32, #tpu.memory_space<hbm>>
      %dma_wait3A_788 = tpu.memref_squeeze %dma_wait3A_787 : memref<1x1x2x128xi32, #tpu.memory_space<hbm>> -> memref<2x128xi32, #tpu.memory_space<hbm>>
      tpu.wait_dma2 semaphore(%arg14 : memref<!tpu.dma_semaphore, #tpu.memory_space<semaphore_mem>>) src(%dma_wait3A_788 : memref<2x128xi32, #tpu.memory_space<hbm>>) dst(%arg6 : memref<2x128xi32, #tpu.memory_space<vmem>>)
      %dma_wait3A_789 = arith.constant 1 : i32
      %dma_wait3A_790 = tpu.memref_slice %arg13[%dma_wait3A_789] : memref<2x!tpu.dma_semaphore, #tpu.memory_space<semaphore_mem>> -> memref<1x!tpu.dma_semaphore, #tpu.memory_space<semaphore_mem>>
      %dma_wait3A_791 = tpu.memref_squeeze %dma_wait3A_790 : memref<1x!tpu.dma_semaphore, #tpu.memory_space<semaphore_mem>> -> memref<!tpu.dma_semaphore, #tpu.memory_space<semaphore_mem>>
      %dma_wait3A_792 = arith.constant 0 : i32
      %dma_wait3A_793 = arith.constant 0 : i32
      %dma_wait3A_794 = tpu.memref_slice %arg11[%dma_wait3A_792, %dma_wait3A_793] : memref<10240x128xf32, #tpu.memory_space<vmem_shared>> -> memref<128x128xf32, #tpu.memory_space<vmem_shared>>
      %dma_wait3A_795 = arith.constant 0 : i32
      %dma_wait3A_796 = arith.constant 0 : i32
      %dma_wait3A_797 = tpu.memref_slice %arg2[%dma_wait3A_795, %dma_wait3A_796] : memref<10000x128xf32, #tpu.memory_space<hbm>> -> memref<128x128xf32, #tpu.memory_space<hbm>>
      tpu.wait_dma2 semaphore(%dma_wait3A_791 : memref<!tpu.dma_semaphore, #tpu.memory_space<semaphore_mem>>) src(%dma_wait3A_797 : memref<128x128xf32, #tpu.memory_space<hbm>>) dst(%dma_wait3A_794 : memref<128x128xf32, #tpu.memory_space<vmem_shared>>)
      %dma_start3A_798 = arith.constant 0 : i32
      %dma_start3A_799 = arith.constant 1 : i32
      %dma_start3A_800 = arith.constant 1 : i32
      %dma_start3A_801 = arith.constant 0 : i32
      %dma_start3A_802 = arith.constant 0 : i32
      %dma_start3A_803 = tpu.memref_slice %arg10[%dma_start3A_799, %dma_start3A_801, %dma_start3A_802] : memref<2x128x128xf32, #tpu.memory_space<vmem>> -> memref<1x128x128xf32, #tpu.memory_space<vmem>>
      %dma_start3A_804 = tpu.memref_squeeze %dma_start3A_803 : memref<1x128x128xf32, #tpu.memory_space<vmem>> -> memref<128x128xf32, #tpu.memory_space<vmem>>
      %dma_start3A_805 = arith.constant 0 : i32
      %dma_start3A_806 = tpu.memref_slice %arg9[%dma_start3A_798, %dma_start3A_805] : memref<2x128xi32, #tpu.memory_space<vmem>> -> memref<1x128xi32, #tpu.memory_space<vmem>>
      %dma_start3A_807 = tpu.memref_squeeze %dma_start3A_806 : memref<1x128xi32, #tpu.memory_space<vmem>> -> memref<128xi32, #tpu.memory_space<vmem>>
      %dma_start3A_808 = arith.constant 0 : i32
      %dma_start3A_809 = arith.constant 0 : i32
      %dma_start3A_810 = tpu.memref_slice %arg2[%dma_start3A_808, %dma_start3A_809] : memref<10000x128xf32, #tpu.memory_space<hbm>> -> memref<10000x128xf32, #tpu.memory_space<hbm>>
      %dma_start3A_811 = tpu.memref_slice %arg12[%dma_start3A_800] : memref<2x!tpu.dma_semaphore, #tpu.memory_space<semaphore_mem>> -> memref<1x!tpu.dma_semaphore, #tpu.memory_space<semaphore_mem>>
      %dma_start3A_812 = tpu.memref_squeeze %dma_start3A_811 : memref<1x!tpu.dma_semaphore, #tpu.memory_space<semaphore_mem>> -> memref<!tpu.dma_semaphore, #tpu.memory_space<semaphore_mem>>
      tpu.enqueue_indirect_dma source(%dma_start3A_810 : memref<10000x128xf32, #tpu.memory_space<hbm>>) target(%dma_start3A_804 : memref<128x128xf32, #tpu.memory_space<vmem>>) offsets(%dma_start3A_807 : memref<128xi32, #tpu.memory_space<vmem>>) semaphore(%dma_start3A_812 : memref<!tpu.dma_semaphore, #tpu.memory_space<semaphore_mem>>)
      %add3A_813 = arith.constant 2 : i32
      %add3A_814 = arith.addi %add3A_746, %add3A_813 : i32
      %dma_start3A_815 = arith.constant 0 : i32
      %dma_start3A_816 = arith.constant 0 : i32
      %dma_start3A_817 = tpu.memref_slice %arg3[%add3A, %add3A_814, %dma_start3A_815, %dma_start3A_816] : memref<32x80x2x128xi32, #tpu.memory_space<hbm>> -> memref<1x1x2x128xi32, #tpu.memory_space<hbm>>
      %dma_start3A_818 = tpu.memref_squeeze %dma_start3A_817 : memref<1x1x2x128xi32, #tpu.memory_space<hbm>> -> memref<2x128xi32, #tpu.memory_space<hbm>>
      %dma_start3A_819 = arith.constant 0 : i32
      %dma_start3A_820 = arith.constant 0 : i32
      %dma_start3A_821 = tpu.memref_slice %arg3[%add3A, %add3A_814, %dma_start3A_819, %dma_start3A_820] : memref<32x80x2x128xi32, #tpu.memory_space<hbm>> -> memref<1x1x2x128xi32, #tpu.memory_space<hbm>>
      %dma_start3A_822 = tpu.memref_squeeze %dma_start3A_821 : memref<1x1x2x128xi32, #tpu.memory_space<hbm>> -> memref<2x128xi32, #tpu.memory_space<hbm>>
      tpu.enqueue_dma source(%dma_start3A_822 : memref<2x128xi32, #tpu.memory_space<hbm>>) target(%arg6 : memref<2x128xi32, #tpu.memory_space<vmem>>) target_semaphore(%arg14 : memref<!tpu.dma_semaphore, #tpu.memory_space<semaphore_mem>>)
      %mul3A_823 = arith.constant 4 : i32
      %mul3A_824 = arith.muli %scan3A_582, %mul3A_823 : i32
      %add3A_825 = arith.constant 3 : i32
      %add3A_826 = arith.addi %mul3A_824, %add3A_825 : i32
      %dma_wait3A_827 = arith.constant 1 : i32
      %dma_wait3A_828 = arith.constant 1 : i32
      %dma_wait3A_829 = arith.constant 0 : i32
      %dma_wait3A_830 = arith.constant 0 : i32
      %dma_wait3A_831 = tpu.memref_slice %arg10[%dma_wait3A_827, %dma_wait3A_829, %dma_wait3A_830] : memref<2x128x128xf32, #tpu.memory_space<vmem>> -> memref<1x128x128xf32, #tpu.memory_space<vmem>>
      %dma_wait3A_832 = tpu.memref_squeeze %dma_wait3A_831 : memref<1x128x128xf32, #tpu.memory_space<vmem>> -> memref<128x128xf32, #tpu.memory_space<vmem>>
      %dma_wait3A_833 = arith.constant 0 : i32
      %dma_wait3A_834 = arith.constant 0 : i32
      %dma_wait3A_835 = tpu.memref_slice %arg2[%dma_wait3A_833, %dma_wait3A_834] : memref<10000x128xf32, #tpu.memory_space<hbm>> -> memref<128x128xf32, #tpu.memory_space<hbm>>
      %dma_wait3A_836 = tpu.memref_slice %arg12[%dma_wait3A_828] : memref<2x!tpu.dma_semaphore, #tpu.memory_space<semaphore_mem>> -> memref<1x!tpu.dma_semaphore, #tpu.memory_space<semaphore_mem>>
      %dma_wait3A_837 = tpu.memref_squeeze %dma_wait3A_836 : memref<1x!tpu.dma_semaphore, #tpu.memory_space<semaphore_mem>> -> memref<!tpu.dma_semaphore, #tpu.memory_space<semaphore_mem>>
      %dma_wait3A_838 = arith.constant 0 : i32
      %dma_wait3A_839 = arith.constant 0 : i32
      %dma_wait3A_840 = tpu.memref_slice %arg10[%dma_wait3A_827, %dma_wait3A_838, %dma_wait3A_839] : memref<2x128x128xf32, #tpu.memory_space<vmem>> -> memref<1x128x128xf32, #tpu.memory_space<vmem>>
      %dma_wait3A_841 = tpu.memref_squeeze %dma_wait3A_840 : memref<1x128x128xf32, #tpu.memory_space<vmem>> -> memref<128x128xf32, #tpu.memory_space<vmem>>
      %dma_wait3A_842 = arith.constant 0 : i32
      %dma_wait3A_843 = arith.constant 0 : i32
      %dma_wait3A_844 = tpu.memref_slice %arg2[%dma_wait3A_842, %dma_wait3A_843] : memref<10000x128xf32, #tpu.memory_space<hbm>> -> memref<128x128xf32, #tpu.memory_space<hbm>>
      tpu.wait_dma2 semaphore(%dma_wait3A_837 : memref<!tpu.dma_semaphore, #tpu.memory_space<semaphore_mem>>) src(%dma_wait3A_844 : memref<128x128xf32, #tpu.memory_space<hbm>>) dst(%dma_wait3A_841 : memref<128x128xf32, #tpu.memory_space<vmem>>)
      %dma_start3A_845 = arith.constant 1 : i32
      %dma_start3A_846 = arith.constant 1 : i32
      %dma_start3A_847 = arith.constant 1 : i32
      %dma_start3A_848 = arith.constant 0 : i32
      %dma_start3A_849 = arith.constant 0 : i32
      %dma_start3A_850 = tpu.memref_slice %arg10[%dma_start3A_845, %dma_start3A_848, %dma_start3A_849] : memref<2x128x128xf32, #tpu.memory_space<vmem>> -> memref<1x128x128xf32, #tpu.memory_space<vmem>>
      %dma_start3A_851 = tpu.memref_squeeze %dma_start3A_850 : memref<1x128x128xf32, #tpu.memory_space<vmem>> -> memref<128x128xf32, #tpu.memory_space<vmem>>
      %dma_start3A_852 = arith.constant 0 : i32
      %dma_start3A_853 = tpu.memref_slice %arg9[%dma_start3A_846, %dma_start3A_852] : memref<2x128xi32, #tpu.memory_space<vmem>> -> memref<1x128xi32, #tpu.memory_space<vmem>>
      %dma_start3A_854 = tpu.memref_squeeze %dma_start3A_853 : memref<1x128xi32, #tpu.memory_space<vmem>> -> memref<128xi32, #tpu.memory_space<vmem>>
      %dma_start3A_855 = arith.constant 0 : i32
      %dma_start3A_856 = arith.constant 0 : i32
      %dma_start3A_857 = tpu.memref_slice %arg11[%dma_start3A_855, %dma_start3A_856] : memref<10240x128xf32, #tpu.memory_space<vmem_shared>> -> memref<10240x128xf32, #tpu.memory_space<vmem_shared>>
      %dma_start3A_858 = tpu.memref_slice %arg13[%dma_start3A_847] : memref<2x!tpu.dma_semaphore, #tpu.memory_space<semaphore_mem>> -> memref<1x!tpu.dma_semaphore, #tpu.memory_space<semaphore_mem>>
      %dma_start3A_859 = tpu.memref_squeeze %dma_start3A_858 : memref<1x!tpu.dma_semaphore, #tpu.memory_space<semaphore_mem>> -> memref<!tpu.dma_semaphore, #tpu.memory_space<semaphore_mem>>
      tpu.enqueue_indirect_dma source(%dma_start3A_851 : memref<128x128xf32, #tpu.memory_space<vmem>>) target(%dma_start3A_857 : memref<10240x128xf32, #tpu.memory_space<vmem_shared>>) offsets(%dma_start3A_854 : memref<128xi32, #tpu.memory_space<vmem>>) semaphore(%dma_start3A_859 : memref<!tpu.dma_semaphore, #tpu.memory_space<semaphore_mem>>) {add = true}
      %dma_wait3A_860 = arith.constant 0 : i32
      %dma_wait3A_861 = arith.constant 0 : i32
      %dma_wait3A_862 = arith.constant 0 : i32
      %dma_wait3A_863 = tpu.memref_slice %arg3[%add3A, %dma_wait3A_860, %dma_wait3A_861, %dma_wait3A_862] : memref<32x80x2x128xi32, #tpu.memory_space<hbm>> -> memref<1x1x2x128xi32, #tpu.memory_space<hbm>>
      %dma_wait3A_864 = tpu.memref_squeeze %dma_wait3A_863 : memref<1x1x2x128xi32, #tpu.memory_space<hbm>> -> memref<2x128xi32, #tpu.memory_space<hbm>>
      %dma_wait3A_865 = arith.constant 0 : i32
      %dma_wait3A_866 = arith.constant 0 : i32
      %dma_wait3A_867 = tpu.memref_slice %arg3[%add3A, %dma_wait3A_860, %dma_wait3A_865, %dma_wait3A_866] : memref<32x80x2x128xi32, #tpu.memory_space<hbm>> -> memref<1x1x2x128xi32, #tpu.memory_space<hbm>>
      %dma_wait3A_868 = tpu.memref_squeeze %dma_wait3A_867 : memref<1x1x2x128xi32, #tpu.memory_space<hbm>> -> memref<2x128xi32, #tpu.memory_space<hbm>>
      tpu.wait_dma2 semaphore(%arg14 : memref<!tpu.dma_semaphore, #tpu.memory_space<semaphore_mem>>) src(%dma_wait3A_868 : memref<2x128xi32, #tpu.memory_space<hbm>>) dst(%arg6 : memref<2x128xi32, #tpu.memory_space<vmem>>)
      %dma_wait3A_869 = arith.constant 0 : i32
      %dma_wait3A_870 = tpu.memref_slice %arg13[%dma_wait3A_869] : memref<2x!tpu.dma_semaphore, #tpu.memory_space<semaphore_mem>> -> memref<1x!tpu.dma_semaphore, #tpu.memory_space<semaphore_mem>>
      %dma_wait3A_871 = tpu.memref_squeeze %dma_wait3A_870 : memref<1x!tpu.dma_semaphore, #tpu.memory_space<semaphore_mem>> -> memref<!tpu.dma_semaphore, #tpu.memory_space<semaphore_mem>>
      %dma_wait3A_872 = arith.constant 0 : i32
      %dma_wait3A_873 = arith.constant 0 : i32
      %dma_wait3A_874 = tpu.memref_slice %arg11[%dma_wait3A_872, %dma_wait3A_873] : memref<10240x128xf32, #tpu.memory_space<vmem_shared>> -> memref<128x128xf32, #tpu.memory_space<vmem_shared>>
      %dma_wait3A_875 = arith.constant 0 : i32
      %dma_wait3A_876 = arith.constant 0 : i32
      %dma_wait3A_877 = tpu.memref_slice %arg2[%dma_wait3A_875, %dma_wait3A_876] : memref<10000x128xf32, #tpu.memory_space<hbm>> -> memref<128x128xf32, #tpu.memory_space<hbm>>
      tpu.wait_dma2 semaphore(%dma_wait3A_871 : memref<!tpu.dma_semaphore, #tpu.memory_space<semaphore_mem>>) src(%dma_wait3A_877 : memref<128x128xf32, #tpu.memory_space<hbm>>) dst(%dma_wait3A_874 : memref<128x128xf32, #tpu.memory_space<vmem_shared>>)
      %dma_start3A_878 = arith.constant 0 : i32
      %dma_start3A_879 = arith.constant 0 : i32
      %dma_start3A_880 = arith.constant 0 : i32
      %dma_start3A_881 = arith.constant 0 : i32
      %dma_start3A_882 = arith.constant 0 : i32
      %dma_start3A_883 = tpu.memref_slice %arg10[%dma_start3A_879, %dma_start3A_881, %dma_start3A_882] : memref<2x128x128xf32, #tpu.memory_space<vmem>> -> memref<1x128x128xf32, #tpu.memory_space<vmem>>
      %dma_start3A_884 = tpu.memref_squeeze %dma_start3A_883 : memref<1x128x128xf32, #tpu.memory_space<vmem>> -> memref<128x128xf32, #tpu.memory_space<vmem>>
      %dma_start3A_885 = arith.constant 0 : i32
      %dma_start3A_886 = tpu.memref_slice %arg6[%dma_start3A_878, %dma_start3A_885] : memref<2x128xi32, #tpu.memory_space<vmem>> -> memref<1x128xi32, #tpu.memory_space<vmem>>
      %dma_start3A_887 = tpu.memref_squeeze %dma_start3A_886 : memref<1x128xi32, #tpu.memory_space<vmem>> -> memref<128xi32, #tpu.memory_space<vmem>>
      %dma_start3A_888 = arith.constant 0 : i32
      %dma_start3A_889 = arith.constant 0 : i32
      %dma_start3A_890 = tpu.memref_slice %arg2[%dma_start3A_888, %dma_start3A_889] : memref<10000x128xf32, #tpu.memory_space<hbm>> -> memref<10000x128xf32, #tpu.memory_space<hbm>>
      %dma_start3A_891 = tpu.memref_slice %arg12[%dma_start3A_880] : memref<2x!tpu.dma_semaphore, #tpu.memory_space<semaphore_mem>> -> memref<1x!tpu.dma_semaphore, #tpu.memory_space<semaphore_mem>>
      %dma_start3A_892 = tpu.memref_squeeze %dma_start3A_891 : memref<1x!tpu.dma_semaphore, #tpu.memory_space<semaphore_mem>> -> memref<!tpu.dma_semaphore, #tpu.memory_space<semaphore_mem>>
      tpu.enqueue_indirect_dma source(%dma_start3A_890 : memref<10000x128xf32, #tpu.memory_space<hbm>>) target(%dma_start3A_884 : memref<128x128xf32, #tpu.memory_space<vmem>>) offsets(%dma_start3A_887 : memref<128xi32, #tpu.memory_space<vmem>>) semaphore(%dma_start3A_892 : memref<!tpu.dma_semaphore, #tpu.memory_space<semaphore_mem>>)
      %add3A_893 = arith.constant 2 : i32
      %add3A_894 = arith.addi %add3A_826, %add3A_893 : i32
      %dma_start3A_895 = arith.constant 0 : i32
      %dma_start3A_896 = arith.constant 0 : i32
      %dma_start3A_897 = tpu.memref_slice %arg3[%add3A, %add3A_894, %dma_start3A_895, %dma_start3A_896] : memref<32x80x2x128xi32, #tpu.memory_space<hbm>> -> memref<1x1x2x128xi32, #tpu.memory_space<hbm>>
      %dma_start3A_898 = tpu.memref_squeeze %dma_start3A_897 : memref<1x1x2x128xi32, #tpu.memory_space<hbm>> -> memref<2x128xi32, #tpu.memory_space<hbm>>
      %dma_start3A_899 = arith.constant 0 : i32
      %dma_start3A_900 = arith.constant 0 : i32
      %dma_start3A_901 = tpu.memref_slice %arg3[%add3A, %add3A_894, %dma_start3A_899, %dma_start3A_900] : memref<32x80x2x128xi32, #tpu.memory_space<hbm>> -> memref<1x1x2x128xi32, #tpu.memory_space<hbm>>
      %dma_start3A_902 = tpu.memref_squeeze %dma_start3A_901 : memref<1x1x2x128xi32, #tpu.memory_space<hbm>> -> memref<2x128xi32, #tpu.memory_space<hbm>>
      tpu.enqueue_dma source(%dma_start3A_902 : memref<2x128xi32, #tpu.memory_space<hbm>>) target(%arg7 : memref<2x128xi32, #tpu.memory_space<vmem>>) target_semaphore(%arg14 : memref<!tpu.dma_semaphore, #tpu.memory_space<semaphore_mem>>)
    }
    %scan3A_307 = arith.constant 18 : i32
    %dma_wait3A_308 = arith.constant 0 : i32
    %dma_wait3A_309 = arith.constant 0 : i32
    %dma_wait3A_310 = arith.constant 0 : i32
    %dma_wait3A_311 = arith.constant 0 : i32
    %dma_wait3A_312 = tpu.memref_slice %arg10[%dma_wait3A_308, %dma_wait3A_310, %dma_wait3A_311] : memref<2x128x128xf32, #tpu.memory_space<vmem>> -> memref<1x128x128xf32, #tpu.memory_space<vmem>>
    %dma_wait3A_313 = tpu.memref_squeeze %dma_wait3A_312 : memref<1x128x128xf32, #tpu.memory_space<vmem>> -> memref<128x128xf32, #tpu.memory_space<vmem>>
    %dma_wait3A_314 = arith.constant 0 : i32
    %dma_wait3A_315 = arith.constant 0 : i32
    %dma_wait3A_316 = tpu.memref_slice %arg2[%dma_wait3A_314, %dma_wait3A_315] : memref<10000x128xf32, #tpu.memory_space<hbm>> -> memref<128x128xf32, #tpu.memory_space<hbm>>
    %dma_wait3A_317 = tpu.memref_slice %arg12[%dma_wait3A_309] : memref<2x!tpu.dma_semaphore, #tpu.memory_space<semaphore_mem>> -> memref<1x!tpu.dma_semaphore, #tpu.memory_space<semaphore_mem>>
    %dma_wait3A_318 = tpu.memref_squeeze %dma_wait3A_317 : memref<1x!tpu.dma_semaphore, #tpu.memory_space<semaphore_mem>> -> memref<!tpu.dma_semaphore, #tpu.memory_space<semaphore_mem>>
    %dma_wait3A_319 = arith.constant 0 : i32
    %dma_wait3A_320 = arith.constant 0 : i32
    %dma_wait3A_321 = tpu.memref_slice %arg10[%dma_wait3A_308, %dma_wait3A_319, %dma_wait3A_320] : memref<2x128x128xf32, #tpu.memory_space<vmem>> -> memref<1x128x128xf32, #tpu.memory_space<vmem>>
    %dma_wait3A_322 = tpu.memref_squeeze %dma_wait3A_321 : memref<1x128x128xf32, #tpu.memory_space<vmem>> -> memref<128x128xf32, #tpu.memory_space<vmem>>
    %dma_wait3A_323 = arith.constant 0 : i32
    %dma_wait3A_324 = arith.constant 0 : i32
    %dma_wait3A_325 = tpu.memref_slice %arg2[%dma_wait3A_323, %dma_wait3A_324] : memref<10000x128xf32, #tpu.memory_space<hbm>> -> memref<128x128xf32, #tpu.memory_space<hbm>>
    tpu.wait_dma2 semaphore(%dma_wait3A_318 : memref<!tpu.dma_semaphore, #tpu.memory_space<semaphore_mem>>) src(%dma_wait3A_325 : memref<128x128xf32, #tpu.memory_space<hbm>>) dst(%dma_wait3A_322 : memref<128x128xf32, #tpu.memory_space<vmem>>)
    %dma_start3A_326 = arith.constant 0 : i32
    %dma_start3A_327 = arith.constant 1 : i32
    %dma_start3A_328 = arith.constant 0 : i32
    %dma_start3A_329 = arith.constant 0 : i32
    %dma_start3A_330 = arith.constant 0 : i32
    %dma_start3A_331 = tpu.memref_slice %arg10[%dma_start3A_326, %dma_start3A_329, %dma_start3A_330] : memref<2x128x128xf32, #tpu.memory_space<vmem>> -> memref<1x128x128xf32, #tpu.memory_space<vmem>>
    %dma_start3A_332 = tpu.memref_squeeze %dma_start3A_331 : memref<1x128x128xf32, #tpu.memory_space<vmem>> -> memref<128x128xf32, #tpu.memory_space<vmem>>
    %dma_start3A_333 = arith.constant 0 : i32
    %dma_start3A_334 = tpu.memref_slice %arg6[%dma_start3A_327, %dma_start3A_333] : memref<2x128xi32, #tpu.memory_space<vmem>> -> memref<1x128xi32, #tpu.memory_space<vmem>>
    %dma_start3A_335 = tpu.memref_squeeze %dma_start3A_334 : memref<1x128xi32, #tpu.memory_space<vmem>> -> memref<128xi32, #tpu.memory_space<vmem>>
    %dma_start3A_336 = arith.constant 0 : i32
    %dma_start3A_337 = arith.constant 0 : i32
    %dma_start3A_338 = tpu.memref_slice %arg11[%dma_start3A_336, %dma_start3A_337] : memref<10240x128xf32, #tpu.memory_space<vmem_shared>> -> memref<10240x128xf32, #tpu.memory_space<vmem_shared>>
    %dma_start3A_339 = tpu.memref_slice %arg13[%dma_start3A_328] : memref<2x!tpu.dma_semaphore, #tpu.memory_space<semaphore_mem>> -> memref<1x!tpu.dma_semaphore, #tpu.memory_space<semaphore_mem>>
    %dma_start3A_340 = tpu.memref_squeeze %dma_start3A_339 : memref<1x!tpu.dma_semaphore, #tpu.memory_space<semaphore_mem>> -> memref<!tpu.dma_semaphore, #tpu.memory_space<semaphore_mem>>
    tpu.enqueue_indirect_dma source(%dma_start3A_332 : memref<128x128xf32, #tpu.memory_space<vmem>>) target(%dma_start3A_338 : memref<10240x128xf32, #tpu.memory_space<vmem_shared>>) offsets(%dma_start3A_335 : memref<128xi32, #tpu.memory_space<vmem>>) semaphore(%dma_start3A_340 : memref<!tpu.dma_semaphore, #tpu.memory_space<semaphore_mem>>) {add = true}
    %dma_wait3A_341 = arith.constant 0 : i32
    %dma_wait3A_342 = arith.constant 0 : i32
    %dma_wait3A_343 = arith.constant 0 : i32
    %dma_wait3A_344 = tpu.memref_slice %arg3[%add3A, %dma_wait3A_341, %dma_wait3A_342, %dma_wait3A_343] : memref<32x80x2x128xi32, #tpu.memory_space<hbm>> -> memref<1x1x2x128xi32, #tpu.memory_space<hbm>>
    %dma_wait3A_345 = tpu.memref_squeeze %dma_wait3A_344 : memref<1x1x2x128xi32, #tpu.memory_space<hbm>> -> memref<2x128xi32, #tpu.memory_space<hbm>>
    %dma_wait3A_346 = arith.constant 0 : i32
    %dma_wait3A_347 = arith.constant 0 : i32
    %dma_wait3A_348 = tpu.memref_slice %arg3[%add3A, %dma_wait3A_341, %dma_wait3A_346, %dma_wait3A_347] : memref<32x80x2x128xi32, #tpu.memory_space<hbm>> -> memref<1x1x2x128xi32, #tpu.memory_space<hbm>>
    %dma_wait3A_349 = tpu.memref_squeeze %dma_wait3A_348 : memref<1x1x2x128xi32, #tpu.memory_space<hbm>> -> memref<2x128xi32, #tpu.memory_space<hbm>>
    tpu.wait_dma2 semaphore(%arg14 : memref<!tpu.dma_semaphore, #tpu.memory_space<semaphore_mem>>) src(%dma_wait3A_349 : memref<2x128xi32, #tpu.memory_space<hbm>>) dst(%arg6 : memref<2x128xi32, #tpu.memory_space<vmem>>)
    %dma_wait3A_350 = arith.constant 1 : i32
    %dma_wait3A_351 = tpu.memref_slice %arg13[%dma_wait3A_350] : memref<2x!tpu.dma_semaphore, #tpu.memory_space<semaphore_mem>> -> memref<1x!tpu.dma_semaphore, #tpu.memory_space<semaphore_mem>>
    %dma_wait3A_352 = tpu.memref_squeeze %dma_wait3A_351 : memref<1x!tpu.dma_semaphore, #tpu.memory_space<semaphore_mem>> -> memref<!tpu.dma_semaphore, #tpu.memory_space<semaphore_mem>>
    %dma_wait3A_353 = arith.constant 0 : i32
    %dma_wait3A_354 = arith.constant 0 : i32
    %dma_wait3A_355 = tpu.memref_slice %arg11[%dma_wait3A_353, %dma_wait3A_354] : memref<10240x128xf32, #tpu.memory_space<vmem_shared>> -> memref<128x128xf32, #tpu.memory_space<vmem_shared>>
    %dma_wait3A_356 = arith.constant 0 : i32
    %dma_wait3A_357 = arith.constant 0 : i32
    %dma_wait3A_358 = tpu.memref_slice %arg2[%dma_wait3A_356, %dma_wait3A_357] : memref<10000x128xf32, #tpu.memory_space<hbm>> -> memref<128x128xf32, #tpu.memory_space<hbm>>
    tpu.wait_dma2 semaphore(%dma_wait3A_352 : memref<!tpu.dma_semaphore, #tpu.memory_space<semaphore_mem>>) src(%dma_wait3A_358 : memref<128x128xf32, #tpu.memory_space<hbm>>) dst(%dma_wait3A_355 : memref<128x128xf32, #tpu.memory_space<vmem_shared>>)
    %dma_start3A_359 = arith.constant 0 : i32
    %dma_start3A_360 = arith.constant 1 : i32
    %dma_start3A_361 = arith.constant 1 : i32
    %dma_start3A_362 = arith.constant 0 : i32
    %dma_start3A_363 = arith.constant 0 : i32
    %dma_start3A_364 = tpu.memref_slice %arg10[%dma_start3A_360, %dma_start3A_362, %dma_start3A_363] : memref<2x128x128xf32, #tpu.memory_space<vmem>> -> memref<1x128x128xf32, #tpu.memory_space<vmem>>
    %dma_start3A_365 = tpu.memref_squeeze %dma_start3A_364 : memref<1x128x128xf32, #tpu.memory_space<vmem>> -> memref<128x128xf32, #tpu.memory_space<vmem>>
    %dma_start3A_366 = arith.constant 0 : i32
    %dma_start3A_367 = tpu.memref_slice %arg7[%dma_start3A_359, %dma_start3A_366] : memref<2x128xi32, #tpu.memory_space<vmem>> -> memref<1x128xi32, #tpu.memory_space<vmem>>
    %dma_start3A_368 = tpu.memref_squeeze %dma_start3A_367 : memref<1x128xi32, #tpu.memory_space<vmem>> -> memref<128xi32, #tpu.memory_space<vmem>>
    %dma_start3A_369 = arith.constant 0 : i32
    %dma_start3A_370 = arith.constant 0 : i32
    %dma_start3A_371 = tpu.memref_slice %arg2[%dma_start3A_369, %dma_start3A_370] : memref<10000x128xf32, #tpu.memory_space<hbm>> -> memref<10000x128xf32, #tpu.memory_space<hbm>>
    %dma_start3A_372 = tpu.memref_slice %arg12[%dma_start3A_361] : memref<2x!tpu.dma_semaphore, #tpu.memory_space<semaphore_mem>> -> memref<1x!tpu.dma_semaphore, #tpu.memory_space<semaphore_mem>>
    %dma_start3A_373 = tpu.memref_squeeze %dma_start3A_372 : memref<1x!tpu.dma_semaphore, #tpu.memory_space<semaphore_mem>> -> memref<!tpu.dma_semaphore, #tpu.memory_space<semaphore_mem>>
    tpu.enqueue_indirect_dma source(%dma_start3A_371 : memref<10000x128xf32, #tpu.memory_space<hbm>>) target(%dma_start3A_365 : memref<128x128xf32, #tpu.memory_space<vmem>>) offsets(%dma_start3A_368 : memref<128xi32, #tpu.memory_space<vmem>>) semaphore(%dma_start3A_373 : memref<!tpu.dma_semaphore, #tpu.memory_space<semaphore_mem>>)
    %dma_start3A_374 = arith.constant 78 : i32
    %dma_start3A_375 = arith.constant 0 : i32
    %dma_start3A_376 = arith.constant 0 : i32
    %dma_start3A_377 = tpu.memref_slice %arg3[%add3A, %dma_start3A_374, %dma_start3A_375, %dma_start3A_376] : memref<32x80x2x128xi32, #tpu.memory_space<hbm>> -> memref<1x1x2x128xi32, #tpu.memory_space<hbm>>
    %dma_start3A_378 = tpu.memref_squeeze %dma_start3A_377 : memref<1x1x2x128xi32, #tpu.memory_space<hbm>> -> memref<2x128xi32, #tpu.memory_space<hbm>>
    %dma_start3A_379 = arith.constant 0 : i32
    %dma_start3A_380 = arith.constant 0 : i32
    %dma_start3A_381 = tpu.memref_slice %arg3[%add3A, %dma_start3A_374, %dma_start3A_379, %dma_start3A_380] : memref<32x80x2x128xi32, #tpu.memory_space<hbm>> -> memref<1x1x2x128xi32, #tpu.memory_space<hbm>>
    %dma_start3A_382 = tpu.memref_squeeze %dma_start3A_381 : memref<1x1x2x128xi32, #tpu.memory_space<hbm>> -> memref<2x128xi32, #tpu.memory_space<hbm>>
    tpu.enqueue_dma source(%dma_start3A_382 : memref<2x128xi32, #tpu.memory_space<hbm>>) target(%arg8 : memref<2x128xi32, #tpu.memory_space<vmem>>) target_semaphore(%arg14 : memref<!tpu.dma_semaphore, #tpu.memory_space<semaphore_mem>>)
    %dma_wait3A_383 = arith.constant 1 : i32
    %dma_wait3A_384 = arith.constant 1 : i32
    %dma_wait3A_385 = arith.constant 0 : i32
    %dma_wait3A_386 = arith.constant 0 : i32
    %dma_wait3A_387 = tpu.memref_slice %arg10[%dma_wait3A_383, %dma_wait3A_385, %dma_wait3A_386] : memref<2x128x128xf32, #tpu.memory_space<vmem>> -> memref<1x128x128xf32, #tpu.memory_space<vmem>>
    %dma_wait3A_388 = tpu.memref_squeeze %dma_wait3A_387 : memref<1x128x128xf32, #tpu.memory_space<vmem>> -> memref<128x128xf32, #tpu.memory_space<vmem>>
    %dma_wait3A_389 = arith.constant 0 : i32
    %dma_wait3A_390 = arith.constant 0 : i32
    %dma_wait3A_391 = tpu.memref_slice %arg2[%dma_wait3A_389, %dma_wait3A_390] : memref<10000x128xf32, #tpu.memory_space<hbm>> -> memref<128x128xf32, #tpu.memory_space<hbm>>
    %dma_wait3A_392 = tpu.memref_slice %arg12[%dma_wait3A_384] : memref<2x!tpu.dma_semaphore, #tpu.memory_space<semaphore_mem>> -> memref<1x!tpu.dma_semaphore, #tpu.memory_space<semaphore_mem>>
    %dma_wait3A_393 = tpu.memref_squeeze %dma_wait3A_392 : memref<1x!tpu.dma_semaphore, #tpu.memory_space<semaphore_mem>> -> memref<!tpu.dma_semaphore, #tpu.memory_space<semaphore_mem>>
    %dma_wait3A_394 = arith.constant 0 : i32
    %dma_wait3A_395 = arith.constant 0 : i32
    %dma_wait3A_396 = tpu.memref_slice %arg10[%dma_wait3A_383, %dma_wait3A_394, %dma_wait3A_395] : memref<2x128x128xf32, #tpu.memory_space<vmem>> -> memref<1x128x128xf32, #tpu.memory_space<vmem>>
    %dma_wait3A_397 = tpu.memref_squeeze %dma_wait3A_396 : memref<1x128x128xf32, #tpu.memory_space<vmem>> -> memref<128x128xf32, #tpu.memory_space<vmem>>
    %dma_wait3A_398 = arith.constant 0 : i32
    %dma_wait3A_399 = arith.constant 0 : i32
    %dma_wait3A_400 = tpu.memref_slice %arg2[%dma_wait3A_398, %dma_wait3A_399] : memref<10000x128xf32, #tpu.memory_space<hbm>> -> memref<128x128xf32, #tpu.memory_space<hbm>>
    tpu.wait_dma2 semaphore(%dma_wait3A_393 : memref<!tpu.dma_semaphore, #tpu.memory_space<semaphore_mem>>) src(%dma_wait3A_400 : memref<128x128xf32, #tpu.memory_space<hbm>>) dst(%dma_wait3A_397 : memref<128x128xf32, #tpu.memory_space<vmem>>)
    %dma_start3A_401 = arith.constant 1 : i32
    %dma_start3A_402 = arith.constant 1 : i32
    %dma_start3A_403 = arith.constant 1 : i32
    %dma_start3A_404 = arith.constant 0 : i32
    %dma_start3A_405 = arith.constant 0 : i32
    %dma_start3A_406 = tpu.memref_slice %arg10[%dma_start3A_401, %dma_start3A_404, %dma_start3A_405] : memref<2x128x128xf32, #tpu.memory_space<vmem>> -> memref<1x128x128xf32, #tpu.memory_space<vmem>>
    %dma_start3A_407 = tpu.memref_squeeze %dma_start3A_406 : memref<1x128x128xf32, #tpu.memory_space<vmem>> -> memref<128x128xf32, #tpu.memory_space<vmem>>
    %dma_start3A_408 = arith.constant 0 : i32
    %dma_start3A_409 = tpu.memref_slice %arg7[%dma_start3A_402, %dma_start3A_408] : memref<2x128xi32, #tpu.memory_space<vmem>> -> memref<1x128xi32, #tpu.memory_space<vmem>>
    %dma_start3A_410 = tpu.memref_squeeze %dma_start3A_409 : memref<1x128xi32, #tpu.memory_space<vmem>> -> memref<128xi32, #tpu.memory_space<vmem>>
    %dma_start3A_411 = arith.constant 0 : i32
    %dma_start3A_412 = arith.constant 0 : i32
    %dma_start3A_413 = tpu.memref_slice %arg11[%dma_start3A_411, %dma_start3A_412] : memref<10240x128xf32, #tpu.memory_space<vmem_shared>> -> memref<10240x128xf32, #tpu.memory_space<vmem_shared>>
    %dma_start3A_414 = tpu.memref_slice %arg13[%dma_start3A_403] : memref<2x!tpu.dma_semaphore, #tpu.memory_space<semaphore_mem>> -> memref<1x!tpu.dma_semaphore, #tpu.memory_space<semaphore_mem>>
    %dma_start3A_415 = tpu.memref_squeeze %dma_start3A_414 : memref<1x!tpu.dma_semaphore, #tpu.memory_space<semaphore_mem>> -> memref<!tpu.dma_semaphore, #tpu.memory_space<semaphore_mem>>
    tpu.enqueue_indirect_dma source(%dma_start3A_407 : memref<128x128xf32, #tpu.memory_space<vmem>>) target(%dma_start3A_413 : memref<10240x128xf32, #tpu.memory_space<vmem_shared>>) offsets(%dma_start3A_410 : memref<128xi32, #tpu.memory_space<vmem>>) semaphore(%dma_start3A_415 : memref<!tpu.dma_semaphore, #tpu.memory_space<semaphore_mem>>) {add = true}
    %dma_wait3A_416 = arith.constant 0 : i32
    %dma_wait3A_417 = arith.constant 0 : i32
    %dma_wait3A_418 = arith.constant 0 : i32
    %dma_wait3A_419 = tpu.memref_slice %arg3[%add3A, %dma_wait3A_416, %dma_wait3A_417, %dma_wait3A_418] : memref<32x80x2x128xi32, #tpu.memory_space<hbm>> -> memref<1x1x2x128xi32, #tpu.memory_space<hbm>>
    %dma_wait3A_420 = tpu.memref_squeeze %dma_wait3A_419 : memref<1x1x2x128xi32, #tpu.memory_space<hbm>> -> memref<2x128xi32, #tpu.memory_space<hbm>>
    %dma_wait3A_421 = arith.constant 0 : i32
    %dma_wait3A_422 = arith.constant 0 : i32
    %dma_wait3A_423 = tpu.memref_slice %arg3[%add3A, %dma_wait3A_416, %dma_wait3A_421, %dma_wait3A_422] : memref<32x80x2x128xi32, #tpu.memory_space<hbm>> -> memref<1x1x2x128xi32, #tpu.memory_space<hbm>>
    %dma_wait3A_424 = tpu.memref_squeeze %dma_wait3A_423 : memref<1x1x2x128xi32, #tpu.memory_space<hbm>> -> memref<2x128xi32, #tpu.memory_space<hbm>>
    tpu.wait_dma2 semaphore(%arg14 : memref<!tpu.dma_semaphore, #tpu.memory_space<semaphore_mem>>) src(%dma_wait3A_424 : memref<2x128xi32, #tpu.memory_space<hbm>>) dst(%arg6 : memref<2x128xi32, #tpu.memory_space<vmem>>)
    %dma_wait3A_425 = arith.constant 0 : i32
    %dma_wait3A_426 = tpu.memref_slice %arg13[%dma_wait3A_425] : memref<2x!tpu.dma_semaphore, #tpu.memory_space<semaphore_mem>> -> memref<1x!tpu.dma_semaphore, #tpu.memory_space<semaphore_mem>>
    %dma_wait3A_427 = tpu.memref_squeeze %dma_wait3A_426 : memref<1x!tpu.dma_semaphore, #tpu.memory_space<semaphore_mem>> -> memref<!tpu.dma_semaphore, #tpu.memory_space<semaphore_mem>>
    %dma_wait3A_428 = arith.constant 0 : i32
    %dma_wait3A_429 = arith.constant 0 : i32
    %dma_wait3A_430 = tpu.memref_slice %arg11[%dma_wait3A_428, %dma_wait3A_429] : memref<10240x128xf32, #tpu.memory_space<vmem_shared>> -> memref<128x128xf32, #tpu.memory_space<vmem_shared>>
    %dma_wait3A_431 = arith.constant 0 : i32
    %dma_wait3A_432 = arith.constant 0 : i32
    %dma_wait3A_433 = tpu.memref_slice %arg2[%dma_wait3A_431, %dma_wait3A_432] : memref<10000x128xf32, #tpu.memory_space<hbm>> -> memref<128x128xf32, #tpu.memory_space<hbm>>
    tpu.wait_dma2 semaphore(%dma_wait3A_427 : memref<!tpu.dma_semaphore, #tpu.memory_space<semaphore_mem>>) src(%dma_wait3A_433 : memref<128x128xf32, #tpu.memory_space<hbm>>) dst(%dma_wait3A_430 : memref<128x128xf32, #tpu.memory_space<vmem_shared>>)
    %dma_start3A_434 = arith.constant 0 : i32
    %dma_start3A_435 = arith.constant 0 : i32
    %dma_start3A_436 = arith.constant 0 : i32
    %dma_start3A_437 = arith.constant 0 : i32
    %dma_start3A_438 = arith.constant 0 : i32
    %dma_start3A_439 = tpu.memref_slice %arg10[%dma_start3A_435, %dma_start3A_437, %dma_start3A_438] : memref<2x128x128xf32, #tpu.memory_space<vmem>> -> memref<1x128x128xf32, #tpu.memory_space<vmem>>
    %dma_start3A_440 = tpu.memref_squeeze %dma_start3A_439 : memref<1x128x128xf32, #tpu.memory_space<vmem>> -> memref<128x128xf32, #tpu.memory_space<vmem>>
    %dma_start3A_441 = arith.constant 0 : i32
    %dma_start3A_442 = tpu.memref_slice %arg8[%dma_start3A_434, %dma_start3A_441] : memref<2x128xi32, #tpu.memory_space<vmem>> -> memref<1x128xi32, #tpu.memory_space<vmem>>
    %dma_start3A_443 = tpu.memref_squeeze %dma_start3A_442 : memref<1x128xi32, #tpu.memory_space<vmem>> -> memref<128xi32, #tpu.memory_space<vmem>>
    %dma_start3A_444 = arith.constant 0 : i32
    %dma_start3A_445 = arith.constant 0 : i32
    %dma_start3A_446 = tpu.memref_slice %arg2[%dma_start3A_444, %dma_start3A_445] : memref<10000x128xf32, #tpu.memory_space<hbm>> -> memref<10000x128xf32, #tpu.memory_space<hbm>>
    %dma_start3A_447 = tpu.memref_slice %arg12[%dma_start3A_436] : memref<2x!tpu.dma_semaphore, #tpu.memory_space<semaphore_mem>> -> memref<1x!tpu.dma_semaphore, #tpu.memory_space<semaphore_mem>>
    %dma_start3A_448 = tpu.memref_squeeze %dma_start3A_447 : memref<1x!tpu.dma_semaphore, #tpu.memory_space<semaphore_mem>> -> memref<!tpu.dma_semaphore, #tpu.memory_space<semaphore_mem>>
    tpu.enqueue_indirect_dma source(%dma_start3A_446 : memref<10000x128xf32, #tpu.memory_space<hbm>>) target(%dma_start3A_440 : memref<128x128xf32, #tpu.memory_space<vmem>>) offsets(%dma_start3A_443 : memref<128xi32, #tpu.memory_space<vmem>>) semaphore(%dma_start3A_448 : memref<!tpu.dma_semaphore, #tpu.memory_space<semaphore_mem>>)
    %dma_start3A_449 = arith.constant 79 : i32
    %dma_start3A_450 = arith.constant 0 : i32
    %dma_start3A_451 = arith.constant 0 : i32
    %dma_start3A_452 = tpu.memref_slice %arg3[%add3A, %dma_start3A_449, %dma_start3A_450, %dma_start3A_451] : memref<32x80x2x128xi32, #tpu.memory_space<hbm>> -> memref<1x1x2x128xi32, #tpu.memory_space<hbm>>
    %dma_start3A_453 = tpu.memref_squeeze %dma_start3A_452 : memref<1x1x2x128xi32, #tpu.memory_space<hbm>> -> memref<2x128xi32, #tpu.memory_space<hbm>>
    %dma_start3A_454 = arith.constant 0 : i32
    %dma_start3A_455 = arith.constant 0 : i32
    %dma_start3A_456 = tpu.memref_slice %arg3[%add3A, %dma_start3A_449, %dma_start3A_454, %dma_start3A_455] : memref<32x80x2x128xi32, #tpu.memory_space<hbm>> -> memref<1x1x2x128xi32, #tpu.memory_space<hbm>>
    %dma_start3A_457 = tpu.memref_squeeze %dma_start3A_456 : memref<1x1x2x128xi32, #tpu.memory_space<hbm>> -> memref<2x128xi32, #tpu.memory_space<hbm>>
    tpu.enqueue_dma source(%dma_start3A_457 : memref<2x128xi32, #tpu.memory_space<hbm>>) target(%arg9 : memref<2x128xi32, #tpu.memory_space<vmem>>) target_semaphore(%arg14 : memref<!tpu.dma_semaphore, #tpu.memory_space<semaphore_mem>>)
    %dma_wait3A_458 = arith.constant 0 : i32
    %dma_wait3A_459 = arith.constant 0 : i32
    %dma_wait3A_460 = arith.constant 0 : i32
    %dma_wait3A_461 = arith.constant 0 : i32
    %dma_wait3A_462 = tpu.memref_slice %arg10[%dma_wait3A_458, %dma_wait3A_460, %dma_wait3A_461] : memref<2x128x128xf32, #tpu.memory_space<vmem>> -> memref<1x128x128xf32, #tpu.memory_space<vmem>>
    %dma_wait3A_463 = tpu.memref_squeeze %dma_wait3A_462 : memref<1x128x128xf32, #tpu.memory_space<vmem>> -> memref<128x128xf32, #tpu.memory_space<vmem>>
    %dma_wait3A_464 = arith.constant 0 : i32
    %dma_wait3A_465 = arith.constant 0 : i32
    %dma_wait3A_466 = tpu.memref_slice %arg2[%dma_wait3A_464, %dma_wait3A_465] : memref<10000x128xf32, #tpu.memory_space<hbm>> -> memref<128x128xf32, #tpu.memory_space<hbm>>
    %dma_wait3A_467 = tpu.memref_slice %arg12[%dma_wait3A_459] : memref<2x!tpu.dma_semaphore, #tpu.memory_space<semaphore_mem>> -> memref<1x!tpu.dma_semaphore, #tpu.memory_space<semaphore_mem>>
    %dma_wait3A_468 = tpu.memref_squeeze %dma_wait3A_467 : memref<1x!tpu.dma_semaphore, #tpu.memory_space<semaphore_mem>> -> memref<!tpu.dma_semaphore, #tpu.memory_space<semaphore_mem>>
    %dma_wait3A_469 = arith.constant 0 : i32
    %dma_wait3A_470 = arith.constant 0 : i32
    %dma_wait3A_471 = tpu.memref_slice %arg10[%dma_wait3A_458, %dma_wait3A_469, %dma_wait3A_470] : memref<2x128x128xf32, #tpu.memory_space<vmem>> -> memref<1x128x128xf32, #tpu.memory_space<vmem>>
    %dma_wait3A_472 = tpu.memref_squeeze %dma_wait3A_471 : memref<1x128x128xf32, #tpu.memory_space<vmem>> -> memref<128x128xf32, #tpu.memory_space<vmem>>
    %dma_wait3A_473 = arith.constant 0 : i32
    %dma_wait3A_474 = arith.constant 0 : i32
    %dma_wait3A_475 = tpu.memref_slice %arg2[%dma_wait3A_473, %dma_wait3A_474] : memref<10000x128xf32, #tpu.memory_space<hbm>> -> memref<128x128xf32, #tpu.memory_space<hbm>>
    tpu.wait_dma2 semaphore(%dma_wait3A_468 : memref<!tpu.dma_semaphore, #tpu.memory_space<semaphore_mem>>) src(%dma_wait3A_475 : memref<128x128xf32, #tpu.memory_space<hbm>>) dst(%dma_wait3A_472 : memref<128x128xf32, #tpu.memory_space<vmem>>)
    %dma_start3A_476 = arith.constant 0 : i32
    %dma_start3A_477 = arith.constant 1 : i32
    %dma_start3A_478 = arith.constant 0 : i32
    %dma_start3A_479 = arith.constant 0 : i32
    %dma_start3A_480 = arith.constant 0 : i32
    %dma_start3A_481 = tpu.memref_slice %arg10[%dma_start3A_476, %dma_start3A_479, %dma_start3A_480] : memref<2x128x128xf32, #tpu.memory_space<vmem>> -> memref<1x128x128xf32, #tpu.memory_space<vmem>>
    %dma_start3A_482 = tpu.memref_squeeze %dma_start3A_481 : memref<1x128x128xf32, #tpu.memory_space<vmem>> -> memref<128x128xf32, #tpu.memory_space<vmem>>
    %dma_start3A_483 = arith.constant 0 : i32
    %dma_start3A_484 = tpu.memref_slice %arg8[%dma_start3A_477, %dma_start3A_483] : memref<2x128xi32, #tpu.memory_space<vmem>> -> memref<1x128xi32, #tpu.memory_space<vmem>>
    %dma_start3A_485 = tpu.memref_squeeze %dma_start3A_484 : memref<1x128xi32, #tpu.memory_space<vmem>> -> memref<128xi32, #tpu.memory_space<vmem>>
    %dma_start3A_486 = arith.constant 0 : i32
    %dma_start3A_487 = arith.constant 0 : i32
    %dma_start3A_488 = tpu.memref_slice %arg11[%dma_start3A_486, %dma_start3A_487] : memref<10240x128xf32, #tpu.memory_space<vmem_shared>> -> memref<10240x128xf32, #tpu.memory_space<vmem_shared>>
    %dma_start3A_489 = tpu.memref_slice %arg13[%dma_start3A_478] : memref<2x!tpu.dma_semaphore, #tpu.memory_space<semaphore_mem>> -> memref<1x!tpu.dma_semaphore, #tpu.memory_space<semaphore_mem>>
    %dma_start3A_490 = tpu.memref_squeeze %dma_start3A_489 : memref<1x!tpu.dma_semaphore, #tpu.memory_space<semaphore_mem>> -> memref<!tpu.dma_semaphore, #tpu.memory_space<semaphore_mem>>
    tpu.enqueue_indirect_dma source(%dma_start3A_482 : memref<128x128xf32, #tpu.memory_space<vmem>>) target(%dma_start3A_488 : memref<10240x128xf32, #tpu.memory_space<vmem_shared>>) offsets(%dma_start3A_485 : memref<128xi32, #tpu.memory_space<vmem>>) semaphore(%dma_start3A_490 : memref<!tpu.dma_semaphore, #tpu.memory_space<semaphore_mem>>) {add = true}
    %dma_wait3A_491 = arith.constant 0 : i32
    %dma_wait3A_492 = arith.constant 0 : i32
    %dma_wait3A_493 = arith.constant 0 : i32
    %dma_wait3A_494 = tpu.memref_slice %arg3[%add3A, %dma_wait3A_491, %dma_wait3A_492, %dma_wait3A_493] : memref<32x80x2x128xi32, #tpu.memory_space<hbm>> -> memref<1x1x2x128xi32, #tpu.memory_space<hbm>>
    %dma_wait3A_495 = tpu.memref_squeeze %dma_wait3A_494 : memref<1x1x2x128xi32, #tpu.memory_space<hbm>> -> memref<2x128xi32, #tpu.memory_space<hbm>>
    %dma_wait3A_496 = arith.constant 0 : i32
    %dma_wait3A_497 = arith.constant 0 : i32
    %dma_wait3A_498 = tpu.memref_slice %arg3[%add3A, %dma_wait3A_491, %dma_wait3A_496, %dma_wait3A_497] : memref<32x80x2x128xi32, #tpu.memory_space<hbm>> -> memref<1x1x2x128xi32, #tpu.memory_space<hbm>>
    %dma_wait3A_499 = tpu.memref_squeeze %dma_wait3A_498 : memref<1x1x2x128xi32, #tpu.memory_space<hbm>> -> memref<2x128xi32, #tpu.memory_space<hbm>>
    tpu.wait_dma2 semaphore(%arg14 : memref<!tpu.dma_semaphore, #tpu.memory_space<semaphore_mem>>) src(%dma_wait3A_499 : memref<2x128xi32, #tpu.memory_space<hbm>>) dst(%arg6 : memref<2x128xi32, #tpu.memory_space<vmem>>)
    %dma_wait3A_500 = arith.constant 1 : i32
    %dma_wait3A_501 = tpu.memref_slice %arg13[%dma_wait3A_500] : memref<2x!tpu.dma_semaphore, #tpu.memory_space<semaphore_mem>> -> memref<1x!tpu.dma_semaphore, #tpu.memory_space<semaphore_mem>>
    %dma_wait3A_502 = tpu.memref_squeeze %dma_wait3A_501 : memref<1x!tpu.dma_semaphore, #tpu.memory_space<semaphore_mem>> -> memref<!tpu.dma_semaphore, #tpu.memory_space<semaphore_mem>>
    %dma_wait3A_503 = arith.constant 0 : i32
    %dma_wait3A_504 = arith.constant 0 : i32
    %dma_wait3A_505 = tpu.memref_slice %arg11[%dma_wait3A_503, %dma_wait3A_504] : memref<10240x128xf32, #tpu.memory_space<vmem_shared>> -> memref<128x128xf32, #tpu.memory_space<vmem_shared>>
    %dma_wait3A_506 = arith.constant 0 : i32
    %dma_wait3A_507 = arith.constant 0 : i32
    %dma_wait3A_508 = tpu.memref_slice %arg2[%dma_wait3A_506, %dma_wait3A_507] : memref<10000x128xf32, #tpu.memory_space<hbm>> -> memref<128x128xf32, #tpu.memory_space<hbm>>
    tpu.wait_dma2 semaphore(%dma_wait3A_502 : memref<!tpu.dma_semaphore, #tpu.memory_space<semaphore_mem>>) src(%dma_wait3A_508 : memref<128x128xf32, #tpu.memory_space<hbm>>) dst(%dma_wait3A_505 : memref<128x128xf32, #tpu.memory_space<vmem_shared>>)
    %dma_start3A_509 = arith.constant 0 : i32
    %dma_start3A_510 = arith.constant 1 : i32
    %dma_start3A_511 = arith.constant 1 : i32
    %dma_start3A_512 = arith.constant 0 : i32
    %dma_start3A_513 = arith.constant 0 : i32
    %dma_start3A_514 = tpu.memref_slice %arg10[%dma_start3A_510, %dma_start3A_512, %dma_start3A_513] : memref<2x128x128xf32, #tpu.memory_space<vmem>> -> memref<1x128x128xf32, #tpu.memory_space<vmem>>
    %dma_start3A_515 = tpu.memref_squeeze %dma_start3A_514 : memref<1x128x128xf32, #tpu.memory_space<vmem>> -> memref<128x128xf32, #tpu.memory_space<vmem>>
    %dma_start3A_516 = arith.constant 0 : i32
    %dma_start3A_517 = tpu.memref_slice %arg9[%dma_start3A_509, %dma_start3A_516] : memref<2x128xi32, #tpu.memory_space<vmem>> -> memref<1x128xi32, #tpu.memory_space<vmem>>
    %dma_start3A_518 = tpu.memref_squeeze %dma_start3A_517 : memref<1x128xi32, #tpu.memory_space<vmem>> -> memref<128xi32, #tpu.memory_space<vmem>>
    %dma_start3A_519 = arith.constant 0 : i32
    %dma_start3A_520 = arith.constant 0 : i32
    %dma_start3A_521 = tpu.memref_slice %arg2[%dma_start3A_519, %dma_start3A_520] : memref<10000x128xf32, #tpu.memory_space<hbm>> -> memref<10000x128xf32, #tpu.memory_space<hbm>>
    %dma_start3A_522 = tpu.memref_slice %arg12[%dma_start3A_511] : memref<2x!tpu.dma_semaphore, #tpu.memory_space<semaphore_mem>> -> memref<1x!tpu.dma_semaphore, #tpu.memory_space<semaphore_mem>>
    %dma_start3A_523 = tpu.memref_squeeze %dma_start3A_522 : memref<1x!tpu.dma_semaphore, #tpu.memory_space<semaphore_mem>> -> memref<!tpu.dma_semaphore, #tpu.memory_space<semaphore_mem>>
    tpu.enqueue_indirect_dma source(%dma_start3A_521 : memref<10000x128xf32, #tpu.memory_space<hbm>>) target(%dma_start3A_515 : memref<128x128xf32, #tpu.memory_space<vmem>>) offsets(%dma_start3A_518 : memref<128xi32, #tpu.memory_space<vmem>>) semaphore(%dma_start3A_523 : memref<!tpu.dma_semaphore, #tpu.memory_space<semaphore_mem>>)
    %dma_wait3A_524 = arith.constant 1 : i32
    %dma_wait3A_525 = arith.constant 1 : i32
    %dma_wait3A_526 = arith.constant 0 : i32
    %dma_wait3A_527 = arith.constant 0 : i32
    %dma_wait3A_528 = tpu.memref_slice %arg10[%dma_wait3A_524, %dma_wait3A_526, %dma_wait3A_527] : memref<2x128x128xf32, #tpu.memory_space<vmem>> -> memref<1x128x128xf32, #tpu.memory_space<vmem>>
    %dma_wait3A_529 = tpu.memref_squeeze %dma_wait3A_528 : memref<1x128x128xf32, #tpu.memory_space<vmem>> -> memref<128x128xf32, #tpu.memory_space<vmem>>
    %dma_wait3A_530 = arith.constant 0 : i32
    %dma_wait3A_531 = arith.constant 0 : i32
    %dma_wait3A_532 = tpu.memref_slice %arg2[%dma_wait3A_530, %dma_wait3A_531] : memref<10000x128xf32, #tpu.memory_space<hbm>> -> memref<128x128xf32, #tpu.memory_space<hbm>>
    %dma_wait3A_533 = tpu.memref_slice %arg12[%dma_wait3A_525] : memref<2x!tpu.dma_semaphore, #tpu.memory_space<semaphore_mem>> -> memref<1x!tpu.dma_semaphore, #tpu.memory_space<semaphore_mem>>
    %dma_wait3A_534 = tpu.memref_squeeze %dma_wait3A_533 : memref<1x!tpu.dma_semaphore, #tpu.memory_space<semaphore_mem>> -> memref<!tpu.dma_semaphore, #tpu.memory_space<semaphore_mem>>
    %dma_wait3A_535 = arith.constant 0 : i32
    %dma_wait3A_536 = arith.constant 0 : i32
    %dma_wait3A_537 = tpu.memref_slice %arg10[%dma_wait3A_524, %dma_wait3A_535, %dma_wait3A_536] : memref<2x128x128xf32, #tpu.memory_space<vmem>> -> memref<1x128x128xf32, #tpu.memory_space<vmem>>
    %dma_wait3A_538 = tpu.memref_squeeze %dma_wait3A_537 : memref<1x128x128xf32, #tpu.memory_space<vmem>> -> memref<128x128xf32, #tpu.memory_space<vmem>>
    %dma_wait3A_539 = arith.constant 0 : i32
    %dma_wait3A_540 = arith.constant 0 : i32
    %dma_wait3A_541 = tpu.memref_slice %arg2[%dma_wait3A_539, %dma_wait3A_540] : memref<10000x128xf32, #tpu.memory_space<hbm>> -> memref<128x128xf32, #tpu.memory_space<hbm>>
    tpu.wait_dma2 semaphore(%dma_wait3A_534 : memref<!tpu.dma_semaphore, #tpu.memory_space<semaphore_mem>>) src(%dma_wait3A_541 : memref<128x128xf32, #tpu.memory_space<hbm>>) dst(%dma_wait3A_538 : memref<128x128xf32, #tpu.memory_space<vmem>>)
    %dma_start3A_542 = arith.constant 1 : i32
    %dma_start3A_543 = arith.constant 1 : i32
    %dma_start3A_544 = arith.constant 1 : i32
    %dma_start3A_545 = arith.constant 0 : i32
    %dma_start3A_546 = arith.constant 0 : i32
    %dma_start3A_547 = tpu.memref_slice %arg10[%dma_start3A_542, %dma_start3A_545, %dma_start3A_546] : memref<2x128x128xf32, #tpu.memory_space<vmem>> -> memref<1x128x128xf32, #tpu.memory_space<vmem>>
    %dma_start3A_548 = tpu.memref_squeeze %dma_start3A_547 : memref<1x128x128xf32, #tpu.memory_space<vmem>> -> memref<128x128xf32, #tpu.memory_space<vmem>>
    %dma_start3A_549 = arith.constant 0 : i32
    %dma_start3A_550 = tpu.memref_slice %arg9[%dma_start3A_543, %dma_start3A_549] : memref<2x128xi32, #tpu.memory_space<vmem>> -> memref<1x128xi32, #tpu.memory_space<vmem>>
    %dma_start3A_551 = tpu.memref_squeeze %dma_start3A_550 : memref<1x128xi32, #tpu.memory_space<vmem>> -> memref<128xi32, #tpu.memory_space<vmem>>
    %dma_start3A_552 = arith.constant 0 : i32
    %dma_start3A_553 = arith.constant 0 : i32
    %dma_start3A_554 = tpu.memref_slice %arg11[%dma_start3A_552, %dma_start3A_553] : memref<10240x128xf32, #tpu.memory_space<vmem_shared>> -> memref<10240x128xf32, #tpu.memory_space<vmem_shared>>
    %dma_start3A_555 = tpu.memref_slice %arg13[%dma_start3A_544] : memref<2x!tpu.dma_semaphore, #tpu.memory_space<semaphore_mem>> -> memref<1x!tpu.dma_semaphore, #tpu.memory_space<semaphore_mem>>
    %dma_start3A_556 = tpu.memref_squeeze %dma_start3A_555 : memref<1x!tpu.dma_semaphore, #tpu.memory_space<semaphore_mem>> -> memref<!tpu.dma_semaphore, #tpu.memory_space<semaphore_mem>>
    tpu.enqueue_indirect_dma source(%dma_start3A_548 : memref<128x128xf32, #tpu.memory_space<vmem>>) target(%dma_start3A_554 : memref<10240x128xf32, #tpu.memory_space<vmem_shared>>) offsets(%dma_start3A_551 : memref<128xi32, #tpu.memory_space<vmem>>) semaphore(%dma_start3A_556 : memref<!tpu.dma_semaphore, #tpu.memory_space<semaphore_mem>>) {add = true}
    %dma_wait3A_557 = arith.constant 0 : i32
    %dma_wait3A_558 = tpu.memref_slice %arg13[%dma_wait3A_557] : memref<2x!tpu.dma_semaphore, #tpu.memory_space<semaphore_mem>> -> memref<1x!tpu.dma_semaphore, #tpu.memory_space<semaphore_mem>>
    %dma_wait3A_559 = tpu.memref_squeeze %dma_wait3A_558 : memref<1x!tpu.dma_semaphore, #tpu.memory_space<semaphore_mem>> -> memref<!tpu.dma_semaphore, #tpu.memory_space<semaphore_mem>>
    %dma_wait3A_560 = arith.constant 0 : i32
    %dma_wait3A_561 = arith.constant 0 : i32
    %dma_wait3A_562 = tpu.memref_slice %arg11[%dma_wait3A_560, %dma_wait3A_561] : memref<10240x128xf32, #tpu.memory_space<vmem_shared>> -> memref<128x128xf32, #tpu.memory_space<vmem_shared>>
    %dma_wait3A_563 = arith.constant 0 : i32
    %dma_wait3A_564 = arith.constant 0 : i32
    %dma_wait3A_565 = tpu.memref_slice %arg2[%dma_wait3A_563, %dma_wait3A_564] : memref<10000x128xf32, #tpu.memory_space<hbm>> -> memref<128x128xf32, #tpu.memory_space<hbm>>
    tpu.wait_dma2 semaphore(%dma_wait3A_559 : memref<!tpu.dma_semaphore, #tpu.memory_space<semaphore_mem>>) src(%dma_wait3A_565 : memref<128x128xf32, #tpu.memory_space<hbm>>) dst(%dma_wait3A_562 : memref<128x128xf32, #tpu.memory_space<vmem_shared>>)
    %dma_wait3A_566 = arith.constant 1 : i32
    %dma_wait3A_567 = tpu.memref_slice %arg13[%dma_wait3A_566] : memref<2x!tpu.dma_semaphore, #tpu.memory_space<semaphore_mem>> -> memref<1x!tpu.dma_semaphore, #tpu.memory_space<semaphore_mem>>
    %dma_wait3A_568 = tpu.memref_squeeze %dma_wait3A_567 : memref<1x!tpu.dma_semaphore, #tpu.memory_space<semaphore_mem>> -> memref<!tpu.dma_semaphore, #tpu.memory_space<semaphore_mem>>
    %dma_wait3A_569 = arith.constant 0 : i32
    %dma_wait3A_570 = arith.constant 0 : i32
    %dma_wait3A_571 = tpu.memref_slice %arg11[%dma_wait3A_569, %dma_wait3A_570] : memref<10240x128xf32, #tpu.memory_space<vmem_shared>> -> memref<128x128xf32, #tpu.memory_space<vmem_shared>>
    %dma_wait3A_572 = arith.constant 0 : i32
    %dma_wait3A_573 = arith.constant 0 : i32
    %dma_wait3A_574 = tpu.memref_slice %arg2[%dma_wait3A_572, %dma_wait3A_573] : memref<10000x128xf32, #tpu.memory_space<hbm>> -> memref<128x128xf32, #tpu.memory_space<hbm>>
    tpu.wait_dma2 semaphore(%dma_wait3A_568 : memref<!tpu.dma_semaphore, #tpu.memory_space<semaphore_mem>>) src(%dma_wait3A_574 : memref<128x128xf32, #tpu.memory_space<hbm>>) dst(%dma_wait3A_571 : memref<128x128xf32, #tpu.memory_space<vmem_shared>>)
    %barrier3A_575 = arith.constant 0 : index
    tpu.barrier barrier_id(%barrier3A_575)
    %scan3A_576 = arith.constant 0 : i32
    %scan3A_577 = arith.constant 0 : i32
    %scan3A_578 = arith.constant 2 : i32
    %scan3A_579 = arith.addi %scan3A_577, %scan3A_578 : i32
    %scan3A_580 = arith.constant 1 : i32
    scf.for %scan3A_582 = %scan3A_577 to %scan3A_579 step %scan3A_580  : i32 {
      %mul3A_583 = arith.constant 16 : i32
      %mul3A_584 = arith.muli %scan3A_582, %mul3A_583 : i32
      %add3A_585 = arith.addi %mul3A_584, %arg1 : i32
      %lt3A = arith.constant 25 : i32
      %lt3A_586 = arith.cmpi slt, %add3A_585, %lt3A : i32
      %convert_element_type3A = arith.extui %lt3A_586 : i1 to i32
      %cond3A = arith.constant 0 : i32
      %cond3A_587 = arith.cmpi ne, %convert_element_type3A, %cond3A : i32
      scf.if %cond3A_587 {
        %mul3A_588 = arith.constant 400 : i32
        %mul3A_589 = arith.muli %add3A_585, %mul3A_588 : i32
        %mul3A_590 = arith.constant 400 : i32
        %mul3A_591 = arith.muli %add3A_585, %mul3A_590 : i32
        "tpu.region"() ({
          %run_scoped3A_592 = tpu.sem_alloc : memref<!tpu.dma_semaphore, #tpu.memory_space<semaphore_mem>>
          %dma_start3A_593 = arith.constant 0 : i32
          %dma_start3A_594 = tpu.memref_slice %arg5[%arg0, %mul3A_591, %dma_start3A_593] : memref<2x10000x128xf32, #tpu.memory_space<hbm>> -> memref<1x400x128xf32, #tpu.memory_space<hbm>>
          %dma_start3A_595 = tpu.memref_squeeze %dma_start3A_594 : memref<1x400x128xf32, #tpu.memory_space<hbm>> -> memref<400x128xf32, #tpu.memory_space<hbm>>
          %dma_start3A_596 = arith.constant 0 : i32
          %dma_start3A_597 = tpu.memref_slice %arg11[%mul3A_589, %dma_start3A_596] : memref<10240x128xf32, #tpu.memory_space<vmem_shared>> -> memref<400x128xf32, #tpu.memory_space<vmem_shared>>
          tpu.enqueue_dma source(%dma_start3A_597 : memref<400x128xf32, #tpu.memory_space<vmem_shared>>) target(%dma_start3A_595 : memref<400x128xf32, #tpu.memory_space<hbm>>) target_semaphore(%run_scoped3A_592 : memref<!tpu.dma_semaphore, #tpu.memory_space<semaphore_mem>>)
          %dma_wait3A_598 = arith.constant 0 : i32
          %dma_wait3A_599 = tpu.memref_slice %arg5[%arg0, %mul3A_591, %dma_wait3A_598] : memref<2x10000x128xf32, #tpu.memory_space<hbm>> -> memref<1x400x128xf32, #tpu.memory_space<hbm>>
          %dma_wait3A_600 = tpu.memref_squeeze %dma_wait3A_599 : memref<1x400x128xf32, #tpu.memory_space<hbm>> -> memref<400x128xf32, #tpu.memory_space<hbm>>
          %dma_wait3A_601 = arith.constant 0 : i32
          %dma_wait3A_602 = tpu.memref_slice %arg11[%mul3A_589, %dma_wait3A_601] : memref<10240x128xf32, #tpu.memory_space<vmem_shared>> -> memref<400x128xf32, #tpu.memory_space<vmem_shared>>
          tpu.wait_dma2 semaphore(%run_scoped3A_592 : memref<!tpu.dma_semaphore, #tpu.memory_space<semaphore_mem>>) src(%dma_wait3A_602 : memref<400x128xf32, #tpu.memory_space<vmem_shared>>) dst(%dma_wait3A_600 : memref<400x128xf32, #tpu.memory_space<hbm>>)
          tpu.yield
        }) : () -> ()
      } else {
      }
    }
    %scan3A_581 = arith.constant 2 : i32
    return
  }
}

#map = affine_map<(d0, d1) -> (0, 0, 0)>
#map1 = affine_map<(d0, d1) -> (0)>
module attributes {stable_mosaic.version = 14 : i64} {
  func.func @deg_sc(%arg0: i32, %arg1: i32, %arg2: memref<32x80x128xi32, #tpu.memory_space<hbm>>, %arg3: memref<128xf32, #tpu.memory_space<hbm>>, %arg4: memref<20480xf32, #tpu.memory_space<hbm>>, %arg5: memref<80x128xi32, #tpu.memory_space<vmem>>, %arg6: memref<128xf32, #tpu.memory_space<vmem>>, %arg7: memref<640xf32, #tpu.memory_space<vmem>>, %arg8: memref<10240xf32, #tpu.memory_space<vmem_shared>>, %arg9: memref<!tpu.dma_semaphore, #tpu.memory_space<semaphore_mem>>) attributes {dimension_semantics = [#tpu.dimension_semantics<core_parallel>, #tpu.dimension_semantics<subcore_parallel>], iteration_bounds = array<i64: 2, 16>, scalar_prefetch = 0 : i64, scratch_operands = 5 : i64, tpu.core_type = #tpu.core_type<sc_vector_subcore>, window_params = [{transform_indices = #map}, {transform_indices = #map1}, {transform_indices = #map1}]} {
    %mul3A = arith.constant 16 : i32
    %mul3A_0 = arith.muli %arg0, %mul3A : i32
    %add3A = arith.addi %mul3A_0, %arg1 : i32
    "tpu.region"() ({
      %run_scoped3A = tpu.sem_alloc : memref<!tpu.dma_semaphore, #tpu.memory_space<semaphore_mem>>
      tpu.enqueue_dma source(%arg3 : memref<128xf32, #tpu.memory_space<hbm>>) target(%arg6 : memref<128xf32, #tpu.memory_space<vmem>>) target_semaphore(%run_scoped3A : memref<!tpu.dma_semaphore, #tpu.memory_space<semaphore_mem>>)
      tpu.wait_dma2 semaphore(%run_scoped3A : memref<!tpu.dma_semaphore, #tpu.memory_space<semaphore_mem>>) src(%arg3 : memref<128xf32, #tpu.memory_space<hbm>>) dst(%arg6 : memref<128xf32, #tpu.memory_space<vmem>>)
      tpu.yield
    }) : () -> ()
    "tpu.region"() ({
      %run_scoped3A = tpu.sem_alloc : memref<!tpu.dma_semaphore, #tpu.memory_space<semaphore_mem>>
      %dma_start3A = arith.constant 0 : i32
      %dma_start3A_28 = arith.constant 0 : i32
      %dma_start3A_29 = tpu.memref_slice %arg2[%add3A, %dma_start3A, %dma_start3A_28] : memref<32x80x128xi32, #tpu.memory_space<hbm>> -> memref<1x80x128xi32, #tpu.memory_space<hbm>>
      %dma_start3A_30 = tpu.memref_squeeze %dma_start3A_29 : memref<1x80x128xi32, #tpu.memory_space<hbm>> -> memref<80x128xi32, #tpu.memory_space<hbm>>
      %dma_start3A_31 = arith.constant 0 : i32
      %dma_start3A_32 = arith.constant 0 : i32
      %dma_start3A_33 = tpu.memref_slice %arg2[%add3A, %dma_start3A_31, %dma_start3A_32] : memref<32x80x128xi32, #tpu.memory_space<hbm>> -> memref<1x80x128xi32, #tpu.memory_space<hbm>>
      %dma_start3A_34 = tpu.memref_squeeze %dma_start3A_33 : memref<1x80x128xi32, #tpu.memory_space<hbm>> -> memref<80x128xi32, #tpu.memory_space<hbm>>
      tpu.enqueue_dma source(%dma_start3A_34 : memref<80x128xi32, #tpu.memory_space<hbm>>) target(%arg5 : memref<80x128xi32, #tpu.memory_space<vmem>>) target_semaphore(%run_scoped3A : memref<!tpu.dma_semaphore, #tpu.memory_space<semaphore_mem>>)
      %dma_wait3A = arith.constant 0 : i32
      %dma_wait3A_35 = arith.constant 0 : i32
      %dma_wait3A_36 = tpu.memref_slice %arg2[%add3A, %dma_wait3A, %dma_wait3A_35] : memref<32x80x128xi32, #tpu.memory_space<hbm>> -> memref<1x80x128xi32, #tpu.memory_space<hbm>>
      %dma_wait3A_37 = tpu.memref_squeeze %dma_wait3A_36 : memref<1x80x128xi32, #tpu.memory_space<hbm>> -> memref<80x128xi32, #tpu.memory_space<hbm>>
      %dma_wait3A_38 = arith.constant 0 : i32
      %dma_wait3A_39 = arith.constant 0 : i32
      %dma_wait3A_40 = tpu.memref_slice %arg2[%add3A, %dma_wait3A_38, %dma_wait3A_39] : memref<32x80x128xi32, #tpu.memory_space<hbm>> -> memref<1x80x128xi32, #tpu.memory_space<hbm>>
      %dma_wait3A_41 = tpu.memref_squeeze %dma_wait3A_40 : memref<1x80x128xi32, #tpu.memory_space<hbm>> -> memref<80x128xi32, #tpu.memory_space<hbm>>
      tpu.wait_dma2 semaphore(%run_scoped3A : memref<!tpu.dma_semaphore, #tpu.memory_space<semaphore_mem>>) src(%dma_wait3A_41 : memref<80x128xi32, #tpu.memory_space<hbm>>) dst(%arg5 : memref<80x128xi32, #tpu.memory_space<vmem>>)
      tpu.yield
    }) : () -> ()
    %scan3A = arith.constant 0 : i32
    %scan3A_1 = arith.constant 0 : i32
    %scan3A_2 = arith.constant 40 : i32
    %scan3A_3 = arith.addi %scan3A_1, %scan3A_2 : i32
    %scan3A_4 = arith.constant 1 : i32
    scf.for %scan3A_28 = %scan3A_1 to %scan3A_3 step %scan3A_4  : i32 {
      %broadcast_in_dim3A = arith.constant 0.000000e+00 : f32
      %broadcast_in_dim3A_29 = vector.broadcast %broadcast_in_dim3A : f32 to vector<16xf32>
      %mul3A_30 = arith.constant 16 : i32
      %mul3A_31 = arith.muli %scan3A_28, %mul3A_30 : i32
      %swap3A = arith.index_cast %mul3A_31 : i32 to index
      %swap3A_32 = tpu.vector_load %arg7[%swap3A] {strides = array<i32>} : memref<640xf32, #tpu.memory_space<vmem>>, vector<16xf32>,
      %swap3A_33 = vector.shape_cast %swap3A_32 : vector<16xf32> to vector<16xf32>
      %swap3A_34 = vector.shape_cast %broadcast_in_dim3A_29 : vector<16xf32> to vector<16xf32>
      tpu.vector_store %arg7[%swap3A], %swap3A_34 {strides = array<i32>} : memref<640xf32, #tpu.memory_space<vmem>>, vector<16xf32>,
    }
    %scan3A_5 = arith.constant 40 : i32
    %mul3A_6 = arith.constant 640 : i32
    %mul3A_7 = arith.muli %arg1, %mul3A_6 : i32
    "tpu.region"() ({
      %run_scoped3A = tpu.sem_alloc : memref<!tpu.dma_semaphore, #tpu.memory_space<semaphore_mem>>
      %dma_start3A = tpu.memref_slice %arg8[%mul3A_7] : memref<10240xf32, #tpu.memory_space<vmem_shared>> -> memref<640xf32, #tpu.memory_space<vmem_shared>>
      %dma_start3A_28 = tpu.memref_slice %arg8[%mul3A_7] : memref<10240xf32, #tpu.memory_space<vmem_shared>> -> memref<640xf32, #tpu.memory_space<vmem_shared>>
      tpu.enqueue_dma source(%arg7 : memref<640xf32, #tpu.memory_space<vmem>>) target(%dma_start3A_28 : memref<640xf32, #tpu.memory_space<vmem_shared>>) target_semaphore(%run_scoped3A : memref<!tpu.dma_semaphore, #tpu.memory_space<semaphore_mem>>)
      %dma_wait3A = tpu.memref_slice %arg8[%mul3A_7] : memref<10240xf32, #tpu.memory_space<vmem_shared>> -> memref<640xf32, #tpu.memory_space<vmem_shared>>
      %dma_wait3A_29 = tpu.memref_slice %arg8[%mul3A_7] : memref<10240xf32, #tpu.memory_space<vmem_shared>> -> memref<640xf32, #tpu.memory_space<vmem_shared>>
      tpu.wait_dma2 semaphore(%run_scoped3A : memref<!tpu.dma_semaphore, #tpu.memory_space<semaphore_mem>>) src(%arg7 : memref<640xf32, #tpu.memory_space<vmem>>) dst(%dma_wait3A_29 : memref<640xf32, #tpu.memory_space<vmem_shared>>)
      tpu.yield
    }) : () -> ()
    %barrier3A = arith.constant 0 : index
    tpu.barrier barrier_id(%barrier3A)
    %scan3A_8 = arith.constant 0 : i32
    %scan3A_9 = arith.constant 0 : i32
    %scan3A_10 = arith.constant 80 : i32
    %scan3A_11 = arith.addi %scan3A_9, %scan3A_10 : i32
    %scan3A_12 = arith.constant 1 : i32
    scf.for %scan3A_28 = %scan3A_9 to %scan3A_11 step %scan3A_12  : i32 {
      %dma_start3A = arith.constant 0 : i32
      %dma_start3A_29 = tpu.memref_slice %arg5[%scan3A_28, %dma_start3A] : memref<80x128xi32, #tpu.memory_space<vmem>> -> memref<1x128xi32, #tpu.memory_space<vmem>>
      %dma_start3A_30 = tpu.memref_squeeze %dma_start3A_29 : memref<1x128xi32, #tpu.memory_space<vmem>> -> memref<128xi32, #tpu.memory_space<vmem>>
      %dma_start3A_31 = arith.constant 0 : i32
      %dma_start3A_32 = tpu.memref_slice %arg8[%dma_start3A_31] : memref<10240xf32, #tpu.memory_space<vmem_shared>> -> memref<10240xf32, #tpu.memory_space<vmem_shared>>
      tpu.enqueue_indirect_dma source(%arg6 : memref<128xf32, #tpu.memory_space<vmem>>) target(%dma_start3A_32 : memref<10240xf32, #tpu.memory_space<vmem_shared>>) offsets(%dma_start3A_30 : memref<128xi32, #tpu.memory_space<vmem>>) semaphore(%arg9 : memref<!tpu.dma_semaphore, #tpu.memory_space<semaphore_mem>>) {add = true}
    }
    %scan3A_13 = arith.constant 80 : i32
    %scan3A_14 = arith.constant 0 : i32
    %scan3A_15 = arith.constant 0 : i32
    %scan3A_16 = arith.constant 80 : i32
    %scan3A_17 = arith.addi %scan3A_15, %scan3A_16 : i32
    %scan3A_18 = arith.constant 1 : i32
    scf.for %scan3A_28 = %scan3A_15 to %scan3A_17 step %scan3A_18  : i32 {
      %dma_wait3A = arith.constant 0 : i32
      %dma_wait3A_29 = arith.constant 0 : i32
      %dma_wait3A_30 = tpu.memref_slice %arg5[%dma_wait3A, %dma_wait3A_29] : memref<80x128xi32, #tpu.memory_space<vmem>> -> memref<1x128xi32, #tpu.memory_space<vmem>>
      %dma_wait3A_31 = tpu.memref_squeeze %dma_wait3A_30 : memref<1x128xi32, #tpu.memory_space<vmem>> -> memref<128xi32, #tpu.memory_space<vmem>>
      %dma_wait3A_32 = arith.constant 0 : i32
      %dma_wait3A_33 = tpu.memref_slice %arg8[%dma_wait3A_32] : memref<10240xf32, #tpu.memory_space<vmem_shared>> -> memref<10240xf32, #tpu.memory_space<vmem_shared>>
      tpu.wait_indirect_dma semaphore(%arg9 : memref<!tpu.dma_semaphore, #tpu.memory_space<semaphore_mem>>) src(%arg6 : memref<128xf32, #tpu.memory_space<vmem>>) dst(%dma_wait3A_33 : memref<10240xf32, #tpu.memory_space<vmem_shared>>)
    }
    %scan3A_19 = arith.constant 80 : i32
    %barrier3A_20 = arith.constant 0 : index
    tpu.barrier barrier_id(%barrier3A_20)
    %mul3A_21 = arith.constant 640 : i32
    %mul3A_22 = arith.muli %arg1, %mul3A_21 : i32
    %mul3A_23 = arith.constant 10240 : i32
    %mul3A_24 = arith.muli %arg0, %mul3A_23 : i32
    %mul3A_25 = arith.constant 640 : i32
    %mul3A_26 = arith.muli %arg1, %mul3A_25 : i32
    %add3A_27 = arith.addi %mul3A_24, %mul3A_26 : i32
    "tpu.region"() ({
      %run_scoped3A = tpu.sem_alloc : memref<!tpu.dma_semaphore, #tpu.memory_space<semaphore_mem>>
      %dma_start3A = tpu.memref_slice %arg4[%add3A_27] : memref<20480xf32, #tpu.memory_space<hbm>> -> memref<640xf32, #tpu.memory_space<hbm>>
      %dma_start3A_28 = tpu.memref_slice %arg8[%mul3A_22] : memref<10240xf32, #tpu.memory_space<vmem_shared>> -> memref<640xf32, #tpu.memory_space<vmem_shared>>
      tpu.enqueue_dma source(%dma_start3A_28 : memref<640xf32, #tpu.memory_space<vmem_shared>>) target(%dma_start3A : memref<640xf32, #tpu.memory_space<hbm>>) target_semaphore(%run_scoped3A : memref<!tpu.dma_semaphore, #tpu.memory_space<semaphore_mem>>)
      %dma_wait3A = tpu.memref_slice %arg4[%add3A_27] : memref<20480xf32, #tpu.memory_space<hbm>> -> memref<640xf32, #tpu.memory_space<hbm>>
      %dma_wait3A_29 = tpu.memref_slice %arg8[%mul3A_22] : memref<10240xf32, #tpu.memory_space<vmem_shared>> -> memref<640xf32, #tpu.memory_space<vmem_shared>>
      tpu.wait_dma2 semaphore(%run_scoped3A : memref<!tpu.dma_semaphore, #tpu.memory_space<semaphore_mem>>) src(%dma_wait3A_29 : memref<640xf32, #tpu.memory_space<vmem_shared>>) dst(%dma_wait3A : memref<640xf32, #tpu.memory_space<hbm>>)
      tpu.yield
    }) : () -> ()
    return
  }
}

#map = affine_map<(d0, d1) -> (0, 0)>
#map1 = affine_map<(d0, d1) -> (0, 0, 0, 0)>
#map2 = affine_map<(d0, d1) -> (0, 0, 0)>
module attributes {stable_mosaic.version = 14 : i64} {
  func.func @agg_sc(%arg0: i32, %arg1: i32, %arg2: memref<10000x128xf32, #tpu.memory_space<hbm>>, %arg3: memref<32x80x2x128xi32, #tpu.memory_space<hbm>>, %arg4: memref<10000x128xf32, #tpu.memory_space<hbm>>, %arg5: memref<2x10000x128xf32, #tpu.memory_space<hbm>>, %arg6: memref<2x128xi32, #tpu.memory_space<vmem>>, %arg7: memref<2x128xi32, #tpu.memory_space<vmem>>, %arg8: memref<2x128xi32, #tpu.memory_space<vmem>>, %arg9: memref<2x128xi32, #tpu.memory_space<vmem>>, %arg10: memref<2x128x128xf32, #tpu.memory_space<vmem>>, %arg11: memref<10240x128xf32, #tpu.memory_space<vmem_shared>>, %arg12: memref<2x!tpu.dma_semaphore, #tpu.memory_space<semaphore_mem>>, %arg13: memref<2x!tpu.dma_semaphore, #tpu.memory_space<semaphore_mem>>, %arg14: memref<!tpu.dma_semaphore, #tpu.memory_space<semaphore_mem>>) attributes {dimension_semantics = [#tpu.dimension_semantics<core_parallel>, #tpu.dimension_semantics<subcore_parallel>], iteration_bounds = array<i64: 2, 16>, scalar_prefetch = 0 : i64, scratch_operands = 9 : i64, tpu.core_type = #tpu.core_type<sc_vector_subcore>, window_params = [{transform_indices = #map}, {transform_indices = #map1}, {transform_indices = #map}, {transform_indices = #map2}]} {
    %mul3A = arith.constant 16 : i32
    %mul3A_0 = arith.muli %arg0, %mul3A : i32
    %add3A = arith.addi %mul3A_0, %arg1 : i32
    %run_scoped3A = arith.constant 0 : i32
    "tpu.region"() ({
      %run_scoped3A_582 = tpu.sem_alloc : memref<!tpu.dma_semaphore, #tpu.memory_space<semaphore_mem>>
      %dma_start3A_583 = arith.constant 0 : i32
      %dma_start3A_584 = arith.constant 0 : i32
      %dma_start3A_585 = tpu.memref_slice %arg3[%add3A, %run_scoped3A, %dma_start3A_583, %dma_start3A_584] : memref<32x80x2x128xi32, #tpu.memory_space<hbm>> -> memref<1x1x2x128xi32, #tpu.memory_space<hbm>>
      %dma_start3A_586 = tpu.memref_squeeze %dma_start3A_585 : memref<1x1x2x128xi32, #tpu.memory_space<hbm>> -> memref<2x128xi32, #tpu.memory_space<hbm>>
      %dma_start3A_587 = arith.constant 0 : i32
      %dma_start3A_588 = arith.constant 0 : i32
      %dma_start3A_589 = tpu.memref_slice %arg3[%add3A, %run_scoped3A, %dma_start3A_587, %dma_start3A_588] : memref<32x80x2x128xi32, #tpu.memory_space<hbm>> -> memref<1x1x2x128xi32, #tpu.memory_space<hbm>>
      %dma_start3A_590 = tpu.memref_squeeze %dma_start3A_589 : memref<1x1x2x128xi32, #tpu.memory_space<hbm>> -> memref<2x128xi32, #tpu.memory_space<hbm>>
      tpu.enqueue_dma source(%dma_start3A_590 : memref<2x128xi32, #tpu.memory_space<hbm>>) target(%arg6 : memref<2x128xi32, #tpu.memory_space<vmem>>) target_semaphore(%run_scoped3A_582 : memref<!tpu.dma_semaphore, #tpu.memory_space<semaphore_mem>>)
      %dma_wait3A_591 = arith.constant 0 : i32
      %dma_wait3A_592 = arith.constant 0 : i32
      %dma_wait3A_593 = tpu.memref_slice %arg3[%add3A, %run_scoped3A, %dma_wait3A_591, %dma_wait3A_592] : memref<32x80x2x128xi32, #tpu.memory_space<hbm>> -> memref<1x1x2x128xi32, #tpu.memory_space<hbm>>
      %dma_wait3A_594 = tpu.memref_squeeze %dma_wait3A_593 : memref<1x1x2x128xi32, #tpu.memory_space<hbm>> -> memref<2x128xi32, #tpu.memory_space<hbm>>
      %dma_wait3A_595 = arith.constant 0 : i32
      %dma_wait3A_596 = arith.constant 0 : i32
      %dma_wait3A_597 = tpu.memref_slice %arg3[%add3A, %run_scoped3A, %dma_wait3A_595, %dma_wait3A_596] : memref<32x80x2x128xi32, #tpu.memory_space<hbm>> -> memref<1x1x2x128xi32, #tpu.memory_space<hbm>>
      %dma_wait3A_598 = tpu.memref_squeeze %dma_wait3A_597 : memref<1x1x2x128xi32, #tpu.memory_space<hbm>> -> memref<2x128xi32, #tpu.memory_space<hbm>>
      tpu.wait_dma2 semaphore(%run_scoped3A_582 : memref<!tpu.dma_semaphore, #tpu.memory_space<semaphore_mem>>) src(%dma_wait3A_598 : memref<2x128xi32, #tpu.memory_space<hbm>>) dst(%arg6 : memref<2x128xi32, #tpu.memory_space<vmem>>)
      tpu.yield
    }) : () -> ()
    %run_scoped3A_1 = arith.constant 1 : i32
    "tpu.region"() ({
      %run_scoped3A_582 = tpu.sem_alloc : memref<!tpu.dma_semaphore, #tpu.memory_space<semaphore_mem>>
      %dma_start3A_583 = arith.constant 0 : i32
      %dma_start3A_584 = arith.constant 0 : i32
      %dma_start3A_585 = tpu.memref_slice %arg3[%add3A, %run_scoped3A_1, %dma_start3A_583, %dma_start3A_584] : memref<32x80x2x128xi32, #tpu.memory_space<hbm>> -> memref<1x1x2x128xi32, #tpu.memory_space<hbm>>
      %dma_start3A_586 = tpu.memref_squeeze %dma_start3A_585 : memref<1x1x2x128xi32, #tpu.memory_space<hbm>> -> memref<2x128xi32, #tpu.memory_space<hbm>>
      %dma_start3A_587 = arith.constant 0 : i32
      %dma_start3A_588 = arith.constant 0 : i32
      %dma_start3A_589 = tpu.memref_slice %arg3[%add3A, %run_scoped3A_1, %dma_start3A_587, %dma_start3A_588] : memref<32x80x2x128xi32, #tpu.memory_space<hbm>> -> memref<1x1x2x128xi32, #tpu.memory_space<hbm>>
      %dma_start3A_590 = tpu.memref_squeeze %dma_start3A_589 : memref<1x1x2x128xi32, #tpu.memory_space<hbm>> -> memref<2x128xi32, #tpu.memory_space<hbm>>
      tpu.enqueue_dma source(%dma_start3A_590 : memref<2x128xi32, #tpu.memory_space<hbm>>) target(%arg7 : memref<2x128xi32, #tpu.memory_space<vmem>>) target_semaphore(%run_scoped3A_582 : memref<!tpu.dma_semaphore, #tpu.memory_space<semaphore_mem>>)
      %dma_wait3A_591 = arith.constant 0 : i32
      %dma_wait3A_592 = arith.constant 0 : i32
      %dma_wait3A_593 = tpu.memref_slice %arg3[%add3A, %run_scoped3A_1, %dma_wait3A_591, %dma_wait3A_592] : memref<32x80x2x128xi32, #tpu.memory_space<hbm>> -> memref<1x1x2x128xi32, #tpu.memory_space<hbm>>
      %dma_wait3A_594 = tpu.memref_squeeze %dma_wait3A_593 : memref<1x1x2x128xi32, #tpu.memory_space<hbm>> -> memref<2x128xi32, #tpu.memory_space<hbm>>
      %dma_wait3A_595 = arith.constant 0 : i32
      %dma_wait3A_596 = arith.constant 0 : i32
      %dma_wait3A_597 = tpu.memref_slice %arg3[%add3A, %run_scoped3A_1, %dma_wait3A_595, %dma_wait3A_596] : memref<32x80x2x128xi32, #tpu.memory_space<hbm>> -> memref<1x1x2x128xi32, #tpu.memory_space<hbm>>
      %dma_wait3A_598 = tpu.memref_squeeze %dma_wait3A_597 : memref<1x1x2x128xi32, #tpu.memory_space<hbm>> -> memref<2x128xi32, #tpu.memory_space<hbm>>
      tpu.wait_dma2 semaphore(%run_scoped3A_582 : memref<!tpu.dma_semaphore, #tpu.memory_space<semaphore_mem>>) src(%dma_wait3A_598 : memref<2x128xi32, #tpu.memory_space<hbm>>) dst(%arg7 : memref<2x128xi32, #tpu.memory_space<vmem>>)
      tpu.yield
    }) : () -> ()
    %dma_start3A = arith.constant 0 : i32
    %dma_start3A_2 = arith.constant 0 : i32
    %dma_start3A_3 = arith.constant 0 : i32
    %dma_start3A_4 = arith.constant 0 : i32
    %dma_start3A_5 = arith.constant 0 : i32
    %dma_start3A_6 = tpu.memref_slice %arg10[%dma_start3A_2, %dma_start3A_4, %dma_start3A_5] : memref<2x128x128xf32, #tpu.memory_space<vmem>> -> memref<1x128x128xf32, #tpu.memory_space<vmem>>
    %dma_start3A_7 = tpu.memref_squeeze %dma_start3A_6 : memref<1x128x128xf32, #tpu.memory_space<vmem>> -> memref<128x128xf32, #tpu.memory_space<vmem>>
    %dma_start3A_8 = arith.constant 0 : i32
    %dma_start3A_9 = tpu.memref_slice %arg6[%dma_start3A, %dma_start3A_8] : memref<2x128xi32, #tpu.memory_space<vmem>> -> memref<1x128xi32, #tpu.memory_space<vmem>>
    %dma_start3A_10 = tpu.memref_squeeze %dma_start3A_9 : memref<1x128xi32, #tpu.memory_space<vmem>> -> memref<128xi32, #tpu.memory_space<vmem>>
    %dma_start3A_11 = arith.constant 0 : i32
    %dma_start3A_12 = arith.constant 0 : i32
    %dma_start3A_13 = tpu.memref_slice %arg2[%dma_start3A_11, %dma_start3A_12] : memref<10000x128xf32, #tpu.memory_space<hbm>> -> memref<10000x128xf32, #tpu.memory_space<hbm>>
    %dma_start3A_14 = tpu.memref_slice %arg12[%dma_start3A_3] : memref<2x!tpu.dma_semaphore, #tpu.memory_space<semaphore_mem>> -> memref<1x!tpu.dma_semaphore, #tpu.memory_space<semaphore_mem>>
    %dma_start3A_15 = tpu.memref_squeeze %dma_start3A_14 : memref<1x!tpu.dma_semaphore, #tpu.memory_space<semaphore_mem>> -> memref<!tpu.dma_semaphore, #tpu.memory_space<semaphore_mem>>
    tpu.enqueue_indirect_dma source(%dma_start3A_13 : memref<10000x128xf32, #tpu.memory_space<hbm>>) target(%dma_start3A_7 : memref<128x128xf32, #tpu.memory_space<vmem>>) offsets(%dma_start3A_10 : memref<128xi32, #tpu.memory_space<vmem>>) semaphore(%dma_start3A_15 : memref<!tpu.dma_semaphore, #tpu.memory_space<semaphore_mem>>)
    %scan3A = arith.constant 0 : i32
    %scan3A_16 = arith.constant 0 : i32
    %scan3A_17 = arith.constant 2 : i32
    %scan3A_18 = arith.addi %scan3A_16, %scan3A_17 : i32
    %scan3A_19 = arith.constant 1 : i32
    scf.for %scan3A_582 = %scan3A_16 to %scan3A_18 step %scan3A_19  : i32 {
      %mul3A_583 = arith.constant 16 : i32
      %mul3A_584 = arith.muli %scan3A_582, %mul3A_583 : i32
      %add3A_585 = arith.addi %mul3A_584, %arg1 : i32
      %lt3A = arith.constant 25 : i32
      %lt3A_586 = arith.cmpi slt, %add3A_585, %lt3A : i32
      %convert_element_type3A = arith.extui %lt3A_586 : i1 to i32
      %cond3A = arith.constant 0 : i32
      %cond3A_587 = arith.cmpi ne, %convert_element_type3A, %cond3A : i32
      scf.if %cond3A_587 {
        %mul3A_588 = arith.constant 400 : i32
        %mul3A_589 = arith.muli %add3A_585, %mul3A_588 : i32
        %mul3A_590 = arith.constant 400 : i32
        %mul3A_591 = arith.muli %add3A_585, %mul3A_590 : i32
        "tpu.region"() ({
          %run_scoped3A_592 = tpu.sem_alloc : memref<!tpu.dma_semaphore, #tpu.memory_space<semaphore_mem>>
          %dma_start3A_593 = arith.constant 0 : i32
          %dma_start3A_594 = tpu.memref_slice %arg11[%mul3A_591, %dma_start3A_593] : memref<10240x128xf32, #tpu.memory_space<vmem_shared>> -> memref<400x128xf32, #tpu.memory_space<vmem_shared>>
          %dma_start3A_595 = arith.constant 0 : i32
          %dma_start3A_596 = tpu.memref_slice %arg4[%mul3A_589, %dma_start3A_595] : memref<10000x128xf32, #tpu.memory_space<hbm>> -> memref<400x128xf32, #tpu.memory_space<hbm>>
          tpu.enqueue_dma source(%dma_start3A_596 : memref<400x128xf32, #tpu.memory_space<hbm>>) target(%dma_start3A_594 : memref<400x128xf32, #tpu.memory_space<vmem_shared>>) target_semaphore(%run_scoped3A_592 : memref<!tpu.dma_semaphore, #tpu.memory_space<semaphore_mem>>)
          %dma_wait3A_597 = arith.constant 0 : i32
          %dma_wait3A_598 = tpu.memref_slice %arg11[%mul3A_591, %dma_wait3A_597] : memref<10240x128xf32, #tpu.memory_space<vmem_shared>> -> memref<400x128xf32, #tpu.memory_space<vmem_shared>>
          %dma_wait3A_599 = arith.constant 0 : i32
          %dma_wait3A_600 = tpu.memref_slice %arg4[%mul3A_589, %dma_wait3A_599] : memref<10000x128xf32, #tpu.memory_space<hbm>> -> memref<400x128xf32, #tpu.memory_space<hbm>>
          tpu.wait_dma2 semaphore(%run_scoped3A_592 : memref<!tpu.dma_semaphore, #tpu.memory_space<semaphore_mem>>) src(%dma_wait3A_600 : memref<400x128xf32, #tpu.memory_space<hbm>>) dst(%dma_wait3A_598 : memref<400x128xf32, #tpu.memory_space<vmem_shared>>)
          tpu.yield
        }) : () -> ()
      } else {
      }
    }
    %scan3A_20 = arith.constant 2 : i32
    %barrier3A = arith.constant 0 : index
    tpu.barrier barrier_id(%barrier3A)
    %dma_wait3A = arith.constant 0 : i32
    %dma_wait3A_21 = arith.constant 0 : i32
    %dma_wait3A_22 = arith.constant 0 : i32
    %dma_wait3A_23 = arith.constant 0 : i32
    %dma_wait3A_24 = tpu.memref_slice %arg10[%dma_wait3A, %dma_wait3A_22, %dma_wait3A_23] : memref<2x128x128xf32, #tpu.memory_space<vmem>> -> memref<1x128x128xf32, #tpu.memory_space<vmem>>
    %dma_wait3A_25 = tpu.memref_squeeze %dma_wait3A_24 : memref<1x128x128xf32, #tpu.memory_space<vmem>> -> memref<128x128xf32, #tpu.memory_space<vmem>>
    %dma_wait3A_26 = arith.constant 0 : i32
    %dma_wait3A_27 = arith.constant 0 : i32
    %dma_wait3A_28 = tpu.memref_slice %arg2[%dma_wait3A_26, %dma_wait3A_27] : memref<10000x128xf32, #tpu.memory_space<hbm>> -> memref<128x128xf32, #tpu.memory_space<hbm>>
    %dma_wait3A_29 = tpu.memref_slice %arg12[%dma_wait3A_21] : memref<2x!tpu.dma_semaphore, #tpu.memory_space<semaphore_mem>> -> memref<1x!tpu.dma_semaphore, #tpu.memory_space<semaphore_mem>>
    %dma_wait3A_30 = tpu.memref_squeeze %dma_wait3A_29 : memref<1x!tpu.dma_semaphore, #tpu.memory_space<semaphore_mem>> -> memref<!tpu.dma_semaphore, #tpu.memory_space<semaphore_mem>>
    %dma_wait3A_31 = arith.constant 0 : i32
    %dma_wait3A_32 = arith.constant 0 : i32
    %dma_wait3A_33 = tpu.memref_slice %arg10[%dma_wait3A, %dma_wait3A_31, %dma_wait3A_32] : memref<2x128x128xf32, #tpu.memory_space<vmem>> -> memref<1x128x128xf32, #tpu.memory_space<vmem>>
    %dma_wait3A_34 = tpu.memref_squeeze %dma_wait3A_33 : memref<1x128x128xf32, #tpu.memory_space<vmem>> -> memref<128x128xf32, #tpu.memory_space<vmem>>
    %dma_wait3A_35 = arith.constant 0 : i32
    %dma_wait3A_36 = arith.constant 0 : i32
    %dma_wait3A_37 = tpu.memref_slice %arg2[%dma_wait3A_35, %dma_wait3A_36] : memref<10000x128xf32, #tpu.memory_space<hbm>> -> memref<128x128xf32, #tpu.memory_space<hbm>>
    tpu.wait_dma2 semaphore(%dma_wait3A_30 : memref<!tpu.dma_semaphore, #tpu.memory_space<semaphore_mem>>) src(%dma_wait3A_37 : memref<128x128xf32, #tpu.memory_space<hbm>>) dst(%dma_wait3A_34 : memref<128x128xf32, #tpu.memory_space<vmem>>)
    %dma_start3A_38 = arith.constant 0 : i32
    %dma_start3A_39 = arith.constant 1 : i32
    %dma_start3A_40 = arith.constant 0 : i32
    %dma_start3A_41 = arith.constant 0 : i32
    %dma_start3A_42 = arith.constant 0 : i32
    %dma_start3A_43 = tpu.memref_slice %arg10[%dma_start3A_38, %dma_start3A_41, %dma_start3A_42] : memref<2x128x128xf32, #tpu.memory_space<vmem>> -> memref<1x128x128xf32, #tpu.memory_space<vmem>>
    %dma_start3A_44 = tpu.memref_squeeze %dma_start3A_43 : memref<1x128x128xf32, #tpu.memory_space<vmem>> -> memref<128x128xf32, #tpu.memory_space<vmem>>
    %dma_start3A_45 = arith.constant 0 : i32
    %dma_start3A_46 = tpu.memref_slice %arg6[%dma_start3A_39, %dma_start3A_45] : memref<2x128xi32, #tpu.memory_space<vmem>> -> memref<1x128xi32, #tpu.memory_space<vmem>>
    %dma_start3A_47 = tpu.memref_squeeze %dma_start3A_46 : memref<1x128xi32, #tpu.memory_space<vmem>> -> memref<128xi32, #tpu.memory_space<vmem>>
    %dma_start3A_48 = arith.constant 0 : i32
    %dma_start3A_49 = arith.constant 0 : i32
    %dma_start3A_50 = tpu.memref_slice %arg11[%dma_start3A_48, %dma_start3A_49] : memref<10240x128xf32, #tpu.memory_space<vmem_shared>> -> memref<10240x128xf32, #tpu.memory_space<vmem_shared>>
    %dma_start3A_51 = tpu.memref_slice %arg13[%dma_start3A_40] : memref<2x!tpu.dma_semaphore, #tpu.memory_space<semaphore_mem>> -> memref<1x!tpu.dma_semaphore, #tpu.memory_space<semaphore_mem>>
    %dma_start3A_52 = tpu.memref_squeeze %dma_start3A_51 : memref<1x!tpu.dma_semaphore, #tpu.memory_space<semaphore_mem>> -> memref<!tpu.dma_semaphore, #tpu.memory_space<semaphore_mem>>
    tpu.enqueue_indirect_dma source(%dma_start3A_44 : memref<128x128xf32, #tpu.memory_space<vmem>>) target(%dma_start3A_50 : memref<10240x128xf32, #tpu.memory_space<vmem_shared>>) offsets(%dma_start3A_47 : memref<128xi32, #tpu.memory_space<vmem>>) semaphore(%dma_start3A_52 : memref<!tpu.dma_semaphore, #tpu.memory_space<semaphore_mem>>) {add = true}
    %dma_start3A_53 = arith.constant 0 : i32
    %dma_start3A_54 = arith.constant 1 : i32
    %dma_start3A_55 = arith.constant 1 : i32
    %dma_start3A_56 = arith.constant 0 : i32
    %dma_start3A_57 = arith.constant 0 : i32
    %dma_start3A_58 = tpu.memref_slice %arg10[%dma_start3A_54, %dma_start3A_56, %dma_start3A_57] : memref<2x128x128xf32, #tpu.memory_space<vmem>> -> memref<1x128x128xf32, #tpu.memory_space<vmem>>
    %dma_start3A_59 = tpu.memref_squeeze %dma_start3A_58 : memref<1x128x128xf32, #tpu.memory_space<vmem>> -> memref<128x128xf32, #tpu.memory_space<vmem>>
    %dma_start3A_60 = arith.constant 0 : i32
    %dma_start3A_61 = tpu.memref_slice %arg7[%dma_start3A_53, %dma_start3A_60] : memref<2x128xi32, #tpu.memory_space<vmem>> -> memref<1x128xi32, #tpu.memory_space<vmem>>
    %dma_start3A_62 = tpu.memref_squeeze %dma_start3A_61 : memref<1x128xi32, #tpu.memory_space<vmem>> -> memref<128xi32, #tpu.memory_space<vmem>>
    %dma_start3A_63 = arith.constant 0 : i32
    %dma_start3A_64 = arith.constant 0 : i32
    %dma_start3A_65 = tpu.memref_slice %arg2[%dma_start3A_63, %dma_start3A_64] : memref<10000x128xf32, #tpu.memory_space<hbm>> -> memref<10000x128xf32, #tpu.memory_space<hbm>>
    %dma_start3A_66 = tpu.memref_slice %arg12[%dma_start3A_55] : memref<2x!tpu.dma_semaphore, #tpu.memory_space<semaphore_mem>> -> memref<1x!tpu.dma_semaphore, #tpu.memory_space<semaphore_mem>>
    %dma_start3A_67 = tpu.memref_squeeze %dma_start3A_66 : memref<1x!tpu.dma_semaphore, #tpu.memory_space<semaphore_mem>> -> memref<!tpu.dma_semaphore, #tpu.memory_space<semaphore_mem>>
    tpu.enqueue_indirect_dma source(%dma_start3A_65 : memref<10000x128xf32, #tpu.memory_space<hbm>>) target(%dma_start3A_59 : memref<128x128xf32, #tpu.memory_space<vmem>>) offsets(%dma_start3A_62 : memref<128xi32, #tpu.memory_space<vmem>>) semaphore(%dma_start3A_67 : memref<!tpu.dma_semaphore, #tpu.memory_space<semaphore_mem>>)
    %dma_start3A_68 = arith.constant 2 : i32
    %dma_start3A_69 = arith.constant 0 : i32
    %dma_start3A_70 = arith.constant 0 : i32
    %dma_start3A_71 = tpu.memref_slice %arg3[%add3A, %dma_start3A_68, %dma_start3A_69, %dma_start3A_70] : memref<32x80x2x128xi32, #tpu.memory_space<hbm>> -> memref<1x1x2x128xi32, #tpu.memory_space<hbm>>
    %dma_start3A_72 = tpu.memref_squeeze %dma_start3A_71 : memref<1x1x2x128xi32, #tpu.memory_space<hbm>> -> memref<2x128xi32, #tpu.memory_space<hbm>>
    %dma_start3A_73 = arith.constant 0 : i32
    %dma_start3A_74 = arith.constant 0 : i32
    %dma_start3A_75 = tpu.memref_slice %arg3[%add3A, %dma_start3A_68, %dma_start3A_73, %dma_start3A_74] : memref<32x80x2x128xi32, #tpu.memory_space<hbm>> -> memref<1x1x2x128xi32, #tpu.memory_space<hbm>>
    %dma_start3A_76 = tpu.memref_squeeze %dma_start3A_75 : memref<1x1x2x128xi32, #tpu.memory_space<hbm>> -> memref<2x128xi32, #tpu.memory_space<hbm>>
    tpu.enqueue_dma source(%dma_start3A_76 : memref<2x128xi32, #tpu.memory_space<hbm>>) target(%arg8 : memref<2x128xi32, #tpu.memory_space<vmem>>) target_semaphore(%arg14 : memref<!tpu.dma_semaphore, #tpu.memory_space<semaphore_mem>>)
    %dma_wait3A_77 = arith.constant 1 : i32
    %dma_wait3A_78 = arith.constant 1 : i32
    %dma_wait3A_79 = arith.constant 0 : i32
    %dma_wait3A_80 = arith.constant 0 : i32
    %dma_wait3A_81 = tpu.memref_slice %arg10[%dma_wait3A_77, %dma_wait3A_79, %dma_wait3A_80] : memref<2x128x128xf32, #tpu.memory_space<vmem>> -> memref<1x128x128xf32, #tpu.memory_space<vmem>>
    %dma_wait3A_82 = tpu.memref_squeeze %dma_wait3A_81 : memref<1x128x128xf32, #tpu.memory_space<vmem>> -> memref<128x128xf32, #tpu.memory_space<vmem>>
    %dma_wait3A_83 = arith.constant 0 : i32
    %dma_wait3A_84 = arith.constant 0 : i32
    %dma_wait3A_85 = tpu.memref_slice %arg2[%dma_wait3A_83, %dma_wait3A_84] : memref<10000x128xf32, #tpu.memory_space<hbm>> -> memref<128x128xf32, #tpu.memory_space<hbm>>
    %dma_wait3A_86 = tpu.memref_slice %arg12[%dma_wait3A_78] : memref<2x!tpu.dma_semaphore, #tpu.memory_space<semaphore_mem>> -> memref<1x!tpu.dma_semaphore, #tpu.memory_space<semaphore_mem>>
    %dma_wait3A_87 = tpu.memref_squeeze %dma_wait3A_86 : memref<1x!tpu.dma_semaphore, #tpu.memory_space<semaphore_mem>> -> memref<!tpu.dma_semaphore, #tpu.memory_space<semaphore_mem>>
    %dma_wait3A_88 = arith.constant 0 : i32
    %dma_wait3A_89 = arith.constant 0 : i32
    %dma_wait3A_90 = tpu.memref_slice %arg10[%dma_wait3A_77, %dma_wait3A_88, %dma_wait3A_89] : memref<2x128x128xf32, #tpu.memory_space<vmem>> -> memref<1x128x128xf32, #tpu.memory_space<vmem>>
    %dma_wait3A_91 = tpu.memref_squeeze %dma_wait3A_90 : memref<1x128x128xf32, #tpu.memory_space<vmem>> -> memref<128x128xf32, #tpu.memory_space<vmem>>
    %dma_wait3A_92 = arith.constant 0 : i32
    %dma_wait3A_93 = arith.constant 0 : i32
    %dma_wait3A_94 = tpu.memref_slice %arg2[%dma_wait3A_92, %dma_wait3A_93] : memref<10000x128xf32, #tpu.memory_space<hbm>> -> memref<128x128xf32, #tpu.memory_space<hbm>>
    tpu.wait_dma2 semaphore(%dma_wait3A_87 : memref<!tpu.dma_semaphore, #tpu.memory_space<semaphore_mem>>) src(%dma_wait3A_94 : memref<128x128xf32, #tpu.memory_space<hbm>>) dst(%dma_wait3A_91 : memref<128x128xf32, #tpu.memory_space<vmem>>)
    %dma_start3A_95 = arith.constant 1 : i32
    %dma_start3A_96 = arith.constant 1 : i32
    %dma_start3A_97 = arith.constant 1 : i32
    %dma_start3A_98 = arith.constant 0 : i32
    %dma_start3A_99 = arith.constant 0 : i32
    %dma_start3A_100 = tpu.memref_slice %arg10[%dma_start3A_95, %dma_start3A_98, %dma_start3A_99] : memref<2x128x128xf32, #tpu.memory_space<vmem>> -> memref<1x128x128xf32, #tpu.memory_space<vmem>>
    %dma_start3A_101 = tpu.memref_squeeze %dma_start3A_100 : memref<1x128x128xf32, #tpu.memory_space<vmem>> -> memref<128x128xf32, #tpu.memory_space<vmem>>
    %dma_start3A_102 = arith.constant 0 : i32
    %dma_start3A_103 = tpu.memref_slice %arg7[%dma_start3A_96, %dma_start3A_102] : memref<2x128xi32, #tpu.memory_space<vmem>> -> memref<1x128xi32, #tpu.memory_space<vmem>>
    %dma_start3A_104 = tpu.memref_squeeze %dma_start3A_103 : memref<1x128xi32, #tpu.memory_space<vmem>> -> memref<128xi32, #tpu.memory_space<vmem>>
    %dma_start3A_105 = arith.constant 0 : i32
    %dma_start3A_106 = arith.constant 0 : i32
    %dma_start3A_107 = tpu.memref_slice %arg11[%dma_start3A_105, %dma_start3A_106] : memref<10240x128xf32, #tpu.memory_space<vmem_shared>> -> memref<10240x128xf32, #tpu.memory_space<vmem_shared>>
    %dma_start3A_108 = tpu.memref_slice %arg13[%dma_start3A_97] : memref<2x!tpu.dma_semaphore, #tpu.memory_space<semaphore_mem>> -> memref<1x!tpu.dma_semaphore, #tpu.memory_space<semaphore_mem>>
    %dma_start3A_109 = tpu.memref_squeeze %dma_start3A_108 : memref<1x!tpu.dma_semaphore, #tpu.memory_space<semaphore_mem>> -> memref<!tpu.dma_semaphore, #tpu.memory_space<semaphore_mem>>
    tpu.enqueue_indirect_dma source(%dma_start3A_101 : memref<128x128xf32, #tpu.memory_space<vmem>>) target(%dma_start3A_107 : memref<10240x128xf32, #tpu.memory_space<vmem_shared>>) offsets(%dma_start3A_104 : memref<128xi32, #tpu.memory_space<vmem>>) semaphore(%dma_start3A_109 : memref<!tpu.dma_semaphore, #tpu.memory_space<semaphore_mem>>) {add = true}
    %dma_wait3A_110 = arith.constant 0 : i32
    %dma_wait3A_111 = arith.constant 0 : i32
    %dma_wait3A_112 = arith.constant 0 : i32
    %dma_wait3A_113 = tpu.memref_slice %arg3[%add3A, %dma_wait3A_110, %dma_wait3A_111, %dma_wait3A_112] : memref<32x80x2x128xi32, #tpu.memory_space<hbm>> -> memref<1x1x2x128xi32, #tpu.memory_space<hbm>>
    %dma_wait3A_114 = tpu.memref_squeeze %dma_wait3A_113 : memref<1x1x2x128xi32, #tpu.memory_space<hbm>> -> memref<2x128xi32, #tpu.memory_space<hbm>>
    %dma_wait3A_115 = arith.constant 0 : i32
    %dma_wait3A_116 = arith.constant 0 : i32
    %dma_wait3A_117 = tpu.memref_slice %arg3[%add3A, %dma_wait3A_110, %dma_wait3A_115, %dma_wait3A_116] : memref<32x80x2x128xi32, #tpu.memory_space<hbm>> -> memref<1x1x2x128xi32, #tpu.memory_space<hbm>>
    %dma_wait3A_118 = tpu.memref_squeeze %dma_wait3A_117 : memref<1x1x2x128xi32, #tpu.memory_space<hbm>> -> memref<2x128xi32, #tpu.memory_space<hbm>>
    tpu.wait_dma2 semaphore(%arg14 : memref<!tpu.dma_semaphore, #tpu.memory_space<semaphore_mem>>) src(%dma_wait3A_118 : memref<2x128xi32, #tpu.memory_space<hbm>>) dst(%arg6 : memref<2x128xi32, #tpu.memory_space<vmem>>)
    %dma_wait3A_119 = arith.constant 0 : i32
    %dma_wait3A_120 = tpu.memref_slice %arg13[%dma_wait3A_119] : memref<2x!tpu.dma_semaphore, #tpu.memory_space<semaphore_mem>> -> memref<1x!tpu.dma_semaphore, #tpu.memory_space<semaphore_mem>>
    %dma_wait3A_121 = tpu.memref_squeeze %dma_wait3A_120 : memref<1x!tpu.dma_semaphore, #tpu.memory_space<semaphore_mem>> -> memref<!tpu.dma_semaphore, #tpu.memory_space<semaphore_mem>>
    %dma_wait3A_122 = arith.constant 0 : i32
    %dma_wait3A_123 = arith.constant 0 : i32
    %dma_wait3A_124 = tpu.memref_slice %arg11[%dma_wait3A_122, %dma_wait3A_123] : memref<10240x128xf32, #tpu.memory_space<vmem_shared>> -> memref<128x128xf32, #tpu.memory_space<vmem_shared>>
    %dma_wait3A_125 = arith.constant 0 : i32
    %dma_wait3A_126 = arith.constant 0 : i32
    %dma_wait3A_127 = tpu.memref_slice %arg2[%dma_wait3A_125, %dma_wait3A_126] : memref<10000x128xf32, #tpu.memory_space<hbm>> -> memref<128x128xf32, #tpu.memory_space<hbm>>
    tpu.wait_dma2 semaphore(%dma_wait3A_121 : memref<!tpu.dma_semaphore, #tpu.memory_space<semaphore_mem>>) src(%dma_wait3A_127 : memref<128x128xf32, #tpu.memory_space<hbm>>) dst(%dma_wait3A_124 : memref<128x128xf32, #tpu.memory_space<vmem_shared>>)
    %dma_start3A_128 = arith.constant 0 : i32
    %dma_start3A_129 = arith.constant 0 : i32
    %dma_start3A_130 = arith.constant 0 : i32
    %dma_start3A_131 = arith.constant 0 : i32
    %dma_start3A_132 = arith.constant 0 : i32
    %dma_start3A_133 = tpu.memref_slice %arg10[%dma_start3A_129, %dma_start3A_131, %dma_start3A_132] : memref<2x128x128xf32, #tpu.memory_space<vmem>> -> memref<1x128x128xf32, #tpu.memory_space<vmem>>
    %dma_start3A_134 = tpu.memref_squeeze %dma_start3A_133 : memref<1x128x128xf32, #tpu.memory_space<vmem>> -> memref<128x128xf32, #tpu.memory_space<vmem>>
    %dma_start3A_135 = arith.constant 0 : i32
    %dma_start3A_136 = tpu.memref_slice %arg8[%dma_start3A_128, %dma_start3A_135] : memref<2x128xi32, #tpu.memory_space<vmem>> -> memref<1x128xi32, #tpu.memory_space<vmem>>
    %dma_start3A_137 = tpu.memref_squeeze %dma_start3A_136 : memref<1x128xi32, #tpu.memory_space<vmem>> -> memref<128xi32, #tpu.memory_space<vmem>>
    %dma_start3A_138 = arith.constant 0 : i32
    %dma_start3A_139 = arith.constant 0 : i32
    %dma_start3A_140 = tpu.memref_slice %arg2[%dma_start3A_138, %dma_start3A_139] : memref<10000x128xf32, #tpu.memory_space<hbm>> -> memref<10000x128xf32, #tpu.memory_space<hbm>>
    %dma_start3A_141 = tpu.memref_slice %arg12[%dma_start3A_130] : memref<2x!tpu.dma_semaphore, #tpu.memory_space<semaphore_mem>> -> memref<1x!tpu.dma_semaphore, #tpu.memory_space<semaphore_mem>>
    %dma_start3A_142 = tpu.memref_squeeze %dma_start3A_141 : memref<1x!tpu.dma_semaphore, #tpu.memory_space<semaphore_mem>> -> memref<!tpu.dma_semaphore, #tpu.memory_space<semaphore_mem>>
    tpu.enqueue_indirect_dma source(%dma_start3A_140 : memref<10000x128xf32, #tpu.memory_space<hbm>>) target(%dma_start3A_134 : memref<128x128xf32, #tpu.memory_space<vmem>>) offsets(%dma_start3A_137 : memref<128xi32, #tpu.memory_space<vmem>>) semaphore(%dma_start3A_142 : memref<!tpu.dma_semaphore, #tpu.memory_space<semaphore_mem>>)
    %dma_start3A_143 = arith.constant 3 : i32
    %dma_start3A_144 = arith.constant 0 : i32
    %dma_start3A_145 = arith.constant 0 : i32
    %dma_start3A_146 = tpu.memref_slice %arg3[%add3A, %dma_start3A_143, %dma_start3A_144, %dma_start3A_145] : memref<32x80x2x128xi32, #tpu.memory_space<hbm>> -> memref<1x1x2x128xi32, #tpu.memory_space<hbm>>
    %dma_start3A_147 = tpu.memref_squeeze %dma_start3A_146 : memref<1x1x2x128xi32, #tpu.memory_space<hbm>> -> memref<2x128xi32, #tpu.memory_space<hbm>>
    %dma_start3A_148 = arith.constant 0 : i32
    %dma_start3A_149 = arith.constant 0 : i32
    %dma_start3A_150 = tpu.memref_slice %arg3[%add3A, %dma_start3A_143, %dma_start3A_148, %dma_start3A_149] : memref<32x80x2x128xi32, #tpu.memory_space<hbm>> -> memref<1x1x2x128xi32, #tpu.memory_space<hbm>>
    %dma_start3A_151 = tpu.memref_squeeze %dma_start3A_150 : memref<1x1x2x128xi32, #tpu.memory_space<hbm>> -> memref<2x128xi32, #tpu.memory_space<hbm>>
    tpu.enqueue_dma source(%dma_start3A_151 : memref<2x128xi32, #tpu.memory_space<hbm>>) target(%arg9 : memref<2x128xi32, #tpu.memory_space<vmem>>) target_semaphore(%arg14 : memref<!tpu.dma_semaphore, #tpu.memory_space<semaphore_mem>>)
    %dma_wait3A_152 = arith.constant 0 : i32
    %dma_wait3A_153 = arith.constant 0 : i32
    %dma_wait3A_154 = arith.constant 0 : i32
    %dma_wait3A_155 = arith.constant 0 : i32
    %dma_wait3A_156 = tpu.memref_slice %arg10[%dma_wait3A_152, %dma_wait3A_154, %dma_wait3A_155] : memref<2x128x128xf32, #tpu.memory_space<vmem>> -> memref<1x128x128xf32, #tpu.memory_space<vmem>>
    %dma_wait3A_157 = tpu.memref_squeeze %dma_wait3A_156 : memref<1x128x128xf32, #tpu.memory_space<vmem>> -> memref<128x128xf32, #tpu.memory_space<vmem>>
    %dma_wait3A_158 = arith.constant 0 : i32
    %dma_wait3A_159 = arith.constant 0 : i32
    %dma_wait3A_160 = tpu.memref_slice %arg2[%dma_wait3A_158, %dma_wait3A_159] : memref<10000x128xf32, #tpu.memory_space<hbm>> -> memref<128x128xf32, #tpu.memory_space<hbm>>
    %dma_wait3A_161 = tpu.memref_slice %arg12[%dma_wait3A_153] : memref<2x!tpu.dma_semaphore, #tpu.memory_space<semaphore_mem>> -> memref<1x!tpu.dma_semaphore, #tpu.memory_space<semaphore_mem>>
    %dma_wait3A_162 = tpu.memref_squeeze %dma_wait3A_161 : memref<1x!tpu.dma_semaphore, #tpu.memory_space<semaphore_mem>> -> memref<!tpu.dma_semaphore, #tpu.memory_space<semaphore_mem>>
    %dma_wait3A_163 = arith.constant 0 : i32
    %dma_wait3A_164 = arith.constant 0 : i32
    %dma_wait3A_165 = tpu.memref_slice %arg10[%dma_wait3A_152, %dma_wait3A_163, %dma_wait3A_164] : memref<2x128x128xf32, #tpu.memory_space<vmem>> -> memref<1x128x128xf32, #tpu.memory_space<vmem>>
    %dma_wait3A_166 = tpu.memref_squeeze %dma_wait3A_165 : memref<1x128x128xf32, #tpu.memory_space<vmem>> -> memref<128x128xf32, #tpu.memory_space<vmem>>
    %dma_wait3A_167 = arith.constant 0 : i32
    %dma_wait3A_168 = arith.constant 0 : i32
    %dma_wait3A_169 = tpu.memref_slice %arg2[%dma_wait3A_167, %dma_wait3A_168] : memref<10000x128xf32, #tpu.memory_space<hbm>> -> memref<128x128xf32, #tpu.memory_space<hbm>>
    tpu.wait_dma2 semaphore(%dma_wait3A_162 : memref<!tpu.dma_semaphore, #tpu.memory_space<semaphore_mem>>) src(%dma_wait3A_169 : memref<128x128xf32, #tpu.memory_space<hbm>>) dst(%dma_wait3A_166 : memref<128x128xf32, #tpu.memory_space<vmem>>)
    %dma_start3A_170 = arith.constant 0 : i32
    %dma_start3A_171 = arith.constant 1 : i32
    %dma_start3A_172 = arith.constant 0 : i32
    %dma_start3A_173 = arith.constant 0 : i32
    %dma_start3A_174 = arith.constant 0 : i32
    %dma_start3A_175 = tpu.memref_slice %arg10[%dma_start3A_170, %dma_start3A_173, %dma_start3A_174] : memref<2x128x128xf32, #tpu.memory_space<vmem>> -> memref<1x128x128xf32, #tpu.memory_space<vmem>>
    %dma_start3A_176 = tpu.memref_squeeze %dma_start3A_175 : memref<1x128x128xf32, #tpu.memory_space<vmem>> -> memref<128x128xf32, #tpu.memory_space<vmem>>
    %dma_start3A_177 = arith.constant 0 : i32
    %dma_start3A_178 = tpu.memref_slice %arg8[%dma_start3A_171, %dma_start3A_177] : memref<2x128xi32, #tpu.memory_space<vmem>> -> memref<1x128xi32, #tpu.memory_space<vmem>>
    %dma_start3A_179 = tpu.memref_squeeze %dma_start3A_178 : memref<1x128xi32, #tpu.memory_space<vmem>> -> memref<128xi32, #tpu.memory_space<vmem>>
    %dma_start3A_180 = arith.constant 0 : i32
    %dma_start3A_181 = arith.constant 0 : i32
    %dma_start3A_182 = tpu.memref_slice %arg11[%dma_start3A_180, %dma_start3A_181] : memref<10240x128xf32, #tpu.memory_space<vmem_shared>> -> memref<10240x128xf32, #tpu.memory_space<vmem_shared>>
    %dma_start3A_183 = tpu.memref_slice %arg13[%dma_start3A_172] : memref<2x!tpu.dma_semaphore, #tpu.memory_space<semaphore_mem>> -> memref<1x!tpu.dma_semaphore, #tpu.memory_space<semaphore_mem>>
    %dma_start3A_184 = tpu.memref_squeeze %dma_start3A_183 : memref<1x!tpu.dma_semaphore, #tpu.memory_space<semaphore_mem>> -> memref<!tpu.dma_semaphore, #tpu.memory_space<semaphore_mem>>
    tpu.enqueue_indirect_dma source(%dma_start3A_176 : memref<128x128xf32, #tpu.memory_space<vmem>>) target(%dma_start3A_182 : memref<10240x128xf32, #tpu.memory_space<vmem_shared>>) offsets(%dma_start3A_179 : memref<128xi32, #tpu.memory_space<vmem>>) semaphore(%dma_start3A_184 : memref<!tpu.dma_semaphore, #tpu.memory_space<semaphore_mem>>) {add = true}
    %dma_wait3A_185 = arith.constant 0 : i32
    %dma_wait3A_186 = arith.constant 0 : i32
    %dma_wait3A_187 = arith.constant 0 : i32
    %dma_wait3A_188 = tpu.memref_slice %arg3[%add3A, %dma_wait3A_185, %dma_wait3A_186, %dma_wait3A_187] : memref<32x80x2x128xi32, #tpu.memory_space<hbm>> -> memref<1x1x2x128xi32, #tpu.memory_space<hbm>>
    %dma_wait3A_189 = tpu.memref_squeeze %dma_wait3A_188 : memref<1x1x2x128xi32, #tpu.memory_space<hbm>> -> memref<2x128xi32, #tpu.memory_space<hbm>>
    %dma_wait3A_190 = arith.constant 0 : i32
    %dma_wait3A_191 = arith.constant 0 : i32
    %dma_wait3A_192 = tpu.memref_slice %arg3[%add3A, %dma_wait3A_185, %dma_wait3A_190, %dma_wait3A_191] : memref<32x80x2x128xi32, #tpu.memory_space<hbm>> -> memref<1x1x2x128xi32, #tpu.memory_space<hbm>>
    %dma_wait3A_193 = tpu.memref_squeeze %dma_wait3A_192 : memref<1x1x2x128xi32, #tpu.memory_space<hbm>> -> memref<2x128xi32, #tpu.memory_space<hbm>>
    tpu.wait_dma2 semaphore(%arg14 : memref<!tpu.dma_semaphore, #tpu.memory_space<semaphore_mem>>) src(%dma_wait3A_193 : memref<2x128xi32, #tpu.memory_space<hbm>>) dst(%arg6 : memref<2x128xi32, #tpu.memory_space<vmem>>)
    %dma_wait3A_194 = arith.constant 1 : i32
    %dma_wait3A_195 = tpu.memref_slice %arg13[%dma_wait3A_194] : memref<2x!tpu.dma_semaphore, #tpu.memory_space<semaphore_mem>> -> memref<1x!tpu.dma_semaphore, #tpu.memory_space<semaphore_mem>>
    %dma_wait3A_196 = tpu.memref_squeeze %dma_wait3A_195 : memref<1x!tpu.dma_semaphore, #tpu.memory_space<semaphore_mem>> -> memref<!tpu.dma_semaphore, #tpu.memory_space<semaphore_mem>>
    %dma_wait3A_197 = arith.constant 0 : i32
    %dma_wait3A_198 = arith.constant 0 : i32
    %dma_wait3A_199 = tpu.memref_slice %arg11[%dma_wait3A_197, %dma_wait3A_198] : memref<10240x128xf32, #tpu.memory_space<vmem_shared>> -> memref<128x128xf32, #tpu.memory_space<vmem_shared>>
    %dma_wait3A_200 = arith.constant 0 : i32
    %dma_wait3A_201 = arith.constant 0 : i32
    %dma_wait3A_202 = tpu.memref_slice %arg2[%dma_wait3A_200, %dma_wait3A_201] : memref<10000x128xf32, #tpu.memory_space<hbm>> -> memref<128x128xf32, #tpu.memory_space<hbm>>
    tpu.wait_dma2 semaphore(%dma_wait3A_196 : memref<!tpu.dma_semaphore, #tpu.memory_space<semaphore_mem>>) src(%dma_wait3A_202 : memref<128x128xf32, #tpu.memory_space<hbm>>) dst(%dma_wait3A_199 : memref<128x128xf32, #tpu.memory_space<vmem_shared>>)
    %dma_start3A_203 = arith.constant 0 : i32
    %dma_start3A_204 = arith.constant 1 : i32
    %dma_start3A_205 = arith.constant 1 : i32
    %dma_start3A_206 = arith.constant 0 : i32
    %dma_start3A_207 = arith.constant 0 : i32
    %dma_start3A_208 = tpu.memref_slice %arg10[%dma_start3A_204, %dma_start3A_206, %dma_start3A_207] : memref<2x128x128xf32, #tpu.memory_space<vmem>> -> memref<1x128x128xf32, #tpu.memory_space<vmem>>
    %dma_start3A_209 = tpu.memref_squeeze %dma_start3A_208 : memref<1x128x128xf32, #tpu.memory_space<vmem>> -> memref<128x128xf32, #tpu.memory_space<vmem>>
    %dma_start3A_210 = arith.constant 0 : i32
    %dma_start3A_211 = tpu.memref_slice %arg9[%dma_start3A_203, %dma_start3A_210] : memref<2x128xi32, #tpu.memory_space<vmem>> -> memref<1x128xi32, #tpu.memory_space<vmem>>
    %dma_start3A_212 = tpu.memref_squeeze %dma_start3A_211 : memref<1x128xi32, #tpu.memory_space<vmem>> -> memref<128xi32, #tpu.memory_space<vmem>>
    %dma_start3A_213 = arith.constant 0 : i32
    %dma_start3A_214 = arith.constant 0 : i32
    %dma_start3A_215 = tpu.memref_slice %arg2[%dma_start3A_213, %dma_start3A_214] : memref<10000x128xf32, #tpu.memory_space<hbm>> -> memref<10000x128xf32, #tpu.memory_space<hbm>>
    %dma_start3A_216 = tpu.memref_slice %arg12[%dma_start3A_205] : memref<2x!tpu.dma_semaphore, #tpu.memory_space<semaphore_mem>> -> memref<1x!tpu.dma_semaphore, #tpu.memory_space<semaphore_mem>>
    %dma_start3A_217 = tpu.memref_squeeze %dma_start3A_216 : memref<1x!tpu.dma_semaphore, #tpu.memory_space<semaphore_mem>> -> memref<!tpu.dma_semaphore, #tpu.memory_space<semaphore_mem>>
    tpu.enqueue_indirect_dma source(%dma_start3A_215 : memref<10000x128xf32, #tpu.memory_space<hbm>>) target(%dma_start3A_209 : memref<128x128xf32, #tpu.memory_space<vmem>>) offsets(%dma_start3A_212 : memref<128xi32, #tpu.memory_space<vmem>>) semaphore(%dma_start3A_217 : memref<!tpu.dma_semaphore, #tpu.memory_space<semaphore_mem>>)
    %dma_start3A_218 = arith.constant 4 : i32
    %dma_start3A_219 = arith.constant 0 : i32
    %dma_start3A_220 = arith.constant 0 : i32
    %dma_start3A_221 = tpu.memref_slice %arg3[%add3A, %dma_start3A_218, %dma_start3A_219, %dma_start3A_220] : memref<32x80x2x128xi32, #tpu.memory_space<hbm>> -> memref<1x1x2x128xi32, #tpu.memory_space<hbm>>
    %dma_start3A_222 = tpu.memref_squeeze %dma_start3A_221 : memref<1x1x2x128xi32, #tpu.memory_space<hbm>> -> memref<2x128xi32, #tpu.memory_space<hbm>>
    %dma_start3A_223 = arith.constant 0 : i32
    %dma_start3A_224 = arith.constant 0 : i32
    %dma_start3A_225 = tpu.memref_slice %arg3[%add3A, %dma_start3A_218, %dma_start3A_223, %dma_start3A_224] : memref<32x80x2x128xi32, #tpu.memory_space<hbm>> -> memref<1x1x2x128xi32, #tpu.memory_space<hbm>>
    %dma_start3A_226 = tpu.memref_squeeze %dma_start3A_225 : memref<1x1x2x128xi32, #tpu.memory_space<hbm>> -> memref<2x128xi32, #tpu.memory_space<hbm>>
    tpu.enqueue_dma source(%dma_start3A_226 : memref<2x128xi32, #tpu.memory_space<hbm>>) target(%arg6 : memref<2x128xi32, #tpu.memory_space<vmem>>) target_semaphore(%arg14 : memref<!tpu.dma_semaphore, #tpu.memory_space<semaphore_mem>>)
    %dma_wait3A_227 = arith.constant 1 : i32
    %dma_wait3A_228 = arith.constant 1 : i32
    %dma_wait3A_229 = arith.constant 0 : i32
    %dma_wait3A_230 = arith.constant 0 : i32
    %dma_wait3A_231 = tpu.memref_slice %arg10[%dma_wait3A_227, %dma_wait3A_229, %dma_wait3A_230] : memref<2x128x128xf32, #tpu.memory_space<vmem>> -> memref<1x128x128xf32, #tpu.memory_space<vmem>>
    %dma_wait3A_232 = tpu.memref_squeeze %dma_wait3A_231 : memref<1x128x128xf32, #tpu.memory_space<vmem>> -> memref<128x128xf32, #tpu.memory_space<vmem>>
    %dma_wait3A_233 = arith.constant 0 : i32
    %dma_wait3A_234 = arith.constant 0 : i32
    %dma_wait3A_235 = tpu.memref_slice %arg2[%dma_wait3A_233, %dma_wait3A_234] : memref<10000x128xf32, #tpu.memory_space<hbm>> -> memref<128x128xf32, #tpu.memory_space<hbm>>
    %dma_wait3A_236 = tpu.memref_slice %arg12[%dma_wait3A_228] : memref<2x!tpu.dma_semaphore, #tpu.memory_space<semaphore_mem>> -> memref<1x!tpu.dma_semaphore, #tpu.memory_space<semaphore_mem>>
    %dma_wait3A_237 = tpu.memref_squeeze %dma_wait3A_236 : memref<1x!tpu.dma_semaphore, #tpu.memory_space<semaphore_mem>> -> memref<!tpu.dma_semaphore, #tpu.memory_space<semaphore_mem>>
    %dma_wait3A_238 = arith.constant 0 : i32
    %dma_wait3A_239 = arith.constant 0 : i32
    %dma_wait3A_240 = tpu.memref_slice %arg10[%dma_wait3A_227, %dma_wait3A_238, %dma_wait3A_239] : memref<2x128x128xf32, #tpu.memory_space<vmem>> -> memref<1x128x128xf32, #tpu.memory_space<vmem>>
    %dma_wait3A_241 = tpu.memref_squeeze %dma_wait3A_240 : memref<1x128x128xf32, #tpu.memory_space<vmem>> -> memref<128x128xf32, #tpu.memory_space<vmem>>
    %dma_wait3A_242 = arith.constant 0 : i32
    %dma_wait3A_243 = arith.constant 0 : i32
    %dma_wait3A_244 = tpu.memref_slice %arg2[%dma_wait3A_242, %dma_wait3A_243] : memref<10000x128xf32, #tpu.memory_space<hbm>> -> memref<128x128xf32, #tpu.memory_space<hbm>>
    tpu.wait_dma2 semaphore(%dma_wait3A_237 : memref<!tpu.dma_semaphore, #tpu.memory_space<semaphore_mem>>) src(%dma_wait3A_244 : memref<128x128xf32, #tpu.memory_space<hbm>>) dst(%dma_wait3A_241 : memref<128x128xf32, #tpu.memory_space<vmem>>)
    %dma_start3A_245 = arith.constant 1 : i32
    %dma_start3A_246 = arith.constant 1 : i32
    %dma_start3A_247 = arith.constant 1 : i32
    %dma_start3A_248 = arith.constant 0 : i32
    %dma_start3A_249 = arith.constant 0 : i32
    %dma_start3A_250 = tpu.memref_slice %arg10[%dma_start3A_245, %dma_start3A_248, %dma_start3A_249] : memref<2x128x128xf32, #tpu.memory_space<vmem>> -> memref<1x128x128xf32, #tpu.memory_space<vmem>>
    %dma_start3A_251 = tpu.memref_squeeze %dma_start3A_250 : memref<1x128x128xf32, #tpu.memory_space<vmem>> -> memref<128x128xf32, #tpu.memory_space<vmem>>
    %dma_start3A_252 = arith.constant 0 : i32
    %dma_start3A_253 = tpu.memref_slice %arg9[%dma_start3A_246, %dma_start3A_252] : memref<2x128xi32, #tpu.memory_space<vmem>> -> memref<1x128xi32, #tpu.memory_space<vmem>>
    %dma_start3A_254 = tpu.memref_squeeze %dma_start3A_253 : memref<1x128xi32, #tpu.memory_space<vmem>> -> memref<128xi32, #tpu.memory_space<vmem>>
    %dma_start3A_255 = arith.constant 0 : i32
    %dma_start3A_256 = arith.constant 0 : i32
    %dma_start3A_257 = tpu.memref_slice %arg11[%dma_start3A_255, %dma_start3A_256] : memref<10240x128xf32, #tpu.memory_space<vmem_shared>> -> memref<10240x128xf32, #tpu.memory_space<vmem_shared>>
    %dma_start3A_258 = tpu.memref_slice %arg13[%dma_start3A_247] : memref<2x!tpu.dma_semaphore, #tpu.memory_space<semaphore_mem>> -> memref<1x!tpu.dma_semaphore, #tpu.memory_space<semaphore_mem>>
    %dma_start3A_259 = tpu.memref_squeeze %dma_start3A_258 : memref<1x!tpu.dma_semaphore, #tpu.memory_space<semaphore_mem>> -> memref<!tpu.dma_semaphore, #tpu.memory_space<semaphore_mem>>
    tpu.enqueue_indirect_dma source(%dma_start3A_251 : memref<128x128xf32, #tpu.memory_space<vmem>>) target(%dma_start3A_257 : memref<10240x128xf32, #tpu.memory_space<vmem_shared>>) offsets(%dma_start3A_254 : memref<128xi32, #tpu.memory_space<vmem>>) semaphore(%dma_start3A_259 : memref<!tpu.dma_semaphore, #tpu.memory_space<semaphore_mem>>) {add = true}
    %dma_wait3A_260 = arith.constant 0 : i32
    %dma_wait3A_261 = arith.constant 0 : i32
    %dma_wait3A_262 = arith.constant 0 : i32
    %dma_wait3A_263 = tpu.memref_slice %arg3[%add3A, %dma_wait3A_260, %dma_wait3A_261, %dma_wait3A_262] : memref<32x80x2x128xi32, #tpu.memory_space<hbm>> -> memref<1x1x2x128xi32, #tpu.memory_space<hbm>>
    %dma_wait3A_264 = tpu.memref_squeeze %dma_wait3A_263 : memref<1x1x2x128xi32, #tpu.memory_space<hbm>> -> memref<2x128xi32, #tpu.memory_space<hbm>>
    %dma_wait3A_265 = arith.constant 0 : i32
    %dma_wait3A_266 = arith.constant 0 : i32
    %dma_wait3A_267 = tpu.memref_slice %arg3[%add3A, %dma_wait3A_260, %dma_wait3A_265, %dma_wait3A_266] : memref<32x80x2x128xi32, #tpu.memory_space<hbm>> -> memref<1x1x2x128xi32, #tpu.memory_space<hbm>>
    %dma_wait3A_268 = tpu.memref_squeeze %dma_wait3A_267 : memref<1x1x2x128xi32, #tpu.memory_space<hbm>> -> memref<2x128xi32, #tpu.memory_space<hbm>>
    tpu.wait_dma2 semaphore(%arg14 : memref<!tpu.dma_semaphore, #tpu.memory_space<semaphore_mem>>) src(%dma_wait3A_268 : memref<2x128xi32, #tpu.memory_space<hbm>>) dst(%arg6 : memref<2x128xi32, #tpu.memory_space<vmem>>)
    %dma_wait3A_269 = arith.constant 0 : i32
    %dma_wait3A_270 = tpu.memref_slice %arg13[%dma_wait3A_269] : memref<2x!tpu.dma_semaphore, #tpu.memory_space<semaphore_mem>> -> memref<1x!tpu.dma_semaphore, #tpu.memory_space<semaphore_mem>>
    %dma_wait3A_271 = tpu.memref_squeeze %dma_wait3A_270 : memref<1x!tpu.dma_semaphore, #tpu.memory_space<semaphore_mem>> -> memref<!tpu.dma_semaphore, #tpu.memory_space<semaphore_mem>>
    %dma_wait3A_272 = arith.constant 0 : i32
    %dma_wait3A_273 = arith.constant 0 : i32
    %dma_wait3A_274 = tpu.memref_slice %arg11[%dma_wait3A_272, %dma_wait3A_273] : memref<10240x128xf32, #tpu.memory_space<vmem_shared>> -> memref<128x128xf32, #tpu.memory_space<vmem_shared>>
    %dma_wait3A_275 = arith.constant 0 : i32
    %dma_wait3A_276 = arith.constant 0 : i32
    %dma_wait3A_277 = tpu.memref_slice %arg2[%dma_wait3A_275, %dma_wait3A_276] : memref<10000x128xf32, #tpu.memory_space<hbm>> -> memref<128x128xf32, #tpu.memory_space<hbm>>
    tpu.wait_dma2 semaphore(%dma_wait3A_271 : memref<!tpu.dma_semaphore, #tpu.memory_space<semaphore_mem>>) src(%dma_wait3A_277 : memref<128x128xf32, #tpu.memory_space<hbm>>) dst(%dma_wait3A_274 : memref<128x128xf32, #tpu.memory_space<vmem_shared>>)
    %dma_start3A_278 = arith.constant 0 : i32
    %dma_start3A_279 = arith.constant 0 : i32
    %dma_start3A_280 = arith.constant 0 : i32
    %dma_start3A_281 = arith.constant 0 : i32
    %dma_start3A_282 = arith.constant 0 : i32
    %dma_start3A_283 = tpu.memref_slice %arg10[%dma_start3A_279, %dma_start3A_281, %dma_start3A_282] : memref<2x128x128xf32, #tpu.memory_space<vmem>> -> memref<1x128x128xf32, #tpu.memory_space<vmem>>
    %dma_start3A_284 = tpu.memref_squeeze %dma_start3A_283 : memref<1x128x128xf32, #tpu.memory_space<vmem>> -> memref<128x128xf32, #tpu.memory_space<vmem>>
    %dma_start3A_285 = arith.constant 0 : i32
    %dma_start3A_286 = tpu.memref_slice %arg6[%dma_start3A_278, %dma_start3A_285] : memref<2x128xi32, #tpu.memory_space<vmem>> -> memref<1x128xi32, #tpu.memory_space<vmem>>
    %dma_start3A_287 = tpu.memref_squeeze %dma_start3A_286 : memref<1x128xi32, #tpu.memory_space<vmem>> -> memref<128xi32, #tpu.memory_space<vmem>>
    %dma_start3A_288 = arith.constant 0 : i32
    %dma_start3A_289 = arith.constant 0 : i32
    %dma_start3A_290 = tpu.memref_slice %arg2[%dma_start3A_288, %dma_start3A_289] : memref<10000x128xf32, #tpu.memory_space<hbm>> -> memref<10000x128xf32, #tpu.memory_space<hbm>>
    %dma_start3A_291 = tpu.memref_slice %arg12[%dma_start3A_280] : memref<2x!tpu.dma_semaphore, #tpu.memory_space<semaphore_mem>> -> memref<1x!tpu.dma_semaphore, #tpu.memory_space<semaphore_mem>>
    %dma_start3A_292 = tpu.memref_squeeze %dma_start3A_291 : memref<1x!tpu.dma_semaphore, #tpu.memory_space<semaphore_mem>> -> memref<!tpu.dma_semaphore, #tpu.memory_space<semaphore_mem>>
    tpu.enqueue_indirect_dma source(%dma_start3A_290 : memref<10000x128xf32, #tpu.memory_space<hbm>>) target(%dma_start3A_284 : memref<128x128xf32, #tpu.memory_space<vmem>>) offsets(%dma_start3A_287 : memref<128xi32, #tpu.memory_space<vmem>>) semaphore(%dma_start3A_292 : memref<!tpu.dma_semaphore, #tpu.memory_space<semaphore_mem>>)
    %dma_start3A_293 = arith.constant 5 : i32
    %dma_start3A_294 = arith.constant 0 : i32
    %dma_start3A_295 = arith.constant 0 : i32
    %dma_start3A_296 = tpu.memref_slice %arg3[%add3A, %dma_start3A_293, %dma_start3A_294, %dma_start3A_295] : memref<32x80x2x128xi32, #tpu.memory_space<hbm>> -> memref<1x1x2x128xi32, #tpu.memory_space<hbm>>
    %dma_start3A_297 = tpu.memref_squeeze %dma_start3A_296 : memref<1x1x2x128xi32, #tpu.memory_space<hbm>> -> memref<2x128xi32, #tpu.memory_space<hbm>>
    %dma_start3A_298 = arith.constant 0 : i32
    %dma_start3A_299 = arith.constant 0 : i32
    %dma_start3A_300 = tpu.memref_slice %arg3[%add3A, %dma_start3A_293, %dma_start3A_298, %dma_start3A_299] : memref<32x80x2x128xi32, #tpu.memory_space<hbm>> -> memref<1x1x2x128xi32, #tpu.memory_space<hbm>>
    %dma_start3A_301 = tpu.memref_squeeze %dma_start3A_300 : memref<1x1x2x128xi32, #tpu.memory_space<hbm>> -> memref<2x128xi32, #tpu.memory_space<hbm>>
    tpu.enqueue_dma source(%dma_start3A_301 : memref<2x128xi32, #tpu.memory_space<hbm>>) target(%arg7 : memref<2x128xi32, #tpu.memory_space<vmem>>) target_semaphore(%arg14 : memref<!tpu.dma_semaphore, #tpu.memory_space<semaphore_mem>>)
    %scan3A_302 = arith.constant 0 : i32
    %scan3A_303 = arith.constant 1 : i32
    %scan3A_304 = arith.constant 18 : i32
    %scan3A_305 = arith.addi %scan3A_303, %scan3A_304 : i32
    %scan3A_306 = arith.constant 1 : i32
    scf.for %scan3A_582 = %scan3A_303 to %scan3A_305 step %scan3A_306  : i32 {
      %mul3A_583 = arith.constant 4 : i32
      %mul3A_584 = arith.muli %scan3A_582, %mul3A_583 : i32
      %add3A_585 = arith.constant 0 : i32
      %add3A_586 = arith.addi %mul3A_584, %add3A_585 : i32
      %dma_wait3A_587 = arith.constant 0 : i32
      %dma_wait3A_588 = arith.constant 0 : i32
      %dma_wait3A_589 = arith.constant 0 : i32
      %dma_wait3A_590 = arith.constant 0 : i32
      %dma_wait3A_591 = tpu.memref_slice %arg10[%dma_wait3A_587, %dma_wait3A_589, %dma_wait3A_590] : memref<2x128x128xf32, #tpu.memory_space<vmem>> -> memref<1x128x128xf32, #tpu.memory_space<vmem>>
      %dma_wait3A_592 = tpu.memref_squeeze %dma_wait3A_591 : memref<1x128x128xf32, #tpu.memory_space<vmem>> -> memref<128x128xf32, #tpu.memory_space<vmem>>
      %dma_wait3A_593 = arith.constant 0 : i32
      %dma_wait3A_594 = arith.constant 0 : i32
      %dma_wait3A_595 = tpu.memref_slice %arg2[%dma_wait3A_593, %dma_wait3A_594] : memref<10000x128xf32, #tpu.memory_space<hbm>> -> memref<128x128xf32, #tpu.memory_space<hbm>>
      %dma_wait3A_596 = tpu.memref_slice %arg12[%dma_wait3A_588] : memref<2x!tpu.dma_semaphore, #tpu.memory_space<semaphore_mem>> -> memref<1x!tpu.dma_semaphore, #tpu.memory_space<semaphore_mem>>
      %dma_wait3A_597 = tpu.memref_squeeze %dma_wait3A_596 : memref<1x!tpu.dma_semaphore, #tpu.memory_space<semaphore_mem>> -> memref<!tpu.dma_semaphore, #tpu.memory_space<semaphore_mem>>
      %dma_wait3A_598 = arith.constant 0 : i32
      %dma_wait3A_599 = arith.constant 0 : i32
      %dma_wait3A_600 = tpu.memref_slice %arg10[%dma_wait3A_587, %dma_wait3A_598, %dma_wait3A_599] : memref<2x128x128xf32, #tpu.memory_space<vmem>> -> memref<1x128x128xf32, #tpu.memory_space<vmem>>
      %dma_wait3A_601 = tpu.memref_squeeze %dma_wait3A_600 : memref<1x128x128xf32, #tpu.memory_space<vmem>> -> memref<128x128xf32, #tpu.memory_space<vmem>>
      %dma_wait3A_602 = arith.constant 0 : i32
      %dma_wait3A_603 = arith.constant 0 : i32
      %dma_wait3A_604 = tpu.memref_slice %arg2[%dma_wait3A_602, %dma_wait3A_603] : memref<10000x128xf32, #tpu.memory_space<hbm>> -> memref<128x128xf32, #tpu.memory_space<hbm>>
      tpu.wait_dma2 semaphore(%dma_wait3A_597 : memref<!tpu.dma_semaphore, #tpu.memory_space<semaphore_mem>>) src(%dma_wait3A_604 : memref<128x128xf32, #tpu.memory_space<hbm>>) dst(%dma_wait3A_601 : memref<128x128xf32, #tpu.memory_space<vmem>>)
      %dma_start3A_605 = arith.constant 0 : i32
      %dma_start3A_606 = arith.constant 1 : i32
      %dma_start3A_607 = arith.constant 0 : i32
      %dma_start3A_608 = arith.constant 0 : i32
      %dma_start3A_609 = arith.constant 0 : i32
      %dma_start3A_610 = tpu.memref_slice %arg10[%dma_start3A_605, %dma_start3A_608, %dma_start3A_609] : memref<2x128x128xf32, #tpu.memory_space<vmem>> -> memref<1x128x128xf32, #tpu.memory_space<vmem>>
      %dma_start3A_611 = tpu.memref_squeeze %dma_start3A_610 : memref<1x128x128xf32, #tpu.memory_space<vmem>> -> memref<128x128xf32, #tpu.memory_space<vmem>>
      %dma_start3A_612 = arith.constant 0 : i32
      %dma_start3A_613 = tpu.memref_slice %arg6[%dma_start3A_606, %dma_start3A_612] : memref<2x128xi32, #tpu.memory_space<vmem>> -> memref<1x128xi32, #tpu.memory_space<vmem>>
      %dma_start3A_614 = tpu.memref_squeeze %dma_start3A_613 : memref<1x128xi32, #tpu.memory_space<vmem>> -> memref<128xi32, #tpu.memory_space<vmem>>
      %dma_start3A_615 = arith.constant 0 : i32
      %dma_start3A_616 = arith.constant 0 : i32
      %dma_start3A_617 = tpu.memref_slice %arg11[%dma_start3A_615, %dma_start3A_616] : memref<10240x128xf32, #tpu.memory_space<vmem_shared>> -> memref<10240x128xf32, #tpu.memory_space<vmem_shared>>
      %dma_start3A_618 = tpu.memref_slice %arg13[%dma_start3A_607] : memref<2x!tpu.dma_semaphore, #tpu.memory_space<semaphore_mem>> -> memref<1x!tpu.dma_semaphore, #tpu.memory_space<semaphore_mem>>
      %dma_start3A_619 = tpu.memref_squeeze %dma_start3A_618 : memref<1x!tpu.dma_semaphore, #tpu.memory_space<semaphore_mem>> -> memref<!tpu.dma_semaphore, #tpu.memory_space<semaphore_mem>>
      tpu.enqueue_indirect_dma source(%dma_start3A_611 : memref<128x128xf32, #tpu.memory_space<vmem>>) target(%dma_start3A_617 : memref<10240x128xf32, #tpu.memory_space<vmem_shared>>) offsets(%dma_start3A_614 : memref<128xi32, #tpu.memory_space<vmem>>) semaphore(%dma_start3A_619 : memref<!tpu.dma_semaphore, #tpu.memory_space<semaphore_mem>>) {add = true}
      %dma_wait3A_620 = arith.constant 0 : i32
      %dma_wait3A_621 = arith.constant 0 : i32
      %dma_wait3A_622 = arith.constant 0 : i32
      %dma_wait3A_623 = tpu.memref_slice %arg3[%add3A, %dma_wait3A_620, %dma_wait3A_621, %dma_wait3A_622] : memref<32x80x2x128xi32, #tpu.memory_space<hbm>> -> memref<1x1x2x128xi32, #tpu.memory_space<hbm>>
      %dma_wait3A_624 = tpu.memref_squeeze %dma_wait3A_623 : memref<1x1x2x128xi32, #tpu.memory_space<hbm>> -> memref<2x128xi32, #tpu.memory_space<hbm>>
      %dma_wait3A_625 = arith.constant 0 : i32
      %dma_wait3A_626 = arith.constant 0 : i32
      %dma_wait3A_627 = tpu.memref_slice %arg3[%add3A, %dma_wait3A_620, %dma_wait3A_625, %dma_wait3A_626] : memref<32x80x2x128xi32, #tpu.memory_space<hbm>> -> memref<1x1x2x128xi32, #tpu.memory_space<hbm>>
      %dma_wait3A_628 = tpu.memref_squeeze %dma_wait3A_627 : memref<1x1x2x128xi32, #tpu.memory_space<hbm>> -> memref<2x128xi32, #tpu.memory_space<hbm>>
      tpu.wait_dma2 semaphore(%arg14 : memref<!tpu.dma_semaphore, #tpu.memory_space<semaphore_mem>>) src(%dma_wait3A_628 : memref<2x128xi32, #tpu.memory_space<hbm>>) dst(%arg6 : memref<2x128xi32, #tpu.memory_space<vmem>>)
      %dma_wait3A_629 = arith.constant 1 : i32
      %dma_wait3A_630 = tpu.memref_slice %arg13[%dma_wait3A_629] : memref<2x!tpu.dma_semaphore, #tpu.memory_space<semaphore_mem>> -> memref<1x!tpu.dma_semaphore, #tpu.memory_space<semaphore_mem>>
      %dma_wait3A_631 = tpu.memref_squeeze %dma_wait3A_630 : memref<1x!tpu.dma_semaphore, #tpu.memory_space<semaphore_mem>> -> memref<!tpu.dma_semaphore, #tpu.memory_space<semaphore_mem>>
      %dma_wait3A_632 = arith.constant 0 : i32
      %dma_wait3A_633 = arith.constant 0 : i32
      %dma_wait3A_634 = tpu.memref_slice %arg11[%dma_wait3A_632, %dma_wait3A_633] : memref<10240x128xf32, #tpu.memory_space<vmem_shared>> -> memref<128x128xf32, #tpu.memory_space<vmem_shared>>
      %dma_wait3A_635 = arith.constant 0 : i32
      %dma_wait3A_636 = arith.constant 0 : i32
      %dma_wait3A_637 = tpu.memref_slice %arg2[%dma_wait3A_635, %dma_wait3A_636] : memref<10000x128xf32, #tpu.memory_space<hbm>> -> memref<128x128xf32, #tpu.memory_space<hbm>>
      tpu.wait_dma2 semaphore(%dma_wait3A_631 : memref<!tpu.dma_semaphore, #tpu.memory_space<semaphore_mem>>) src(%dma_wait3A_637 : memref<128x128xf32, #tpu.memory_space<hbm>>) dst(%dma_wait3A_634 : memref<128x128xf32, #tpu.memory_space<vmem_shared>>)
      %dma_start3A_638 = arith.constant 0 : i32
      %dma_start3A_639 = arith.constant 1 : i32
      %dma_start3A_640 = arith.constant 1 : i32
      %dma_start3A_641 = arith.constant 0 : i32
      %dma_start3A_642 = arith.constant 0 : i32
      %dma_start3A_643 = tpu.memref_slice %arg10[%dma_start3A_639, %dma_start3A_641, %dma_start3A_642] : memref<2x128x128xf32, #tpu.memory_space<vmem>> -> memref<1x128x128xf32, #tpu.memory_space<vmem>>
      %dma_start3A_644 = tpu.memref_squeeze %dma_start3A_643 : memref<1x128x128xf32, #tpu.memory_space<vmem>> -> memref<128x128xf32, #tpu.memory_space<vmem>>
      %dma_start3A_645 = arith.constant 0 : i32
      %dma_start3A_646 = tpu.memref_slice %arg7[%dma_start3A_638, %dma_start3A_645] : memref<2x128xi32, #tpu.memory_space<vmem>> -> memref<1x128xi32, #tpu.memory_space<vmem>>
      %dma_start3A_647 = tpu.memref_squeeze %dma_start3A_646 : memref<1x128xi32, #tpu.memory_space<vmem>> -> memref<128xi32, #tpu.memory_space<vmem>>
      %dma_start3A_648 = arith.constant 0 : i32
      %dma_start3A_649 = arith.constant 0 : i32
      %dma_start3A_650 = tpu.memref_slice %arg2[%dma_start3A_648, %dma_start3A_649] : memref<10000x128xf32, #tpu.memory_space<hbm>> -> memref<10000x128xf32, #tpu.memory_space<hbm>>
      %dma_start3A_651 = tpu.memref_slice %arg12[%dma_start3A_640] : memref<2x!tpu.dma_semaphore, #tpu.memory_space<semaphore_mem>> -> memref<1x!tpu.dma_semaphore, #tpu.memory_space<semaphore_mem>>
      %dma_start3A_652 = tpu.memref_squeeze %dma_start3A_651 : memref<1x!tpu.dma_semaphore, #tpu.memory_space<semaphore_mem>> -> memref<!tpu.dma_semaphore, #tpu.memory_space<semaphore_mem>>
      tpu.enqueue_indirect_dma source(%dma_start3A_650 : memref<10000x128xf32, #tpu.memory_space<hbm>>) target(%dma_start3A_644 : memref<128x128xf32, #tpu.memory_space<vmem>>) offsets(%dma_start3A_647 : memref<128xi32, #tpu.memory_space<vmem>>) semaphore(%dma_start3A_652 : memref<!tpu.dma_semaphore, #tpu.memory_space<semaphore_mem>>)
      %add3A_653 = arith.constant 2 : i32
      %add3A_654 = arith.addi %add3A_586, %add3A_653 : i32
      %dma_start3A_655 = arith.constant 0 : i32
      %dma_start3A_656 = arith.constant 0 : i32
      %dma_start3A_657 = tpu.memref_slice %arg3[%add3A, %add3A_654, %dma_start3A_655, %dma_start3A_656] : memref<32x80x2x128xi32, #tpu.memory_space<hbm>> -> memref<1x1x2x128xi32, #tpu.memory_space<hbm>>
      %dma_start3A_658 = tpu.memref_squeeze %dma_start3A_657 : memref<1x1x2x128xi32, #tpu.memory_space<hbm>> -> memref<2x128xi32, #tpu.memory_space<hbm>>
      %dma_start3A_659 = arith.constant 0 : i32
      %dma_start3A_660 = arith.constant 0 : i32
      %dma_start3A_661 = tpu.memref_slice %arg3[%add3A, %add3A_654, %dma_start3A_659, %dma_start3A_660] : memref<32x80x2x128xi32, #tpu.memory_space<hbm>> -> memref<1x1x2x128xi32, #tpu.memory_space<hbm>>
      %dma_start3A_662 = tpu.memref_squeeze %dma_start3A_661 : memref<1x1x2x128xi32, #tpu.memory_space<hbm>> -> memref<2x128xi32, #tpu.memory_space<hbm>>
      tpu.enqueue_dma source(%dma_start3A_662 : memref<2x128xi32, #tpu.memory_space<hbm>>) target(%arg8 : memref<2x128xi32, #tpu.memory_space<vmem>>) target_semaphore(%arg14 : memref<!tpu.dma_semaphore, #tpu.memory_space<semaphore_mem>>)
      %mul3A_663 = arith.constant 4 : i32
      %mul3A_664 = arith.muli %scan3A_582, %mul3A_663 : i32
      %add3A_665 = arith.constant 1 : i32
      %add3A_666 = arith.addi %mul3A_664, %add3A_665 : i32
      %dma_wait3A_667 = arith.constant 1 : i32
      %dma_wait3A_668 = arith.constant 1 : i32
      %dma_wait3A_669 = arith.constant 0 : i32
      %dma_wait3A_670 = arith.constant 0 : i32
      %dma_wait3A_671 = tpu.memref_slice %arg10[%dma_wait3A_667, %dma_wait3A_669, %dma_wait3A_670] : memref<2x128x128xf32, #tpu.memory_space<vmem>> -> memref<1x128x128xf32, #tpu.memory_space<vmem>>
      %dma_wait3A_672 = tpu.memref_squeeze %dma_wait3A_671 : memref<1x128x128xf32, #tpu.memory_space<vmem>> -> memref<128x128xf32, #tpu.memory_space<vmem>>
      %dma_wait3A_673 = arith.constant 0 : i32
      %dma_wait3A_674 = arith.constant 0 : i32
      %dma_wait3A_675 = tpu.memref_slice %arg2[%dma_wait3A_673, %dma_wait3A_674] : memref<10000x128xf32, #tpu.memory_space<hbm>> -> memref<128x128xf32, #tpu.memory_space<hbm>>
      %dma_wait3A_676 = tpu.memref_slice %arg12[%dma_wait3A_668] : memref<2x!tpu.dma_semaphore, #tpu.memory_space<semaphore_mem>> -> memref<1x!tpu.dma_semaphore, #tpu.memory_space<semaphore_mem>>
      %dma_wait3A_677 = tpu.memref_squeeze %dma_wait3A_676 : memref<1x!tpu.dma_semaphore, #tpu.memory_space<semaphore_mem>> -> memref<!tpu.dma_semaphore, #tpu.memory_space<semaphore_mem>>
      %dma_wait3A_678 = arith.constant 0 : i32
      %dma_wait3A_679 = arith.constant 0 : i32
      %dma_wait3A_680 = tpu.memref_slice %arg10[%dma_wait3A_667, %dma_wait3A_678, %dma_wait3A_679] : memref<2x128x128xf32, #tpu.memory_space<vmem>> -> memref<1x128x128xf32, #tpu.memory_space<vmem>>
      %dma_wait3A_681 = tpu.memref_squeeze %dma_wait3A_680 : memref<1x128x128xf32, #tpu.memory_space<vmem>> -> memref<128x128xf32, #tpu.memory_space<vmem>>
      %dma_wait3A_682 = arith.constant 0 : i32
      %dma_wait3A_683 = arith.constant 0 : i32
      %dma_wait3A_684 = tpu.memref_slice %arg2[%dma_wait3A_682, %dma_wait3A_683] : memref<10000x128xf32, #tpu.memory_space<hbm>> -> memref<128x128xf32, #tpu.memory_space<hbm>>
      tpu.wait_dma2 semaphore(%dma_wait3A_677 : memref<!tpu.dma_semaphore, #tpu.memory_space<semaphore_mem>>) src(%dma_wait3A_684 : memref<128x128xf32, #tpu.memory_space<hbm>>) dst(%dma_wait3A_681 : memref<128x128xf32, #tpu.memory_space<vmem>>)
      %dma_start3A_685 = arith.constant 1 : i32
      %dma_start3A_686 = arith.constant 1 : i32
      %dma_start3A_687 = arith.constant 1 : i32
      %dma_start3A_688 = arith.constant 0 : i32
      %dma_start3A_689 = arith.constant 0 : i32
      %dma_start3A_690 = tpu.memref_slice %arg10[%dma_start3A_685, %dma_start3A_688, %dma_start3A_689] : memref<2x128x128xf32, #tpu.memory_space<vmem>> -> memref<1x128x128xf32, #tpu.memory_space<vmem>>
      %dma_start3A_691 = tpu.memref_squeeze %dma_start3A_690 : memref<1x128x128xf32, #tpu.memory_space<vmem>> -> memref<128x128xf32, #tpu.memory_space<vmem>>
      %dma_start3A_692 = arith.constant 0 : i32
      %dma_start3A_693 = tpu.memref_slice %arg7[%dma_start3A_686, %dma_start3A_692] : memref<2x128xi32, #tpu.memory_space<vmem>> -> memref<1x128xi32, #tpu.memory_space<vmem>>
      %dma_start3A_694 = tpu.memref_squeeze %dma_start3A_693 : memref<1x128xi32, #tpu.memory_space<vmem>> -> memref<128xi32, #tpu.memory_space<vmem>>
      %dma_start3A_695 = arith.constant 0 : i32
      %dma_start3A_696 = arith.constant 0 : i32
      %dma_start3A_697 = tpu.memref_slice %arg11[%dma_start3A_695, %dma_start3A_696] : memref<10240x128xf32, #tpu.memory_space<vmem_shared>> -> memref<10240x128xf32, #tpu.memory_space<vmem_shared>>
      %dma_start3A_698 = tpu.memref_slice %arg13[%dma_start3A_687] : memref<2x!tpu.dma_semaphore, #tpu.memory_space<semaphore_mem>> -> memref<1x!tpu.dma_semaphore, #tpu.memory_space<semaphore_mem>>
      %dma_start3A_699 = tpu.memref_squeeze %dma_start3A_698 : memref<1x!tpu.dma_semaphore, #tpu.memory_space<semaphore_mem>> -> memref<!tpu.dma_semaphore, #tpu.memory_space<semaphore_mem>>
      tpu.enqueue_indirect_dma source(%dma_start3A_691 : memref<128x128xf32, #tpu.memory_space<vmem>>) target(%dma_start3A_697 : memref<10240x128xf32, #tpu.memory_space<vmem_shared>>) offsets(%dma_start3A_694 : memref<128xi32, #tpu.memory_space<vmem>>) semaphore(%dma_start3A_699 : memref<!tpu.dma_semaphore, #tpu.memory_space<semaphore_mem>>) {add = true}
      %dma_wait3A_700 = arith.constant 0 : i32
      %dma_wait3A_701 = arith.constant 0 : i32
      %dma_wait3A_702 = arith.constant 0 : i32
      %dma_wait3A_703 = tpu.memref_slice %arg3[%add3A, %dma_wait3A_700, %dma_wait3A_701, %dma_wait3A_702] : memref<32x80x2x128xi32, #tpu.memory_space<hbm>> -> memref<1x1x2x128xi32, #tpu.memory_space<hbm>>
      %dma_wait3A_704 = tpu.memref_squeeze %dma_wait3A_703 : memref<1x1x2x128xi32, #tpu.memory_space<hbm>> -> memref<2x128xi32, #tpu.memory_space<hbm>>
      %dma_wait3A_705 = arith.constant 0 : i32
      %dma_wait3A_706 = arith.constant 0 : i32
      %dma_wait3A_707 = tpu.memref_slice %arg3[%add3A, %dma_wait3A_700, %dma_wait3A_705, %dma_wait3A_706] : memref<32x80x2x128xi32, #tpu.memory_space<hbm>> -> memref<1x1x2x128xi32, #tpu.memory_space<hbm>>
      %dma_wait3A_708 = tpu.memref_squeeze %dma_wait3A_707 : memref<1x1x2x128xi32, #tpu.memory_space<hbm>> -> memref<2x128xi32, #tpu.memory_space<hbm>>
      tpu.wait_dma2 semaphore(%arg14 : memref<!tpu.dma_semaphore, #tpu.memory_space<semaphore_mem>>) src(%dma_wait3A_708 : memref<2x128xi32, #tpu.memory_space<hbm>>) dst(%arg6 : memref<2x128xi32, #tpu.memory_space<vmem>>)
      %dma_wait3A_709 = arith.constant 0 : i32
      %dma_wait3A_710 = tpu.memref_slice %arg13[%dma_wait3A_709] : memref<2x!tpu.dma_semaphore, #tpu.memory_space<semaphore_mem>> -> memref<1x!tpu.dma_semaphore, #tpu.memory_space<semaphore_mem>>
      %dma_wait3A_711 = tpu.memref_squeeze %dma_wait3A_710 : memref<1x!tpu.dma_semaphore, #tpu.memory_space<semaphore_mem>> -> memref<!tpu.dma_semaphore, #tpu.memory_space<semaphore_mem>>
      %dma_wait3A_712 = arith.constant 0 : i32
      %dma_wait3A_713 = arith.constant 0 : i32
      %dma_wait3A_714 = tpu.memref_slice %arg11[%dma_wait3A_712, %dma_wait3A_713] : memref<10240x128xf32, #tpu.memory_space<vmem_shared>> -> memref<128x128xf32, #tpu.memory_space<vmem_shared>>
      %dma_wait3A_715 = arith.constant 0 : i32
      %dma_wait3A_716 = arith.constant 0 : i32
      %dma_wait3A_717 = tpu.memref_slice %arg2[%dma_wait3A_715, %dma_wait3A_716] : memref<10000x128xf32, #tpu.memory_space<hbm>> -> memref<128x128xf32, #tpu.memory_space<hbm>>
      tpu.wait_dma2 semaphore(%dma_wait3A_711 : memref<!tpu.dma_semaphore, #tpu.memory_space<semaphore_mem>>) src(%dma_wait3A_717 : memref<128x128xf32, #tpu.memory_space<hbm>>) dst(%dma_wait3A_714 : memref<128x128xf32, #tpu.memory_space<vmem_shared>>)
      %dma_start3A_718 = arith.constant 0 : i32
      %dma_start3A_719 = arith.constant 0 : i32
      %dma_start3A_720 = arith.constant 0 : i32
      %dma_start3A_721 = arith.constant 0 : i32
      %dma_start3A_722 = arith.constant 0 : i32
      %dma_start3A_723 = tpu.memref_slice %arg10[%dma_start3A_719, %dma_start3A_721, %dma_start3A_722] : memref<2x128x128xf32, #tpu.memory_space<vmem>> -> memref<1x128x128xf32, #tpu.memory_space<vmem>>
      %dma_start3A_724 = tpu.memref_squeeze %dma_start3A_723 : memref<1x128x128xf32, #tpu.memory_space<vmem>> -> memref<128x128xf32, #tpu.memory_space<vmem>>
      %dma_start3A_725 = arith.constant 0 : i32
      %dma_start3A_726 = tpu.memref_slice %arg8[%dma_start3A_718, %dma_start3A_725] : memref<2x128xi32, #tpu.memory_space<vmem>> -> memref<1x128xi32, #tpu.memory_space<vmem>>
      %dma_start3A_727 = tpu.memref_squeeze %dma_start3A_726 : memref<1x128xi32, #tpu.memory_space<vmem>> -> memref<128xi32, #tpu.memory_space<vmem>>
      %dma_start3A_728 = arith.constant 0 : i32
      %dma_start3A_729 = arith.constant 0 : i32
      %dma_start3A_730 = tpu.memref_slice %arg2[%dma_start3A_728, %dma_start3A_729] : memref<10000x128xf32, #tpu.memory_space<hbm>> -> memref<10000x128xf32, #tpu.memory_space<hbm>>
      %dma_start3A_731 = tpu.memref_slice %arg12[%dma_start3A_720] : memref<2x!tpu.dma_semaphore, #tpu.memory_space<semaphore_mem>> -> memref<1x!tpu.dma_semaphore, #tpu.memory_space<semaphore_mem>>
      %dma_start3A_732 = tpu.memref_squeeze %dma_start3A_731 : memref<1x!tpu.dma_semaphore, #tpu.memory_space<semaphore_mem>> -> memref<!tpu.dma_semaphore, #tpu.memory_space<semaphore_mem>>
      tpu.enqueue_indirect_dma source(%dma_start3A_730 : memref<10000x128xf32, #tpu.memory_space<hbm>>) target(%dma_start3A_724 : memref<128x128xf32, #tpu.memory_space<vmem>>) offsets(%dma_start3A_727 : memref<128xi32, #tpu.memory_space<vmem>>) semaphore(%dma_start3A_732 : memref<!tpu.dma_semaphore, #tpu.memory_space<semaphore_mem>>)
      %add3A_733 = arith.constant 2 : i32
      %add3A_734 = arith.addi %add3A_666, %add3A_733 : i32
      %dma_start3A_735 = arith.constant 0 : i32
      %dma_start3A_736 = arith.constant 0 : i32
      %dma_start3A_737 = tpu.memref_slice %arg3[%add3A, %add3A_734, %dma_start3A_735, %dma_start3A_736] : memref<32x80x2x128xi32, #tpu.memory_space<hbm>> -> memref<1x1x2x128xi32, #tpu.memory_space<hbm>>
      %dma_start3A_738 = tpu.memref_squeeze %dma_start3A_737 : memref<1x1x2x128xi32, #tpu.memory_space<hbm>> -> memref<2x128xi32, #tpu.memory_space<hbm>>
      %dma_start3A_739 = arith.constant 0 : i32
      %dma_start3A_740 = arith.constant 0 : i32
      %dma_start3A_741 = tpu.memref_slice %arg3[%add3A, %add3A_734, %dma_start3A_739, %dma_start3A_740] : memref<32x80x2x128xi32, #tpu.memory_space<hbm>> -> memref<1x1x2x128xi32, #tpu.memory_space<hbm>>
      %dma_start3A_742 = tpu.memref_squeeze %dma_start3A_741 : memref<1x1x2x128xi32, #tpu.memory_space<hbm>> -> memref<2x128xi32, #tpu.memory_space<hbm>>
      tpu.enqueue_dma source(%dma_start3A_742 : memref<2x128xi32, #tpu.memory_space<hbm>>) target(%arg9 : memref<2x128xi32, #tpu.memory_space<vmem>>) target_semaphore(%arg14 : memref<!tpu.dma_semaphore, #tpu.memory_space<semaphore_mem>>)
      %mul3A_743 = arith.constant 4 : i32
      %mul3A_744 = arith.muli %scan3A_582, %mul3A_743 : i32
      %add3A_745 = arith.constant 2 : i32
      %add3A_746 = arith.addi %mul3A_744, %add3A_745 : i32
      %dma_wait3A_747 = arith.constant 0 : i32
      %dma_wait3A_748 = arith.constant 0 : i32
      %dma_wait3A_749 = arith.constant 0 : i32
      %dma_wait3A_750 = arith.constant 0 : i32
      %dma_wait3A_751 = tpu.memref_slice %arg10[%dma_wait3A_747, %dma_wait3A_749, %dma_wait3A_750] : memref<2x128x128xf32, #tpu.memory_space<vmem>> -> memref<1x128x128xf32, #tpu.memory_space<vmem>>
      %dma_wait3A_752 = tpu.memref_squeeze %dma_wait3A_751 : memref<1x128x128xf32, #tpu.memory_space<vmem>> -> memref<128x128xf32, #tpu.memory_space<vmem>>
      %dma_wait3A_753 = arith.constant 0 : i32
      %dma_wait3A_754 = arith.constant 0 : i32
      %dma_wait3A_755 = tpu.memref_slice %arg2[%dma_wait3A_753, %dma_wait3A_754] : memref<10000x128xf32, #tpu.memory_space<hbm>> -> memref<128x128xf32, #tpu.memory_space<hbm>>
      %dma_wait3A_756 = tpu.memref_slice %arg12[%dma_wait3A_748] : memref<2x!tpu.dma_semaphore, #tpu.memory_space<semaphore_mem>> -> memref<1x!tpu.dma_semaphore, #tpu.memory_space<semaphore_mem>>
      %dma_wait3A_757 = tpu.memref_squeeze %dma_wait3A_756 : memref<1x!tpu.dma_semaphore, #tpu.memory_space<semaphore_mem>> -> memref<!tpu.dma_semaphore, #tpu.memory_space<semaphore_mem>>
      %dma_wait3A_758 = arith.constant 0 : i32
      %dma_wait3A_759 = arith.constant 0 : i32
      %dma_wait3A_760 = tpu.memref_slice %arg10[%dma_wait3A_747, %dma_wait3A_758, %dma_wait3A_759] : memref<2x128x128xf32, #tpu.memory_space<vmem>> -> memref<1x128x128xf32, #tpu.memory_space<vmem>>
      %dma_wait3A_761 = tpu.memref_squeeze %dma_wait3A_760 : memref<1x128x128xf32, #tpu.memory_space<vmem>> -> memref<128x128xf32, #tpu.memory_space<vmem>>
      %dma_wait3A_762 = arith.constant 0 : i32
      %dma_wait3A_763 = arith.constant 0 : i32
      %dma_wait3A_764 = tpu.memref_slice %arg2[%dma_wait3A_762, %dma_wait3A_763] : memref<10000x128xf32, #tpu.memory_space<hbm>> -> memref<128x128xf32, #tpu.memory_space<hbm>>
      tpu.wait_dma2 semaphore(%dma_wait3A_757 : memref<!tpu.dma_semaphore, #tpu.memory_space<semaphore_mem>>) src(%dma_wait3A_764 : memref<128x128xf32, #tpu.memory_space<hbm>>) dst(%dma_wait3A_761 : memref<128x128xf32, #tpu.memory_space<vmem>>)
      %dma_start3A_765 = arith.constant 0 : i32
      %dma_start3A_766 = arith.constant 1 : i32
      %dma_start3A_767 = arith.constant 0 : i32
      %dma_start3A_768 = arith.constant 0 : i32
      %dma_start3A_769 = arith.constant 0 : i32
      %dma_start3A_770 = tpu.memref_slice %arg10[%dma_start3A_765, %dma_start3A_768, %dma_start3A_769] : memref<2x128x128xf32, #tpu.memory_space<vmem>> -> memref<1x128x128xf32, #tpu.memory_space<vmem>>
      %dma_start3A_771 = tpu.memref_squeeze %dma_start3A_770 : memref<1x128x128xf32, #tpu.memory_space<vmem>> -> memref<128x128xf32, #tpu.memory_space<vmem>>
      %dma_start3A_772 = arith.constant 0 : i32
      %dma_start3A_773 = tpu.memref_slice %arg8[%dma_start3A_766, %dma_start3A_772] : memref<2x128xi32, #tpu.memory_space<vmem>> -> memref<1x128xi32, #tpu.memory_space<vmem>>
      %dma_start3A_774 = tpu.memref_squeeze %dma_start3A_773 : memref<1x128xi32, #tpu.memory_space<vmem>> -> memref<128xi32, #tpu.memory_space<vmem>>
      %dma_start3A_775 = arith.constant 0 : i32
      %dma_start3A_776 = arith.constant 0 : i32
      %dma_start3A_777 = tpu.memref_slice %arg11[%dma_start3A_775, %dma_start3A_776] : memref<10240x128xf32, #tpu.memory_space<vmem_shared>> -> memref<10240x128xf32, #tpu.memory_space<vmem_shared>>
      %dma_start3A_778 = tpu.memref_slice %arg13[%dma_start3A_767] : memref<2x!tpu.dma_semaphore, #tpu.memory_space<semaphore_mem>> -> memref<1x!tpu.dma_semaphore, #tpu.memory_space<semaphore_mem>>
      %dma_start3A_779 = tpu.memref_squeeze %dma_start3A_778 : memref<1x!tpu.dma_semaphore, #tpu.memory_space<semaphore_mem>> -> memref<!tpu.dma_semaphore, #tpu.memory_space<semaphore_mem>>
      tpu.enqueue_indirect_dma source(%dma_start3A_771 : memref<128x128xf32, #tpu.memory_space<vmem>>) target(%dma_start3A_777 : memref<10240x128xf32, #tpu.memory_space<vmem_shared>>) offsets(%dma_start3A_774 : memref<128xi32, #tpu.memory_space<vmem>>) semaphore(%dma_start3A_779 : memref<!tpu.dma_semaphore, #tpu.memory_space<semaphore_mem>>) {add = true}
      %dma_wait3A_780 = arith.constant 0 : i32
      %dma_wait3A_781 = arith.constant 0 : i32
      %dma_wait3A_782 = arith.constant 0 : i32
      %dma_wait3A_783 = tpu.memref_slice %arg3[%add3A, %dma_wait3A_780, %dma_wait3A_781, %dma_wait3A_782] : memref<32x80x2x128xi32, #tpu.memory_space<hbm>> -> memref<1x1x2x128xi32, #tpu.memory_space<hbm>>
      %dma_wait3A_784 = tpu.memref_squeeze %dma_wait3A_783 : memref<1x1x2x128xi32, #tpu.memory_space<hbm>> -> memref<2x128xi32, #tpu.memory_space<hbm>>
      %dma_wait3A_785 = arith.constant 0 : i32
      %dma_wait3A_786 = arith.constant 0 : i32
      %dma_wait3A_787 = tpu.memref_slice %arg3[%add3A, %dma_wait3A_780, %dma_wait3A_785, %dma_wait3A_786] : memref<32x80x2x128xi32, #tpu.memory_space<hbm>> -> memref<1x1x2x128xi32, #tpu.memory_space<hbm>>
      %dma_wait3A_788 = tpu.memref_squeeze %dma_wait3A_787 : memref<1x1x2x128xi32, #tpu.memory_space<hbm>> -> memref<2x128xi32, #tpu.memory_space<hbm>>
      tpu.wait_dma2 semaphore(%arg14 : memref<!tpu.dma_semaphore, #tpu.memory_space<semaphore_mem>>) src(%dma_wait3A_788 : memref<2x128xi32, #tpu.memory_space<hbm>>) dst(%arg6 : memref<2x128xi32, #tpu.memory_space<vmem>>)
      %dma_wait3A_789 = arith.constant 1 : i32
      %dma_wait3A_790 = tpu.memref_slice %arg13[%dma_wait3A_789] : memref<2x!tpu.dma_semaphore, #tpu.memory_space<semaphore_mem>> -> memref<1x!tpu.dma_semaphore, #tpu.memory_space<semaphore_mem>>
      %dma_wait3A_791 = tpu.memref_squeeze %dma_wait3A_790 : memref<1x!tpu.dma_semaphore, #tpu.memory_space<semaphore_mem>> -> memref<!tpu.dma_semaphore, #tpu.memory_space<semaphore_mem>>
      %dma_wait3A_792 = arith.constant 0 : i32
      %dma_wait3A_793 = arith.constant 0 : i32
      %dma_wait3A_794 = tpu.memref_slice %arg11[%dma_wait3A_792, %dma_wait3A_793] : memref<10240x128xf32, #tpu.memory_space<vmem_shared>> -> memref<128x128xf32, #tpu.memory_space<vmem_shared>>
      %dma_wait3A_795 = arith.constant 0 : i32
      %dma_wait3A_796 = arith.constant 0 : i32
      %dma_wait3A_797 = tpu.memref_slice %arg2[%dma_wait3A_795, %dma_wait3A_796] : memref<10000x128xf32, #tpu.memory_space<hbm>> -> memref<128x128xf32, #tpu.memory_space<hbm>>
      tpu.wait_dma2 semaphore(%dma_wait3A_791 : memref<!tpu.dma_semaphore, #tpu.memory_space<semaphore_mem>>) src(%dma_wait3A_797 : memref<128x128xf32, #tpu.memory_space<hbm>>) dst(%dma_wait3A_794 : memref<128x128xf32, #tpu.memory_space<vmem_shared>>)
      %dma_start3A_798 = arith.constant 0 : i32
      %dma_start3A_799 = arith.constant 1 : i32
      %dma_start3A_800 = arith.constant 1 : i32
      %dma_start3A_801 = arith.constant 0 : i32
      %dma_start3A_802 = arith.constant 0 : i32
      %dma_start3A_803 = tpu.memref_slice %arg10[%dma_start3A_799, %dma_start3A_801, %dma_start3A_802] : memref<2x128x128xf32, #tpu.memory_space<vmem>> -> memref<1x128x128xf32, #tpu.memory_space<vmem>>
      %dma_start3A_804 = tpu.memref_squeeze %dma_start3A_803 : memref<1x128x128xf32, #tpu.memory_space<vmem>> -> memref<128x128xf32, #tpu.memory_space<vmem>>
      %dma_start3A_805 = arith.constant 0 : i32
      %dma_start3A_806 = tpu.memref_slice %arg9[%dma_start3A_798, %dma_start3A_805] : memref<2x128xi32, #tpu.memory_space<vmem>> -> memref<1x128xi32, #tpu.memory_space<vmem>>
      %dma_start3A_807 = tpu.memref_squeeze %dma_start3A_806 : memref<1x128xi32, #tpu.memory_space<vmem>> -> memref<128xi32, #tpu.memory_space<vmem>>
      %dma_start3A_808 = arith.constant 0 : i32
      %dma_start3A_809 = arith.constant 0 : i32
      %dma_start3A_810 = tpu.memref_slice %arg2[%dma_start3A_808, %dma_start3A_809] : memref<10000x128xf32, #tpu.memory_space<hbm>> -> memref<10000x128xf32, #tpu.memory_space<hbm>>
      %dma_start3A_811 = tpu.memref_slice %arg12[%dma_start3A_800] : memref<2x!tpu.dma_semaphore, #tpu.memory_space<semaphore_mem>> -> memref<1x!tpu.dma_semaphore, #tpu.memory_space<semaphore_mem>>
      %dma_start3A_812 = tpu.memref_squeeze %dma_start3A_811 : memref<1x!tpu.dma_semaphore, #tpu.memory_space<semaphore_mem>> -> memref<!tpu.dma_semaphore, #tpu.memory_space<semaphore_mem>>
      tpu.enqueue_indirect_dma source(%dma_start3A_810 : memref<10000x128xf32, #tpu.memory_space<hbm>>) target(%dma_start3A_804 : memref<128x128xf32, #tpu.memory_space<vmem>>) offsets(%dma_start3A_807 : memref<128xi32, #tpu.memory_space<vmem>>) semaphore(%dma_start3A_812 : memref<!tpu.dma_semaphore, #tpu.memory_space<semaphore_mem>>)
      %add3A_813 = arith.constant 2 : i32
      %add3A_814 = arith.addi %add3A_746, %add3A_813 : i32
      %dma_start3A_815 = arith.constant 0 : i32
      %dma_start3A_816 = arith.constant 0 : i32
      %dma_start3A_817 = tpu.memref_slice %arg3[%add3A, %add3A_814, %dma_start3A_815, %dma_start3A_816] : memref<32x80x2x128xi32, #tpu.memory_space<hbm>> -> memref<1x1x2x128xi32, #tpu.memory_space<hbm>>
      %dma_start3A_818 = tpu.memref_squeeze %dma_start3A_817 : memref<1x1x2x128xi32, #tpu.memory_space<hbm>> -> memref<2x128xi32, #tpu.memory_space<hbm>>
      %dma_start3A_819 = arith.constant 0 : i32
      %dma_start3A_820 = arith.constant 0 : i32
      %dma_start3A_821 = tpu.memref_slice %arg3[%add3A, %add3A_814, %dma_start3A_819, %dma_start3A_820] : memref<32x80x2x128xi32, #tpu.memory_space<hbm>> -> memref<1x1x2x128xi32, #tpu.memory_space<hbm>>
      %dma_start3A_822 = tpu.memref_squeeze %dma_start3A_821 : memref<1x1x2x128xi32, #tpu.memory_space<hbm>> -> memref<2x128xi32, #tpu.memory_space<hbm>>
      tpu.enqueue_dma source(%dma_start3A_822 : memref<2x128xi32, #tpu.memory_space<hbm>>) target(%arg6 : memref<2x128xi32, #tpu.memory_space<vmem>>) target_semaphore(%arg14 : memref<!tpu.dma_semaphore, #tpu.memory_space<semaphore_mem>>)
      %mul3A_823 = arith.constant 4 : i32
      %mul3A_824 = arith.muli %scan3A_582, %mul3A_823 : i32
      %add3A_825 = arith.constant 3 : i32
      %add3A_826 = arith.addi %mul3A_824, %add3A_825 : i32
      %dma_wait3A_827 = arith.constant 1 : i32
      %dma_wait3A_828 = arith.constant 1 : i32
      %dma_wait3A_829 = arith.constant 0 : i32
      %dma_wait3A_830 = arith.constant 0 : i32
      %dma_wait3A_831 = tpu.memref_slice %arg10[%dma_wait3A_827, %dma_wait3A_829, %dma_wait3A_830] : memref<2x128x128xf32, #tpu.memory_space<vmem>> -> memref<1x128x128xf32, #tpu.memory_space<vmem>>
      %dma_wait3A_832 = tpu.memref_squeeze %dma_wait3A_831 : memref<1x128x128xf32, #tpu.memory_space<vmem>> -> memref<128x128xf32, #tpu.memory_space<vmem>>
      %dma_wait3A_833 = arith.constant 0 : i32
      %dma_wait3A_834 = arith.constant 0 : i32
      %dma_wait3A_835 = tpu.memref_slice %arg2[%dma_wait3A_833, %dma_wait3A_834] : memref<10000x128xf32, #tpu.memory_space<hbm>> -> memref<128x128xf32, #tpu.memory_space<hbm>>
      %dma_wait3A_836 = tpu.memref_slice %arg12[%dma_wait3A_828] : memref<2x!tpu.dma_semaphore, #tpu.memory_space<semaphore_mem>> -> memref<1x!tpu.dma_semaphore, #tpu.memory_space<semaphore_mem>>
      %dma_wait3A_837 = tpu.memref_squeeze %dma_wait3A_836 : memref<1x!tpu.dma_semaphore, #tpu.memory_space<semaphore_mem>> -> memref<!tpu.dma_semaphore, #tpu.memory_space<semaphore_mem>>
      %dma_wait3A_838 = arith.constant 0 : i32
      %dma_wait3A_839 = arith.constant 0 : i32
      %dma_wait3A_840 = tpu.memref_slice %arg10[%dma_wait3A_827, %dma_wait3A_838, %dma_wait3A_839] : memref<2x128x128xf32, #tpu.memory_space<vmem>> -> memref<1x128x128xf32, #tpu.memory_space<vmem>>
      %dma_wait3A_841 = tpu.memref_squeeze %dma_wait3A_840 : memref<1x128x128xf32, #tpu.memory_space<vmem>> -> memref<128x128xf32, #tpu.memory_space<vmem>>
      %dma_wait3A_842 = arith.constant 0 : i32
      %dma_wait3A_843 = arith.constant 0 : i32
      %dma_wait3A_844 = tpu.memref_slice %arg2[%dma_wait3A_842, %dma_wait3A_843] : memref<10000x128xf32, #tpu.memory_space<hbm>> -> memref<128x128xf32, #tpu.memory_space<hbm>>
      tpu.wait_dma2 semaphore(%dma_wait3A_837 : memref<!tpu.dma_semaphore, #tpu.memory_space<semaphore_mem>>) src(%dma_wait3A_844 : memref<128x128xf32, #tpu.memory_space<hbm>>) dst(%dma_wait3A_841 : memref<128x128xf32, #tpu.memory_space<vmem>>)
      %dma_start3A_845 = arith.constant 1 : i32
      %dma_start3A_846 = arith.constant 1 : i32
      %dma_start3A_847 = arith.constant 1 : i32
      %dma_start3A_848 = arith.constant 0 : i32
      %dma_start3A_849 = arith.constant 0 : i32
      %dma_start3A_850 = tpu.memref_slice %arg10[%dma_start3A_845, %dma_start3A_848, %dma_start3A_849] : memref<2x128x128xf32, #tpu.memory_space<vmem>> -> memref<1x128x128xf32, #tpu.memory_space<vmem>>
      %dma_start3A_851 = tpu.memref_squeeze %dma_start3A_850 : memref<1x128x128xf32, #tpu.memory_space<vmem>> -> memref<128x128xf32, #tpu.memory_space<vmem>>
      %dma_start3A_852 = arith.constant 0 : i32
      %dma_start3A_853 = tpu.memref_slice %arg9[%dma_start3A_846, %dma_start3A_852] : memref<2x128xi32, #tpu.memory_space<vmem>> -> memref<1x128xi32, #tpu.memory_space<vmem>>
      %dma_start3A_854 = tpu.memref_squeeze %dma_start3A_853 : memref<1x128xi32, #tpu.memory_space<vmem>> -> memref<128xi32, #tpu.memory_space<vmem>>
      %dma_start3A_855 = arith.constant 0 : i32
      %dma_start3A_856 = arith.constant 0 : i32
      %dma_start3A_857 = tpu.memref_slice %arg11[%dma_start3A_855, %dma_start3A_856] : memref<10240x128xf32, #tpu.memory_space<vmem_shared>> -> memref<10240x128xf32, #tpu.memory_space<vmem_shared>>
      %dma_start3A_858 = tpu.memref_slice %arg13[%dma_start3A_847] : memref<2x!tpu.dma_semaphore, #tpu.memory_space<semaphore_mem>> -> memref<1x!tpu.dma_semaphore, #tpu.memory_space<semaphore_mem>>
      %dma_start3A_859 = tpu.memref_squeeze %dma_start3A_858 : memref<1x!tpu.dma_semaphore, #tpu.memory_space<semaphore_mem>> -> memref<!tpu.dma_semaphore, #tpu.memory_space<semaphore_mem>>
      tpu.enqueue_indirect_dma source(%dma_start3A_851 : memref<128x128xf32, #tpu.memory_space<vmem>>) target(%dma_start3A_857 : memref<10240x128xf32, #tpu.memory_space<vmem_shared>>) offsets(%dma_start3A_854 : memref<128xi32, #tpu.memory_space<vmem>>) semaphore(%dma_start3A_859 : memref<!tpu.dma_semaphore, #tpu.memory_space<semaphore_mem>>) {add = true}
      %dma_wait3A_860 = arith.constant 0 : i32
      %dma_wait3A_861 = arith.constant 0 : i32
      %dma_wait3A_862 = arith.constant 0 : i32
      %dma_wait3A_863 = tpu.memref_slice %arg3[%add3A, %dma_wait3A_860, %dma_wait3A_861, %dma_wait3A_862] : memref<32x80x2x128xi32, #tpu.memory_space<hbm>> -> memref<1x1x2x128xi32, #tpu.memory_space<hbm>>
      %dma_wait3A_864 = tpu.memref_squeeze %dma_wait3A_863 : memref<1x1x2x128xi32, #tpu.memory_space<hbm>> -> memref<2x128xi32, #tpu.memory_space<hbm>>
      %dma_wait3A_865 = arith.constant 0 : i32
      %dma_wait3A_866 = arith.constant 0 : i32
      %dma_wait3A_867 = tpu.memref_slice %arg3[%add3A, %dma_wait3A_860, %dma_wait3A_865, %dma_wait3A_866] : memref<32x80x2x128xi32, #tpu.memory_space<hbm>> -> memref<1x1x2x128xi32, #tpu.memory_space<hbm>>
      %dma_wait3A_868 = tpu.memref_squeeze %dma_wait3A_867 : memref<1x1x2x128xi32, #tpu.memory_space<hbm>> -> memref<2x128xi32, #tpu.memory_space<hbm>>
      tpu.wait_dma2 semaphore(%arg14 : memref<!tpu.dma_semaphore, #tpu.memory_space<semaphore_mem>>) src(%dma_wait3A_868 : memref<2x128xi32, #tpu.memory_space<hbm>>) dst(%arg6 : memref<2x128xi32, #tpu.memory_space<vmem>>)
      %dma_wait3A_869 = arith.constant 0 : i32
      %dma_wait3A_870 = tpu.memref_slice %arg13[%dma_wait3A_869] : memref<2x!tpu.dma_semaphore, #tpu.memory_space<semaphore_mem>> -> memref<1x!tpu.dma_semaphore, #tpu.memory_space<semaphore_mem>>
      %dma_wait3A_871 = tpu.memref_squeeze %dma_wait3A_870 : memref<1x!tpu.dma_semaphore, #tpu.memory_space<semaphore_mem>> -> memref<!tpu.dma_semaphore, #tpu.memory_space<semaphore_mem>>
      %dma_wait3A_872 = arith.constant 0 : i32
      %dma_wait3A_873 = arith.constant 0 : i32
      %dma_wait3A_874 = tpu.memref_slice %arg11[%dma_wait3A_872, %dma_wait3A_873] : memref<10240x128xf32, #tpu.memory_space<vmem_shared>> -> memref<128x128xf32, #tpu.memory_space<vmem_shared>>
      %dma_wait3A_875 = arith.constant 0 : i32
      %dma_wait3A_876 = arith.constant 0 : i32
      %dma_wait3A_877 = tpu.memref_slice %arg2[%dma_wait3A_875, %dma_wait3A_876] : memref<10000x128xf32, #tpu.memory_space<hbm>> -> memref<128x128xf32, #tpu.memory_space<hbm>>
      tpu.wait_dma2 semaphore(%dma_wait3A_871 : memref<!tpu.dma_semaphore, #tpu.memory_space<semaphore_mem>>) src(%dma_wait3A_877 : memref<128x128xf32, #tpu.memory_space<hbm>>) dst(%dma_wait3A_874 : memref<128x128xf32, #tpu.memory_space<vmem_shared>>)
      %dma_start3A_878 = arith.constant 0 : i32
      %dma_start3A_879 = arith.constant 0 : i32
      %dma_start3A_880 = arith.constant 0 : i32
      %dma_start3A_881 = arith.constant 0 : i32
      %dma_start3A_882 = arith.constant 0 : i32
      %dma_start3A_883 = tpu.memref_slice %arg10[%dma_start3A_879, %dma_start3A_881, %dma_start3A_882] : memref<2x128x128xf32, #tpu.memory_space<vmem>> -> memref<1x128x128xf32, #tpu.memory_space<vmem>>
      %dma_start3A_884 = tpu.memref_squeeze %dma_start3A_883 : memref<1x128x128xf32, #tpu.memory_space<vmem>> -> memref<128x128xf32, #tpu.memory_space<vmem>>
      %dma_start3A_885 = arith.constant 0 : i32
      %dma_start3A_886 = tpu.memref_slice %arg6[%dma_start3A_878, %dma_start3A_885] : memref<2x128xi32, #tpu.memory_space<vmem>> -> memref<1x128xi32, #tpu.memory_space<vmem>>
      %dma_start3A_887 = tpu.memref_squeeze %dma_start3A_886 : memref<1x128xi32, #tpu.memory_space<vmem>> -> memref<128xi32, #tpu.memory_space<vmem>>
      %dma_start3A_888 = arith.constant 0 : i32
      %dma_start3A_889 = arith.constant 0 : i32
      %dma_start3A_890 = tpu.memref_slice %arg2[%dma_start3A_888, %dma_start3A_889] : memref<10000x128xf32, #tpu.memory_space<hbm>> -> memref<10000x128xf32, #tpu.memory_space<hbm>>
      %dma_start3A_891 = tpu.memref_slice %arg12[%dma_start3A_880] : memref<2x!tpu.dma_semaphore, #tpu.memory_space<semaphore_mem>> -> memref<1x!tpu.dma_semaphore, #tpu.memory_space<semaphore_mem>>
      %dma_start3A_892 = tpu.memref_squeeze %dma_start3A_891 : memref<1x!tpu.dma_semaphore, #tpu.memory_space<semaphore_mem>> -> memref<!tpu.dma_semaphore, #tpu.memory_space<semaphore_mem>>
      tpu.enqueue_indirect_dma source(%dma_start3A_890 : memref<10000x128xf32, #tpu.memory_space<hbm>>) target(%dma_start3A_884 : memref<128x128xf32, #tpu.memory_space<vmem>>) offsets(%dma_start3A_887 : memref<128xi32, #tpu.memory_space<vmem>>) semaphore(%dma_start3A_892 : memref<!tpu.dma_semaphore, #tpu.memory_space<semaphore_mem>>)
      %add3A_893 = arith.constant 2 : i32
      %add3A_894 = arith.addi %add3A_826, %add3A_893 : i32
      %dma_start3A_895 = arith.constant 0 : i32
      %dma_start3A_896 = arith.constant 0 : i32
      %dma_start3A_897 = tpu.memref_slice %arg3[%add3A, %add3A_894, %dma_start3A_895, %dma_start3A_896] : memref<32x80x2x128xi32, #tpu.memory_space<hbm>> -> memref<1x1x2x128xi32, #tpu.memory_space<hbm>>
      %dma_start3A_898 = tpu.memref_squeeze %dma_start3A_897 : memref<1x1x2x128xi32, #tpu.memory_space<hbm>> -> memref<2x128xi32, #tpu.memory_space<hbm>>
      %dma_start3A_899 = arith.constant 0 : i32
      %dma_start3A_900 = arith.constant 0 : i32
      %dma_start3A_901 = tpu.memref_slice %arg3[%add3A, %add3A_894, %dma_start3A_899, %dma_start3A_900] : memref<32x80x2x128xi32, #tpu.memory_space<hbm>> -> memref<1x1x2x128xi32, #tpu.memory_space<hbm>>
      %dma_start3A_902 = tpu.memref_squeeze %dma_start3A_901 : memref<1x1x2x128xi32, #tpu.memory_space<hbm>> -> memref<2x128xi32, #tpu.memory_space<hbm>>
      tpu.enqueue_dma source(%dma_start3A_902 : memref<2x128xi32, #tpu.memory_space<hbm>>) target(%arg7 : memref<2x128xi32, #tpu.memory_space<vmem>>) target_semaphore(%arg14 : memref<!tpu.dma_semaphore, #tpu.memory_space<semaphore_mem>>)
    }
    %scan3A_307 = arith.constant 18 : i32
    %dma_wait3A_308 = arith.constant 0 : i32
    %dma_wait3A_309 = arith.constant 0 : i32
    %dma_wait3A_310 = arith.constant 0 : i32
    %dma_wait3A_311 = arith.constant 0 : i32
    %dma_wait3A_312 = tpu.memref_slice %arg10[%dma_wait3A_308, %dma_wait3A_310, %dma_wait3A_311] : memref<2x128x128xf32, #tpu.memory_space<vmem>> -> memref<1x128x128xf32, #tpu.memory_space<vmem>>
    %dma_wait3A_313 = tpu.memref_squeeze %dma_wait3A_312 : memref<1x128x128xf32, #tpu.memory_space<vmem>> -> memref<128x128xf32, #tpu.memory_space<vmem>>
    %dma_wait3A_314 = arith.constant 0 : i32
    %dma_wait3A_315 = arith.constant 0 : i32
    %dma_wait3A_316 = tpu.memref_slice %arg2[%dma_wait3A_314, %dma_wait3A_315] : memref<10000x128xf32, #tpu.memory_space<hbm>> -> memref<128x128xf32, #tpu.memory_space<hbm>>
    %dma_wait3A_317 = tpu.memref_slice %arg12[%dma_wait3A_309] : memref<2x!tpu.dma_semaphore, #tpu.memory_space<semaphore_mem>> -> memref<1x!tpu.dma_semaphore, #tpu.memory_space<semaphore_mem>>
    %dma_wait3A_318 = tpu.memref_squeeze %dma_wait3A_317 : memref<1x!tpu.dma_semaphore, #tpu.memory_space<semaphore_mem>> -> memref<!tpu.dma_semaphore, #tpu.memory_space<semaphore_mem>>
    %dma_wait3A_319 = arith.constant 0 : i32
    %dma_wait3A_320 = arith.constant 0 : i32
    %dma_wait3A_321 = tpu.memref_slice %arg10[%dma_wait3A_308, %dma_wait3A_319, %dma_wait3A_320] : memref<2x128x128xf32, #tpu.memory_space<vmem>> -> memref<1x128x128xf32, #tpu.memory_space<vmem>>
    %dma_wait3A_322 = tpu.memref_squeeze %dma_wait3A_321 : memref<1x128x128xf32, #tpu.memory_space<vmem>> -> memref<128x128xf32, #tpu.memory_space<vmem>>
    %dma_wait3A_323 = arith.constant 0 : i32
    %dma_wait3A_324 = arith.constant 0 : i32
    %dma_wait3A_325 = tpu.memref_slice %arg2[%dma_wait3A_323, %dma_wait3A_324] : memref<10000x128xf32, #tpu.memory_space<hbm>> -> memref<128x128xf32, #tpu.memory_space<hbm>>
    tpu.wait_dma2 semaphore(%dma_wait3A_318 : memref<!tpu.dma_semaphore, #tpu.memory_space<semaphore_mem>>) src(%dma_wait3A_325 : memref<128x128xf32, #tpu.memory_space<hbm>>) dst(%dma_wait3A_322 : memref<128x128xf32, #tpu.memory_space<vmem>>)
    %dma_start3A_326 = arith.constant 0 : i32
    %dma_start3A_327 = arith.constant 1 : i32
    %dma_start3A_328 = arith.constant 0 : i32
    %dma_start3A_329 = arith.constant 0 : i32
    %dma_start3A_330 = arith.constant 0 : i32
    %dma_start3A_331 = tpu.memref_slice %arg10[%dma_start3A_326, %dma_start3A_329, %dma_start3A_330] : memref<2x128x128xf32, #tpu.memory_space<vmem>> -> memref<1x128x128xf32, #tpu.memory_space<vmem>>
    %dma_start3A_332 = tpu.memref_squeeze %dma_start3A_331 : memref<1x128x128xf32, #tpu.memory_space<vmem>> -> memref<128x128xf32, #tpu.memory_space<vmem>>
    %dma_start3A_333 = arith.constant 0 : i32
    %dma_start3A_334 = tpu.memref_slice %arg6[%dma_start3A_327, %dma_start3A_333] : memref<2x128xi32, #tpu.memory_space<vmem>> -> memref<1x128xi32, #tpu.memory_space<vmem>>
    %dma_start3A_335 = tpu.memref_squeeze %dma_start3A_334 : memref<1x128xi32, #tpu.memory_space<vmem>> -> memref<128xi32, #tpu.memory_space<vmem>>
    %dma_start3A_336 = arith.constant 0 : i32
    %dma_start3A_337 = arith.constant 0 : i32
    %dma_start3A_338 = tpu.memref_slice %arg11[%dma_start3A_336, %dma_start3A_337] : memref<10240x128xf32, #tpu.memory_space<vmem_shared>> -> memref<10240x128xf32, #tpu.memory_space<vmem_shared>>
    %dma_start3A_339 = tpu.memref_slice %arg13[%dma_start3A_328] : memref<2x!tpu.dma_semaphore, #tpu.memory_space<semaphore_mem>> -> memref<1x!tpu.dma_semaphore, #tpu.memory_space<semaphore_mem>>
    %dma_start3A_340 = tpu.memref_squeeze %dma_start3A_339 : memref<1x!tpu.dma_semaphore, #tpu.memory_space<semaphore_mem>> -> memref<!tpu.dma_semaphore, #tpu.memory_space<semaphore_mem>>
    tpu.enqueue_indirect_dma source(%dma_start3A_332 : memref<128x128xf32, #tpu.memory_space<vmem>>) target(%dma_start3A_338 : memref<10240x128xf32, #tpu.memory_space<vmem_shared>>) offsets(%dma_start3A_335 : memref<128xi32, #tpu.memory_space<vmem>>) semaphore(%dma_start3A_340 : memref<!tpu.dma_semaphore, #tpu.memory_space<semaphore_mem>>) {add = true}
    %dma_wait3A_341 = arith.constant 0 : i32
    %dma_wait3A_342 = arith.constant 0 : i32
    %dma_wait3A_343 = arith.constant 0 : i32
    %dma_wait3A_344 = tpu.memref_slice %arg3[%add3A, %dma_wait3A_341, %dma_wait3A_342, %dma_wait3A_343] : memref<32x80x2x128xi32, #tpu.memory_space<hbm>> -> memref<1x1x2x128xi32, #tpu.memory_space<hbm>>
    %dma_wait3A_345 = tpu.memref_squeeze %dma_wait3A_344 : memref<1x1x2x128xi32, #tpu.memory_space<hbm>> -> memref<2x128xi32, #tpu.memory_space<hbm>>
    %dma_wait3A_346 = arith.constant 0 : i32
    %dma_wait3A_347 = arith.constant 0 : i32
    %dma_wait3A_348 = tpu.memref_slice %arg3[%add3A, %dma_wait3A_341, %dma_wait3A_346, %dma_wait3A_347] : memref<32x80x2x128xi32, #tpu.memory_space<hbm>> -> memref<1x1x2x128xi32, #tpu.memory_space<hbm>>
    %dma_wait3A_349 = tpu.memref_squeeze %dma_wait3A_348 : memref<1x1x2x128xi32, #tpu.memory_space<hbm>> -> memref<2x128xi32, #tpu.memory_space<hbm>>
    tpu.wait_dma2 semaphore(%arg14 : memref<!tpu.dma_semaphore, #tpu.memory_space<semaphore_mem>>) src(%dma_wait3A_349 : memref<2x128xi32, #tpu.memory_space<hbm>>) dst(%arg6 : memref<2x128xi32, #tpu.memory_space<vmem>>)
    %dma_wait3A_350 = arith.constant 1 : i32
    %dma_wait3A_351 = tpu.memref_slice %arg13[%dma_wait3A_350] : memref<2x!tpu.dma_semaphore, #tpu.memory_space<semaphore_mem>> -> memref<1x!tpu.dma_semaphore, #tpu.memory_space<semaphore_mem>>
    %dma_wait3A_352 = tpu.memref_squeeze %dma_wait3A_351 : memref<1x!tpu.dma_semaphore, #tpu.memory_space<semaphore_mem>> -> memref<!tpu.dma_semaphore, #tpu.memory_space<semaphore_mem>>
    %dma_wait3A_353 = arith.constant 0 : i32
    %dma_wait3A_354 = arith.constant 0 : i32
    %dma_wait3A_355 = tpu.memref_slice %arg11[%dma_wait3A_353, %dma_wait3A_354] : memref<10240x128xf32, #tpu.memory_space<vmem_shared>> -> memref<128x128xf32, #tpu.memory_space<vmem_shared>>
    %dma_wait3A_356 = arith.constant 0 : i32
    %dma_wait3A_357 = arith.constant 0 : i32
    %dma_wait3A_358 = tpu.memref_slice %arg2[%dma_wait3A_356, %dma_wait3A_357] : memref<10000x128xf32, #tpu.memory_space<hbm>> -> memref<128x128xf32, #tpu.memory_space<hbm>>
    tpu.wait_dma2 semaphore(%dma_wait3A_352 : memref<!tpu.dma_semaphore, #tpu.memory_space<semaphore_mem>>) src(%dma_wait3A_358 : memref<128x128xf32, #tpu.memory_space<hbm>>) dst(%dma_wait3A_355 : memref<128x128xf32, #tpu.memory_space<vmem_shared>>)
    %dma_start3A_359 = arith.constant 0 : i32
    %dma_start3A_360 = arith.constant 1 : i32
    %dma_start3A_361 = arith.constant 1 : i32
    %dma_start3A_362 = arith.constant 0 : i32
    %dma_start3A_363 = arith.constant 0 : i32
    %dma_start3A_364 = tpu.memref_slice %arg10[%dma_start3A_360, %dma_start3A_362, %dma_start3A_363] : memref<2x128x128xf32, #tpu.memory_space<vmem>> -> memref<1x128x128xf32, #tpu.memory_space<vmem>>
    %dma_start3A_365 = tpu.memref_squeeze %dma_start3A_364 : memref<1x128x128xf32, #tpu.memory_space<vmem>> -> memref<128x128xf32, #tpu.memory_space<vmem>>
    %dma_start3A_366 = arith.constant 0 : i32
    %dma_start3A_367 = tpu.memref_slice %arg7[%dma_start3A_359, %dma_start3A_366] : memref<2x128xi32, #tpu.memory_space<vmem>> -> memref<1x128xi32, #tpu.memory_space<vmem>>
    %dma_start3A_368 = tpu.memref_squeeze %dma_start3A_367 : memref<1x128xi32, #tpu.memory_space<vmem>> -> memref<128xi32, #tpu.memory_space<vmem>>
    %dma_start3A_369 = arith.constant 0 : i32
    %dma_start3A_370 = arith.constant 0 : i32
    %dma_start3A_371 = tpu.memref_slice %arg2[%dma_start3A_369, %dma_start3A_370] : memref<10000x128xf32, #tpu.memory_space<hbm>> -> memref<10000x128xf32, #tpu.memory_space<hbm>>
    %dma_start3A_372 = tpu.memref_slice %arg12[%dma_start3A_361] : memref<2x!tpu.dma_semaphore, #tpu.memory_space<semaphore_mem>> -> memref<1x!tpu.dma_semaphore, #tpu.memory_space<semaphore_mem>>
    %dma_start3A_373 = tpu.memref_squeeze %dma_start3A_372 : memref<1x!tpu.dma_semaphore, #tpu.memory_space<semaphore_mem>> -> memref<!tpu.dma_semaphore, #tpu.memory_space<semaphore_mem>>
    tpu.enqueue_indirect_dma source(%dma_start3A_371 : memref<10000x128xf32, #tpu.memory_space<hbm>>) target(%dma_start3A_365 : memref<128x128xf32, #tpu.memory_space<vmem>>) offsets(%dma_start3A_368 : memref<128xi32, #tpu.memory_space<vmem>>) semaphore(%dma_start3A_373 : memref<!tpu.dma_semaphore, #tpu.memory_space<semaphore_mem>>)
    %dma_start3A_374 = arith.constant 78 : i32
    %dma_start3A_375 = arith.constant 0 : i32
    %dma_start3A_376 = arith.constant 0 : i32
    %dma_start3A_377 = tpu.memref_slice %arg3[%add3A, %dma_start3A_374, %dma_start3A_375, %dma_start3A_376] : memref<32x80x2x128xi32, #tpu.memory_space<hbm>> -> memref<1x1x2x128xi32, #tpu.memory_space<hbm>>
    %dma_start3A_378 = tpu.memref_squeeze %dma_start3A_377 : memref<1x1x2x128xi32, #tpu.memory_space<hbm>> -> memref<2x128xi32, #tpu.memory_space<hbm>>
    %dma_start3A_379 = arith.constant 0 : i32
    %dma_start3A_380 = arith.constant 0 : i32
    %dma_start3A_381 = tpu.memref_slice %arg3[%add3A, %dma_start3A_374, %dma_start3A_379, %dma_start3A_380] : memref<32x80x2x128xi32, #tpu.memory_space<hbm>> -> memref<1x1x2x128xi32, #tpu.memory_space<hbm>>
    %dma_start3A_382 = tpu.memref_squeeze %dma_start3A_381 : memref<1x1x2x128xi32, #tpu.memory_space<hbm>> -> memref<2x128xi32, #tpu.memory_space<hbm>>
    tpu.enqueue_dma source(%dma_start3A_382 : memref<2x128xi32, #tpu.memory_space<hbm>>) target(%arg8 : memref<2x128xi32, #tpu.memory_space<vmem>>) target_semaphore(%arg14 : memref<!tpu.dma_semaphore, #tpu.memory_space<semaphore_mem>>)
    %dma_wait3A_383 = arith.constant 1 : i32
    %dma_wait3A_384 = arith.constant 1 : i32
    %dma_wait3A_385 = arith.constant 0 : i32
    %dma_wait3A_386 = arith.constant 0 : i32
    %dma_wait3A_387 = tpu.memref_slice %arg10[%dma_wait3A_383, %dma_wait3A_385, %dma_wait3A_386] : memref<2x128x128xf32, #tpu.memory_space<vmem>> -> memref<1x128x128xf32, #tpu.memory_space<vmem>>
    %dma_wait3A_388 = tpu.memref_squeeze %dma_wait3A_387 : memref<1x128x128xf32, #tpu.memory_space<vmem>> -> memref<128x128xf32, #tpu.memory_space<vmem>>
    %dma_wait3A_389 = arith.constant 0 : i32
    %dma_wait3A_390 = arith.constant 0 : i32
    %dma_wait3A_391 = tpu.memref_slice %arg2[%dma_wait3A_389, %dma_wait3A_390] : memref<10000x128xf32, #tpu.memory_space<hbm>> -> memref<128x128xf32, #tpu.memory_space<hbm>>
    %dma_wait3A_392 = tpu.memref_slice %arg12[%dma_wait3A_384] : memref<2x!tpu.dma_semaphore, #tpu.memory_space<semaphore_mem>> -> memref<1x!tpu.dma_semaphore, #tpu.memory_space<semaphore_mem>>
    %dma_wait3A_393 = tpu.memref_squeeze %dma_wait3A_392 : memref<1x!tpu.dma_semaphore, #tpu.memory_space<semaphore_mem>> -> memref<!tpu.dma_semaphore, #tpu.memory_space<semaphore_mem>>
    %dma_wait3A_394 = arith.constant 0 : i32
    %dma_wait3A_395 = arith.constant 0 : i32
    %dma_wait3A_396 = tpu.memref_slice %arg10[%dma_wait3A_383, %dma_wait3A_394, %dma_wait3A_395] : memref<2x128x128xf32, #tpu.memory_space<vmem>> -> memref<1x128x128xf32, #tpu.memory_space<vmem>>
    %dma_wait3A_397 = tpu.memref_squeeze %dma_wait3A_396 : memref<1x128x128xf32, #tpu.memory_space<vmem>> -> memref<128x128xf32, #tpu.memory_space<vmem>>
    %dma_wait3A_398 = arith.constant 0 : i32
    %dma_wait3A_399 = arith.constant 0 : i32
    %dma_wait3A_400 = tpu.memref_slice %arg2[%dma_wait3A_398, %dma_wait3A_399] : memref<10000x128xf32, #tpu.memory_space<hbm>> -> memref<128x128xf32, #tpu.memory_space<hbm>>
    tpu.wait_dma2 semaphore(%dma_wait3A_393 : memref<!tpu.dma_semaphore, #tpu.memory_space<semaphore_mem>>) src(%dma_wait3A_400 : memref<128x128xf32, #tpu.memory_space<hbm>>) dst(%dma_wait3A_397 : memref<128x128xf32, #tpu.memory_space<vmem>>)
    %dma_start3A_401 = arith.constant 1 : i32
    %dma_start3A_402 = arith.constant 1 : i32
    %dma_start3A_403 = arith.constant 1 : i32
    %dma_start3A_404 = arith.constant 0 : i32
    %dma_start3A_405 = arith.constant 0 : i32
    %dma_start3A_406 = tpu.memref_slice %arg10[%dma_start3A_401, %dma_start3A_404, %dma_start3A_405] : memref<2x128x128xf32, #tpu.memory_space<vmem>> -> memref<1x128x128xf32, #tpu.memory_space<vmem>>
    %dma_start3A_407 = tpu.memref_squeeze %dma_start3A_406 : memref<1x128x128xf32, #tpu.memory_space<vmem>> -> memref<128x128xf32, #tpu.memory_space<vmem>>
    %dma_start3A_408 = arith.constant 0 : i32
    %dma_start3A_409 = tpu.memref_slice %arg7[%dma_start3A_402, %dma_start3A_408] : memref<2x128xi32, #tpu.memory_space<vmem>> -> memref<1x128xi32, #tpu.memory_space<vmem>>
    %dma_start3A_410 = tpu.memref_squeeze %dma_start3A_409 : memref<1x128xi32, #tpu.memory_space<vmem>> -> memref<128xi32, #tpu.memory_space<vmem>>
    %dma_start3A_411 = arith.constant 0 : i32
    %dma_start3A_412 = arith.constant 0 : i32
    %dma_start3A_413 = tpu.memref_slice %arg11[%dma_start3A_411, %dma_start3A_412] : memref<10240x128xf32, #tpu.memory_space<vmem_shared>> -> memref<10240x128xf32, #tpu.memory_space<vmem_shared>>
    %dma_start3A_414 = tpu.memref_slice %arg13[%dma_start3A_403] : memref<2x!tpu.dma_semaphore, #tpu.memory_space<semaphore_mem>> -> memref<1x!tpu.dma_semaphore, #tpu.memory_space<semaphore_mem>>
    %dma_start3A_415 = tpu.memref_squeeze %dma_start3A_414 : memref<1x!tpu.dma_semaphore, #tpu.memory_space<semaphore_mem>> -> memref<!tpu.dma_semaphore, #tpu.memory_space<semaphore_mem>>
    tpu.enqueue_indirect_dma source(%dma_start3A_407 : memref<128x128xf32, #tpu.memory_space<vmem>>) target(%dma_start3A_413 : memref<10240x128xf32, #tpu.memory_space<vmem_shared>>) offsets(%dma_start3A_410 : memref<128xi32, #tpu.memory_space<vmem>>) semaphore(%dma_start3A_415 : memref<!tpu.dma_semaphore, #tpu.memory_space<semaphore_mem>>) {add = true}
    %dma_wait3A_416 = arith.constant 0 : i32
    %dma_wait3A_417 = arith.constant 0 : i32
    %dma_wait3A_418 = arith.constant 0 : i32
    %dma_wait3A_419 = tpu.memref_slice %arg3[%add3A, %dma_wait3A_416, %dma_wait3A_417, %dma_wait3A_418] : memref<32x80x2x128xi32, #tpu.memory_space<hbm>> -> memref<1x1x2x128xi32, #tpu.memory_space<hbm>>
    %dma_wait3A_420 = tpu.memref_squeeze %dma_wait3A_419 : memref<1x1x2x128xi32, #tpu.memory_space<hbm>> -> memref<2x128xi32, #tpu.memory_space<hbm>>
    %dma_wait3A_421 = arith.constant 0 : i32
    %dma_wait3A_422 = arith.constant 0 : i32
    %dma_wait3A_423 = tpu.memref_slice %arg3[%add3A, %dma_wait3A_416, %dma_wait3A_421, %dma_wait3A_422] : memref<32x80x2x128xi32, #tpu.memory_space<hbm>> -> memref<1x1x2x128xi32, #tpu.memory_space<hbm>>
    %dma_wait3A_424 = tpu.memref_squeeze %dma_wait3A_423 : memref<1x1x2x128xi32, #tpu.memory_space<hbm>> -> memref<2x128xi32, #tpu.memory_space<hbm>>
    tpu.wait_dma2 semaphore(%arg14 : memref<!tpu.dma_semaphore, #tpu.memory_space<semaphore_mem>>) src(%dma_wait3A_424 : memref<2x128xi32, #tpu.memory_space<hbm>>) dst(%arg6 : memref<2x128xi32, #tpu.memory_space<vmem>>)
    %dma_wait3A_425 = arith.constant 0 : i32
    %dma_wait3A_426 = tpu.memref_slice %arg13[%dma_wait3A_425] : memref<2x!tpu.dma_semaphore, #tpu.memory_space<semaphore_mem>> -> memref<1x!tpu.dma_semaphore, #tpu.memory_space<semaphore_mem>>
    %dma_wait3A_427 = tpu.memref_squeeze %dma_wait3A_426 : memref<1x!tpu.dma_semaphore, #tpu.memory_space<semaphore_mem>> -> memref<!tpu.dma_semaphore, #tpu.memory_space<semaphore_mem>>
    %dma_wait3A_428 = arith.constant 0 : i32
    %dma_wait3A_429 = arith.constant 0 : i32
    %dma_wait3A_430 = tpu.memref_slice %arg11[%dma_wait3A_428, %dma_wait3A_429] : memref<10240x128xf32, #tpu.memory_space<vmem_shared>> -> memref<128x128xf32, #tpu.memory_space<vmem_shared>>
    %dma_wait3A_431 = arith.constant 0 : i32
    %dma_wait3A_432 = arith.constant 0 : i32
    %dma_wait3A_433 = tpu.memref_slice %arg2[%dma_wait3A_431, %dma_wait3A_432] : memref<10000x128xf32, #tpu.memory_space<hbm>> -> memref<128x128xf32, #tpu.memory_space<hbm>>
    tpu.wait_dma2 semaphore(%dma_wait3A_427 : memref<!tpu.dma_semaphore, #tpu.memory_space<semaphore_mem>>) src(%dma_wait3A_433 : memref<128x128xf32, #tpu.memory_space<hbm>>) dst(%dma_wait3A_430 : memref<128x128xf32, #tpu.memory_space<vmem_shared>>)
    %dma_start3A_434 = arith.constant 0 : i32
    %dma_start3A_435 = arith.constant 0 : i32
    %dma_start3A_436 = arith.constant 0 : i32
    %dma_start3A_437 = arith.constant 0 : i32
    %dma_start3A_438 = arith.constant 0 : i32
    %dma_start3A_439 = tpu.memref_slice %arg10[%dma_start3A_435, %dma_start3A_437, %dma_start3A_438] : memref<2x128x128xf32, #tpu.memory_space<vmem>> -> memref<1x128x128xf32, #tpu.memory_space<vmem>>
    %dma_start3A_440 = tpu.memref_squeeze %dma_start3A_439 : memref<1x128x128xf32, #tpu.memory_space<vmem>> -> memref<128x128xf32, #tpu.memory_space<vmem>>
    %dma_start3A_441 = arith.constant 0 : i32
    %dma_start3A_442 = tpu.memref_slice %arg8[%dma_start3A_434, %dma_start3A_441] : memref<2x128xi32, #tpu.memory_space<vmem>> -> memref<1x128xi32, #tpu.memory_space<vmem>>
    %dma_start3A_443 = tpu.memref_squeeze %dma_start3A_442 : memref<1x128xi32, #tpu.memory_space<vmem>> -> memref<128xi32, #tpu.memory_space<vmem>>
    %dma_start3A_444 = arith.constant 0 : i32
    %dma_start3A_445 = arith.constant 0 : i32
    %dma_start3A_446 = tpu.memref_slice %arg2[%dma_start3A_444, %dma_start3A_445] : memref<10000x128xf32, #tpu.memory_space<hbm>> -> memref<10000x128xf32, #tpu.memory_space<hbm>>
    %dma_start3A_447 = tpu.memref_slice %arg12[%dma_start3A_436] : memref<2x!tpu.dma_semaphore, #tpu.memory_space<semaphore_mem>> -> memref<1x!tpu.dma_semaphore, #tpu.memory_space<semaphore_mem>>
    %dma_start3A_448 = tpu.memref_squeeze %dma_start3A_447 : memref<1x!tpu.dma_semaphore, #tpu.memory_space<semaphore_mem>> -> memref<!tpu.dma_semaphore, #tpu.memory_space<semaphore_mem>>
    tpu.enqueue_indirect_dma source(%dma_start3A_446 : memref<10000x128xf32, #tpu.memory_space<hbm>>) target(%dma_start3A_440 : memref<128x128xf32, #tpu.memory_space<vmem>>) offsets(%dma_start3A_443 : memref<128xi32, #tpu.memory_space<vmem>>) semaphore(%dma_start3A_448 : memref<!tpu.dma_semaphore, #tpu.memory_space<semaphore_mem>>)
    %dma_start3A_449 = arith.constant 79 : i32
    %dma_start3A_450 = arith.constant 0 : i32
    %dma_start3A_451 = arith.constant 0 : i32
    %dma_start3A_452 = tpu.memref_slice %arg3[%add3A, %dma_start3A_449, %dma_start3A_450, %dma_start3A_451] : memref<32x80x2x128xi32, #tpu.memory_space<hbm>> -> memref<1x1x2x128xi32, #tpu.memory_space<hbm>>
    %dma_start3A_453 = tpu.memref_squeeze %dma_start3A_452 : memref<1x1x2x128xi32, #tpu.memory_space<hbm>> -> memref<2x128xi32, #tpu.memory_space<hbm>>
    %dma_start3A_454 = arith.constant 0 : i32
    %dma_start3A_455 = arith.constant 0 : i32
    %dma_start3A_456 = tpu.memref_slice %arg3[%add3A, %dma_start3A_449, %dma_start3A_454, %dma_start3A_455] : memref<32x80x2x128xi32, #tpu.memory_space<hbm>> -> memref<1x1x2x128xi32, #tpu.memory_space<hbm>>
    %dma_start3A_457 = tpu.memref_squeeze %dma_start3A_456 : memref<1x1x2x128xi32, #tpu.memory_space<hbm>> -> memref<2x128xi32, #tpu.memory_space<hbm>>
    tpu.enqueue_dma source(%dma_start3A_457 : memref<2x128xi32, #tpu.memory_space<hbm>>) target(%arg9 : memref<2x128xi32, #tpu.memory_space<vmem>>) target_semaphore(%arg14 : memref<!tpu.dma_semaphore, #tpu.memory_space<semaphore_mem>>)
    %dma_wait3A_458 = arith.constant 0 : i32
    %dma_wait3A_459 = arith.constant 0 : i32
    %dma_wait3A_460 = arith.constant 0 : i32
    %dma_wait3A_461 = arith.constant 0 : i32
    %dma_wait3A_462 = tpu.memref_slice %arg10[%dma_wait3A_458, %dma_wait3A_460, %dma_wait3A_461] : memref<2x128x128xf32, #tpu.memory_space<vmem>> -> memref<1x128x128xf32, #tpu.memory_space<vmem>>
    %dma_wait3A_463 = tpu.memref_squeeze %dma_wait3A_462 : memref<1x128x128xf32, #tpu.memory_space<vmem>> -> memref<128x128xf32, #tpu.memory_space<vmem>>
    %dma_wait3A_464 = arith.constant 0 : i32
    %dma_wait3A_465 = arith.constant 0 : i32
    %dma_wait3A_466 = tpu.memref_slice %arg2[%dma_wait3A_464, %dma_wait3A_465] : memref<10000x128xf32, #tpu.memory_space<hbm>> -> memref<128x128xf32, #tpu.memory_space<hbm>>
    %dma_wait3A_467 = tpu.memref_slice %arg12[%dma_wait3A_459] : memref<2x!tpu.dma_semaphore, #tpu.memory_space<semaphore_mem>> -> memref<1x!tpu.dma_semaphore, #tpu.memory_space<semaphore_mem>>
    %dma_wait3A_468 = tpu.memref_squeeze %dma_wait3A_467 : memref<1x!tpu.dma_semaphore, #tpu.memory_space<semaphore_mem>> -> memref<!tpu.dma_semaphore, #tpu.memory_space<semaphore_mem>>
    %dma_wait3A_469 = arith.constant 0 : i32
    %dma_wait3A_470 = arith.constant 0 : i32
    %dma_wait3A_471 = tpu.memref_slice %arg10[%dma_wait3A_458, %dma_wait3A_469, %dma_wait3A_470] : memref<2x128x128xf32, #tpu.memory_space<vmem>> -> memref<1x128x128xf32, #tpu.memory_space<vmem>>
    %dma_wait3A_472 = tpu.memref_squeeze %dma_wait3A_471 : memref<1x128x128xf32, #tpu.memory_space<vmem>> -> memref<128x128xf32, #tpu.memory_space<vmem>>
    %dma_wait3A_473 = arith.constant 0 : i32
    %dma_wait3A_474 = arith.constant 0 : i32
    %dma_wait3A_475 = tpu.memref_slice %arg2[%dma_wait3A_473, %dma_wait3A_474] : memref<10000x128xf32, #tpu.memory_space<hbm>> -> memref<128x128xf32, #tpu.memory_space<hbm>>
    tpu.wait_dma2 semaphore(%dma_wait3A_468 : memref<!tpu.dma_semaphore, #tpu.memory_space<semaphore_mem>>) src(%dma_wait3A_475 : memref<128x128xf32, #tpu.memory_space<hbm>>) dst(%dma_wait3A_472 : memref<128x128xf32, #tpu.memory_space<vmem>>)
    %dma_start3A_476 = arith.constant 0 : i32
    %dma_start3A_477 = arith.constant 1 : i32
    %dma_start3A_478 = arith.constant 0 : i32
    %dma_start3A_479 = arith.constant 0 : i32
    %dma_start3A_480 = arith.constant 0 : i32
    %dma_start3A_481 = tpu.memref_slice %arg10[%dma_start3A_476, %dma_start3A_479, %dma_start3A_480] : memref<2x128x128xf32, #tpu.memory_space<vmem>> -> memref<1x128x128xf32, #tpu.memory_space<vmem>>
    %dma_start3A_482 = tpu.memref_squeeze %dma_start3A_481 : memref<1x128x128xf32, #tpu.memory_space<vmem>> -> memref<128x128xf32, #tpu.memory_space<vmem>>
    %dma_start3A_483 = arith.constant 0 : i32
    %dma_start3A_484 = tpu.memref_slice %arg8[%dma_start3A_477, %dma_start3A_483] : memref<2x128xi32, #tpu.memory_space<vmem>> -> memref<1x128xi32, #tpu.memory_space<vmem>>
    %dma_start3A_485 = tpu.memref_squeeze %dma_start3A_484 : memref<1x128xi32, #tpu.memory_space<vmem>> -> memref<128xi32, #tpu.memory_space<vmem>>
    %dma_start3A_486 = arith.constant 0 : i32
    %dma_start3A_487 = arith.constant 0 : i32
    %dma_start3A_488 = tpu.memref_slice %arg11[%dma_start3A_486, %dma_start3A_487] : memref<10240x128xf32, #tpu.memory_space<vmem_shared>> -> memref<10240x128xf32, #tpu.memory_space<vmem_shared>>
    %dma_start3A_489 = tpu.memref_slice %arg13[%dma_start3A_478] : memref<2x!tpu.dma_semaphore, #tpu.memory_space<semaphore_mem>> -> memref<1x!tpu.dma_semaphore, #tpu.memory_space<semaphore_mem>>
    %dma_start3A_490 = tpu.memref_squeeze %dma_start3A_489 : memref<1x!tpu.dma_semaphore, #tpu.memory_space<semaphore_mem>> -> memref<!tpu.dma_semaphore, #tpu.memory_space<semaphore_mem>>
    tpu.enqueue_indirect_dma source(%dma_start3A_482 : memref<128x128xf32, #tpu.memory_space<vmem>>) target(%dma_start3A_488 : memref<10240x128xf32, #tpu.memory_space<vmem_shared>>) offsets(%dma_start3A_485 : memref<128xi32, #tpu.memory_space<vmem>>) semaphore(%dma_start3A_490 : memref<!tpu.dma_semaphore, #tpu.memory_space<semaphore_mem>>) {add = true}
    %dma_wait3A_491 = arith.constant 0 : i32
    %dma_wait3A_492 = arith.constant 0 : i32
    %dma_wait3A_493 = arith.constant 0 : i32
    %dma_wait3A_494 = tpu.memref_slice %arg3[%add3A, %dma_wait3A_491, %dma_wait3A_492, %dma_wait3A_493] : memref<32x80x2x128xi32, #tpu.memory_space<hbm>> -> memref<1x1x2x128xi32, #tpu.memory_space<hbm>>
    %dma_wait3A_495 = tpu.memref_squeeze %dma_wait3A_494 : memref<1x1x2x128xi32, #tpu.memory_space<hbm>> -> memref<2x128xi32, #tpu.memory_space<hbm>>
    %dma_wait3A_496 = arith.constant 0 : i32
    %dma_wait3A_497 = arith.constant 0 : i32
    %dma_wait3A_498 = tpu.memref_slice %arg3[%add3A, %dma_wait3A_491, %dma_wait3A_496, %dma_wait3A_497] : memref<32x80x2x128xi32, #tpu.memory_space<hbm>> -> memref<1x1x2x128xi32, #tpu.memory_space<hbm>>
    %dma_wait3A_499 = tpu.memref_squeeze %dma_wait3A_498 : memref<1x1x2x128xi32, #tpu.memory_space<hbm>> -> memref<2x128xi32, #tpu.memory_space<hbm>>
    tpu.wait_dma2 semaphore(%arg14 : memref<!tpu.dma_semaphore, #tpu.memory_space<semaphore_mem>>) src(%dma_wait3A_499 : memref<2x128xi32, #tpu.memory_space<hbm>>) dst(%arg6 : memref<2x128xi32, #tpu.memory_space<vmem>>)
    %dma_wait3A_500 = arith.constant 1 : i32
    %dma_wait3A_501 = tpu.memref_slice %arg13[%dma_wait3A_500] : memref<2x!tpu.dma_semaphore, #tpu.memory_space<semaphore_mem>> -> memref<1x!tpu.dma_semaphore, #tpu.memory_space<semaphore_mem>>
    %dma_wait3A_502 = tpu.memref_squeeze %dma_wait3A_501 : memref<1x!tpu.dma_semaphore, #tpu.memory_space<semaphore_mem>> -> memref<!tpu.dma_semaphore, #tpu.memory_space<semaphore_mem>>
    %dma_wait3A_503 = arith.constant 0 : i32
    %dma_wait3A_504 = arith.constant 0 : i32
    %dma_wait3A_505 = tpu.memref_slice %arg11[%dma_wait3A_503, %dma_wait3A_504] : memref<10240x128xf32, #tpu.memory_space<vmem_shared>> -> memref<128x128xf32, #tpu.memory_space<vmem_shared>>
    %dma_wait3A_506 = arith.constant 0 : i32
    %dma_wait3A_507 = arith.constant 0 : i32
    %dma_wait3A_508 = tpu.memref_slice %arg2[%dma_wait3A_506, %dma_wait3A_507] : memref<10000x128xf32, #tpu.memory_space<hbm>> -> memref<128x128xf32, #tpu.memory_space<hbm>>
    tpu.wait_dma2 semaphore(%dma_wait3A_502 : memref<!tpu.dma_semaphore, #tpu.memory_space<semaphore_mem>>) src(%dma_wait3A_508 : memref<128x128xf32, #tpu.memory_space<hbm>>) dst(%dma_wait3A_505 : memref<128x128xf32, #tpu.memory_space<vmem_shared>>)
    %dma_start3A_509 = arith.constant 0 : i32
    %dma_start3A_510 = arith.constant 1 : i32
    %dma_start3A_511 = arith.constant 1 : i32
    %dma_start3A_512 = arith.constant 0 : i32
    %dma_start3A_513 = arith.constant 0 : i32
    %dma_start3A_514 = tpu.memref_slice %arg10[%dma_start3A_510, %dma_start3A_512, %dma_start3A_513] : memref<2x128x128xf32, #tpu.memory_space<vmem>> -> memref<1x128x128xf32, #tpu.memory_space<vmem>>
    %dma_start3A_515 = tpu.memref_squeeze %dma_start3A_514 : memref<1x128x128xf32, #tpu.memory_space<vmem>> -> memref<128x128xf32, #tpu.memory_space<vmem>>
    %dma_start3A_516 = arith.constant 0 : i32
    %dma_start3A_517 = tpu.memref_slice %arg9[%dma_start3A_509, %dma_start3A_516] : memref<2x128xi32, #tpu.memory_space<vmem>> -> memref<1x128xi32, #tpu.memory_space<vmem>>
    %dma_start3A_518 = tpu.memref_squeeze %dma_start3A_517 : memref<1x128xi32, #tpu.memory_space<vmem>> -> memref<128xi32, #tpu.memory_space<vmem>>
    %dma_start3A_519 = arith.constant 0 : i32
    %dma_start3A_520 = arith.constant 0 : i32
    %dma_start3A_521 = tpu.memref_slice %arg2[%dma_start3A_519, %dma_start3A_520] : memref<10000x128xf32, #tpu.memory_space<hbm>> -> memref<10000x128xf32, #tpu.memory_space<hbm>>
    %dma_start3A_522 = tpu.memref_slice %arg12[%dma_start3A_511] : memref<2x!tpu.dma_semaphore, #tpu.memory_space<semaphore_mem>> -> memref<1x!tpu.dma_semaphore, #tpu.memory_space<semaphore_mem>>
    %dma_start3A_523 = tpu.memref_squeeze %dma_start3A_522 : memref<1x!tpu.dma_semaphore, #tpu.memory_space<semaphore_mem>> -> memref<!tpu.dma_semaphore, #tpu.memory_space<semaphore_mem>>
    tpu.enqueue_indirect_dma source(%dma_start3A_521 : memref<10000x128xf32, #tpu.memory_space<hbm>>) target(%dma_start3A_515 : memref<128x128xf32, #tpu.memory_space<vmem>>) offsets(%dma_start3A_518 : memref<128xi32, #tpu.memory_space<vmem>>) semaphore(%dma_start3A_523 : memref<!tpu.dma_semaphore, #tpu.memory_space<semaphore_mem>>)
    %dma_wait3A_524 = arith.constant 1 : i32
    %dma_wait3A_525 = arith.constant 1 : i32
    %dma_wait3A_526 = arith.constant 0 : i32
    %dma_wait3A_527 = arith.constant 0 : i32
    %dma_wait3A_528 = tpu.memref_slice %arg10[%dma_wait3A_524, %dma_wait3A_526, %dma_wait3A_527] : memref<2x128x128xf32, #tpu.memory_space<vmem>> -> memref<1x128x128xf32, #tpu.memory_space<vmem>>
    %dma_wait3A_529 = tpu.memref_squeeze %dma_wait3A_528 : memref<1x128x128xf32, #tpu.memory_space<vmem>> -> memref<128x128xf32, #tpu.memory_space<vmem>>
    %dma_wait3A_530 = arith.constant 0 : i32
    %dma_wait3A_531 = arith.constant 0 : i32
    %dma_wait3A_532 = tpu.memref_slice %arg2[%dma_wait3A_530, %dma_wait3A_531] : memref<10000x128xf32, #tpu.memory_space<hbm>> -> memref<128x128xf32, #tpu.memory_space<hbm>>
    %dma_wait3A_533 = tpu.memref_slice %arg12[%dma_wait3A_525] : memref<2x!tpu.dma_semaphore, #tpu.memory_space<semaphore_mem>> -> memref<1x!tpu.dma_semaphore, #tpu.memory_space<semaphore_mem>>
    %dma_wait3A_534 = tpu.memref_squeeze %dma_wait3A_533 : memref<1x!tpu.dma_semaphore, #tpu.memory_space<semaphore_mem>> -> memref<!tpu.dma_semaphore, #tpu.memory_space<semaphore_mem>>
    %dma_wait3A_535 = arith.constant 0 : i32
    %dma_wait3A_536 = arith.constant 0 : i32
    %dma_wait3A_537 = tpu.memref_slice %arg10[%dma_wait3A_524, %dma_wait3A_535, %dma_wait3A_536] : memref<2x128x128xf32, #tpu.memory_space<vmem>> -> memref<1x128x128xf32, #tpu.memory_space<vmem>>
    %dma_wait3A_538 = tpu.memref_squeeze %dma_wait3A_537 : memref<1x128x128xf32, #tpu.memory_space<vmem>> -> memref<128x128xf32, #tpu.memory_space<vmem>>
    %dma_wait3A_539 = arith.constant 0 : i32
    %dma_wait3A_540 = arith.constant 0 : i32
    %dma_wait3A_541 = tpu.memref_slice %arg2[%dma_wait3A_539, %dma_wait3A_540] : memref<10000x128xf32, #tpu.memory_space<hbm>> -> memref<128x128xf32, #tpu.memory_space<hbm>>
    tpu.wait_dma2 semaphore(%dma_wait3A_534 : memref<!tpu.dma_semaphore, #tpu.memory_space<semaphore_mem>>) src(%dma_wait3A_541 : memref<128x128xf32, #tpu.memory_space<hbm>>) dst(%dma_wait3A_538 : memref<128x128xf32, #tpu.memory_space<vmem>>)
    %dma_start3A_542 = arith.constant 1 : i32
    %dma_start3A_543 = arith.constant 1 : i32
    %dma_start3A_544 = arith.constant 1 : i32
    %dma_start3A_545 = arith.constant 0 : i32
    %dma_start3A_546 = arith.constant 0 : i32
    %dma_start3A_547 = tpu.memref_slice %arg10[%dma_start3A_542, %dma_start3A_545, %dma_start3A_546] : memref<2x128x128xf32, #tpu.memory_space<vmem>> -> memref<1x128x128xf32, #tpu.memory_space<vmem>>
    %dma_start3A_548 = tpu.memref_squeeze %dma_start3A_547 : memref<1x128x128xf32, #tpu.memory_space<vmem>> -> memref<128x128xf32, #tpu.memory_space<vmem>>
    %dma_start3A_549 = arith.constant 0 : i32
    %dma_start3A_550 = tpu.memref_slice %arg9[%dma_start3A_543, %dma_start3A_549] : memref<2x128xi32, #tpu.memory_space<vmem>> -> memref<1x128xi32, #tpu.memory_space<vmem>>
    %dma_start3A_551 = tpu.memref_squeeze %dma_start3A_550 : memref<1x128xi32, #tpu.memory_space<vmem>> -> memref<128xi32, #tpu.memory_space<vmem>>
    %dma_start3A_552 = arith.constant 0 : i32
    %dma_start3A_553 = arith.constant 0 : i32
    %dma_start3A_554 = tpu.memref_slice %arg11[%dma_start3A_552, %dma_start3A_553] : memref<10240x128xf32, #tpu.memory_space<vmem_shared>> -> memref<10240x128xf32, #tpu.memory_space<vmem_shared>>
    %dma_start3A_555 = tpu.memref_slice %arg13[%dma_start3A_544] : memref<2x!tpu.dma_semaphore, #tpu.memory_space<semaphore_mem>> -> memref<1x!tpu.dma_semaphore, #tpu.memory_space<semaphore_mem>>
    %dma_start3A_556 = tpu.memref_squeeze %dma_start3A_555 : memref<1x!tpu.dma_semaphore, #tpu.memory_space<semaphore_mem>> -> memref<!tpu.dma_semaphore, #tpu.memory_space<semaphore_mem>>
    tpu.enqueue_indirect_dma source(%dma_start3A_548 : memref<128x128xf32, #tpu.memory_space<vmem>>) target(%dma_start3A_554 : memref<10240x128xf32, #tpu.memory_space<vmem_shared>>) offsets(%dma_start3A_551 : memref<128xi32, #tpu.memory_space<vmem>>) semaphore(%dma_start3A_556 : memref<!tpu.dma_semaphore, #tpu.memory_space<semaphore_mem>>) {add = true}
    %dma_wait3A_557 = arith.constant 0 : i32
    %dma_wait3A_558 = tpu.memref_slice %arg13[%dma_wait3A_557] : memref<2x!tpu.dma_semaphore, #tpu.memory_space<semaphore_mem>> -> memref<1x!tpu.dma_semaphore, #tpu.memory_space<semaphore_mem>>
    %dma_wait3A_559 = tpu.memref_squeeze %dma_wait3A_558 : memref<1x!tpu.dma_semaphore, #tpu.memory_space<semaphore_mem>> -> memref<!tpu.dma_semaphore, #tpu.memory_space<semaphore_mem>>
    %dma_wait3A_560 = arith.constant 0 : i32
    %dma_wait3A_561 = arith.constant 0 : i32
    %dma_wait3A_562 = tpu.memref_slice %arg11[%dma_wait3A_560, %dma_wait3A_561] : memref<10240x128xf32, #tpu.memory_space<vmem_shared>> -> memref<128x128xf32, #tpu.memory_space<vmem_shared>>
    %dma_wait3A_563 = arith.constant 0 : i32
    %dma_wait3A_564 = arith.constant 0 : i32
    %dma_wait3A_565 = tpu.memref_slice %arg2[%dma_wait3A_563, %dma_wait3A_564] : memref<10000x128xf32, #tpu.memory_space<hbm>> -> memref<128x128xf32, #tpu.memory_space<hbm>>
    tpu.wait_dma2 semaphore(%dma_wait3A_559 : memref<!tpu.dma_semaphore, #tpu.memory_space<semaphore_mem>>) src(%dma_wait3A_565 : memref<128x128xf32, #tpu.memory_space<hbm>>) dst(%dma_wait3A_562 : memref<128x128xf32, #tpu.memory_space<vmem_shared>>)
    %dma_wait3A_566 = arith.constant 1 : i32
    %dma_wait3A_567 = tpu.memref_slice %arg13[%dma_wait3A_566] : memref<2x!tpu.dma_semaphore, #tpu.memory_space<semaphore_mem>> -> memref<1x!tpu.dma_semaphore, #tpu.memory_space<semaphore_mem>>
    %dma_wait3A_568 = tpu.memref_squeeze %dma_wait3A_567 : memref<1x!tpu.dma_semaphore, #tpu.memory_space<semaphore_mem>> -> memref<!tpu.dma_semaphore, #tpu.memory_space<semaphore_mem>>
    %dma_wait3A_569 = arith.constant 0 : i32
    %dma_wait3A_570 = arith.constant 0 : i32
    %dma_wait3A_571 = tpu.memref_slice %arg11[%dma_wait3A_569, %dma_wait3A_570] : memref<10240x128xf32, #tpu.memory_space<vmem_shared>> -> memref<128x128xf32, #tpu.memory_space<vmem_shared>>
    %dma_wait3A_572 = arith.constant 0 : i32
    %dma_wait3A_573 = arith.constant 0 : i32
    %dma_wait3A_574 = tpu.memref_slice %arg2[%dma_wait3A_572, %dma_wait3A_573] : memref<10000x128xf32, #tpu.memory_space<hbm>> -> memref<128x128xf32, #tpu.memory_space<hbm>>
    tpu.wait_dma2 semaphore(%dma_wait3A_568 : memref<!tpu.dma_semaphore, #tpu.memory_space<semaphore_mem>>) src(%dma_wait3A_574 : memref<128x128xf32, #tpu.memory_space<hbm>>) dst(%dma_wait3A_571 : memref<128x128xf32, #tpu.memory_space<vmem_shared>>)
    %barrier3A_575 = arith.constant 0 : index
    tpu.barrier barrier_id(%barrier3A_575)
    %scan3A_576 = arith.constant 0 : i32
    %scan3A_577 = arith.constant 0 : i32
    %scan3A_578 = arith.constant 2 : i32
    %scan3A_579 = arith.addi %scan3A_577, %scan3A_578 : i32
    %scan3A_580 = arith.constant 1 : i32
    scf.for %scan3A_582 = %scan3A_577 to %scan3A_579 step %scan3A_580  : i32 {
      %mul3A_583 = arith.constant 16 : i32
      %mul3A_584 = arith.muli %scan3A_582, %mul3A_583 : i32
      %add3A_585 = arith.addi %mul3A_584, %arg1 : i32
      %lt3A = arith.constant 25 : i32
      %lt3A_586 = arith.cmpi slt, %add3A_585, %lt3A : i32
      %convert_element_type3A = arith.extui %lt3A_586 : i1 to i32
      %cond3A = arith.constant 0 : i32
      %cond3A_587 = arith.cmpi ne, %convert_element_type3A, %cond3A : i32
      scf.if %cond3A_587 {
        %mul3A_588 = arith.constant 400 : i32
        %mul3A_589 = arith.muli %add3A_585, %mul3A_588 : i32
        %mul3A_590 = arith.constant 400 : i32
        %mul3A_591 = arith.muli %add3A_585, %mul3A_590 : i32
        "tpu.region"() ({
          %run_scoped3A_592 = tpu.sem_alloc : memref<!tpu.dma_semaphore, #tpu.memory_space<semaphore_mem>>
          %dma_start3A_593 = arith.constant 0 : i32
          %dma_start3A_594 = tpu.memref_slice %arg5[%arg0, %mul3A_591, %dma_start3A_593] : memref<2x10000x128xf32, #tpu.memory_space<hbm>> -> memref<1x400x128xf32, #tpu.memory_space<hbm>>
          %dma_start3A_595 = tpu.memref_squeeze %dma_start3A_594 : memref<1x400x128xf32, #tpu.memory_space<hbm>> -> memref<400x128xf32, #tpu.memory_space<hbm>>
          %dma_start3A_596 = arith.constant 0 : i32
          %dma_start3A_597 = tpu.memref_slice %arg11[%mul3A_589, %dma_start3A_596] : memref<10240x128xf32, #tpu.memory_space<vmem_shared>> -> memref<400x128xf32, #tpu.memory_space<vmem_shared>>
          tpu.enqueue_dma source(%dma_start3A_597 : memref<400x128xf32, #tpu.memory_space<vmem_shared>>) target(%dma_start3A_595 : memref<400x128xf32, #tpu.memory_space<hbm>>) target_semaphore(%run_scoped3A_592 : memref<!tpu.dma_semaphore, #tpu.memory_space<semaphore_mem>>)
          %dma_wait3A_598 = arith.constant 0 : i32
          %dma_wait3A_599 = tpu.memref_slice %arg5[%arg0, %mul3A_591, %dma_wait3A_598] : memref<2x10000x128xf32, #tpu.memory_space<hbm>> -> memref<1x400x128xf32, #tpu.memory_space<hbm>>
          %dma_wait3A_600 = tpu.memref_squeeze %dma_wait3A_599 : memref<1x400x128xf32, #tpu.memory_space<hbm>> -> memref<400x128xf32, #tpu.memory_space<hbm>>
          %dma_wait3A_601 = arith.constant 0 : i32
          %dma_wait3A_602 = tpu.memref_slice %arg11[%mul3A_589, %dma_wait3A_601] : memref<10240x128xf32, #tpu.memory_space<vmem_shared>> -> memref<400x128xf32, #tpu.memory_space<vmem_shared>>
          tpu.wait_dma2 semaphore(%run_scoped3A_592 : memref<!tpu.dma_semaphore, #tpu.memory_space<semaphore_mem>>) src(%dma_wait3A_602 : memref<400x128xf32, #tpu.memory_space<vmem_shared>>) dst(%dma_wait3A_600 : memref<400x128xf32, #tpu.memory_space<hbm>>)
          tpu.yield
        }) : () -> ()
      } else {
      }
    }
    %scan3A_581 = arith.constant 2 : i32
    return
  }
}

module attributes {stable_mosaic.version = 14 : i64} {
  func.func @_tc1_body(%arg0: i32, %arg1: memref<1000x128xf32, #tpu.memory_space<vmem>>, %arg2: memref<128x128xf32, #tpu.memory_space<vmem>>, %arg3: memref<1000x2xf32, #tpu.memory_space<vmem>>, %arg4: memref<1000x128xf32, #tpu.memory_space<vmem>>) attributes {dimension_semantics = [#tpu.dimension_semantics<arbitrary>], iteration_bounds = array<i64: 10>, scalar_prefetch = 0 : i64, scratch_operands = 0 : i64, tpu.core_type = #tpu.core_type<tc>, window_params = [{transform_indices = @transform_0, window_bounds = array<i64: 1000, 128>}, {pipeline_mode = #tpu.pipeline_mode<synchronous>, transform_indices = @transform_1, window_bounds = array<i64: 128, 128>}, {transform_indices = @transform_2, window_bounds = array<i64: 1000, 2>}, {transform_indices = @transform_3, window_bounds = array<i64: 1000, 128>}]} {
    %get3A = arith.constant 0 : index
    %get3A_0 = arith.constant 0 : index
    %get3A_1 = vector.load %arg3[%get3A, %get3A_0] : memref<1000x2xf32, #tpu.memory_space<vmem>>, vector<1000x2xf32>
    %slice3A = vector.extract_strided_slice %get3A_1 {offsets = [0, 0], sizes = [1000, 1], strides = [1, 1]} : vector<1000x2xf32> to vector<1000x1xf32>
    %squeeze3A = vector.shape_cast %slice3A : vector<1000x1xf32> to vector<1000xf32>
    %slice3A_2 = vector.extract_strided_slice %get3A_1 {offsets = [0, 1], sizes = [1000, 1], strides = [1, 1]} : vector<1000x2xf32> to vector<1000x1xf32>
    %squeeze3A_3 = vector.shape_cast %slice3A_2 : vector<1000x1xf32> to vector<1000xf32>
    %add3A = arith.addf %squeeze3A, %squeeze3A_3 : vector<1000xf32>
    %add3A_4 = arith.constant 1.000000e+00 : f32
    %add3A_5 = vector.broadcast %add3A_4 : f32 to vector<1000xf32>
    %add3A_6 = arith.addf %add3A, %add3A_5 : vector<1000xf32>
    %rsqrt3A = math.rsqrt %add3A_6 : vector<1000xf32>
    %get3A_7 = arith.constant 0 : index
    %get3A_8 = arith.constant 0 : index
    %get3A_9 = vector.load %arg1[%get3A_7, %get3A_8] : memref<1000x128xf32, #tpu.memory_space<vmem>>, vector<1000x128xf32>
    %get3A_10 = arith.constant 0 : index
    %get3A_11 = arith.constant 0 : index
    %get3A_12 = vector.load %arg2[%get3A_10, %get3A_11] : memref<128x128xf32, #tpu.memory_space<vmem>>, vector<128x128xf32>
    %dot_general3A = arith.constant dense<0.000000e+00> : vector<1000x128xf32>
    %dot_general3A_13 = tpu.matmul %get3A_9, %get3A_12, %dot_general3A {dimension_numbers = #tpu.dot_dimension_numbers<[1], [0], [0], [1], [0, 0, 1, 1], [], []>, transpose_lhs_hint = false} : vector<1000x128xf32>, vector<128x128xf32>, vector<1000x128xf32> -> vector<1000x128xf32>
    %broadcast_in_dim3A = vector.shape_cast %rsqrt3A : vector<1000xf32> to vector<1000x1xf32>
    %mul3A = vector.broadcast %broadcast_in_dim3A : vector<1000x1xf32> to vector<1000x128xf32>
    %mul3A_14 = arith.mulf %dot_general3A_13, %mul3A : vector<1000x128xf32>
    %swap3A = arith.constant 0 : index
    %swap3A_15 = arith.constant 0 : index
    %swap3A_16 = vector.load %arg4[%swap3A, %swap3A_15] : memref<1000x128xf32, #tpu.memory_space<vmem>>, vector<1000x128xf32>
    tpu.vector_store %arg4[%swap3A, %swap3A_15], %mul3A_14 {strides = array<i32>} : memref<1000x128xf32, #tpu.memory_space<vmem>>, vector<1000x128xf32>,
    return
  }
  func.func @transform_0(%arg0: i32) -> (i32, i32) {
    %c0_i32 = arith.constant 0 : i32
    %c0_i32_0 = arith.constant 0 : i32
    return %arg0, %c0_i32 : i32, i32
  }
  func.func @transform_1(%arg0: i32) -> (i32, i32) {
    %c0_i32 = arith.constant 0 : i32
    %c0_i32_0 = arith.constant 0 : i32
    %c0_i32_1 = arith.constant 0 : i32
    return %c0_i32, %c0_i32_0 : i32, i32
  }
  func.func @transform_2(%arg0: i32) -> (i32, i32) {
    %c0_i32 = arith.constant 0 : i32
    %c0_i32_0 = arith.constant 0 : i32
    return %arg0, %c0_i32 : i32, i32
  }
  func.func @transform_3(%arg0: i32) -> (i32, i32) {
    %c0_i32 = arith.constant 0 : i32
    %c0_i32_0 = arith.constant 0 : i32
    return %arg0, %c0_i32 : i32, i32
  }
}

module attributes {stable_mosaic.version = 14 : i64} {
  func.func @_tc2_body(%arg0: i32, %arg1: memref<2x1000x128xf32, #tpu.memory_space<vmem>>, %arg2: memref<1000x128xf32, #tpu.memory_space<vmem>>, %arg3: memref<1000x2xf32, #tpu.memory_space<vmem>>, %arg4: memref<1x128xf32, #tpu.memory_space<vmem>>, %arg5: memref<128x128xf32, #tpu.memory_space<vmem>>, %arg6: memref<1000x128xf32, #tpu.memory_space<vmem>>) attributes {dimension_semantics = [#tpu.dimension_semantics<arbitrary>], iteration_bounds = array<i64: 10>, scalar_prefetch = 0 : i64, scratch_operands = 0 : i64, tpu.core_type = #tpu.core_type<tc>, window_params = [{transform_indices = @transform_0, window_bounds = array<i64: 2, 1000, 128>}, {transform_indices = @transform_1, window_bounds = array<i64: 1000, 128>}, {transform_indices = @transform_2, window_bounds = array<i64: 1000, 2>}, {pipeline_mode = #tpu.pipeline_mode<synchronous>, transform_indices = @transform_3, window_bounds = array<i64: 1, 128>}, {pipeline_mode = #tpu.pipeline_mode<synchronous>, transform_indices = @transform_4, window_bounds = array<i64: 128, 128>}, {transform_indices = @transform_5, window_bounds = array<i64: 1000, 128>}]} {
    %get3A = arith.constant 0 : index
    %get3A_0 = arith.constant 0 : index
    %get3A_1 = vector.load %arg3[%get3A, %get3A_0] : memref<1000x2xf32, #tpu.memory_space<vmem>>, vector<1000x2xf32>
    %slice3A = vector.extract_strided_slice %get3A_1 {offsets = [0, 0], sizes = [1000, 1], strides = [1, 1]} : vector<1000x2xf32> to vector<1000x1xf32>
    %squeeze3A = vector.shape_cast %slice3A : vector<1000x1xf32> to vector<1000xf32>
    %slice3A_2 = vector.extract_strided_slice %get3A_1 {offsets = [0, 1], sizes = [1000, 1], strides = [1, 1]} : vector<1000x2xf32> to vector<1000x1xf32>
    %squeeze3A_3 = vector.shape_cast %slice3A_2 : vector<1000x1xf32> to vector<1000xf32>
    %add3A = arith.addf %squeeze3A, %squeeze3A_3 : vector<1000xf32>
    %add3A_4 = arith.constant 1.000000e+00 : f32
    %add3A_5 = vector.broadcast %add3A_4 : f32 to vector<1000xf32>
    %add3A_6 = arith.addf %add3A, %add3A_5 : vector<1000xf32>
    %rsqrt3A = math.rsqrt %add3A_6 : vector<1000xf32>
    %get3A_7 = arith.constant 0 : index
    %get3A_8 = arith.constant 0 : index
    %get3A_9 = arith.constant 0 : index
    %get3A_10 = vector.load %arg1[%get3A_7, %get3A_8, %get3A_9] : memref<2x1000x128xf32, #tpu.memory_space<vmem>>, vector<1x1000x128xf32>
    %get3A_11 = vector.shape_cast %get3A_10 : vector<1x1000x128xf32> to vector<1000x128xf32>
    %get3A_12 = arith.constant 1 : index
    %get3A_13 = arith.constant 0 : index
    %get3A_14 = arith.constant 0 : index
    %get3A_15 = vector.load %arg1[%get3A_12, %get3A_13, %get3A_14] : memref<2x1000x128xf32, #tpu.memory_space<vmem>>, vector<1x1000x128xf32>
    %get3A_16 = vector.shape_cast %get3A_15 : vector<1x1000x128xf32> to vector<1000x128xf32>
    %add3A_17 = arith.addf %get3A_11, %get3A_16 : vector<1000x128xf32>
    %get3A_18 = arith.constant 0 : index
    %get3A_19 = arith.constant 0 : index
    %get3A_20 = vector.load %arg2[%get3A_18, %get3A_19] : memref<1000x128xf32, #tpu.memory_space<vmem>>, vector<1000x128xf32>
    %add3A_21 = arith.addf %add3A_17, %get3A_20 : vector<1000x128xf32>
    %broadcast_in_dim3A = vector.shape_cast %rsqrt3A : vector<1000xf32> to vector<1000x1xf32>
    %mul3A = vector.broadcast %broadcast_in_dim3A : vector<1000x1xf32> to vector<1000x128xf32>
    %mul3A_22 = arith.mulf %add3A_21, %mul3A : vector<1000x128xf32>
    %get3A_23 = arith.constant 0 : index
    %get3A_24 = arith.constant 0 : index
    %get3A_25 = vector.load %arg4[%get3A_23, %get3A_24] : memref<1x128xf32, #tpu.memory_space<vmem>>, vector<1x128xf32>
    %add3A_26 = vector.broadcast %get3A_25 : vector<1x128xf32> to vector<1000x128xf32>
    %add3A_27 = arith.addf %mul3A_22, %add3A_26 : vector<1000x128xf32>
    %max3A = arith.constant 0.000000e+00 : f32
    %max3A_28 = vector.broadcast %max3A : f32 to vector<1000x128xf32>
    %max3A_29 = arith.maximumf %add3A_27, %max3A_28 : vector<1000x128xf32>
    %get3A_30 = arith.constant 0 : index
    %get3A_31 = arith.constant 0 : index
    %get3A_32 = vector.load %arg5[%get3A_30, %get3A_31] : memref<128x128xf32, #tpu.memory_space<vmem>>, vector<128x128xf32>
    %dot_general3A = arith.constant dense<0.000000e+00> : vector<1000x128xf32>
    %dot_general3A_33 = tpu.matmul %max3A_29, %get3A_32, %dot_general3A {dimension_numbers = #tpu.dot_dimension_numbers<[1], [0], [0], [1], [0, 0, 1, 1], [], []>, transpose_lhs_hint = false} : vector<1000x128xf32>, vector<128x128xf32>, vector<1000x128xf32> -> vector<1000x128xf32>
    %broadcast_in_dim3A_34 = vector.shape_cast %rsqrt3A : vector<1000xf32> to vector<1000x1xf32>
    %mul3A_35 = vector.broadcast %broadcast_in_dim3A_34 : vector<1000x1xf32> to vector<1000x128xf32>
    %mul3A_36 = arith.mulf %dot_general3A_33, %mul3A_35 : vector<1000x128xf32>
    %swap3A = arith.constant 0 : index
    %swap3A_37 = arith.constant 0 : index
    %swap3A_38 = vector.load %arg6[%swap3A, %swap3A_37] : memref<1000x128xf32, #tpu.memory_space<vmem>>, vector<1000x128xf32>
    tpu.vector_store %arg6[%swap3A, %swap3A_37], %mul3A_36 {strides = array<i32>} : memref<1000x128xf32, #tpu.memory_space<vmem>>, vector<1000x128xf32>,
    return
  }
  func.func @transform_0(%arg0: i32) -> (i32, i32, i32) {
    %c0_i32 = arith.constant 0 : i32
    %c0_i32_0 = arith.constant 0 : i32
    %c0_i32_1 = arith.constant 0 : i32
    return %c0_i32, %arg0, %c0_i32_0 : i32, i32, i32
  }
  func.func @transform_1(%arg0: i32) -> (i32, i32) {
    %c0_i32 = arith.constant 0 : i32
    %c0_i32_0 = arith.constant 0 : i32
    return %arg0, %c0_i32 : i32, i32
  }
  func.func @transform_2(%arg0: i32) -> (i32, i32) {
    %c0_i32 = arith.constant 0 : i32
    %c0_i32_0 = arith.constant 0 : i32
    return %arg0, %c0_i32 : i32, i32
  }
  func.func @transform_3(%arg0: i32) -> (i32, i32) {
    %c0_i32 = arith.constant 0 : i32
    %c0_i32_0 = arith.constant 0 : i32
    %c0_i32_1 = arith.constant 0 : i32
    return %c0_i32, %c0_i32_0 : i32, i32
  }
  func.func @transform_4(%arg0: i32) -> (i32, i32) {
    %c0_i32 = arith.constant 0 : i32
    %c0_i32_0 = arith.constant 0 : i32
    %c0_i32_1 = arith.constant 0 : i32
    return %c0_i32, %c0_i32_0 : i32, i32
  }
  func.func @transform_5(%arg0: i32) -> (i32, i32) {
    %c0_i32 = arith.constant 0 : i32
    %c0_i32_0 = arith.constant 0 : i32
    return %arg0, %c0_i32 : i32, i32
  }
}

module attributes {stable_mosaic.version = 14 : i64} {
  func.func @_tc3_body(%arg0: i32, %arg1: memref<2x1000x128xf32, #tpu.memory_space<vmem>>, %arg2: memref<1000x128xf32, #tpu.memory_space<vmem>>, %arg3: memref<1000x2xf32, #tpu.memory_space<vmem>>, %arg4: memref<1x128xf32, #tpu.memory_space<vmem>>, %arg5: memref<1x1x1000xi32, #tpu.memory_space<vmem>>, %arg6: memref<128x138xf32, #tpu.memory_space<vmem>>, %arg7: memref<1x138xf32, #tpu.memory_space<vmem>>, %arg8: memref<256x138xf32, #tpu.memory_space<vmem>>, %arg9: memref<256x128xf32, #tpu.memory_space<vmem>>, %arg10: memref<256x128xf32, #tpu.memory_space<vmem>>) attributes {dimension_semantics = [#tpu.dimension_semantics<arbitrary>], iteration_bounds = array<i64: 10>, scalar_prefetch = 0 : i64, scratch_operands = 2 : i64, tpu.core_type = #tpu.core_type<tc>, window_params = [{transform_indices = @transform_0, window_bounds = array<i64: 2, 1000, 128>}, {transform_indices = @transform_1, window_bounds = array<i64: 1000, 128>}, {transform_indices = @transform_2, window_bounds = array<i64: 1000, 2>}, {pipeline_mode = #tpu.pipeline_mode<synchronous>, transform_indices = @transform_3, window_bounds = array<i64: 1, 128>}, {transform_indices = @transform_4, window_bounds = array<i64: 1, 1, 1000>}, {pipeline_mode = #tpu.pipeline_mode<synchronous>, transform_indices = @transform_5, window_bounds = array<i64: 128, 138>}, {pipeline_mode = #tpu.pipeline_mode<synchronous>, transform_indices = @transform_6, window_bounds = array<i64: 1, 138>}, {pipeline_mode = #tpu.pipeline_mode<synchronous>, transform_indices = @transform_7, window_bounds = array<i64: 256, 138>}]} {
    %eq3A = arith.constant 0 : i32
    %eq3A_0 = arith.cmpi eq, %arg0, %eq3A : i32
    %convert_element_type3A = arith.extui %eq3A_0 : i1 to i32
    %cond3A = arith.constant 0 : i32
    %cond3A_1 = arith.cmpi ne, %convert_element_type3A, %cond3A : i32
    scf.if %cond3A_1 {
      %broadcast_in_dim3A_65 = arith.constant 0.000000e+00 : f32
      %broadcast_in_dim3A_66 = vector.broadcast %broadcast_in_dim3A_65 : f32 to vector<256x128xf32>
      %swap3A_67 = arith.constant 0 : index
      %swap3A_68 = arith.constant 0 : index
      %swap3A_69 = vector.load %arg9[%swap3A_67, %swap3A_68] : memref<256x128xf32, #tpu.memory_space<vmem>>, vector<256x128xf32>
      tpu.vector_store %arg9[%swap3A_67, %swap3A_68], %broadcast_in_dim3A_66 {strides = array<i32>} : memref<256x128xf32, #tpu.memory_space<vmem>>, vector<256x128xf32>,
      %broadcast_in_dim3A_70 = arith.constant 0.000000e+00 : f32
      %broadcast_in_dim3A_71 = vector.broadcast %broadcast_in_dim3A_70 : f32 to vector<256x128xf32>
      %swap3A_72 = arith.constant 0 : index
      %swap3A_73 = arith.constant 0 : index
      %swap3A_74 = vector.load %arg10[%swap3A_72, %swap3A_73] : memref<256x128xf32, #tpu.memory_space<vmem>>, vector<256x128xf32>
      tpu.vector_store %arg10[%swap3A_72, %swap3A_73], %broadcast_in_dim3A_71 {strides = array<i32>} : memref<256x128xf32, #tpu.memory_space<vmem>>, vector<256x128xf32>,
    } else {
    }
    %get3A = arith.constant 0 : index
    %get3A_2 = arith.constant 0 : index
    %get3A_3 = vector.load %arg3[%get3A, %get3A_2] : memref<1000x2xf32, #tpu.memory_space<vmem>>, vector<1000x2xf32>
    %slice3A = vector.extract_strided_slice %get3A_3 {offsets = [0, 0], sizes = [1000, 1], strides = [1, 1]} : vector<1000x2xf32> to vector<1000x1xf32>
    %squeeze3A = vector.shape_cast %slice3A : vector<1000x1xf32> to vector<1000xf32>
    %slice3A_4 = vector.extract_strided_slice %get3A_3 {offsets = [0, 1], sizes = [1000, 1], strides = [1, 1]} : vector<1000x2xf32> to vector<1000x1xf32>
    %squeeze3A_5 = vector.shape_cast %slice3A_4 : vector<1000x1xf32> to vector<1000xf32>
    %add3A = arith.addf %squeeze3A, %squeeze3A_5 : vector<1000xf32>
    %add3A_6 = arith.constant 1.000000e+00 : f32
    %add3A_7 = vector.broadcast %add3A_6 : f32 to vector<1000xf32>
    %add3A_8 = arith.addf %add3A, %add3A_7 : vector<1000xf32>
    %rsqrt3A = math.rsqrt %add3A_8 : vector<1000xf32>
    %get3A_9 = arith.constant 0 : index
    %get3A_10 = arith.constant 0 : index
    %get3A_11 = arith.constant 0 : index
    %get3A_12 = vector.load %arg1[%get3A_9, %get3A_10, %get3A_11] : memref<2x1000x128xf32, #tpu.memory_space<vmem>>, vector<1x1000x128xf32>
    %get3A_13 = vector.shape_cast %get3A_12 : vector<1x1000x128xf32> to vector<1000x128xf32>
    %get3A_14 = arith.constant 1 : index
    %get3A_15 = arith.constant 0 : index
    %get3A_16 = arith.constant 0 : index
    %get3A_17 = vector.load %arg1[%get3A_14, %get3A_15, %get3A_16] : memref<2x1000x128xf32, #tpu.memory_space<vmem>>, vector<1x1000x128xf32>
    %get3A_18 = vector.shape_cast %get3A_17 : vector<1x1000x128xf32> to vector<1000x128xf32>
    %add3A_19 = arith.addf %get3A_13, %get3A_18 : vector<1000x128xf32>
    %get3A_20 = arith.constant 0 : index
    %get3A_21 = arith.constant 0 : index
    %get3A_22 = vector.load %arg2[%get3A_20, %get3A_21] : memref<1000x128xf32, #tpu.memory_space<vmem>>, vector<1000x128xf32>
    %add3A_23 = arith.addf %add3A_19, %get3A_22 : vector<1000x128xf32>
    %broadcast_in_dim3A = vector.shape_cast %rsqrt3A : vector<1000xf32> to vector<1000x1xf32>
    %mul3A = vector.broadcast %broadcast_in_dim3A : vector<1000x1xf32> to vector<1000x128xf32>
    %mul3A_24 = arith.mulf %add3A_23, %mul3A : vector<1000x128xf32>
    %get3A_25 = arith.constant 0 : index
    %get3A_26 = arith.constant 0 : index
    %get3A_27 = vector.load %arg4[%get3A_25, %get3A_26] : memref<1x128xf32, #tpu.memory_space<vmem>>, vector<1x128xf32>
    %add3A_28 = vector.broadcast %get3A_27 : vector<1x128xf32> to vector<1000x128xf32>
    %add3A_29 = arith.addf %mul3A_24, %add3A_28 : vector<1000x128xf32>
    %max3A = arith.constant 0.000000e+00 : f32
    %max3A_30 = vector.broadcast %max3A : f32 to vector<1000x128xf32>
    %max3A_31 = arith.maximumf %add3A_29, %max3A_30 : vector<1000x128xf32>
    %get3A_32 = arith.constant 0 : index
    %get3A_33 = arith.constant 0 : index
    %get3A_34 = arith.constant 0 : index
    %get3A_35 = vector.load %arg5[%get3A_32, %get3A_33, %get3A_34] : memref<1x1x1000xi32, #tpu.memory_space<vmem>>, vector<1x1x1000xi32>
    %get3A_36 = vector.shape_cast %get3A_35 : vector<1x1x1000xi32> to vector<1000xi32>
    %iota3A = tpu.iota {dimensions = array<i32: 0>} : vector<256x1000xi32>
    %broadcast_in_dim3A_37 = vector.shape_cast %get3A_36 : vector<1000xi32> to vector<1x1000xi32>
    %eq3A_38 = vector.broadcast %broadcast_in_dim3A_37 : vector<1x1000xi32> to vector<256x1000xi32>
    %eq3A_39 = arith.cmpi eq, %iota3A, %eq3A_38 : vector<256x1000xi32>
    %convert_element_type3A_40 = arith.extui %eq3A_39 : vector<256x1000xi1> to vector<256x1000xi32>
    %convert_element_type3A_41 = arith.sitofp %convert_element_type3A_40 : vector<256x1000xi32> to vector<256x1000xf32>
    %get3A_42 = arith.constant 0 : index
    %get3A_43 = arith.constant 0 : index
    %get3A_44 = vector.load %arg9[%get3A_42, %get3A_43] : memref<256x128xf32, #tpu.memory_space<vmem>>, vector<256x128xf32>
    %dot_general3A = arith.constant dense<0.000000e+00> : vector<256x128xf32>
    %dot_general3A_45 = tpu.matmul %convert_element_type3A_41, %max3A_31, %dot_general3A {dimension_numbers = #tpu.dot_dimension_numbers<[1], [0], [0], [1], [0, 0, 1, 1], [], []>, transpose_lhs_hint = false} : vector<256x1000xf32>, vector<1000x128xf32>, vector<256x128xf32> -> vector<256x128xf32>
    %add3A_46 = arith.addf %get3A_44, %dot_general3A_45 : vector<256x128xf32>
    %swap3A = arith.constant 0 : index
    %swap3A_47 = arith.constant 0 : index
    %swap3A_48 = vector.load %arg9[%swap3A, %swap3A_47] : memref<256x128xf32, #tpu.memory_space<vmem>>, vector<256x128xf32>
    tpu.vector_store %arg9[%swap3A, %swap3A_47], %add3A_46 {strides = array<i32>} : memref<256x128xf32, #tpu.memory_space<vmem>>, vector<256x128xf32>,
    %get3A_49 = arith.constant 0 : index
    %get3A_50 = arith.constant 0 : index
    %get3A_51 = vector.load %arg10[%get3A_49, %get3A_50] : memref<256x128xf32, #tpu.memory_space<vmem>>, vector<256x128xf32>
    %reduce_sum3A = arith.constant dense<0.000000e+00> : vector<256xf32>
    %reduce_sum3A_52 = vector.multi_reduction <add>, %convert_element_type3A_41, %reduce_sum3A [1] : vector<256x1000xf32> to vector<256xf32>
    %broadcast_in_dim3A_53 = vector.shape_cast %reduce_sum3A_52 : vector<256xf32> to vector<256x1xf32>
    %broadcast_in_dim3A_54 = vector.shape_cast %broadcast_in_dim3A_53 : vector<256x1xf32> to vector<256x1xf32>
    %broadcast_in_dim3A_55 = vector.broadcast %broadcast_in_dim3A_54 : vector<256x1xf32> to vector<256x128xf32>
    %add3A_56 = arith.addf %get3A_51, %broadcast_in_dim3A_55 : vector<256x128xf32>
    %swap3A_57 = arith.constant 0 : index
    %swap3A_58 = arith.constant 0 : index
    %swap3A_59 = vector.load %arg10[%swap3A_57, %swap3A_58] : memref<256x128xf32, #tpu.memory_space<vmem>>, vector<256x128xf32>
    tpu.vector_store %arg10[%swap3A_57, %swap3A_58], %add3A_56 {strides = array<i32>} : memref<256x128xf32, #tpu.memory_space<vmem>>, vector<256x128xf32>,
    %eq3A_60 = arith.constant 9 : i32
    %eq3A_61 = arith.cmpi eq, %arg0, %eq3A_60 : i32
    %convert_element_type3A_62 = arith.extui %eq3A_61 : i1 to i32
    %cond3A_63 = arith.constant 0 : i32
    %cond3A_64 = arith.cmpi ne, %convert_element_type3A_62, %cond3A_63 : i32
    scf.if %cond3A_64 {
      %get3A_65 = arith.constant 0 : index
      %get3A_66 = arith.constant 0 : index
      %get3A_67 = vector.load %arg9[%get3A_65, %get3A_66] : memref<256x128xf32, #tpu.memory_space<vmem>>, vector<256x128xf32>
      %get3A_68 = arith.constant 0 : index
      %get3A_69 = arith.constant 0 : index
      %get3A_70 = vector.load %arg10[%get3A_68, %get3A_69] : memref<256x128xf32, #tpu.memory_space<vmem>>, vector<256x128xf32>
      %max3A_71 = arith.constant 1.000000e+00 : f32
      %max3A_72 = vector.broadcast %max3A_71 : f32 to vector<256x128xf32>
      %max3A_73 = arith.maximumf %get3A_70, %max3A_72 : vector<256x128xf32>
      %div3A = arith.divf %get3A_67, %max3A_73 : vector<256x128xf32>
      %get3A_74 = arith.constant 0 : index
      %get3A_75 = arith.constant 0 : index
      %get3A_76 = vector.load %arg6[%get3A_74, %get3A_75] : memref<128x138xf32, #tpu.memory_space<vmem>>, vector<128x138xf32>
      %dot_general3A_77 = arith.constant dense<0.000000e+00> : vector<256x138xf32>
      %dot_general3A_78 = tpu.matmul %div3A, %get3A_76, %dot_general3A_77 {dimension_numbers = #tpu.dot_dimension_numbers<[1], [0], [0], [1], [0, 0, 1, 1], [], []>, transpose_lhs_hint = false} : vector<256x128xf32>, vector<128x138xf32>, vector<256x138xf32> -> vector<256x138xf32>
      %get3A_79 = arith.constant 0 : index
      %get3A_80 = arith.constant 0 : index
      %get3A_81 = vector.load %arg7[%get3A_79, %get3A_80] : memref<1x138xf32, #tpu.memory_space<vmem>>, vector<1x138xf32>
      %add3A_82 = vector.broadcast %get3A_81 : vector<1x138xf32> to vector<256x138xf32>
      %add3A_83 = arith.addf %dot_general3A_78, %add3A_82 : vector<256x138xf32>
      %swap3A_84 = arith.constant 0 : index
      %swap3A_85 = arith.constant 0 : index
      %swap3A_86 = vector.load %arg8[%swap3A_84, %swap3A_85] : memref<256x138xf32, #tpu.memory_space<vmem>>, vector<256x138xf32>
      tpu.vector_store %arg8[%swap3A_84, %swap3A_85], %add3A_83 {strides = array<i32>} : memref<256x138xf32, #tpu.memory_space<vmem>>, vector<256x138xf32>,
    } else {
    }
    return
  }
  func.func @transform_0(%arg0: i32) -> (i32, i32, i32) {
    %c0_i32 = arith.constant 0 : i32
    %c0_i32_0 = arith.constant 0 : i32
    %c0_i32_1 = arith.constant 0 : i32
    return %c0_i32, %arg0, %c0_i32_0 : i32, i32, i32
  }
  func.func @transform_1(%arg0: i32) -> (i32, i32) {
    %c0_i32 = arith.constant 0 : i32
    %c0_i32_0 = arith.constant 0 : i32
    return %arg0, %c0_i32 : i32, i32
  }
  func.func @transform_2(%arg0: i32) -> (i32, i32) {
    %c0_i32 = arith.constant 0 : i32
    %c0_i32_0 = arith.constant 0 : i32
    return %arg0, %c0_i32 : i32, i32
  }
  func.func @transform_3(%arg0: i32) -> (i32, i32) {
    %c0_i32 = arith.constant 0 : i32
    %c0_i32_0 = arith.constant 0 : i32
    %c0_i32_1 = arith.constant 0 : i32
    return %c0_i32, %c0_i32_0 : i32, i32
  }
  func.func @transform_4(%arg0: i32) -> (i32, i32, i32) {
    %c0_i32 = arith.constant 0 : i32
    %c0_i32_0 = arith.constant 0 : i32
    %c0_i32_1 = arith.constant 0 : i32
    return %arg0, %c0_i32, %c0_i32_0 : i32, i32, i32
  }
  func.func @transform_5(%arg0: i32) -> (i32, i32) {
    %c0_i32 = arith.constant 0 : i32
    %c0_i32_0 = arith.constant 0 : i32
    %c0_i32_1 = arith.constant 0 : i32
    return %c0_i32, %c0_i32_0 : i32, i32
  }
  func.func @transform_6(%arg0: i32) -> (i32, i32) {
    %c0_i32 = arith.constant 0 : i32
    %c0_i32_0 = arith.constant 0 : i32
    %c0_i32_1 = arith.constant 0 : i32
    return %c0_i32, %c0_i32_0 : i32, i32
  }
  func.func @transform_7(%arg0: i32) -> (i32, i32) {
    %c0_i32 = arith.constant 0 : i32
    %c0_i32_0 = arith.constant 0 : i32
    %c0_i32_1 = arith.constant 0 : i32
    return %c0_i32, %c0_i32_0 : i32, i32
  }
}

</mosaic_0001>

<sc_bundles>
// kernel: kernel.11.cloned.1.call-start
scs
__scs_entry_jumppad:
0x0: {  	(pc) =	sbr.rel $0x88, $3  }
0x1: {  	(tag) =	ssettag $0x0;
	lr =	simm.s32 $0x1  }
0x2: {  	[smem:$0x3F98] =	sst lr;
	_ =	strace $0xD0000000  }
0x3: {  	_ = 	snop  }
0x4: {  	_ = 	snop  }
0x5: {  	_ = 	snop  }
0x6: {  	_ = 	snop  }
0x7: {  	_ = 	snop  }
__scs_overlays_trampoline_lowered:
0x8: {  	[smem:$0x3FA7] =	sst s0  }
0x9: {  	[smem:$0x3FA8] =	sst s1  }
0xa: {  	[smem:$0x3FA9] =	sst s2  }
0xb: {  	[smem:$0x3FAA] =	sst s3  }
0xc: {  	[smem:$0x3FAB] =	sst s4  }
0xd: {  	[smem:$0x3FAC] =	sst s5  }
0xe: {  	[smem:$0x3FAD] =	sst s6  }
0xf: {  	[smem:$0x3FAE] =	sst s7  }
0x10: {  	[smem:$0x3FAF] =	sst s8  }
0x11: {  	[smem:$0x3FB0] =	sst s9;
	s0 =	simm.s32 @!p0 $0x0  }
0x12: {  	s1 =	sld [smem:$0x3F96];
	s0 =	simm.s32 @p0 $0x1  }
0x13: {  	[smem:$0x3FB1] =	sst s0;
	s0 =	simm.s32 @!p1 $0x0  }
0x14: {  	s2 =	sld [smem:$0x3F95];
	s0 =	simm.s32 @p1 $0x1  }
0x15: {  	[smem:$0x3FB2] =	sst s0;
	s0 =	simm.s32 @!p2 $0x0  }
0x16: {  	s3 =	sld [smem:$0x3FDB];
	s0 =	simm.s32 @p2 $0x1  }
0x17: {  	s4 =	simm.s32 $0x1BF5;
	[smem:$0x3FB4] =	sst s0  }
0x18: {  	s0 =	sld [smem:$0x3F97];
	_ =	swait.ge [sflag:s4], $0x0  }
0x19: {  	s7 =	sld [smem:$0x3F98]  }
0x1a: {  	s8 =	sadd.s32 $0xFFFFE003, lr  }
0x1b: {  	s9 =	sadd.s32 $0xFFFFFEF7, lr;
	s5 =	simm.s32 $0xFFFFFFFF;
	p2 =	slt.u32 s8, $0xFFFFF086  }
0x1c: {  	p1 =	slt.u32 s9, $0xF7A;
	s5 =	simm.s32 @!p2 $0x0  }
0x1d: {  	s5 =	simm.s32 @p1 $0x1;
	p0 =	seq.s32 s7, s2  }
0x1e: {  	s7 =	smul.u32 @!p0 $0xF7A, s2;
	p2 =	seq.s32 @!p0 s5, $0x0  }
0x1f: {  	s9 =	smul.u32 $0xF7A, s1;
	s8 =	simm.s32 @!p0 $0x1BF5;
	p2 =	por !p2, p0  }
0x20: {  	[sflag:s8] =	ssyncset.s32 @!p0 $0xFFFFF086;
	s6 =	sadd.s32 @!p0 s3, s7;
	s7 =	simm.s32 @!p0 $0x108  }
0x21: {  	s3 =	sadd.s32 s3, s9;
	s6 =	sadd.s32 @!p0 $0x88, s6;
	s7 =	simm.s32 @p2 $0x1082  }
0x22: {  	[simem:s7], [sflag:s8] =	dma.local @!p0 [hbm:s6], $0xF7A  }
0x23: {  	s9 =	sor.u32 $0xD0000000, s2;
	s6 =	simm.s32 $0x108;
	_ =	swait.ge @!p0 [sflag:s8], $0x0  }
0x24: {  	s3 =	sadd.s32 $0x88, s3;
	s6 =	simm.s32 @!p1 $0x1082;
	[sflag:s4] =	ssyncset.s32 $0xFFFFF086  }
0x25: {  	[simem:s6], [sflag:s4] =	dma.local [hbm:s3], $0xF7A  }
0x26: {  	[smem:$0x3F98] =	sst s1;
	(tag) =	ssettag s2;
	_ =	strace s9  }
0x27: {  	s1 =	sld [smem:$0x3FA8]  }
0x28: {  	s2 =	sld [smem:$0x3FA9]  }
0x29: {  	s4 =	sld [smem:$0x3FAB]  }
0x2a: {  	p0 =	seq.s32 s5, $0x0;
	s5 =	sld [smem:$0x3FAC]  }
0x2b: {  	s6 =	sld [smem:$0x3FAD]  }
0x2c: {  	s7 =	sld [smem:$0x3FAE]  }
0x2d: {  	s3 =	simm.s32 $0x108;
	s8 =	sld [smem:$0x3FAF]  }
0x2e: {  	s3 =	simm.s32 @!p0 $0x1082;
	s9 =	sld [smem:$0x3FB0]  }
0x2f: {  	lr =	sadd.s32 s0, s3;
	s0 =	sld [smem:$0x3FA7]  }
0x30: {  	s3 =	sld [smem:$0x3FAA]  }
0x31: {  	[smem:$0x3FB3] =	sst s10  }
0x32: {  	s10 =	sld [smem:$0x3FB1];
	_ =	sdelay $0x3  }
0x33: {  	p0 =	seq.s32 s10, $0x1;
	s10 =	sld [smem:$0x3FB3];
	_ =	sdelay $0x3  }
0x34: {  	[smem:$0x3FB3] =	sst s10  }
0x35: {  	s10 =	sld [smem:$0x3FB2];
	_ =	sdelay $0x3  }
0x36: {  	p1 =	seq.s32 s10, $0x1;
	s10 =	sld [smem:$0x3FB3];
	_ =	sdelay $0x3  }
0x37: {  	[smem:$0x3FB3] =	sst s10  }
0x38: {  	s10 =	sld [smem:$0x3FB4]  }
0x39: {  	_ = 	snop;
	(pc) =	sbr.ind lr, $3  }
0x3a: {  	_ = 	snop  }
0x3b: {  	_ = 	snop  }
0x3c: {  	p2 =	seq.s32 s10, $0x1;
	s10 =	sld [smem:$0x3FB3]  }
0x3d: {  	_ =	shalt  }
0x3e: {  	_ =	shalt  }
0x3f: {  	_ =	shalt  }
0x40: {  	_ =	shalt  }
0x41: {  	_ =	shalt  }
0x42: {  	_ =	shalt  }
0x43: {  	_ =	shalt  }
0x44: {  	_ =	shalt  }
0x45: {  	_ =	shalt  }
0x46: {  	_ =	shalt  }
0x47: {  	_ =	shalt  }
0x48: {  	_ =	shalt  }
0x49: {  	_ =	shalt  }
0x4a: {  	_ =	shalt  }
0x4b: {  	_ =	shalt  }
0x4c: {  	_ =	shalt  }
0x4d: {  	_ =	shalt  }
0x4e: {  	_ =	shalt  }
0x4f: {  	_ =	shalt  }
0x50: {  	_ =	shalt  }
0x51: {  	_ =	shalt  }
0x52: {  	_ =	shalt  }
0x53: {  	_ =	shalt  }
0x54: {  	_ =	shalt  }
0x55: {  	_ =	shalt  }
0x56: {  	_ =	shalt  }
0x57: {  	_ =	shalt  }
0x58: {  	_ =	shalt  }
0x59: {  	_ =	shalt  }
0x5a: {  	_ =	shalt  }
0x5b: {  	_ =	shalt  }
0x5c: {  	_ =	shalt  }
0x5d: {  	_ =	shalt  }
0x5e: {  	_ =	shalt  }
0x5f: {  	_ =	shalt  }
0x60: {  	_ =	shalt  }
0x61: {  	_ =	shalt  }
0x62: {  	_ =	shalt  }
0x63: {  	_ =	shalt  }
0x64: {  	_ =	shalt  }
0x65: {  	_ =	shalt  }
0x66: {  	_ =	shalt  }
0x67: {  	_ =	shalt  }
0x68: {  	_ =	shalt  }
0x69: {  	_ =	shalt  }
0x6a: {  	_ =	shalt  }
0x6b: {  	_ =	shalt  }
0x6c: {  	_ =	shalt  }
0x6d: {  	_ =	shalt  }
0x6e: {  	_ =	shalt  }
0x6f: {  	_ =	shalt  }
0x70: {  	_ =	shalt  }
0x71: {  	_ =	shalt  }
0x72: {  	_ =	shalt  }
0x73: {  	_ =	shalt  }
0x74: {  	_ =	shalt  }
0x75: {  	_ =	shalt  }
0x76: {  	_ =	shalt  }
0x77: {  	_ =	shalt  }
0x78: {  	_ =	shalt  }
0x79: {  	_ =	shalt  }
0x7a: {  	_ =	shalt  }
0x7b: {  	_ =	shalt  }
0x7c: {  	_ =	shalt  }
0x7d: {  	_ =	shalt  }
0x7e: {  	_ =	shalt  }
0x7f: {  	_ =	shalt  }
0x80: {  	_ =	shalt  }
0x81: {  	_ =	shalt  }
0x82: {  	_ =	shalt  }
0x83: {  	_ =	shalt  }
0x84: {  	_ =	shalt  }
0x85: {  	_ =	shalt  }
0x86: {  	_ =	shalt  }
0x87: {  	_ =	shalt  }
.Lfunc_end0:
.L_simem_size_0:
called_computation.1_lowered:
.L_overlay_start_0:
0x88: {  	s2 =	sld [smem:$0x3FD9]  }
0x89: {  	s3 =	sld [smem:$0x3FFE];
	_ =	sdelay $0x1  }
0x8a: {  	s1 =	srdreg.scid  }
0x8b: {  	s0 =	sand.u32 $0x1, s1  }
0x8c: {  	s16 =	sshll.u32 s0, $0xA;
	s2 =	sadd.s32 s3, s2  }
0x8d: {  	s2 =	sadd.s32 s2, s16  }
0x8e: {  	[smem:$0x3FBF] =	sst s2  }
0x8f: {  	_ = 	snop  }
0x90: {  	(tm) =	ssettm $0x1  }
0x91: {  	s17 =	sld [smem:$0x3FFB];
	_ =	sdelay $0x3  }
0x92: {  	_ =	strace s17  }
0x93: {  	s2 =	sld [smem:$0x3FFC];
	_ =	sdelay $0x3  }
0x94: {  	_ =	strace s2  }
0x95: {  	s2 =	sld [smem:$0x3FFD];
	_ =	sdelay $0x3  }
0x96: {  	_ =	strace s2  }
0x97: {  	_ =	strace $0x8FFFFFFF  }
0x98: {  	s18 =	sld [smem:$0x3FDB];
	_ =	sdelay $0x1  }
0x99: {  	s19 =	simm.s32 $_scs_section_size  }
0x9a: {  	s4 =	simm.s32 $_size__tile_overlayer_lowered;
	s5 =	simm.s32 $_tile_overlayer_lowered  }
0x9b: {  	s22 =	simm.s32 $0x1BFF;
	s21 =	sshll.u32 s5, $0x1;
	s2 =	sadd.s32 s19, s18  }
0x9c: {  	s6 =	simm.s32 $0x0;
	s20 =	sshll.u32 s4, $0x1;
	s4 =	sadd.s32 s21, s2  }
0x9d: {  	[timem:s6], [sflag:s22] =	dma.local [hbm:s4], s20  }
0x9e: {  	_ =	swait.ge [sflag:s22], s20  }
0x9f: {  	s3 =	ssub.s32 $0x0, s20;
	[sflag:s22] =	ssyncset.done $0x0  }
0xa0: {  	[sflag:s22] =	ssyncadd.s32 s3;
	_ =	sdelay $0x1  }
0xa1: {  	s23 =	simm.s32 $0x1B8B  }
0xa2: {  	_ =	swait.ge [sflag:s23], $0x1  }
0xa3: {  	[sflag:s23] =	ssyncset.done $0x0  }
0xa4: {  	s25 =	simm.s32 $0x1B8E;
	s24 =	sld [smem:$0x3FFE];
	[sflag:s23] =	ssyncadd.s32 $0xFFFFFFFF  }
0xa5: {  	s26 =	simm.s32 $execute0_lowered;
	[smem:$0x3FD2] =	sst s25  }
0xa6: {  	s4 =	sshll.u32 s26, $0x1;
	_ =	strace $0x80000049;
	[dreg:$0x1] =	wrdreg $0xFFFFFFFF  }
0xa7: {  	s28 =	simm.s32 $_size_execute0_lowered;
	s2 =	sadd.s32 s2, s4;
	[dreg:$0x0] =	wrdreg $0x0  }
0xa8: {  	s4 =	sshll.u32 s28, $0x1;
	[dreg:$0x2] =	wrdreg s2  }
0xa9: {  	[dreg:$0x3] =	wrdreg s4  }
0xaa: {  	[dreg:$0x4] =	wrdreg $0xC0  }
0xab: {  	_ =	task [dreg:s6], $0x5FFFF  }
0xac: {  	[dreg:$0x1] =	wrdreg $0xFFFFFFFF  }
0xad: {  	[dreg:$0x0] =	wrdreg $0x60  }
0xae: {  	[dreg:$0x2] =	wrdreg s24  }
0xaf: {  	[dreg:$0x3] =	wrdreg $0x84000  }
0xb0: {  	[dreg:$0x4] =	wrdreg $0x9  }
0xb1: {  	_ =	task.clear_ibuf [dreg:s6], $0x5FFFF;
	_ =	strace $0x90000049  }
0xb2: {  	s29 =	simm.s32 $0x9;
	_ =	strace $0x8000004B  }
0xb3: {  	_ =	swait.ge [sflag:s29], $0x1  }
0xb4: {  	[sflag:s29] =	ssyncadd.s32 $0xFFFFFFFF  }
0xb5: {  	_ =	strace $0x9000004B  }
0xb6: {  	_ =	sfence  }
0xb7: {  	s30 =	sld [smem:$0x0];
	_ =	sdelay $0x2  }
0xb8: {  	s31 =	sshll.u32 s1, $0xD;
	s1 =	sshrl.u32 s1, $0x2  }
0xb9: {  	s3 =	sand.u32 $0x4000, s31;
	s1 =	sadd.s32 s1, s30  }
0xba: {  	s0 =	sor.u32 s3, s0;
	s1 =	sshll.u32 s1, $0x11  }
0xbb: {  	s0 =	sor.u32 s1, s0  }
0xbc: {  	s0 =	sadd.s32 $0x8F2B, s0  }
0xbd: {  	[sflag:s0] =	ssyncadd.remote.s32 $0x1  }
0xbe: {  	_ =	sfence.sel $0xFFFF  }
0xbf: {  	[dreg:$0x0] =	wrdreg $0xFFFFFFFF;
	(pc) =	sbr.abs _section_cstart, $3  }
0xc0: {  	[dreg:$0x1] =	wrdreg $0xFFFFFFFF  }
0xc1: {  	_ =	task.clear_ibuf [dreg:s6], $0x2FFFF;
	_ =	strace $0x9FFFFFFF  }
0xc2: {  	(tm) =	ssettm $0x7FFFFFFF  }
0xc3: {  	_ =	shalt  }
tec
execute0_lowered:
.L_overlay_start_1:
0x0: {  	(tag) =	ssettag $0x1  }
0x1: {  	s0 =	rddreg [dreg:$0x0]  }
0x2: {  	s1 =	rddreg [dreg:$0x1];
	s2 =	srdreg.scid  }
0x3: {  	s3 =	simm.s32 $0x0;
	s17 =	stileid.u32;
	s28 =	simm.s32 $0x400  }
0x4: {  	s29 =	simm.s32 $0x1;
	s30 =	simm.s32 $0x4400;
	s31 =	simm.s32 $0x200  }
0x5: {  	s2 =	sand.u32 $0x1, s2;
	[smem:$0x7FF] =	sst s3;
	s11 =	smul.u32 $0x32000, s17  }
0x6: {  	s4 =	sadd.s32 $0x20600, s0;
	s6 =	sadd.s32 $0xC600, s0;
	s12 =	smul.u32 $0x1900, s17  }
0x7: {  	s7 =	sadd.s32 $0x47800, s0;
	s0 =	sadd.s32 $0x6EA00, s0;
	s24 =	smul.u32 $0xC800, s17  }
0x8: {  	s13 =	sor.u32 $0x10, s17;
	s5 =	sshll.u32 s2, $0x4;
	s9 =	smul.u32 $0x138800, s2  }
0x9: {  	_ =	strace $0x8000004A;
	s8 =	ssub.s32 $0x2, s2;
	s20 =	smul.u32 $0x32000, s13  }
0xa: {  	s22 =	smul.u32 $0x1900, s13;
	s5 =	sor.u32 s17, s5;
	s10 =	sshrl.u32 s8, $0x1  }
0xb: {  	s12 =	sadd.s32 s7, s12;
	s5 =	smul.u32 $0x5000, s5;
	s8 =	ssub.s32 s8, s10  }
0xc: {  	[dreg:$0xa] =	wrdreg s12;
	s10 =	sshrl.u32 s20, $0x2;
	s7 =	sadd.s32 s7, s22  }
0xd: {  	[dreg:$0xb] =	wrdreg s7;
	s8 =	smax.u32 s8, $0x1;
	s5 =	sshrl.u32 s5, $0x3  }
0xe: {  	s18 =	sadd.s32 s10, s1;
	[dreg:$0xc] =	wrdreg s8;
	s5 =	sadd.s32 s6, s5  }
0xf: {  	s26 =	smul.u32 $0xC800, s13;
	[dreg:$0xe] =	wrdreg s18;
	s19 =	sadd.s32 $0x20, s5  }
0x10: {  	s2 =	smul.u32 $0x50000, s2;
	s14 =	sadd.s32 $0x40, s5;
	[dreg:$0x3] =	wrdreg s19  }
0x11: {  	p0 =	sgt.u32 s13, $0x18;
	s21 =	sadd.s32 $0x60, s5;
	[dreg:$0x4] =	wrdreg s14  }
0x12: {  	s11 =	sshrl.u32 s11, $0x2;
	s15 =	sadd.s32 $0x80, s5;
	[dreg:$0x5] =	wrdreg s21  }
0x13: {  	s12 =	simm.s32 $0x0;
	s23 =	sadd.s32 $0xA0, s5;
	[dreg:$0x6] =	wrdreg s15  }
0x14: {  	s10 =	simm.s32 $0x4;
	s16 =	sadd.s32 $0x9C0, s5;
	[dreg:$0x7] =	wrdreg s23  }
0x15: {  	s8 =	simm.s32 $0x300;
	s25 =	sadd.s32 $0x9E0, s5;
	[dreg:$0x8] =	wrdreg s16  }
0x16: {  	[dreg:$0x9] =	wrdreg s25;
	s14 =	smul.u32 $0x5000, s17;
	s17 =	sadd.s32 s11, s1  }
0x17: {  	s19 =	sadd.s32 s9, s24;
	s9 =	sadd.s32 s9, s26;
	s11 =	simm.s32 $0x380  }
0x18: {  	[dreg:$0xd] =	wrdreg s17;
	s20 =	sshrl.u32 s19, $0x3;
	s21 =	sshrl.u32 s9, $0x3  }
0x19: {  	s9 =	simm.s32 $0x280;
	s2 =	sadd.s32 s14, s2;
	s7 =	sadd.s32 s0, s20  }
0x1a: {  	s19 =	sadd.s32 s0, s21;
	s22 =	sor.u32 $0x900, s2;
	[dreg:$0xf] =	wrdreg s7  }
0x1b: {  	s24 =	sor.u32 $0x800, s2;
	s25 =	sor.u32 $0x700, s2;
	s2 =	sor.u32 $0x600, s2  }
0x1c: {  	s23 =	sshrl.u32 s22, $0x3;
	s0 =	sshrl.u32 s24, $0x3;
	s7 =	sshrl.u32 s25, $0x3  }
0x1d: {  	s26 =	sshrl.u32 s2, $0x3;
	s24 =	simm.s32 $0x6;
	s25 =	simm.s32 $0x100  }
0x1e: {  	s2 =	simm.s32 $0x180;
	s20 =	sadd.s32 s23, s6;
	s21 =	sadd.s32 s0, s6  }
0x1f: {  	s22 =	sadd.s32 s7, s6;
	s23 =	sadd.s32 s26, s6;
	s26 =	simm.s32 $0x80  }
0x20: {  	s0 =	simm.s32 $0x2;
	s6 =	simm.s32 $0x5;
	s7 =	simm.s32 $0x3  }
.LBB2_1:
0x21: {  	[tilespmem:s3], [sflag:$0x6] =	stream.linear.gather [hbm4b:s5+s3], $0x100, $0x38;
	[tilespmem:$0x1C400] =	vst v63  }
0x22: {  	_ =	swait.ge [sflag:s24], $0x100  }
0x23: {  	[sflag:s24] =	ssyncset.done $0x0  }
0x24: {  	s17 =	stileid.u32;
	s13 =	rddreg [dreg:$0x3];
	[sflag:s24] =	ssyncadd.s32 $0xFFFFFF00  }
0x25: {  	[tilespmem:s25], [sflag:$0x6] =	stream.linear.gather [hbm4b:s13+s3], $0x100, $0x38;
	[tilespmem:$0x1C400] =	vst v63  }
0x26: {  	s13 =	sshll.u32 s17, $0x6;
	_ =	swait.ge [sflag:s24], $0x100  }
0x27: {  	s13 =	sor.u32 $0x1C06, s13;
	[sflag:s24] =	ssyncset.done $0x0;
	s14 =	rddreg [dreg:$0xd]  }
0x28: {  	s15 =	rddreg [dreg:$0xa];
	[sflag:s24] =	ssyncadd.s32 $0xFFFFFF00;
	s14 =	sshrl.u32 s14, $0x3  }
0x29: {  	[tilespmem:s28], [sflag:$0x1] =	stream.indirect.gather [hbm4b:s4+s26], $0x80, s3, s26, $0xb8;
	[tilespmem:$0x1C400] =	vst v63  }
0x2a: {  	[spmem:s14], [sflag:s13] =	dma.local [hbm:s15], $0x1900  }
0x2b: {  	_ =	swait.ge [sflag:s24], $0x1900  }
0x2c: {  	[sflag:s24] =	ssyncset.done $0x0;
	s15 =	rddreg [dreg:$0xe]  }
0x2d: {  	s16 =	rddreg [dreg:$0xb];
	[sflag:s24] =	ssyncadd.s32 $0xFFFFE700;
	s15 =	sshrl.u32 @!p0 s15, $0x3  }
0x2e: {  	[spmem:s15], [sflag:s13] =	dma.local @!p0 [hbm:s16], $0x1900  }
0x2f: {  	s16 =	simm.s32 @!p0 $0x6  }
0x30: {  	_ =	swait.ge @!p0 [sflag:s16], $0x1900  }
0x31: {  	[sflag:s16] =	ssyncset.done @!p0 $0x0  }
0x32: {  	[sflag:s16] =	ssyncadd.s32 @!p0 $0xFFFFE700  }
0x33: {  	[bflag:$0x0] =	sbarrier.arrive $0xFFFF  }
0x34: {  	_ =	swait.ge [sflag:s29], $0x4000  }
0x35: {  	[sflag:s29] =	ssyncset.done $0x0  }
0x36: {  	[sflag:s29] =	ssyncadd.s32 $0xFFFFC000  }
0x37: {  	[spmem:s1] =	stream.indirect.scatter.add.f32 [tilespmem:s28], [sflag:$0x3], $0x80, s26, s26, $0xb8;
	[tilespmem:$0x1C400] =	vst v63  }
0x38: {  	_ = 	snop  }
0x39: {  	[tilespmem:s30], [sflag:$0x2] =	stream.indirect.gather [hbm4b:s4+s26], $0x80, s25, s26, $0xb8;
	[tilespmem:$0x1C400] =	vst v63  }
0x3a: {  	s18 =	rddreg [dreg:$0x4]  }
0x3b: {  	[tilespmem:s31], [sflag:$0x5] =	stream.linear.gather [hbm4b:s18+s3], $0x100, $0x38;
	[tilespmem:$0x1C400] =	vst v63  }
0x3c: {  	_ =	swait.ge [sflag:s0], $0x4000  }
0x3d: {  	[sflag:s0] =	ssyncset.done $0x0  }
0x3e: {  	[sflag:s0] =	ssyncadd.s32 $0xFFFFC000  }
0x3f: {  	[spmem:s1] =	stream.indirect.scatter.add.f32 [tilespmem:s30], [sflag:$0x4], $0x80, s2, s26, $0xb8;
	[tilespmem:$0x1C400] =	vst v63  }
0x40: {  	_ =	swait.ge [sflag:s6], $0x100  }
0x41: {  	[sflag:s6] =	ssyncset.done $0x0  }
0x42: {  	[sflag:s6] =	ssyncadd.s32 $0xFFFFFF00  }
0x43: {  	_ =	swait.ge [sflag:s7], $0x800  }
0x44: {  	[sflag:s7] =	ssyncset.done $0x0  }
0x45: {  	[sflag:s7] =	ssyncadd.s32 $0xFFFFF800  }
0x46: {  	[tilespmem:s28], [sflag:$0x1] =	stream.indirect.gather [hbm4b:s4+s26], $0x80, s31, s26, $0xb8;
	[tilespmem:$0x1C400] =	vst v63  }
0x47: {  	s17 =	rddreg [dreg:$0x5]  }
0x48: {  	[tilespmem:s8], [sflag:$0x5] =	stream.linear.gather [hbm4b:s17+s3], $0x100, $0x38;
	[tilespmem:$0x1C400] =	vst v63  }
0x49: {  	_ =	swait.ge [sflag:s29], $0x4000  }
0x4a: {  	[sflag:s29] =	ssyncset.done $0x0  }
0x4b: {  	[sflag:s29] =	ssyncadd.s32 $0xFFFFC000  }
0x4c: {  	[spmem:s1] =	stream.indirect.scatter.add.f32 [tilespmem:s28], [sflag:$0x3], $0x80, s9, s26, $0xb8;
	[tilespmem:$0x1C400] =	vst v63  }
0x4d: {  	_ =	swait.ge [sflag:s6], $0x100  }
0x4e: {  	[sflag:s6] =	ssyncset.done $0x0  }
0x4f: {  	[sflag:s6] =	ssyncadd.s32 $0xFFFFFF00  }
0x50: {  	_ =	swait.ge [sflag:s10], $0x800  }
0x51: {  	[sflag:s10] =	ssyncset.done $0x0  }
0x52: {  	[sflag:s10] =	ssyncadd.s32 $0xFFFFF800  }
0x53: {  	[tilespmem:s30], [sflag:$0x2] =	stream.indirect.gather [hbm4b:s4+s26], $0x80, s8, s26, $0xb8;
	[tilespmem:$0x1C400] =	vst v63  }
0x54: {  	s18 =	rddreg [dreg:$0x6]  }
0x55: {  	[tilespmem:s3], [sflag:$0x5] =	stream.linear.gather [hbm4b:s18+s3], $0x100, $0x38;
	[tilespmem:$0x1C400] =	vst v63  }
0x56: {  	_ =	swait.ge [sflag:s0], $0x4000  }
0x57: {  	[sflag:s0] =	ssyncset.done $0x0  }
0x58: {  	[sflag:s0] =	ssyncadd.s32 $0xFFFFC000  }
0x59: {  	[spmem:s1] =	stream.indirect.scatter.add.f32 [tilespmem:s30], [sflag:$0x4], $0x80, s11, s26, $0xb8;
	[tilespmem:$0x1C400] =	vst v63  }
0x5a: {  	_ =	swait.ge [sflag:s6], $0x100  }
0x5b: {  	[sflag:s6] =	ssyncset.done $0x0  }
0x5c: {  	[sflag:s6] =	ssyncadd.s32 $0xFFFFFF00  }
0x5d: {  	_ =	swait.ge [sflag:s7], $0x800  }
0x5e: {  	[sflag:s7] =	ssyncset.done $0x0  }
0x5f: {  	[sflag:s7] =	ssyncadd.s32 $0xFFFFF800  }
0x60: {  	[tilespmem:s28], [sflag:$0x1] =	stream.indirect.gather [hbm4b:s4+s26], $0x80, s3, s26, $0xb8;
	[tilespmem:$0x1C400] =	vst v63  }
0x61: {  	s17 =	rddreg [dreg:$0x7]  }
0x62: {  	[tilespmem:s25], [sflag:$0x5] =	stream.linear.gather [hbm4b:s17+s3], $0x100, $0x38;
	[tilespmem:$0x1C400] =	vst v63  }
0x63: {  	_ =	swait.ge [sflag:s29], $0x4000  }
0x64: {  	[sflag:s29] =	ssyncset.done $0x0  }
0x65: {  	[sflag:s29] =	ssyncadd.s32 $0xFFFFC000  }
0x66: {  	[spmem:s1] =	stream.indirect.scatter.add.f32 [tilespmem:s28], [sflag:$0x3], $0x80, s26, s26, $0xb8;
	[tilespmem:$0x1C400] =	vst v63  }
0x67: {  	_ =	swait.ge [sflag:s6], $0x100  }
0x68: {  	[sflag:s6] =	ssyncset.done $0x0  }
0x69: {  	[sflag:s6] =	ssyncadd.s32 $0xFFFFFF00  }
0x6a: {  	_ =	swait.ge [sflag:s10], $0x800  }
0x6b: {  	[sflag:s10] =	ssyncset.done $0x0  }
0x6c: {  	[sflag:s10] =	ssyncadd.s32 $0xFFFFF800  }
0x6d: {  	[tilespmem:s30], [sflag:$0x2] =	stream.indirect.gather [hbm4b:s4+s26], $0x80, s25, s26, $0xb8;
	[tilespmem:$0x1C400] =	vst v63  }
0x6e: {  	s18 =	sadd.s32 $0x0, s23  }
0x6f: {  	[tilespmem:s31], [sflag:$0x5] =	stream.linear.gather [hbm4b:s18+s3], $0x100, $0x38;
	[tilespmem:$0x1C400] =	vst v63  }
0x70: {  	_ =	swait.ge [sflag:s0], $0x4000  }
0x71: {  	[sflag:s0] =	ssyncset.done $0x0  }
0x72: {  	[sflag:s0] =	ssyncadd.s32 $0xFFFFC000  }
0x73: {  	[spmem:s1] =	stream.indirect.scatter.add.f32 [tilespmem:s30], [sflag:$0x4], $0x80, s2, s26, $0xb8;
	[tilespmem:$0x1C400] =	vst v63  }
0x74: {  	_ =	swait.ge [sflag:s6], $0x100  }
0x75: {  	[sflag:s6] =	ssyncset.done $0x0  }
0x76: {  	[sflag:s6] =	ssyncadd.s32 $0xFFFFFF00  }
0x77: {  	_ =	swait.ge [sflag:s7], $0x800  }
0x78: {  	[sflag:s7] =	ssyncset.done $0x0  }
0x79: {  	[sflag:s7] =	ssyncadd.s32 $0xFFFFF800  }
0x7a: {  	[tilespmem:s28], [sflag:$0x1] =	stream.indirect.gather [hbm4b:s4+s26], $0x80, s31, s26, $0xb8;
	[tilespmem:$0x1C400] =	vst v63  }
0x7b: {  	s17 =	sadd.s32 $0x0, s22  }
0x7c: {  	[tilespmem:s8], [sflag:$0x5] =	stream.linear.gather [hbm4b:s17+s3], $0x100, $0x38;
	[tilespmem:$0x1C400] =	vst v63  }
0x7d: {  	_ =	swait.ge [sflag:s29], $0x4000  }
0x7e: {  	[sflag:s29] =	ssyncset.done $0x0  }
0x7f: {  	[sflag:s29] =	ssyncadd.s32 $0xFFFFC000  }
0x80: {  	[spmem:s1] =	stream.indirect.scatter.add.f32 [tilespmem:s28], [sflag:$0x3], $0x80, s9, s26, $0xb8;
	[tilespmem:$0x1C400] =	vst v63  }
0x81: {  	_ =	swait.ge [sflag:s6], $0x100  }
0x82: {  	[sflag:s6] =	ssyncset.done $0x0  }
0x83: {  	[sflag:s6] =	ssyncadd.s32 $0xFFFFFF00  }
0x84: {  	_ =	swait.ge [sflag:s10], $0x800  }
0x85: {  	[sflag:s10] =	ssyncset.done $0x0  }
0x86: {  	[sflag:s10] =	ssyncadd.s32 $0xFFFFF800  }
0x87: {  	[tilespmem:s30], [sflag:$0x2] =	stream.indirect.gather [hbm4b:s4+s26], $0x80, s8, s26, $0xb8;
	[tilespmem:$0x1C400] =	vst v63  }
0x88: {  	s18 =	sadd.s32 $0x0, s21  }
0x89: {  	[tilespmem:s3], [sflag:$0x5] =	stream.linear.gather [hbm4b:s18+s3], $0x100, $0x38;
	[tilespmem:$0x1C400] =	vst v63  }
0x8a: {  	_ =	swait.ge [sflag:s0], $0x4000  }
0x8b: {  	[sflag:s0] =	ssyncset.done $0x0  }
0x8c: {  	[sflag:s0] =	ssyncadd.s32 $0xFFFFC000  }
0x8d: {  	[spmem:s1] =	stream.indirect.scatter.add.f32 [tilespmem:s30], [sflag:$0x4], $0x80, s11, s26, $0xb8;
	[tilespmem:$0x1C400] =	vst v63  }
0x8e: {  	_ =	swait.ge [sflag:s6], $0x100  }
0x8f: {  	[sflag:s6] =	ssyncset.done $0x0  }
0x90: {  	[sflag:s6] =	ssyncadd.s32 $0xFFFFFF00  }
0x91: {  	_ =	swait.ge [sflag:s7], $0x800  }
0x92: {  	[sflag:s7] =	ssyncset.done $0x0  }
0x93: {  	s16 =	simm.s32 $0x80;
	s17 =	sadd.s32 $0x0, s20;
	[sflag:s7] =	ssyncadd.s32 $0xFFFFF800  }
0x94: {  	[tilespmem:s28], [sflag:$0x1] =	stream.indirect.gather [hbm4b:s4+s26], $0x80, s3, s26, $0xb8;
	[tilespmem:$0x1C400] =	vst v63  }
.LBB2_2:
0x95: {  	[tilespmem:s25], [sflag:$0x5] =	stream.linear.gather [hbm4b:s17+s3], $0x100, $0x38;
	[tilespmem:$0x1C400] =	vst v63  }
0x96: {  	s17 =	smov.u32 s16  }
0x97: {  	p1 =	sne.s32 s16, $0x880;
	s16 =	sadd.s32 $0x80, s16;
	_ =	swait.ge [sflag:s29], $0x4000  }
0x98: {  	[sflag:s29] =	ssyncset.done $0x0  }
0x99: {  	[sflag:s29] =	ssyncadd.s32 $0xFFFFC000  }
0x9a: {  	[spmem:s1] =	stream.indirect.scatter.add.f32 [tilespmem:s28], [sflag:$0x3], $0x80, s26, s26, $0xb8;
	[tilespmem:$0x1C400] =	vst v63  }
0x9b: {  	_ =	swait.ge [sflag:s6], $0x100  }
0x9c: {  	[sflag:s6] =	ssyncset.done $0x0  }
0x9d: {  	[sflag:s6] =	ssyncadd.s32 $0xFFFFFF00  }
0x9e: {  	_ =	swait.ge [sflag:s10], $0x800  }
0x9f: {  	[sflag:s10] =	ssyncset.done $0x0  }
0xa0: {  	[sflag:s10] =	ssyncadd.s32 $0xFFFFF800  }
0xa1: {  	[tilespmem:s30], [sflag:$0x2] =	stream.indirect.gather [hbm4b:s4+s26], $0x80, s25, s26, $0xb8;
	[tilespmem:$0x1C400] =	vst v63  }
0xa2: {  	s18 =	sadd.s32 s17, s23  }
0xa3: {  	[tilespmem:s31], [sflag:$0x5] =	stream.linear.gather [hbm4b:s18+s3], $0x100, $0x38;
	[tilespmem:$0x1C400] =	vst v63  }
0xa4: {  	_ =	swait.ge [sflag:s0], $0x4000  }
0xa5: {  	[sflag:s0] =	ssyncset.done $0x0  }
0xa6: {  	[sflag:s0] =	ssyncadd.s32 $0xFFFFC000  }
0xa7: {  	[spmem:s1] =	stream.indirect.scatter.add.f32 [tilespmem:s30], [sflag:$0x4], $0x80, s2, s26, $0xb8;
	[tilespmem:$0x1C400] =	vst v63  }
0xa8: {  	_ =	swait.ge [sflag:s6], $0x100  }
0xa9: {  	[sflag:s6] =	ssyncset.done $0x0  }
0xaa: {  	[sflag:s6] =	ssyncadd.s32 $0xFFFFFF00  }
0xab: {  	_ =	swait.ge [sflag:s7], $0x800  }
0xac: {  	[sflag:s7] =	ssyncset.done $0x0  }
0xad: {  	[sflag:s7] =	ssyncadd.s32 $0xFFFFF800  }
0xae: {  	[tilespmem:s28], [sflag:$0x1] =	stream.indirect.gather [hbm4b:s4+s26], $0x80, s31, s26, $0xb8;
	[tilespmem:$0x1C400] =	vst v63  }
0xaf: {  	s18 =	sadd.s32 s17, s22  }
0xb0: {  	[tilespmem:s8], [sflag:$0x5] =	stream.linear.gather [hbm4b:s18+s3], $0x100, $0x38;
	[tilespmem:$0x1C400] =	vst v63  }
0xb1: {  	_ =	swait.ge [sflag:s29], $0x4000  }
0xb2: {  	[sflag:s29] =	ssyncset.done $0x0  }
0xb3: {  	[sflag:s29] =	ssyncadd.s32 $0xFFFFC000  }
0xb4: {  	[spmem:s1] =	stream.indirect.scatter.add.f32 [tilespmem:s28], [sflag:$0x3], $0x80, s9, s26, $0xb8;
	[tilespmem:$0x1C400] =	vst v63  }
0xb5: {  	_ =	swait.ge [sflag:s6], $0x100  }
0xb6: {  	[sflag:s6] =	ssyncset.done $0x0  }
0xb7: {  	[sflag:s6] =	ssyncadd.s32 $0xFFFFFF00  }
0xb8: {  	_ =	swait.ge [sflag:s10], $0x800  }
0xb9: {  	[sflag:s10] =	ssyncset.done $0x0  }
0xba: {  	[sflag:s10] =	ssyncadd.s32 $0xFFFFF800  }
0xbb: {  	[tilespmem:s30], [sflag:$0x2] =	stream.indirect.gather [hbm4b:s4+s26], $0x80, s8, s26, $0xb8;
	[tilespmem:$0x1C400] =	vst v63  }
0xbc: {  	s18 =	sadd.s32 s17, s21  }
0xbd: {  	[tilespmem:s3], [sflag:$0x5] =	stream.linear.gather [hbm4b:s18+s3], $0x100, $0x38;
	[tilespmem:$0x1C400] =	vst v63  }
0xbe: {  	_ =	swait.ge [sflag:s0], $0x4000  }
0xbf: {  	[sflag:s0] =	ssyncset.done $0x0  }
0xc0: {  	[sflag:s0] =	ssyncadd.s32 $0xFFFFC000  }
0xc1: {  	[spmem:s1] =	stream.indirect.scatter.add.f32 [tilespmem:s30], [sflag:$0x4], $0x80, s11, s26, $0xb8;
	[tilespmem:$0x1C400] =	vst v63  }
0xc2: {  	_ =	swait.ge [sflag:s6], $0x100  }
0xc3: {  	[sflag:s6] =	ssyncset.done $0x0  }
0xc4: {  	[sflag:s6] =	ssyncadd.s32 $0xFFFFFF00  }
.Ltmp0:
0xc5: {  	_ =	swait.ge [sflag:s7], $0x800;
	(pc) =	sbr.rel @p1 .LBB2_2-.Ltmp0, $4  }
0xc6: {  	[sflag:s7] =	ssyncset.done $0x0  }
0xc7: {  	[sflag:s7] =	ssyncadd.s32 $0xFFFFF800  }
0xc8: {  	[tilespmem:s28], [sflag:$0x1] =	stream.indirect.gather [hbm4b:s4+s26], $0x80, s3, s26, $0xb8;
	[tilespmem:$0x1C400] =	vst v63  }
0xc9: {  	s17 =	sadd.s32 s17, s20  }
0xca: {  	[tilespmem:s25], [sflag:$0x5] =	stream.linear.gather [hbm4b:s17+s3], $0x100, $0x38;
	[tilespmem:$0x1C400] =	vst v63  }
0xcb: {  	_ =	swait.ge [sflag:s29], $0x4000  }
0xcc: {  	[sflag:s29] =	ssyncset.done $0x0  }
0xcd: {  	[sflag:s29] =	ssyncadd.s32 $0xFFFFC000  }
0xce: {  	[spmem:s1] =	stream.indirect.scatter.add.f32 [tilespmem:s28], [sflag:$0x3], $0x80, s26, s26, $0xb8;
	[tilespmem:$0x1C400] =	vst v63  }
0xcf: {  	_ =	swait.ge [sflag:s6], $0x100  }
0xd0: {  	[sflag:s6] =	ssyncset.done $0x0  }
0xd1: {  	[sflag:s6] =	ssyncadd.s32 $0xFFFFFF00  }
0xd2: {  	_ =	swait.ge [sflag:s10], $0x800  }
0xd3: {  	[sflag:s10] =	ssyncset.done $0x0  }
0xd4: {  	[sflag:s10] =	ssyncadd.s32 $0xFFFFF800  }
0xd5: {  	[tilespmem:s30], [sflag:$0x2] =	stream.indirect.gather [hbm4b:s4+s26], $0x80, s25, s26, $0xb8;
	[tilespmem:$0x1C400] =	vst v63  }
0xd6: {  	s16 =	rddreg [dreg:$0x8]  }
0xd7: {  	[tilespmem:s31], [sflag:$0x5] =	stream.linear.gather [hbm4b:s16+s3], $0x100, $0x38;
	[tilespmem:$0x1C400] =	vst v63  }
0xd8: {  	_ =	swait.ge [sflag:s0], $0x4000  }
0xd9: {  	[sflag:s0] =	ssyncset.done $0x0  }
0xda: {  	[sflag:s0] =	ssyncadd.s32 $0xFFFFC000  }
0xdb: {  	[spmem:s1] =	stream.indirect.scatter.add.f32 [tilespmem:s30], [sflag:$0x4], $0x80, s2, s26, $0xb8;
	[tilespmem:$0x1C400] =	vst v63  }
0xdc: {  	_ =	swait.ge [sflag:s6], $0x100  }
0xdd: {  	[sflag:s6] =	ssyncset.done $0x0  }
0xde: {  	[sflag:s6] =	ssyncadd.s32 $0xFFFFFF00  }
0xdf: {  	_ =	swait.ge [sflag:s7], $0x800  }
0xe0: {  	[sflag:s7] =	ssyncset.done $0x0  }
0xe1: {  	[sflag:s7] =	ssyncadd.s32 $0xFFFFF800  }
0xe2: {  	[tilespmem:s28], [sflag:$0x1] =	stream.indirect.gather [hbm4b:s4+s26], $0x80, s31, s26, $0xb8;
	[tilespmem:$0x1C400] =	vst v63  }
0xe3: {  	s18 =	rddreg [dreg:$0x9]  }
0xe4: {  	[tilespmem:s8], [sflag:$0x5] =	stream.linear.gather [hbm4b:s18+s3], $0x100, $0x38;
	[tilespmem:$0x1C400] =	vst v63  }
0xe5: {  	_ =	swait.ge [sflag:s29], $0x4000  }
0xe6: {  	[sflag:s29] =	ssyncset.done $0x0  }
0xe7: {  	[sflag:s29] =	ssyncadd.s32 $0xFFFFC000  }
0xe8: {  	[spmem:s1] =	stream.indirect.scatter.add.f32 [tilespmem:s28], [sflag:$0x3], $0x80, s9, s26, $0xb8;
	[tilespmem:$0x1C400] =	vst v63  }
0xe9: {  	_ =	swait.ge [sflag:s6], $0x100  }
0xea: {  	[sflag:s6] =	ssyncset.done $0x0  }
0xeb: {  	[sflag:s6] =	ssyncadd.s32 $0xFFFFFF00  }
0xec: {  	_ =	swait.ge [sflag:s10], $0x800  }
0xed: {  	[sflag:s10] =	ssyncset.done $0x0  }
0xee: {  	[sflag:s10] =	ssyncadd.s32 $0xFFFFF800  }
0xef: {  	[tilespmem:s30], [sflag:$0x2] =	stream.indirect.gather [hbm4b:s4+s26], $0x80, s8, s26, $0xb8;
	[tilespmem:$0x1C400] =	vst v63  }
0xf0: {  	_ =	swait.ge [sflag:s0], $0x4000  }
0xf1: {  	[sflag:s0] =	ssyncset.done $0x0  }
0xf2: {  	[sflag:s0] =	ssyncadd.s32 $0xFFFFC000  }
0xf3: {  	[spmem:s1] =	stream.indirect.scatter.add.f32 [tilespmem:s30], [sflag:$0x4], $0x80, s11, s26, $0xb8;
	[tilespmem:$0x1C400] =	vst v63  }
0xf4: {  	_ =	swait.ge [sflag:s7], $0x800  }
0xf5: {  	[sflag:s7] =	ssyncset.done $0x0  }
0xf6: {  	[sflag:s7] =	ssyncadd.s32 $0xFFFFF800  }
0xf7: {  	_ =	swait.ge [sflag:s10], $0x800  }
0xf8: {  	[sflag:s10] =	ssyncset.done $0x0  }
0xf9: {  	[sflag:s10] =	ssyncadd.s32 $0xFFFFF800  }
0xfa: {  	[bflag:$0x0] =	sbarrier.arrive $0xFFFF  }
0xfb: {  	s17 =	rddreg [dreg:$0xf]  }
0xfc: {  	[hbm:s17], [sflag:s13] =	dma.local [spmem:s14], $0x1900  }
0xfd: {  	_ =	swait.ge [sflag:s24], $0x1900  }
0xfe: {  	[sflag:s24] =	ssyncset.done $0x0  }
0xff: {  	[sflag:s24] =	ssyncadd.s32 $0xFFFFE700  }
0x100: {  	[hbm:s19], [sflag:s13] =	dma.local @!p0 [spmem:s15], $0x1900  }
0x101: {  	s13 =	simm.s32 @!p0 $0x6  }
0x102: {  	_ =	swait.ge @!p0 [sflag:s13], $0x1900  }
0x103: {  	s12 =	sadd.s32 $0x1, s12;
	s18 =	rddreg [dreg:$0xc]  }
0x104: {  	p1 =	sne.s32 s12, s18  }
.Ltmp1:
0x105: {  	_ = 	snop;
	(pc) =	sbr.rel @p1 .LBB2_1-.Ltmp1, $3  }
0x106: {  	_ =	sdelay $0x1  }
0x107: {  	[sflag:s13] =	ssyncset.done @!p0 $0x0  }
0x108: {  	[sflag:s13] =	ssyncadd.s32 @!p0 $0xFFFFE700  }
0x109: {  	_ =	sfence.sel $0x180000  }
0x10a: {  	[bflag:$0x0] =	sbarrier.arrive $0xFFFF  }
0x10b: {  	_ =	strace $0x9000004A  }
0x10c: {  	s0 =	stileid.u32;
	[bflag:$0x2] =	sbarrier.arrive $0xFFFF  }
0x10d: {  	p0 =	sne.s32 s0, $0x0;
	s0 =	rddreg [dreg:$0x2]  }
0x10e: {  	s0 =	sadd.s32 @!p0 $0x100000, s0  }
0x10f: {  	[sflag:s0] =	ssyncadd.tile.s32 @!p0 $0x1;
	_ =	shalt  }
.Lfunc_end2:
_tile_overlayer_lowered:
.L_overlay_start_2:
0x110: {  	(tag) =	ssettag $0x2  }
0x111: {  	s0 =	rddreg [dreg:$0x0];
	s2 =	stileid.u32  }
0x112: {  	s1 =	rddreg [dreg:$0x1];
	p0 =	sne.s32 s2, $0x0  }
0x113: {  	s3 =	rddreg [dreg:$0x2];
	[bflag:$0x3] =	sbarrier.arrive $0xFFFF;
	s2 =	simm.s32 @!p0 $0x1C06  }
0x114: {  	[timem:s3], [sflag:s2] =	dma.local @!p0 [hbm:s0], s1  }
0x115: {  	s0 =	simm.s32 @!p0 $0x6  }
0x116: {  	_ =	swait.ge @!p0 [sflag:s0], s1  }
0x117: {  	s1 =	ssub.s32 @!p0 $0x0, s1;
	[sflag:s0] =	ssyncset.done @!p0 $0x0  }
0x118: {  	[sflag:s0] =	ssyncadd.s32 @!p0 s1  }
0x119: {  	[bflag:$0x3] =	sbarrier.arrive $0xFFFF  }
0x11a: {  	_ =	shalt  }

// kernel: kernel.14.cloned.1.call-start
scs
__scs_entry_jumppad:
0x0: {  	(pc) =	sbr.rel $0x88, $3  }
0x1: {  	(tag) =	ssettag $0x0;
	lr =	simm.s32 $0x1  }
0x2: {  	[smem:$0x3F98] =	sst lr;
	_ =	strace $0xD0000000  }
0x3: {  	_ = 	snop  }
0x4: {  	_ = 	snop  }
0x5: {  	_ = 	snop  }
0x6: {  	_ = 	snop  }
0x7: {  	_ = 	snop  }
__scs_overlays_trampoline_lowered:
0x8: {  	[smem:$0x3FA7] =	sst s0  }
0x9: {  	[smem:$0x3FA8] =	sst s1  }
0xa: {  	[smem:$0x3FA9] =	sst s2  }
0xb: {  	[smem:$0x3FAA] =	sst s3  }
0xc: {  	[smem:$0x3FAB] =	sst s4  }
0xd: {  	[smem:$0x3FAC] =	sst s5  }
0xe: {  	[smem:$0x3FAD] =	sst s6  }
0xf: {  	[smem:$0x3FAE] =	sst s7  }
0x10: {  	[smem:$0x3FAF] =	sst s8  }
0x11: {  	[smem:$0x3FB0] =	sst s9;
	s0 =	simm.s32 @!p0 $0x0  }
0x12: {  	s1 =	sld [smem:$0x3F96];
	s0 =	simm.s32 @p0 $0x1  }
0x13: {  	[smem:$0x3FB1] =	sst s0;
	s0 =	simm.s32 @!p1 $0x0  }
0x14: {  	s2 =	sld [smem:$0x3F95];
	s0 =	simm.s32 @p1 $0x1  }
0x15: {  	[smem:$0x3FB2] =	sst s0;
	s0 =	simm.s32 @!p2 $0x0  }
0x16: {  	s3 =	sld [smem:$0x3FDB];
	s0 =	simm.s32 @p2 $0x1  }
0x17: {  	s4 =	simm.s32 $0x1BF5;
	[smem:$0x3FB4] =	sst s0  }
0x18: {  	s0 =	sld [smem:$0x3F97];
	_ =	swait.ge [sflag:s4], $0x0  }
0x19: {  	s7 =	sld [smem:$0x3F98]  }
0x1a: {  	s8 =	sadd.s32 $0xFFFFE003, lr  }
0x1b: {  	s9 =	sadd.s32 $0xFFFFFEF7, lr;
	s5 =	simm.s32 $0xFFFFFFFF;
	p2 =	slt.u32 s8, $0xFFFFF086  }
0x1c: {  	p1 =	slt.u32 s9, $0xF7A;
	s5 =	simm.s32 @!p2 $0x0  }
0x1d: {  	s5 =	simm.s32 @p1 $0x1;
	p0 =	seq.s32 s7, s2  }
0x1e: {  	s7 =	smul.u32 @!p0 $0xF7A, s2;
	p2 =	seq.s32 @!p0 s5, $0x0  }
0x1f: {  	s9 =	smul.u32 $0xF7A, s1;
	s8 =	simm.s32 @!p0 $0x1BF5;
	p2 =	por !p2, p0  }
0x20: {  	[sflag:s8] =	ssyncset.s32 @!p0 $0xFFFFF086;
	s6 =	sadd.s32 @!p0 s3, s7;
	s7 =	simm.s32 @!p0 $0x108  }
0x21: {  	s3 =	sadd.s32 s3, s9;
	s6 =	sadd.s32 @!p0 $0x88, s6;
	s7 =	simm.s32 @p2 $0x1082  }
0x22: {  	[simem:s7], [sflag:s8] =	dma.local @!p0 [hbm:s6], $0xF7A  }
0x23: {  	s9 =	sor.u32 $0xD0000000, s2;
	s6 =	simm.s32 $0x108;
	_ =	swait.ge @!p0 [sflag:s8], $0x0  }
0x24: {  	s3 =	sadd.s32 $0x88, s3;
	s6 =	simm.s32 @!p1 $0x1082;
	[sflag:s4] =	ssyncset.s32 $0xFFFFF086  }
0x25: {  	[simem:s6], [sflag:s4] =	dma.local [hbm:s3], $0xF7A  }
0x26: {  	[smem:$0x3F98] =	sst s1;
	(tag) =	ssettag s2;
	_ =	strace s9  }
0x27: {  	s1 =	sld [smem:$0x3FA8]  }
0x28: {  	s2 =	sld [smem:$0x3FA9]  }
0x29: {  	s4 =	sld [smem:$0x3FAB]  }
0x2a: {  	p0 =	seq.s32 s5, $0x0;
	s5 =	sld [smem:$0x3FAC]  }
0x2b: {  	s6 =	sld [smem:$0x3FAD]  }
0x2c: {  	s7 =	sld [smem:$0x3FAE]  }
0x2d: {  	s3 =	simm.s32 $0x108;
	s8 =	sld [smem:$0x3FAF]  }
0x2e: {  	s3 =	simm.s32 @!p0 $0x1082;
	s9 =	sld [smem:$0x3FB0]  }
0x2f: {  	lr =	sadd.s32 s0, s3;
	s0 =	sld [smem:$0x3FA7]  }
0x30: {  	s3 =	sld [smem:$0x3FAA]  }
0x31: {  	[smem:$0x3FB3] =	sst s10  }
0x32: {  	s10 =	sld [smem:$0x3FB1];
	_ =	sdelay $0x3  }
0x33: {  	p0 =	seq.s32 s10, $0x1;
	s10 =	sld [smem:$0x3FB3];
	_ =	sdelay $0x3  }
0x34: {  	[smem:$0x3FB3] =	sst s10  }
0x35: {  	s10 =	sld [smem:$0x3FB2];
	_ =	sdelay $0x3  }
0x36: {  	p1 =	seq.s32 s10, $0x1;
	s10 =	sld [smem:$0x3FB3];
	_ =	sdelay $0x3  }
0x37: {  	[smem:$0x3FB3] =	sst s10  }
0x38: {  	s10 =	sld [smem:$0x3FB4]  }
0x39: {  	_ = 	snop;
	(pc) =	sbr.ind lr, $3  }
0x3a: {  	_ = 	snop  }
0x3b: {  	_ = 	snop  }
0x3c: {  	p2 =	seq.s32 s10, $0x1;
	s10 =	sld [smem:$0x3FB3]  }
0x3d: {  	_ =	shalt  }
0x3e: {  	_ =	shalt  }
0x3f: {  	_ =	shalt  }
0x40: {  	_ =	shalt  }
0x41: {  	_ =	shalt  }
0x42: {  	_ =	shalt  }
0x43: {  	_ =	shalt  }
0x44: {  	_ =	shalt  }
0x45: {  	_ =	shalt  }
0x46: {  	_ =	shalt  }
0x47: {  	_ =	shalt  }
0x48: {  	_ =	shalt  }
0x49: {  	_ =	shalt  }
0x4a: {  	_ =	shalt  }
0x4b: {  	_ =	shalt  }
0x4c: {  	_ =	shalt  }
0x4d: {  	_ =	shalt  }
0x4e: {  	_ =	shalt  }
0x4f: {  	_ =	shalt  }
0x50: {  	_ =	shalt  }
0x51: {  	_ =	shalt  }
0x52: {  	_ =	shalt  }
0x53: {  	_ =	shalt  }
0x54: {  	_ =	shalt  }
0x55: {  	_ =	shalt  }
0x56: {  	_ =	shalt  }
0x57: {  	_ =	shalt  }
0x58: {  	_ =	shalt  }
0x59: {  	_ =	shalt  }
0x5a: {  	_ =	shalt  }
0x5b: {  	_ =	shalt  }
0x5c: {  	_ =	shalt  }
0x5d: {  	_ =	shalt  }
0x5e: {  	_ =	shalt  }
0x5f: {  	_ =	shalt  }
0x60: {  	_ =	shalt  }
0x61: {  	_ =	shalt  }
0x62: {  	_ =	shalt  }
0x63: {  	_ =	shalt  }
0x64: {  	_ =	shalt  }
0x65: {  	_ =	shalt  }
0x66: {  	_ =	shalt  }
0x67: {  	_ =	shalt  }
0x68: {  	_ =	shalt  }
0x69: {  	_ =	shalt  }
0x6a: {  	_ =	shalt  }
0x6b: {  	_ =	shalt  }
0x6c: {  	_ =	shalt  }
0x6d: {  	_ =	shalt  }
0x6e: {  	_ =	shalt  }
0x6f: {  	_ =	shalt  }
0x70: {  	_ =	shalt  }
0x71: {  	_ =	shalt  }
0x72: {  	_ =	shalt  }
0x73: {  	_ =	shalt  }
0x74: {  	_ =	shalt  }
0x75: {  	_ =	shalt  }
0x76: {  	_ =	shalt  }
0x77: {  	_ =	shalt  }
0x78: {  	_ =	shalt  }
0x79: {  	_ =	shalt  }
0x7a: {  	_ =	shalt  }
0x7b: {  	_ =	shalt  }
0x7c: {  	_ =	shalt  }
0x7d: {  	_ =	shalt  }
0x7e: {  	_ =	shalt  }
0x7f: {  	_ =	shalt  }
0x80: {  	_ =	shalt  }
0x81: {  	_ =	shalt  }
0x82: {  	_ =	shalt  }
0x83: {  	_ =	shalt  }
0x84: {  	_ =	shalt  }
0x85: {  	_ =	shalt  }
0x86: {  	_ =	shalt  }
0x87: {  	_ =	shalt  }
.Lfunc_end0:
.L_simem_size_0:
called_computation.2_lowered:
.L_overlay_start_0:
0x88: {  	s2 =	sld [smem:$0x3FD9]  }
0x89: {  	s3 =	sld [smem:$0x3FFE];
	_ =	sdelay $0x1  }
0x8a: {  	s1 =	srdreg.scid  }
0x8b: {  	s0 =	sand.u32 $0x1, s1  }
0x8c: {  	s16 =	sshll.u32 s0, $0xA;
	s2 =	sadd.s32 s3, s2  }
0x8d: {  	s2 =	sadd.s32 s2, s16  }
0x8e: {  	[smem:$0x3FBF] =	sst s2  }
0x8f: {  	_ = 	snop  }
0x90: {  	(tm) =	ssettm $0x1  }
0x91: {  	s17 =	sld [smem:$0x3FFB];
	_ =	sdelay $0x3  }
0x92: {  	_ =	strace s17  }
0x93: {  	s2 =	sld [smem:$0x3FFC];
	_ =	sdelay $0x3  }
0x94: {  	_ =	strace s2  }
0x95: {  	s2 =	sld [smem:$0x3FFD];
	_ =	sdelay $0x3  }
0x96: {  	_ =	strace s2  }
0x97: {  	_ =	strace $0x8FFFFFFF  }
0x98: {  	s18 =	sld [smem:$0x3FDB];
	_ =	sdelay $0x1  }
0x99: {  	s19 =	simm.s32 $_scs_section_size  }
0x9a: {  	s4 =	simm.s32 $_size__tile_overlayer_lowered;
	s5 =	simm.s32 $_tile_overlayer_lowered  }
0x9b: {  	s22 =	simm.s32 $0x1BFF;
	s21 =	sshll.u32 s5, $0x1;
	s2 =	sadd.s32 s19, s18  }
0x9c: {  	s6 =	simm.s32 $0x0;
	s20 =	sshll.u32 s4, $0x1;
	s4 =	sadd.s32 s21, s2  }
0x9d: {  	[timem:s6], [sflag:s22] =	dma.local [hbm:s4], s20  }
0x9e: {  	_ =	swait.ge [sflag:s22], s20  }
0x9f: {  	s3 =	ssub.s32 $0x0, s20;
	[sflag:s22] =	ssyncset.done $0x0  }
0xa0: {  	[sflag:s22] =	ssyncadd.s32 s3;
	_ =	sdelay $0x1  }
0xa1: {  	s23 =	simm.s32 $0x1B8B  }
0xa2: {  	_ =	swait.ge [sflag:s23], $0x1  }
0xa3: {  	[sflag:s23] =	ssyncset.done $0x0  }
0xa4: {  	s25 =	simm.s32 $0x1B8E;
	s24 =	sld [smem:$0x3FFE];
	[sflag:s23] =	ssyncadd.s32 $0xFFFFFFFF  }
0xa5: {  	s26 =	simm.s32 $execute0_lowered;
	[smem:$0x3FD2] =	sst s25  }
0xa6: {  	s4 =	sshll.u32 s26, $0x1;
	_ =	strace $0x8000004C;
	[dreg:$0x1] =	wrdreg $0xFFFFFFFF  }
0xa7: {  	s28 =	simm.s32 $_size_execute0_lowered;
	s2 =	sadd.s32 s2, s4;
	[dreg:$0x0] =	wrdreg $0x0  }
0xa8: {  	s4 =	sshll.u32 s28, $0x1;
	[dreg:$0x2] =	wrdreg s2  }
0xa9: {  	[dreg:$0x3] =	wrdreg s4  }
0xaa: {  	[dreg:$0x4] =	wrdreg $0xC0  }
0xab: {  	_ =	task [dreg:s6], $0x5FFFF  }
0xac: {  	[dreg:$0x1] =	wrdreg $0xFFFFFFFF  }
0xad: {  	[dreg:$0x0] =	wrdreg $0x60  }
0xae: {  	[dreg:$0x2] =	wrdreg s24  }
0xaf: {  	[dreg:$0x3] =	wrdreg $0x84000  }
0xb0: {  	[dreg:$0x4] =	wrdreg $0x9  }
0xb1: {  	_ =	task.clear_ibuf [dreg:s6], $0x5FFFF;
	_ =	strace $0x9000004C  }
0xb2: {  	s29 =	simm.s32 $0x9;
	_ =	strace $0x8000004E  }
0xb3: {  	_ =	swait.ge [sflag:s29], $0x1  }
0xb4: {  	[sflag:s29] =	ssyncadd.s32 $0xFFFFFFFF  }
0xb5: {  	_ =	strace $0x9000004E  }
0xb6: {  	_ =	sfence  }
0xb7: {  	s30 =	sld [smem:$0x0];
	_ =	sdelay $0x2  }
0xb8: {  	s31 =	sshll.u32 s1, $0xD;
	s1 =	sshrl.u32 s1, $0x2  }
0xb9: {  	s3 =	sand.u32 $0x4000, s31;
	s1 =	sadd.s32 s1, s30  }
0xba: {  	s0 =	sor.u32 s3, s0;
	s1 =	sshll.u32 s1, $0x11  }
0xbb: {  	s0 =	sor.u32 s1, s0  }
0xbc: {  	s0 =	sadd.s32 $0x8F2B, s0  }
0xbd: {  	[sflag:s0] =	ssyncadd.remote.s32 $0x1  }
0xbe: {  	_ =	sfence.sel $0xFFFF  }
0xbf: {  	[dreg:$0x0] =	wrdreg $0xFFFFFFFF;
	(pc) =	sbr.abs _section_cstart, $3  }
0xc0: {  	[dreg:$0x1] =	wrdreg $0xFFFFFFFF  }
0xc1: {  	_ =	task.clear_ibuf [dreg:s6], $0x2FFFF;
	_ =	strace $0x9FFFFFFF  }
0xc2: {  	(tm) =	ssettm $0x7FFFFFFF  }
0xc3: {  	_ =	shalt  }
tec
execute0_lowered:
.L_overlay_start_1:
0x0: {  	(tag) =	ssettag $0x1  }
0x1: {  	s0 =	rddreg [dreg:$0x0]  }
0x2: {  	s1 =	rddreg [dreg:$0x1];
	s2 =	srdreg.scid  }
0x3: {  	s3 =	simm.s32 $0x0;
	s17 =	stileid.u32;
	s28 =	simm.s32 $0x400  }
0x4: {  	s29 =	simm.s32 $0x1;
	s30 =	simm.s32 $0x4400;
	s31 =	simm.s32 $0x200  }
0x5: {  	s2 =	sand.u32 $0x1, s2;
	[smem:$0x7FF] =	sst s3;
	s11 =	smul.u32 $0x32000, s17  }
0x6: {  	s4 =	sadd.s32 $0x20600, s0;
	s6 =	sadd.s32 $0xC600, s0;
	s12 =	smul.u32 $0x1900, s17  }
0x7: {  	s7 =	sadd.s32 $0x47800, s0;
	s0 =	sadd.s32 $0x6EA00, s0;
	s24 =	smul.u32 $0xC800, s17  }
0x8: {  	s13 =	sor.u32 $0x10, s17;
	s5 =	sshll.u32 s2, $0x4;
	s9 =	smul.u32 $0x138800, s2  }
0x9: {  	_ =	strace $0x8000004D;
	s8 =	ssub.s32 $0x2, s2;
	s20 =	smul.u32 $0x32000, s13  }
0xa: {  	s22 =	smul.u32 $0x1900, s13;
	s5 =	sor.u32 s17, s5;
	s10 =	sshrl.u32 s8, $0x1  }
0xb: {  	s12 =	sadd.s32 s7, s12;
	s5 =	smul.u32 $0x5000, s5;
	s8 =	ssub.s32 s8, s10  }
0xc: {  	[dreg:$0xa] =	wrdreg s12;
	s10 =	sshrl.u32 s20, $0x2;
	s7 =	sadd.s32 s7, s22  }
0xd: {  	[dreg:$0xb] =	wrdreg s7;
	s8 =	smax.u32 s8, $0x1;
	s5 =	sshrl.u32 s5, $0x3  }
0xe: {  	s18 =	sadd.s32 s10, s1;
	[dreg:$0xc] =	wrdreg s8;
	s5 =	sadd.s32 s6, s5  }
0xf: {  	s26 =	smul.u32 $0xC800, s13;
	[dreg:$0xe] =	wrdreg s18;
	s19 =	sadd.s32 $0x20, s5  }
0x10: {  	s2 =	smul.u32 $0x50000, s2;
	s14 =	sadd.s32 $0x40, s5;
	[dreg:$0x3] =	wrdreg s19  }
0x11: {  	p0 =	sgt.u32 s13, $0x18;
	s21 =	sadd.s32 $0x60, s5;
	[dreg:$0x4] =	wrdreg s14  }
0x12: {  	s11 =	sshrl.u32 s11, $0x2;
	s15 =	sadd.s32 $0x80, s5;
	[dreg:$0x5] =	wrdreg s21  }
0x13: {  	s12 =	simm.s32 $0x0;
	s23 =	sadd.s32 $0xA0, s5;
	[dreg:$0x6] =	wrdreg s15  }
0x14: {  	s10 =	simm.s32 $0x4;
	s16 =	sadd.s32 $0x9C0, s5;
	[dreg:$0x7] =	wrdreg s23  }
0x15: {  	s8 =	simm.s32 $0x300;
	s25 =	sadd.s32 $0x9E0, s5;
	[dreg:$0x8] =	wrdreg s16  }
0x16: {  	[dreg:$0x9] =	wrdreg s25;
	s14 =	smul.u32 $0x5000, s17;
	s17 =	sadd.s32 s11, s1  }
0x17: {  	s19 =	sadd.s32 s9, s24;
	s9 =	sadd.s32 s9, s26;
	s11 =	simm.s32 $0x380  }
0x18: {  	[dreg:$0xd] =	wrdreg s17;
	s20 =	sshrl.u32 s19, $0x3;
	s21 =	sshrl.u32 s9, $0x3  }
0x19: {  	s9 =	simm.s32 $0x280;
	s2 =	sadd.s32 s14, s2;
	s7 =	sadd.s32 s0, s20  }
0x1a: {  	s19 =	sadd.s32 s0, s21;
	s22 =	sor.u32 $0x900, s2;
	[dreg:$0xf] =	wrdreg s7  }
0x1b: {  	s24 =	sor.u32 $0x800, s2;
	s25 =	sor.u32 $0x700, s2;
	s2 =	sor.u32 $0x600, s2  }
0x1c: {  	s23 =	sshrl.u32 s22, $0x3;
	s0 =	sshrl.u32 s24, $0x3;
	s7 =	sshrl.u32 s25, $0x3  }
0x1d: {  	s26 =	sshrl.u32 s2, $0x3;
	s24 =	simm.s32 $0x6;
	s25 =	simm.s32 $0x100  }
0x1e: {  	s2 =	simm.s32 $0x180;
	s20 =	sadd.s32 s23, s6;
	s21 =	sadd.s32 s0, s6  }
0x1f: {  	s22 =	sadd.s32 s7, s6;
	s23 =	sadd.s32 s26, s6;
	s26 =	simm.s32 $0x80  }
0x20: {  	s0 =	simm.s32 $0x2;
	s6 =	simm.s32 $0x5;
	s7 =	simm.s32 $0x3  }
.LBB2_1:
0x21: {  	[tilespmem:s3], [sflag:$0x6] =	stream.linear.gather [hbm4b:s5+s3], $0x100, $0x38;
	[tilespmem:$0x1C400] =	vst v63  }
0x22: {  	_ =	swait.ge [sflag:s24], $0x100  }
0x23: {  	[sflag:s24] =	ssyncset.done $0x0  }
0x24: {  	s17 =	stileid.u32;
	s13 =	rddreg [dreg:$0x3];
	[sflag:s24] =	ssyncadd.s32 $0xFFFFFF00  }
0x25: {  	[tilespmem:s25], [sflag:$0x6] =	stream.linear.gather [hbm4b:s13+s3], $0x100, $0x38;
	[tilespmem:$0x1C400] =	vst v63  }
0x26: {  	s13 =	sshll.u32 s17, $0x6;
	_ =	swait.ge [sflag:s24], $0x100  }
0x27: {  	s13 =	sor.u32 $0x1C06, s13;
	[sflag:s24] =	ssyncset.done $0x0;
	s14 =	rddreg [dreg:$0xd]  }
0x28: {  	s15 =	rddreg [dreg:$0xa];
	[sflag:s24] =	ssyncadd.s32 $0xFFFFFF00;
	s14 =	sshrl.u32 s14, $0x3  }
0x29: {  	[tilespmem:s28], [sflag:$0x1] =	stream.indirect.gather [hbm4b:s4+s26], $0x80, s3, s26, $0xb8;
	[tilespmem:$0x1C400] =	vst v63  }
0x2a: {  	[spmem:s14], [sflag:s13] =	dma.local [hbm:s15], $0x1900  }
0x2b: {  	_ =	swait.ge [sflag:s24], $0x1900  }
0x2c: {  	[sflag:s24] =	ssyncset.done $0x0;
	s15 =	rddreg [dreg:$0xe]  }
0x2d: {  	s16 =	rddreg [dreg:$0xb];
	[sflag:s24] =	ssyncadd.s32 $0xFFFFE700;
	s15 =	sshrl.u32 @!p0 s15, $0x3  }
0x2e: {  	[spmem:s15], [sflag:s13] =	dma.local @!p0 [hbm:s16], $0x1900  }
0x2f: {  	s16 =	simm.s32 @!p0 $0x6  }
0x30: {  	_ =	swait.ge @!p0 [sflag:s16], $0x1900  }
0x31: {  	[sflag:s16] =	ssyncset.done @!p0 $0x0  }
0x32: {  	[sflag:s16] =	ssyncadd.s32 @!p0 $0xFFFFE700  }
0x33: {  	[bflag:$0x0] =	sbarrier.arrive $0xFFFF  }
0x34: {  	_ =	swait.ge [sflag:s29], $0x4000  }
0x35: {  	[sflag:s29] =	ssyncset.done $0x0  }
0x36: {  	[sflag:s29] =	ssyncadd.s32 $0xFFFFC000  }
0x37: {  	[spmem:s1] =	stream.indirect.scatter.add.f32 [tilespmem:s28], [sflag:$0x3], $0x80, s26, s26, $0xb8;
	[tilespmem:$0x1C400] =	vst v63  }
0x38: {  	_ = 	snop  }
0x39: {  	[tilespmem:s30], [sflag:$0x2] =	stream.indirect.gather [hbm4b:s4+s26], $0x80, s25, s26, $0xb8;
	[tilespmem:$0x1C400] =	vst v63  }
0x3a: {  	s18 =	rddreg [dreg:$0x4]  }
0x3b: {  	[tilespmem:s31], [sflag:$0x5] =	stream.linear.gather [hbm4b:s18+s3], $0x100, $0x38;
	[tilespmem:$0x1C400] =	vst v63  }
0x3c: {  	_ =	swait.ge [sflag:s0], $0x4000  }
0x3d: {  	[sflag:s0] =	ssyncset.done $0x0  }
0x3e: {  	[sflag:s0] =	ssyncadd.s32 $0xFFFFC000  }
0x3f: {  	[spmem:s1] =	stream.indirect.scatter.add.f32 [tilespmem:s30], [sflag:$0x4], $0x80, s2, s26, $0xb8;
	[tilespmem:$0x1C400] =	vst v63  }
0x40: {  	_ =	swait.ge [sflag:s6], $0x100  }
0x41: {  	[sflag:s6] =	ssyncset.done $0x0  }
0x42: {  	[sflag:s6] =	ssyncadd.s32 $0xFFFFFF00  }
0x43: {  	_ =	swait.ge [sflag:s7], $0x800  }
0x44: {  	[sflag:s7] =	ssyncset.done $0x0  }
0x45: {  	[sflag:s7] =	ssyncadd.s32 $0xFFFFF800  }
0x46: {  	[tilespmem:s28], [sflag:$0x1] =	stream.indirect.gather [hbm4b:s4+s26], $0x80, s31, s26, $0xb8;
	[tilespmem:$0x1C400] =	vst v63  }
0x47: {  	s17 =	rddreg [dreg:$0x5]  }
0x48: {  	[tilespmem:s8], [sflag:$0x5] =	stream.linear.gather [hbm4b:s17+s3], $0x100, $0x38;
	[tilespmem:$0x1C400] =	vst v63  }
0x49: {  	_ =	swait.ge [sflag:s29], $0x4000  }
0x4a: {  	[sflag:s29] =	ssyncset.done $0x0  }
0x4b: {  	[sflag:s29] =	ssyncadd.s32 $0xFFFFC000  }
0x4c: {  	[spmem:s1] =	stream.indirect.scatter.add.f32 [tilespmem:s28], [sflag:$0x3], $0x80, s9, s26, $0xb8;
	[tilespmem:$0x1C400] =	vst v63  }
0x4d: {  	_ =	swait.ge [sflag:s6], $0x100  }
0x4e: {  	[sflag:s6] =	ssyncset.done $0x0  }
0x4f: {  	[sflag:s6] =	ssyncadd.s32 $0xFFFFFF00  }
0x50: {  	_ =	swait.ge [sflag:s10], $0x800  }
0x51: {  	[sflag:s10] =	ssyncset.done $0x0  }
0x52: {  	[sflag:s10] =	ssyncadd.s32 $0xFFFFF800  }
0x53: {  	[tilespmem:s30], [sflag:$0x2] =	stream.indirect.gather [hbm4b:s4+s26], $0x80, s8, s26, $0xb8;
	[tilespmem:$0x1C400] =	vst v63  }
0x54: {  	s18 =	rddreg [dreg:$0x6]  }
0x55: {  	[tilespmem:s3], [sflag:$0x5] =	stream.linear.gather [hbm4b:s18+s3], $0x100, $0x38;
	[tilespmem:$0x1C400] =	vst v63  }
0x56: {  	_ =	swait.ge [sflag:s0], $0x4000  }
0x57: {  	[sflag:s0] =	ssyncset.done $0x0  }
0x58: {  	[sflag:s0] =	ssyncadd.s32 $0xFFFFC000  }
0x59: {  	[spmem:s1] =	stream.indirect.scatter.add.f32 [tilespmem:s30], [sflag:$0x4], $0x80, s11, s26, $0xb8;
	[tilespmem:$0x1C400] =	vst v63  }
0x5a: {  	_ =	swait.ge [sflag:s6], $0x100  }
0x5b: {  	[sflag:s6] =	ssyncset.done $0x0  }
0x5c: {  	[sflag:s6] =	ssyncadd.s32 $0xFFFFFF00  }
0x5d: {  	_ =	swait.ge [sflag:s7], $0x800  }
0x5e: {  	[sflag:s7] =	ssyncset.done $0x0  }
0x5f: {  	[sflag:s7] =	ssyncadd.s32 $0xFFFFF800  }
0x60: {  	[tilespmem:s28], [sflag:$0x1] =	stream.indirect.gather [hbm4b:s4+s26], $0x80, s3, s26, $0xb8;
	[tilespmem:$0x1C400] =	vst v63  }
0x61: {  	s17 =	rddreg [dreg:$0x7]  }
0x62: {  	[tilespmem:s25], [sflag:$0x5] =	stream.linear.gather [hbm4b:s17+s3], $0x100, $0x38;
	[tilespmem:$0x1C400] =	vst v63  }
0x63: {  	_ =	swait.ge [sflag:s29], $0x4000  }
0x64: {  	[sflag:s29] =	ssyncset.done $0x0  }
0x65: {  	[sflag:s29] =	ssyncadd.s32 $0xFFFFC000  }
0x66: {  	[spmem:s1] =	stream.indirect.scatter.add.f32 [tilespmem:s28], [sflag:$0x3], $0x80, s26, s26, $0xb8;
	[tilespmem:$0x1C400] =	vst v63  }
0x67: {  	_ =	swait.ge [sflag:s6], $0x100  }
0x68: {  	[sflag:s6] =	ssyncset.done $0x0  }
0x69: {  	[sflag:s6] =	ssyncadd.s32 $0xFFFFFF00  }
0x6a: {  	_ =	swait.ge [sflag:s10], $0x800  }
0x6b: {  	[sflag:s10] =	ssyncset.done $0x0  }
0x6c: {  	[sflag:s10] =	ssyncadd.s32 $0xFFFFF800  }
0x6d: {  	[tilespmem:s30], [sflag:$0x2] =	stream.indirect.gather [hbm4b:s4+s26], $0x80, s25, s26, $0xb8;
	[tilespmem:$0x1C400] =	vst v63  }
0x6e: {  	s18 =	sadd.s32 $0x0, s23  }
0x6f: {  	[tilespmem:s31], [sflag:$0x5] =	stream.linear.gather [hbm4b:s18+s3], $0x100, $0x38;
	[tilespmem:$0x1C400] =	vst v63  }
0x70: {  	_ =	swait.ge [sflag:s0], $0x4000  }
0x71: {  	[sflag:s0] =	ssyncset.done $0x0  }
0x72: {  	[sflag:s0] =	ssyncadd.s32 $0xFFFFC000  }
0x73: {  	[spmem:s1] =	stream.indirect.scatter.add.f32 [tilespmem:s30], [sflag:$0x4], $0x80, s2, s26, $0xb8;
	[tilespmem:$0x1C400] =	vst v63  }
0x74: {  	_ =	swait.ge [sflag:s6], $0x100  }
0x75: {  	[sflag:s6] =	ssyncset.done $0x0  }
0x76: {  	[sflag:s6] =	ssyncadd.s32 $0xFFFFFF00  }
0x77: {  	_ =	swait.ge [sflag:s7], $0x800  }
0x78: {  	[sflag:s7] =	ssyncset.done $0x0  }
0x79: {  	[sflag:s7] =	ssyncadd.s32 $0xFFFFF800  }
0x7a: {  	[tilespmem:s28], [sflag:$0x1] =	stream.indirect.gather [hbm4b:s4+s26], $0x80, s31, s26, $0xb8;
	[tilespmem:$0x1C400] =	vst v63  }
0x7b: {  	s17 =	sadd.s32 $0x0, s22  }
0x7c: {  	[tilespmem:s8], [sflag:$0x5] =	stream.linear.gather [hbm4b:s17+s3], $0x100, $0x38;
	[tilespmem:$0x1C400] =	vst v63  }
0x7d: {  	_ =	swait.ge [sflag:s29], $0x4000  }
0x7e: {  	[sflag:s29] =	ssyncset.done $0x0  }
0x7f: {  	[sflag:s29] =	ssyncadd.s32 $0xFFFFC000  }
0x80: {  	[spmem:s1] =	stream.indirect.scatter.add.f32 [tilespmem:s28], [sflag:$0x3], $0x80, s9, s26, $0xb8;
	[tilespmem:$0x1C400] =	vst v63  }
0x81: {  	_ =	swait.ge [sflag:s6], $0x100  }
0x82: {  	[sflag:s6] =	ssyncset.done $0x0  }
0x83: {  	[sflag:s6] =	ssyncadd.s32 $0xFFFFFF00  }
0x84: {  	_ =	swait.ge [sflag:s10], $0x800  }
0x85: {  	[sflag:s10] =	ssyncset.done $0x0  }
0x86: {  	[sflag:s10] =	ssyncadd.s32 $0xFFFFF800  }
0x87: {  	[tilespmem:s30], [sflag:$0x2] =	stream.indirect.gather [hbm4b:s4+s26], $0x80, s8, s26, $0xb8;
	[tilespmem:$0x1C400] =	vst v63  }
0x88: {  	s18 =	sadd.s32 $0x0, s21  }
0x89: {  	[tilespmem:s3], [sflag:$0x5] =	stream.linear.gather [hbm4b:s18+s3], $0x100, $0x38;
	[tilespmem:$0x1C400] =	vst v63  }
0x8a: {  	_ =	swait.ge [sflag:s0], $0x4000  }
0x8b: {  	[sflag:s0] =	ssyncset.done $0x0  }
0x8c: {  	[sflag:s0] =	ssyncadd.s32 $0xFFFFC000  }
0x8d: {  	[spmem:s1] =	stream.indirect.scatter.add.f32 [tilespmem:s30], [sflag:$0x4], $0x80, s11, s26, $0xb8;
	[tilespmem:$0x1C400] =	vst v63  }
0x8e: {  	_ =	swait.ge [sflag:s6], $0x100  }
0x8f: {  	[sflag:s6] =	ssyncset.done $0x0  }
0x90: {  	[sflag:s6] =	ssyncadd.s32 $0xFFFFFF00  }
0x91: {  	_ =	swait.ge [sflag:s7], $0x800  }
0x92: {  	[sflag:s7] =	ssyncset.done $0x0  }
0x93: {  	s16 =	simm.s32 $0x80;
	s17 =	sadd.s32 $0x0, s20;
	[sflag:s7] =	ssyncadd.s32 $0xFFFFF800  }
0x94: {  	[tilespmem:s28], [sflag:$0x1] =	stream.indirect.gather [hbm4b:s4+s26], $0x80, s3, s26, $0xb8;
	[tilespmem:$0x1C400] =	vst v63  }
.LBB2_2:
0x95: {  	[tilespmem:s25], [sflag:$0x5] =	stream.linear.gather [hbm4b:s17+s3], $0x100, $0x38;
	[tilespmem:$0x1C400] =	vst v63  }
0x96: {  	s17 =	smov.u32 s16  }
0x97: {  	p1 =	sne.s32 s16, $0x880;
	s16 =	sadd.s32 $0x80, s16;
	_ =	swait.ge [sflag:s29], $0x4000  }
0x98: {  	[sflag:s29] =	ssyncset.done $0x0  }
0x99: {  	[sflag:s29] =	ssyncadd.s32 $0xFFFFC000  }
0x9a: {  	[spmem:s1] =	stream.indirect.scatter.add.f32 [tilespmem:s28], [sflag:$0x3], $0x80, s26, s26, $0xb8;
	[tilespmem:$0x1C400] =	vst v63  }
0x9b: {  	_ =	swait.ge [sflag:s6], $0x100  }
0x9c: {  	[sflag:s6] =	ssyncset.done $0x0  }
0x9d: {  	[sflag:s6] =	ssyncadd.s32 $0xFFFFFF00  }
0x9e: {  	_ =	swait.ge [sflag:s10], $0x800  }
0x9f: {  	[sflag:s10] =	ssyncset.done $0x0  }
0xa0: {  	[sflag:s10] =	ssyncadd.s32 $0xFFFFF800  }
0xa1: {  	[tilespmem:s30], [sflag:$0x2] =	stream.indirect.gather [hbm4b:s4+s26], $0x80, s25, s26, $0xb8;
	[tilespmem:$0x1C400] =	vst v63  }
0xa2: {  	s18 =	sadd.s32 s17, s23  }
0xa3: {  	[tilespmem:s31], [sflag:$0x5] =	stream.linear.gather [hbm4b:s18+s3], $0x100, $0x38;
	[tilespmem:$0x1C400] =	vst v63  }
0xa4: {  	_ =	swait.ge [sflag:s0], $0x4000  }
0xa5: {  	[sflag:s0] =	ssyncset.done $0x0  }
0xa6: {  	[sflag:s0] =	ssyncadd.s32 $0xFFFFC000  }
0xa7: {  	[spmem:s1] =	stream.indirect.scatter.add.f32 [tilespmem:s30], [sflag:$0x4], $0x80, s2, s26, $0xb8;
	[tilespmem:$0x1C400] =	vst v63  }
0xa8: {  	_ =	swait.ge [sflag:s6], $0x100  }
0xa9: {  	[sflag:s6] =	ssyncset.done $0x0  }
0xaa: {  	[sflag:s6] =	ssyncadd.s32 $0xFFFFFF00  }
0xab: {  	_ =	swait.ge [sflag:s7], $0x800  }
0xac: {  	[sflag:s7] =	ssyncset.done $0x0  }
0xad: {  	[sflag:s7] =	ssyncadd.s32 $0xFFFFF800  }
0xae: {  	[tilespmem:s28], [sflag:$0x1] =	stream.indirect.gather [hbm4b:s4+s26], $0x80, s31, s26, $0xb8;
	[tilespmem:$0x1C400] =	vst v63  }
0xaf: {  	s18 =	sadd.s32 s17, s22  }
0xb0: {  	[tilespmem:s8], [sflag:$0x5] =	stream.linear.gather [hbm4b:s18+s3], $0x100, $0x38;
	[tilespmem:$0x1C400] =	vst v63  }
0xb1: {  	_ =	swait.ge [sflag:s29], $0x4000  }
0xb2: {  	[sflag:s29] =	ssyncset.done $0x0  }
0xb3: {  	[sflag:s29] =	ssyncadd.s32 $0xFFFFC000  }
0xb4: {  	[spmem:s1] =	stream.indirect.scatter.add.f32 [tilespmem:s28], [sflag:$0x3], $0x80, s9, s26, $0xb8;
	[tilespmem:$0x1C400] =	vst v63  }
0xb5: {  	_ =	swait.ge [sflag:s6], $0x100  }
0xb6: {  	[sflag:s6] =	ssyncset.done $0x0  }
0xb7: {  	[sflag:s6] =	ssyncadd.s32 $0xFFFFFF00  }
0xb8: {  	_ =	swait.ge [sflag:s10], $0x800  }
0xb9: {  	[sflag:s10] =	ssyncset.done $0x0  }
0xba: {  	[sflag:s10] =	ssyncadd.s32 $0xFFFFF800  }
0xbb: {  	[tilespmem:s30], [sflag:$0x2] =	stream.indirect.gather [hbm4b:s4+s26], $0x80, s8, s26, $0xb8;
	[tilespmem:$0x1C400] =	vst v63  }
0xbc: {  	s18 =	sadd.s32 s17, s21  }
0xbd: {  	[tilespmem:s3], [sflag:$0x5] =	stream.linear.gather [hbm4b:s18+s3], $0x100, $0x38;
	[tilespmem:$0x1C400] =	vst v63  }
0xbe: {  	_ =	swait.ge [sflag:s0], $0x4000  }
0xbf: {  	[sflag:s0] =	ssyncset.done $0x0  }
0xc0: {  	[sflag:s0] =	ssyncadd.s32 $0xFFFFC000  }
0xc1: {  	[spmem:s1] =	stream.indirect.scatter.add.f32 [tilespmem:s30], [sflag:$0x4], $0x80, s11, s26, $0xb8;
	[tilespmem:$0x1C400] =	vst v63  }
0xc2: {  	_ =	swait.ge [sflag:s6], $0x100  }
0xc3: {  	[sflag:s6] =	ssyncset.done $0x0  }
0xc4: {  	[sflag:s6] =	ssyncadd.s32 $0xFFFFFF00  }
.Ltmp0:
0xc5: {  	_ =	swait.ge [sflag:s7], $0x800;
	(pc) =	sbr.rel @p1 .LBB2_2-.Ltmp0, $4  }
0xc6: {  	[sflag:s7] =	ssyncset.done $0x0  }
0xc7: {  	[sflag:s7] =	ssyncadd.s32 $0xFFFFF800  }
0xc8: {  	[tilespmem:s28], [sflag:$0x1] =	stream.indirect.gather [hbm4b:s4+s26], $0x80, s3, s26, $0xb8;
	[tilespmem:$0x1C400] =	vst v63  }
0xc9: {  	s17 =	sadd.s32 s17, s20  }
0xca: {  	[tilespmem:s25], [sflag:$0x5] =	stream.linear.gather [hbm4b:s17+s3], $0x100, $0x38;
	[tilespmem:$0x1C400] =	vst v63  }
0xcb: {  	_ =	swait.ge [sflag:s29], $0x4000  }
0xcc: {  	[sflag:s29] =	ssyncset.done $0x0  }
0xcd: {  	[sflag:s29] =	ssyncadd.s32 $0xFFFFC000  }
0xce: {  	[spmem:s1] =	stream.indirect.scatter.add.f32 [tilespmem:s28], [sflag:$0x3], $0x80, s26, s26, $0xb8;
	[tilespmem:$0x1C400] =	vst v63  }
0xcf: {  	_ =	swait.ge [sflag:s6], $0x100  }
0xd0: {  	[sflag:s6] =	ssyncset.done $0x0  }
0xd1: {  	[sflag:s6] =	ssyncadd.s32 $0xFFFFFF00  }
0xd2: {  	_ =	swait.ge [sflag:s10], $0x800  }
0xd3: {  	[sflag:s10] =	ssyncset.done $0x0  }
0xd4: {  	[sflag:s10] =	ssyncadd.s32 $0xFFFFF800  }
0xd5: {  	[tilespmem:s30], [sflag:$0x2] =	stream.indirect.gather [hbm4b:s4+s26], $0x80, s25, s26, $0xb8;
	[tilespmem:$0x1C400] =	vst v63  }
0xd6: {  	s16 =	rddreg [dreg:$0x8]  }
0xd7: {  	[tilespmem:s31], [sflag:$0x5] =	stream.linear.gather [hbm4b:s16+s3], $0x100, $0x38;
	[tilespmem:$0x1C400] =	vst v63  }
0xd8: {  	_ =	swait.ge [sflag:s0], $0x4000  }
0xd9: {  	[sflag:s0] =	ssyncset.done $0x0  }
0xda: {  	[sflag:s0] =	ssyncadd.s32 $0xFFFFC000  }
0xdb: {  	[spmem:s1] =	stream.indirect.scatter.add.f32 [tilespmem:s30], [sflag:$0x4], $0x80, s2, s26, $0xb8;
	[tilespmem:$0x1C400] =	vst v63  }
0xdc: {  	_ =	swait.ge [sflag:s6], $0x100  }
0xdd: {  	[sflag:s6] =	ssyncset.done $0x0  }
0xde: {  	[sflag:s6] =	ssyncadd.s32 $0xFFFFFF00  }
0xdf: {  	_ =	swait.ge [sflag:s7], $0x800  }
0xe0: {  	[sflag:s7] =	ssyncset.done $0x0  }
0xe1: {  	[sflag:s7] =	ssyncadd.s32 $0xFFFFF800  }
0xe2: {  	[tilespmem:s28], [sflag:$0x1] =	stream.indirect.gather [hbm4b:s4+s26], $0x80, s31, s26, $0xb8;
	[tilespmem:$0x1C400] =	vst v63  }
0xe3: {  	s18 =	rddreg [dreg:$0x9]  }
0xe4: {  	[tilespmem:s8], [sflag:$0x5] =	stream.linear.gather [hbm4b:s18+s3], $0x100, $0x38;
	[tilespmem:$0x1C400] =	vst v63  }
0xe5: {  	_ =	swait.ge [sflag:s29], $0x4000  }
0xe6: {  	[sflag:s29] =	ssyncset.done $0x0  }
0xe7: {  	[sflag:s29] =	ssyncadd.s32 $0xFFFFC000  }
0xe8: {  	[spmem:s1] =	stream.indirect.scatter.add.f32 [tilespmem:s28], [sflag:$0x3], $0x80, s9, s26, $0xb8;
	[tilespmem:$0x1C400] =	vst v63  }
0xe9: {  	_ =	swait.ge [sflag:s6], $0x100  }
0xea: {  	[sflag:s6] =	ssyncset.done $0x0  }
0xeb: {  	[sflag:s6] =	ssyncadd.s32 $0xFFFFFF00  }
0xec: {  	_ =	swait.ge [sflag:s10], $0x800  }
0xed: {  	[sflag:s10] =	ssyncset.done $0x0  }
0xee: {  	[sflag:s10] =	ssyncadd.s32 $0xFFFFF800  }
0xef: {  	[tilespmem:s30], [sflag:$0x2] =	stream.indirect.gather [hbm4b:s4+s26], $0x80, s8, s26, $0xb8;
	[tilespmem:$0x1C400] =	vst v63  }
0xf0: {  	_ =	swait.ge [sflag:s0], $0x4000  }
0xf1: {  	[sflag:s0] =	ssyncset.done $0x0  }
0xf2: {  	[sflag:s0] =	ssyncadd.s32 $0xFFFFC000  }
0xf3: {  	[spmem:s1] =	stream.indirect.scatter.add.f32 [tilespmem:s30], [sflag:$0x4], $0x80, s11, s26, $0xb8;
	[tilespmem:$0x1C400] =	vst v63  }
0xf4: {  	_ =	swait.ge [sflag:s7], $0x800  }
0xf5: {  	[sflag:s7] =	ssyncset.done $0x0  }
0xf6: {  	[sflag:s7] =	ssyncadd.s32 $0xFFFFF800  }
0xf7: {  	_ =	swait.ge [sflag:s10], $0x800  }
0xf8: {  	[sflag:s10] =	ssyncset.done $0x0  }
0xf9: {  	[sflag:s10] =	ssyncadd.s32 $0xFFFFF800  }
0xfa: {  	[bflag:$0x0] =	sbarrier.arrive $0xFFFF  }
0xfb: {  	s17 =	rddreg [dreg:$0xf]  }
0xfc: {  	[hbm:s17], [sflag:s13] =	dma.local [spmem:s14], $0x1900  }
0xfd: {  	_ =	swait.ge [sflag:s24], $0x1900  }
0xfe: {  	[sflag:s24] =	ssyncset.done $0x0  }
0xff: {  	[sflag:s24] =	ssyncadd.s32 $0xFFFFE700  }
0x100: {  	[hbm:s19], [sflag:s13] =	dma.local @!p0 [spmem:s15], $0x1900  }
0x101: {  	s13 =	simm.s32 @!p0 $0x6  }
0x102: {  	_ =	swait.ge @!p0 [sflag:s13], $0x1900  }
0x103: {  	s12 =	sadd.s32 $0x1, s12;
	s18 =	rddreg [dreg:$0xc]  }
0x104: {  	p1 =	sne.s32 s12, s18  }
.Ltmp1:
0x105: {  	_ = 	snop;
	(pc) =	sbr.rel @p1 .LBB2_1-.Ltmp1, $3  }
0x106: {  	_ =	sdelay $0x1  }
0x107: {  	[sflag:s13] =	ssyncset.done @!p0 $0x0  }
0x108: {  	[sflag:s13] =	ssyncadd.s32 @!p0 $0xFFFFE700  }
0x109: {  	_ =	sfence.sel $0x180000  }
0x10a: {  	[bflag:$0x0] =	sbarrier.arrive $0xFFFF  }
0x10b: {  	_ =	strace $0x9000004D  }
0x10c: {  	s0 =	stileid.u32;
	[bflag:$0x2] =	sbarrier.arrive $0xFFFF  }
0x10d: {  	p0 =	sne.s32 s0, $0x0;
	s0 =	rddreg [dreg:$0x2]  }
0x10e: {  	s0 =	sadd.s32 @!p0 $0x100000, s0  }
0x10f: {  	[sflag:s0] =	ssyncadd.tile.s32 @!p0 $0x1;
	_ =	shalt  }
.Lfunc_end2:
_tile_overlayer_lowered:
.L_overlay_start_2:
0x110: {  	(tag) =	ssettag $0x2  }
0x111: {  	s0 =	rddreg [dreg:$0x0];
	s2 =	stileid.u32  }
0x112: {  	s1 =	rddreg [dreg:$0x1];
	p0 =	sne.s32 s2, $0x0  }
0x113: {  	s3 =	rddreg [dreg:$0x2];
	[bflag:$0x3] =	sbarrier.arrive $0xFFFF;
	s2 =	simm.s32 @!p0 $0x1C06  }
0x114: {  	[timem:s3], [sflag:s2] =	dma.local @!p0 [hbm:s0], s1  }
0x115: {  	s0 =	simm.s32 @!p0 $0x6  }
0x116: {  	_ =	swait.ge @!p0 [sflag:s0], s1  }
0x117: {  	s1 =	ssub.s32 @!p0 $0x0, s1;
	[sflag:s0] =	ssyncset.done @!p0 $0x0  }
0x118: {  	[sflag:s0] =	ssyncadd.s32 @!p0 s1  }
0x119: {  	[bflag:$0x3] =	sbarrier.arrive $0xFFFF  }
0x11a: {  	_ =	shalt  }

// kernel: kernel.8.cloned.1.call-start
scs
__scs_entry_jumppad:
0x0: {  	(pc) =	sbr.rel $0x88, $3  }
0x1: {  	(tag) =	ssettag $0x0;
	lr =	simm.s32 $0x1  }
0x2: {  	[smem:$0x3F98] =	sst lr;
	_ =	strace $0xD0000000  }
0x3: {  	_ = 	snop  }
0x4: {  	_ = 	snop  }
0x5: {  	_ = 	snop  }
0x6: {  	_ = 	snop  }
0x7: {  	_ = 	snop  }
__scs_overlays_trampoline_lowered:
0x8: {  	[smem:$0x3FA7] =	sst s0  }
0x9: {  	[smem:$0x3FA8] =	sst s1  }
0xa: {  	[smem:$0x3FA9] =	sst s2  }
0xb: {  	[smem:$0x3FAA] =	sst s3  }
0xc: {  	[smem:$0x3FAB] =	sst s4  }
0xd: {  	[smem:$0x3FAC] =	sst s5  }
0xe: {  	[smem:$0x3FAD] =	sst s6  }
0xf: {  	[smem:$0x3FAE] =	sst s7  }
0x10: {  	[smem:$0x3FAF] =	sst s8  }
0x11: {  	[smem:$0x3FB0] =	sst s9;
	s0 =	simm.s32 @!p0 $0x0  }
0x12: {  	s1 =	sld [smem:$0x3F96];
	s0 =	simm.s32 @p0 $0x1  }
0x13: {  	[smem:$0x3FB1] =	sst s0;
	s0 =	simm.s32 @!p1 $0x0  }
0x14: {  	s2 =	sld [smem:$0x3F95];
	s0 =	simm.s32 @p1 $0x1  }
0x15: {  	[smem:$0x3FB2] =	sst s0;
	s0 =	simm.s32 @!p2 $0x0  }
0x16: {  	s3 =	sld [smem:$0x3FDB];
	s0 =	simm.s32 @p2 $0x1  }
0x17: {  	s4 =	simm.s32 $0x1BF5;
	[smem:$0x3FB4] =	sst s0  }
0x18: {  	s0 =	sld [smem:$0x3F97];
	_ =	swait.ge [sflag:s4], $0x0  }
0x19: {  	s7 =	sld [smem:$0x3F98]  }
0x1a: {  	s8 =	sadd.s32 $0xFFFFE003, lr  }
0x1b: {  	s9 =	sadd.s32 $0xFFFFFEF7, lr;
	s5 =	simm.s32 $0xFFFFFFFF;
	p2 =	slt.u32 s8, $0xFFFFF086  }
0x1c: {  	p1 =	slt.u32 s9, $0xF7A;
	s5 =	simm.s32 @!p2 $0x0  }
0x1d: {  	s5 =	simm.s32 @p1 $0x1;
	p0 =	seq.s32 s7, s2  }
0x1e: {  	s7 =	smul.u32 @!p0 $0xF7A, s2;
	p2 =	seq.s32 @!p0 s5, $0x0  }
0x1f: {  	s9 =	smul.u32 $0xF7A, s1;
	s8 =	simm.s32 @!p0 $0x1BF5;
	p2 =	por !p2, p0  }
0x20: {  	[sflag:s8] =	ssyncset.s32 @!p0 $0xFFFFF086;
	s6 =	sadd.s32 @!p0 s3, s7;
	s7 =	simm.s32 @!p0 $0x108  }
0x21: {  	s3 =	sadd.s32 s3, s9;
	s6 =	sadd.s32 @!p0 $0x88, s6;
	s7 =	simm.s32 @p2 $0x1082  }
0x22: {  	[simem:s7], [sflag:s8] =	dma.local @!p0 [hbm:s6], $0xF7A  }
0x23: {  	s9 =	sor.u32 $0xD0000000, s2;
	s6 =	simm.s32 $0x108;
	_ =	swait.ge @!p0 [sflag:s8], $0x0  }
0x24: {  	s3 =	sadd.s32 $0x88, s3;
	s6 =	simm.s32 @!p1 $0x1082;
	[sflag:s4] =	ssyncset.s32 $0xFFFFF086  }
0x25: {  	[simem:s6], [sflag:s4] =	dma.local [hbm:s3], $0xF7A  }
0x26: {  	[smem:$0x3F98] =	sst s1;
	(tag) =	ssettag s2;
	_ =	strace s9  }
0x27: {  	s1 =	sld [smem:$0x3FA8]  }
0x28: {  	s2 =	sld [smem:$0x3FA9]  }
0x29: {  	s4 =	sld [smem:$0x3FAB]  }
0x2a: {  	p0 =	seq.s32 s5, $0x0;
	s5 =	sld [smem:$0x3FAC]  }
0x2b: {  	s6 =	sld [smem:$0x3FAD]  }
0x2c: {  	s7 =	sld [smem:$0x3FAE]  }
0x2d: {  	s3 =	simm.s32 $0x108;
	s8 =	sld [smem:$0x3FAF]  }
0x2e: {  	s3 =	simm.s32 @!p0 $0x1082;
	s9 =	sld [smem:$0x3FB0]  }
0x2f: {  	lr =	sadd.s32 s0, s3;
	s0 =	sld [smem:$0x3FA7]  }
0x30: {  	s3 =	sld [smem:$0x3FAA]  }
0x31: {  	[smem:$0x3FB3] =	sst s10  }
0x32: {  	s10 =	sld [smem:$0x3FB1];
	_ =	sdelay $0x3  }
0x33: {  	p0 =	seq.s32 s10, $0x1;
	s10 =	sld [smem:$0x3FB3];
	_ =	sdelay $0x3  }
0x34: {  	[smem:$0x3FB3] =	sst s10  }
0x35: {  	s10 =	sld [smem:$0x3FB2];
	_ =	sdelay $0x3  }
0x36: {  	p1 =	seq.s32 s10, $0x1;
	s10 =	sld [smem:$0x3FB3];
	_ =	sdelay $0x3  }
0x37: {  	[smem:$0x3FB3] =	sst s10  }
0x38: {  	s10 =	sld [smem:$0x3FB4]  }
0x39: {  	_ = 	snop;
	(pc) =	sbr.ind lr, $3  }
0x3a: {  	_ = 	snop  }
0x3b: {  	_ = 	snop  }
0x3c: {  	p2 =	seq.s32 s10, $0x1;
	s10 =	sld [smem:$0x3FB3]  }
0x3d: {  	_ =	shalt  }
0x3e: {  	_ =	shalt  }
0x3f: {  	_ =	shalt  }
0x40: {  	_ =	shalt  }
0x41: {  	_ =	shalt  }
0x42: {  	_ =	shalt  }
0x43: {  	_ =	shalt  }
0x44: {  	_ =	shalt  }
0x45: {  	_ =	shalt  }
0x46: {  	_ =	shalt  }
0x47: {  	_ =	shalt  }
0x48: {  	_ =	shalt  }
0x49: {  	_ =	shalt  }
0x4a: {  	_ =	shalt  }
0x4b: {  	_ =	shalt  }
0x4c: {  	_ =	shalt  }
0x4d: {  	_ =	shalt  }
0x4e: {  	_ =	shalt  }
0x4f: {  	_ =	shalt  }
0x50: {  	_ =	shalt  }
0x51: {  	_ =	shalt  }
0x52: {  	_ =	shalt  }
0x53: {  	_ =	shalt  }
0x54: {  	_ =	shalt  }
0x55: {  	_ =	shalt  }
0x56: {  	_ =	shalt  }
0x57: {  	_ =	shalt  }
0x58: {  	_ =	shalt  }
0x59: {  	_ =	shalt  }
0x5a: {  	_ =	shalt  }
0x5b: {  	_ =	shalt  }
0x5c: {  	_ =	shalt  }
0x5d: {  	_ =	shalt  }
0x5e: {  	_ =	shalt  }
0x5f: {  	_ =	shalt  }
0x60: {  	_ =	shalt  }
0x61: {  	_ =	shalt  }
0x62: {  	_ =	shalt  }
0x63: {  	_ =	shalt  }
0x64: {  	_ =	shalt  }
0x65: {  	_ =	shalt  }
0x66: {  	_ =	shalt  }
0x67: {  	_ =	shalt  }
0x68: {  	_ =	shalt  }
0x69: {  	_ =	shalt  }
0x6a: {  	_ =	shalt  }
0x6b: {  	_ =	shalt  }
0x6c: {  	_ =	shalt  }
0x6d: {  	_ =	shalt  }
0x6e: {  	_ =	shalt  }
0x6f: {  	_ =	shalt  }
0x70: {  	_ =	shalt  }
0x71: {  	_ =	shalt  }
0x72: {  	_ =	shalt  }
0x73: {  	_ =	shalt  }
0x74: {  	_ =	shalt  }
0x75: {  	_ =	shalt  }
0x76: {  	_ =	shalt  }
0x77: {  	_ =	shalt  }
0x78: {  	_ =	shalt  }
0x79: {  	_ =	shalt  }
0x7a: {  	_ =	shalt  }
0x7b: {  	_ =	shalt  }
0x7c: {  	_ =	shalt  }
0x7d: {  	_ =	shalt  }
0x7e: {  	_ =	shalt  }
0x7f: {  	_ =	shalt  }
0x80: {  	_ =	shalt  }
0x81: {  	_ =	shalt  }
0x82: {  	_ =	shalt  }
0x83: {  	_ =	shalt  }
0x84: {  	_ =	shalt  }
0x85: {  	_ =	shalt  }
0x86: {  	_ =	shalt  }
0x87: {  	_ =	shalt  }
.Lfunc_end0:
.L_simem_size_0:
called_computation_lowered:
.L_overlay_start_0:
0x88: {  	s2 =	sld [smem:$0x3FD9]  }
0x89: {  	s3 =	sld [smem:$0x3FFE];
	_ =	sdelay $0x1  }
0x8a: {  	s1 =	srdreg.scid  }
0x8b: {  	s0 =	sand.u32 $0x1, s1  }
0x8c: {  	s17 =	sshll.u32 s0, $0xA;
	s2 =	sadd.s32 s3, s2  }
0x8d: {  	s2 =	sadd.s32 s2, s17  }
0x8e: {  	[smem:$0x3FBF] =	sst s2  }
0x8f: {  	_ = 	snop  }
0x90: {  	s2 =	sld [smem:$0x3FD0];
	(tm) =	ssettm $0x1  }
0x91: {  	s18 =	sld [smem:$0x3FFB];
	_ =	sdelay $0x3  }
0x92: {  	_ =	strace s18  }
0x93: {  	s3 =	sld [smem:$0x3FFC];
	_ =	sdelay $0x3  }
0x94: {  	_ =	strace s3  }
0x95: {  	s3 =	sld [smem:$0x3FFD];
	_ =	sdelay $0x3  }
0x96: {  	_ =	strace s3  }
0x97: {  	_ =	strace $0x8FFFFFFF  }
0x98: {  	s19 =	sld [smem:$0x3FDB];
	_ =	sdelay $0x1  }
0x99: {  	s4 =	simm.s32 $_scs_section_size  }
0x9a: {  	s5 =	simm.s32 $_size__tile_overlayer_lowered;
	s6 =	simm.s32 $_tile_overlayer_lowered  }
0x9b: {  	s22 =	simm.s32 $0x1BFF;
	s21 =	sshll.u32 s6, $0x1;
	s3 =	sadd.s32 s4, s19  }
0x9c: {  	s7 =	simm.s32 $0x0;
	s20 =	sshll.u32 s5, $0x1;
	s5 =	sadd.s32 s21, s3  }
0x9d: {  	[timem:s7], [sflag:s22] =	dma.local [hbm:s5], s20  }
0x9e: {  	_ =	swait.ge [sflag:s22], s20  }
0x9f: {  	s4 =	ssub.s32 $0x0, s20;
	[sflag:s22] =	ssyncset.done $0x0  }
0xa0: {  	[sflag:s22] =	ssyncadd.s32 s4;
	_ =	sdelay $0x1  }
0xa1: {  	s23 =	simm.s32 $0x1B8B  }
0xa2: {  	_ =	swait.ge [sflag:s23], $0x1  }
0xa3: {  	[sflag:s23] =	ssyncset.done $0x0  }
0xa4: {  	s25 =	simm.s32 $0x1B8E;
	s24 =	sld [smem:$0x3FFE];
	[sflag:s23] =	ssyncadd.s32 $0xFFFFFFFF  }
0xa5: {  	s26 =	simm.s32 $execute0_lowered;
	[smem:$0x3FD2] =	sst s25  }
0xa6: {  	s5 =	sshll.u32 s26, $0x1;
	_ =	strace $0x80000046;
	[dreg:$0x1] =	wrdreg $0xFFFFFFFF  }
0xa7: {  	s28 =	simm.s32 $_size_execute0_lowered;
	s3 =	sadd.s32 s3, s5;
	[dreg:$0x0] =	wrdreg $0x0  }
0xa8: {  	s5 =	sshll.u32 s28, $0x1;
	[dreg:$0x2] =	wrdreg s3  }
0xa9: {  	[dreg:$0x3] =	wrdreg s5  }
0xaa: {  	[dreg:$0x4] =	wrdreg $0xC0  }
0xab: {  	_ =	task [dreg:s7], $0x5FFFF  }
0xac: {  	[dreg:$0x1] =	wrdreg $0xFFFFFFFF  }
0xad: {  	[dreg:$0x0] =	wrdreg $0x60  }
0xae: {  	[dreg:$0x2] =	wrdreg s24  }
0xaf: {  	[dreg:$0x3] =	wrdreg s2  }
0xb0: {  	[dreg:$0x4] =	wrdreg $0x2B000  }
0xb1: {  	[dreg:$0x5] =	wrdreg $0x9  }
0xb2: {  	_ =	task.clear_ibuf [dreg:s7], $0x6FFFF;
	_ =	strace $0x90000046  }
0xb3: {  	s29 =	simm.s32 $0x9;
	_ =	strace $0x80000048  }
0xb4: {  	_ =	swait.ge [sflag:s29], $0x1  }
0xb5: {  	[sflag:s29] =	ssyncadd.s32 $0xFFFFFFFF  }
0xb6: {  	_ =	strace $0x90000048  }
0xb7: {  	_ =	sfence  }
0xb8: {  	s30 =	sld [smem:$0x0];
	_ =	sdelay $0x2  }
0xb9: {  	s31 =	sshll.u32 s1, $0xD;
	s1 =	sshrl.u32 s1, $0x2  }
0xba: {  	s3 =	sand.u32 $0x4000, s31;
	s1 =	sadd.s32 s1, s30  }
0xbb: {  	s0 =	sor.u32 s3, s0;
	s1 =	sshll.u32 s1, $0x11  }
0xbc: {  	s0 =	sor.u32 s1, s0  }
0xbd: {  	s0 =	sadd.s32 $0x8F2B, s0  }
0xbe: {  	[sflag:s0] =	ssyncadd.remote.s32 $0x1  }
0xbf: {  	_ =	sfence.sel $0xFFFF  }
0xc0: {  	[dreg:$0x0] =	wrdreg $0xFFFFFFFF;
	(pc) =	sbr.abs _section_cstart, $3  }
0xc1: {  	[dreg:$0x1] =	wrdreg $0xFFFFFFFF  }
0xc2: {  	_ =	task.clear_ibuf [dreg:s7], $0x2FFFF;
	_ =	strace $0x9FFFFFFF  }
0xc3: {  	(tm) =	ssettm $0x7FFFFFFF  }
tec
execute0_lowered:
.L_overlay_start_1:
0x0: {  	(tag) =	ssettag $0x1  }
0x1: {  	s5 =	rddreg [dreg:$0x0]  }
0x2: {  	s7 =	rddreg [dreg:$0x1]  }
0x3: {  	s0 =	srdreg.scid;
	s2 =	rddreg [dreg:$0x2];
	s3 =	simm.s32 $0x0  }
0x4: {  	s11 =	simm.s32 $0x2880;
	s12 =	simm.s32 $0x80;
	s13 =	simm.s32 $0x1  }
0x5: {  	s16 =	simm.s32 $0x0;
	s4 =	sand.u32 $0x1, s0;
	s0 =	stileid.u32  }
0x6: {  	[smem:$0x7FF] =	sst s3;
	s1 =	sshll.u32 s4, $0x4;
	s8 =	smul.u32 $0x280, s0  }
0x7: {  	s9 =	smul.u32 $0x2800, s4;
	s10 =	ssub.s32 $0x2, s4;
	s4 =	sadd.s32 $0xC400, s5  }
0x8: {  	s14 =	sshll.u32 s0, $0x6;
	s1 =	sor.u32 s0, s1;
	s31 =	sshrl.u32 s10, $0x1  }
0x9: {  	s14 =	sor.u32 $0x1C02, s14;
	s6 =	smul.u32 $0x500, s1;
	s9 =	sadd.s32 s8, s9  }
0xa: {  	s1 =	rddreg [dreg:$0x3];
	_ =	strace $0x80000047;
	s9 =	sshrl.u32 s9, $0x3  }
0xb: {  	s10 =	ssub.s32 s10, s31;
	s6 =	sadd.s32 s6, s5;
	s7 =	sadd.s32 s7, s9  }
0xc: {  	s9 =	simm.s32 $0x2800;
	s5 =	sadd.s32 $0x2400, s6;
	s6 =	sadd.s32 s8, s2  }
0xd: {  	v0 =	vimm.f32 $0.0e+00;
	s8 =	smax.u32 s10, $0x1;
	s10 =	simm.s32 $0x2;
	s15 =	sshrl.u32 s6, $0x3  }
.LBB2_1:
0xe: {  	[tilespmem:s9], [sflag:$0x2] =	stream.linear.gather [hbm4b:s4+s3], $0x80, $0x38;
	[tilespmem:$0x2D80] =	vst v63  }
0xf: {  	_ =	swait.ge [sflag:s10], $0x80  }
0x10: {  	[sflag:s10] =	ssyncset.done $0x0  }
0x11: {  	[sflag:s10] =	ssyncadd.s32 $0xFFFFFF80  }
0x12: {  	[tilespmem:s3], [sflag:$0x2] =	stream.linear.gather [hbm4b:s5+s3], $0x2800, $0x38;
	[tilespmem:$0x2D80] =	vst v63  }
0x13: {  	_ =	swait.ge [sflag:s10], $0x2800  }
0x14: {  	[sflag:s10] =	ssyncset.done $0x0  }
0x15: {  	[sflag:s10] =	ssyncadd.s32 $0xFFFFD800  }
0x16: {  	[tilespmem:$0x2880] =	vst v0  }
0x17: {  	[tilespmem:$0x2890] =	vst v0  }
0x18: {  	[tilespmem:$0x28A0] =	vst v0  }
0x19: {  	[tilespmem:$0x28B0] =	vst v0  }
0x1a: {  	[tilespmem:$0x28C0] =	vst v0  }
0x1b: {  	[tilespmem:$0x28D0] =	vst v0  }
0x1c: {  	[tilespmem:$0x28E0] =	vst v0  }
0x1d: {  	[tilespmem:$0x28F0] =	vst v0  }
0x1e: {  	[tilespmem:$0x2900] =	vst v0  }
0x1f: {  	[tilespmem:$0x2910] =	vst v0  }
0x20: {  	[tilespmem:$0x2920] =	vst v0  }
0x21: {  	[tilespmem:$0x2930] =	vst v0  }
0x22: {  	[tilespmem:$0x2940] =	vst v0  }
0x23: {  	[tilespmem:$0x2950] =	vst v0  }
0x24: {  	[tilespmem:$0x2960] =	vst v0  }
0x25: {  	[tilespmem:$0x2970] =	vst v0  }
0x26: {  	[tilespmem:$0x2980] =	vst v0  }
0x27: {  	[tilespmem:$0x2990] =	vst v0  }
0x28: {  	[tilespmem:$0x29A0] =	vst v0  }
0x29: {  	[tilespmem:$0x29B0] =	vst v0  }
0x2a: {  	[tilespmem:$0x29C0] =	vst v0  }
0x2b: {  	[tilespmem:$0x29D0] =	vst v0  }
0x2c: {  	[tilespmem:$0x29E0] =	vst v0  }
0x2d: {  	[tilespmem:$0x29F0] =	vst v0  }
0x2e: {  	[tilespmem:$0x2A00] =	vst v0  }
0x2f: {  	[tilespmem:$0x2A10] =	vst v0  }
0x30: {  	[tilespmem:$0x2A20] =	vst v0  }
0x31: {  	[tilespmem:$0x2A30] =	vst v0  }
0x32: {  	[tilespmem:$0x2A40] =	vst v0  }
0x33: {  	[tilespmem:$0x2A50] =	vst v0  }
0x34: {  	[tilespmem:$0x2A60] =	vst v0  }
0x35: {  	[tilespmem:$0x2A70] =	vst v0  }
0x36: {  	[tilespmem:$0x2A80] =	vst v0  }
0x37: {  	[tilespmem:$0x2A90] =	vst v0  }
0x38: {  	[tilespmem:$0x2AA0] =	vst v0  }
0x39: {  	[tilespmem:$0x2AB0] =	vst v0  }
0x3a: {  	[tilespmem:$0x2AC0] =	vst v0  }
0x3b: {  	[tilespmem:$0x2AD0] =	vst v0  }
0x3c: {  	[tilespmem:$0x2AE0] =	vst v0  }
0x3d: {  	[tilespmem:$0x2AF0] =	vst v0  }
0x3e: {  	[spmem:s6] =	stream.linear.scatter [tilespmem:s11], [sflag:$0x2], $0x280, $0x38;
	[tilespmem:$0x2D80] =	vst v63  }
0x3f: {  	_ =	swait.ge [sflag:s10], $0x280  }
0x40: {  	[sflag:s10] =	ssyncset.done $0x0  }
0x41: {  	[sflag:s10] =	ssyncadd.s32 $0xFFFFFD80  }
0x42: {  	s17 =	simm.s32 $0x0;
	[bflag:$0x0] =	sbarrier.arrive $0xFFFF  }
.LBB2_2:
0x43: {  	p0 =	sne.s32 s17, $0x9E00  }
.Ltmp0:
0x44: {  	_ = 	snop;
	(pc) =	sbr.rel @p0 .LBB2_2-.Ltmp0, $3  }
0x45: {  	_ =	sdelay $0x1  }
0x46: {  	s18 =	sshra.s32 s17, $0x2;
	s17 =	sadd.s32 $0x200, s17  }
0x47: {  	[spmem:s2] =	stream.indirect.scatter.add.f32 [tilespmem:s9], [sflag:$0x1], $0x1, s18, s12, $0xb8;
	[tilespmem:$0x2D80] =	vst v63  }
0x48: {  	_ =	swait.ge [sflag:s13], $0x80  }
0x49: {  	s17 =	simm.s32 $0x4F;
	[sflag:s13] =	ssyncset.done $0x0  }
.LBB2_4:
0x4a: {  	p0 =	sne.s32 s17, $0x1;
	s17 =	sadd.s32 $0xFFFFFFFF, s17;
	[sflag:s13] =	ssyncadd.s32 $0xFFFFFF80  }
.Ltmp1:
0x4b: {  	(pc) =	sbr.rel @p0 .LBB2_4-.Ltmp1, $3  }
0x4c: {  	_ =	sdelay $0x1  }
0x4d: {  	_ =	swait.ge [sflag:s13], $0x80  }
0x4e: {  	[sflag:s13] =	ssyncset.done $0x0  }
0x4f: {  	s16 =	sadd.s32 $0x1, s16  }
0x50: {  	[sflag:s13] =	ssyncadd.s32 $0xFFFFFF80;
	p0 =	sne.s32 s16, s8  }
.Ltmp2:
0x51: {  	[bflag:$0x0] =	sbarrier.arrive $0xFFFF;
	(pc) =	sbr.rel @p0 .LBB2_1-.Ltmp2, $4  }
0x52: {  	[hbm:s7], [sflag:s14] =	dma.local [spmem:s15], $0x50  }
0x53: {  	_ =	swait.ge [sflag:s10], $0x50  }
0x54: {  	[sflag:s10] =	ssyncset.done $0x0  }
0x55: {  	[sflag:s10] =	ssyncadd.s32 $0xFFFFFFB0  }
0x56: {  	_ =	sfence.sel $0x180000  }
0x57: {  	[bflag:$0x0] =	sbarrier.arrive $0xFFFF  }
0x58: {  	p0 =	sne.s32 s0, $0x0;
	_ =	strace $0x90000047  }
0x59: {  	s0 =	sadd.s32 @!p0 $0x100000, s1;
	[bflag:$0x2] =	sbarrier.arrive $0xFFFF  }
0x5a: {  	[sflag:s0] =	ssyncadd.tile.s32 @!p0 $0x1;
	_ =	shalt  }
.Lfunc_end2:
_tile_overlayer_lowered:
.L_overlay_start_2:
0x5b: {  	(tag) =	ssettag $0x2  }
0x5c: {  	s0 =	rddreg [dreg:$0x0];
	s2 =	stileid.u32  }
0x5d: {  	s1 =	rddreg [dreg:$0x1];
	p0 =	sne.s32 s2, $0x0  }
0x5e: {  	s3 =	rddreg [dreg:$0x2];
	[bflag:$0x3] =	sbarrier.arrive $0xFFFF;
	s2 =	simm.s32 @!p0 $0x1C02  }
0x5f: {  	[timem:s3], [sflag:s2] =	dma.local @!p0 [hbm:s0], s1  }
0x60: {  	s0 =	simm.s32 @!p0 $0x2  }
0x61: {  	_ =	swait.ge @!p0 [sflag:s0], s1  }
0x62: {  	s1 =	ssub.s32 @!p0 $0x0, s1;
	[sflag:s0] =	ssyncset.done @!p0 $0x0  }
0x63: {  	[sflag:s0] =	ssyncadd.s32 @!p0 s1  }
0x64: {  	[bflag:$0x3] =	sbarrier.arrive $0xFFFF  }
0x65: {  	_ =	shalt  }

</sc_bundles>
